<compile_context>
chip_gen: v7x
topology: tpu7x:2x2x1
jax: 0.10.2.dev20260603
libtpu: 0.0.44.dev20260713+nightly
codegen_flags: <defaults>
</compile_context>

<pallas_src>
import functools

import jax
import jax.numpy as jnp
from jax import lax
from jax.experimental import pallas as pl
from jax.experimental.pallas import tpu as pltpu
from jax.experimental.pallas import tpu_sc as plsc

D = 2048
E = 16
I = 1024
S = 2048
K = 2
SI = 2 * I

BM = 256
RPT = S * K + E * BM
NB = RPT // BM

NRB = 2
NIC = 4
BMS = S // NRB
CSI = SI // NIC


def _route(indices, weights):
    flat_e = indices.reshape(-1).astype(jnp.int32)
    order = jnp.argsort(flat_e)
    sorted_e = flat_e[order]
    counts = jnp.bincount(flat_e, length=E)
    padded = ((counts + BM - 1) // BM) * BM
    ucum = jnp.cumsum(counts)
    pcum = jnp.cumsum(padded)
    i = jnp.arange(S * K)
    pos_sorted = (pcum[sorted_e] - padded[sorted_e]
                  + (i - (ucum[sorted_e] - counts[sorted_e]))).astype(jnp.int32)
    token_pad = (jnp.arange(RPT, dtype=jnp.int32) % S).at[pos_sorted].set(
        (order // K).astype(jnp.int32))
    w_pad = jnp.zeros((RPT,), jnp.float32).at[pos_sorted].set(
        weights.reshape(-1)[order])
    slot_pos = jnp.zeros((S * K,), jnp.int32).at[order].set(pos_sorted)
    pos = slot_pos.reshape(S, K).T
    bs = jnp.arange(NB, dtype=jnp.int32) * BM
    be = jnp.searchsorted(pcum, bs, side='right').astype(jnp.int32)
    active = bs < pcum[-1]
    be = jnp.where(active, be, sorted_e[-1])
    xsb = jnp.minimum(jnp.arange(NB, dtype=jnp.int32),
                      (pcum[-1] // BM - 1).astype(jnp.int32))
    meta = jnp.stack([be, active.astype(jnp.int32), xsb])
    tot16 = jnp.full((16,), pcum[-1], jnp.int32)
    return token_pad, w_pad, pos, meta, tot16



def _group_body(meta_ref, xs_ref, w1_ref, w3_ref, w2_ref, wr_ref, ys_ref):
    b = pl.program_id(0)

    @pl.when(meta_ref[1, b] == 1)
    def _():
        xb = xs_ref[...].astype(jnp.bfloat16)
        w1 = w1_ref[0].astype(jnp.bfloat16)
        w3 = w3_ref[0].astype(jnp.bfloat16)
        w2 = w2_ref[0].astype(jnp.bfloat16)
        a = lax.dot_general(xb, w1, (((1,), (1,)), ((), ())),
                            preferred_element_type=jnp.float32)
        c = lax.dot_general(xb, w3, (((1,), (1,)), ((), ())),
                            preferred_element_type=jnp.float32)
        h = (jax.nn.silu(a) * c).astype(jnp.bfloat16)
        out = lax.dot_general(h, w2, (((1,), (1,)), ((), ())),
                              preferred_element_type=jnp.float32)
        ys_ref[...] = out * wr_ref[0, 0, :][:, None]


def _grouped_mlp(meta, xs, W1, W3, W2, w_pad):
    w3d = w_pad.reshape(NB, 1, BM)
    grid_spec = pltpu.PrefetchScalarGridSpec(
        num_scalar_prefetch=1,
        grid=(NB,),
        in_specs=[
            pl.BlockSpec((BM, D), lambda b, m: (m[2, b], 0)),
            pl.BlockSpec((1, I, D), lambda b, m: (m[0, b], 0, 0)),
            pl.BlockSpec((1, I, D), lambda b, m: (m[0, b], 0, 0)),
            pl.BlockSpec((1, D, I), lambda b, m: (m[0, b], 0, 0)),
            pl.BlockSpec((1, 1, BM), lambda b, m: (b, 0, 0)),
        ],
        out_specs=pl.BlockSpec((BM, D), lambda b, m: (b, 0)),
    )
    return pl.pallas_call(
        _group_body,
        grid_spec=grid_spec,
        out_shape=jax.ShapeDtypeStruct((RPT, D), jnp.float32),
        compiler_params=pltpu.CompilerParams(
            dimension_semantics=("arbitrary",),
            vmem_limit_bytes=120 * 1024 * 1024,
        ),
    )(meta, xs, W1, W3, W2, w3d)



def _shared_body(x_ref, w1_ref, w3_ref, w2_ref, z_ref):
    ic = pl.program_id(1)
    xb = x_ref[...].astype(jnp.bfloat16)
    w1 = w1_ref[...].astype(jnp.bfloat16)
    w3 = w3_ref[...].astype(jnp.bfloat16)
    w2 = w2_ref[...].astype(jnp.bfloat16)
    a = lax.dot_general(xb, w1, (((1,), (1,)), ((), ())),
                        preferred_element_type=jnp.float32)
    c = lax.dot_general(xb, w3, (((1,), (1,)), ((), ())),
                        preferred_element_type=jnp.float32)
    h = (jax.nn.silu(a) * c).astype(jnp.bfloat16)
    out = lax.dot_general(h, w2, (((1,), (1,)), ((), ())),
                          preferred_element_type=jnp.float32)

    @pl.when(ic == 0)
    def _():
        z_ref[...] = out

    @pl.when(ic != 0)
    def _():
        z_ref[...] += out


def _shared_mlp(xf, Ws1, Ws3, Ws2):
    return pl.pallas_call(
        _shared_body,
        grid=(NRB, NIC),
        in_specs=[
            pl.BlockSpec((BMS, D), lambda r, ic: (r, 0)),
            pl.BlockSpec((CSI, D), lambda r, ic: (ic, 0)),
            pl.BlockSpec((CSI, D), lambda r, ic: (ic, 0)),
            pl.BlockSpec((D, CSI), lambda r, ic: (0, ic)),
        ],
        out_specs=pl.BlockSpec((BMS, D), lambda r, ic: (r, 0)),
        out_shape=jax.ShapeDtypeStruct((S, D), jnp.float32),
        compiler_params=pltpu.CompilerParams(
            dimension_semantics=("arbitrary", "arbitrary"),
            vmem_limit_bytes=120 * 1024 * 1024,
        ),
    )(xf, Ws1, Ws3, Ws2)



NC, NS = 2, 16
NW = NC * NS
RPW = RPT // NW
GCH = 32


def _make_row_gather(n_rows, gch, trim=False):
    rpw = n_rows // NW
    nch = rpw // gch

    def body(src_hbm, idx_hbm, *rest):
        if trim:
            tot_hbm, out_hbm, idx_v, tot_v = rest[:4]
            rows0, rows1, rows2, g0, g1, g2, o0, o1, o2 = rest[4:]
        else:
            out_hbm, idx_v = rest[:2]
            rows0, rows1, rows2, g0, g1, g2, o0, o1, o2 = rest[2:]
        wid = lax.axis_index("s") * NC + lax.axis_index("c")
        base = wid * rpw
        pltpu.sync_copy(idx_hbm.at[pl.ds(base, rpw)], idx_v)
        if trim:
            pltpu.sync_copy(tot_hbm, tot_v)
            tot = tot_v[...][0]
        bufs = (rows0, rows1, rows2)
        gsem = (g0, g1, g2)
        osem = (o0, o1, o2)

        def live(c):
            return (base + c * gch) < tot if trim else True

        def guarded(c, fn):
            if trim:
                pl.when(live(c))(fn)
            else:
                fn()

        def fire(c):
            def go():
                pltpu.async_copy(
                    src_hbm.at[idx_v.at[pl.ds(c * gch, gch)]],
                    bufs[c % 3], gsem[c % 3])
            guarded(c, go)

        def wait_g(c):
            def go():
                pltpu.make_async_copy(
                    src_hbm.at[idx_v.at[pl.ds(c * gch, gch)]],
                    bufs[c % 3], gsem[c % 3]).wait()
            guarded(c, go)

        def fire_o(c):
            def go():
                pltpu.async_copy(
                    bufs[c % 3], out_hbm.at[pl.ds(base + c * gch, gch)],
                    osem[c % 3])
            guarded(c, go)

        def wait_o(c):
            def go():
                pltpu.make_async_copy(
                    bufs[c % 3], out_hbm.at[pl.ds(base + c * gch, gch)],
                    osem[c % 3]).wait()
            guarded(c, go)

        fire(0)
        if nch > 1:
            fire(1)
        for c in range(nch):
            wait_g(c)
            fire_o(c)
            if c + 2 < nch:
                if c - 1 >= 0:
                    wait_o(c - 1)
                fire(c + 2)
        for c in range(max(0, nch - 3), nch):
            wait_o(c)

    mesh = plsc.VectorSubcoreMesh(core_axis_name="c", subcore_axis_name="s")
    scratch = [pltpu.VMEM((rpw,), jnp.int32)]
    if trim:
        scratch.append(pltpu.VMEM((16,), jnp.int32))
    scratch += [
        pltpu.VMEM((gch, D), jnp.float32),
        pltpu.VMEM((gch, D), jnp.float32),
        pltpu.VMEM((gch, D), jnp.float32),
        pltpu.SemaphoreType.DMA,
        pltpu.SemaphoreType.DMA,
        pltpu.SemaphoreType.DMA,
        pltpu.SemaphoreType.DMA,
        pltpu.SemaphoreType.DMA,
        pltpu.SemaphoreType.DMA,
    ]
    return pl.kernel(
        body,
        out_type=jax.ShapeDtypeStruct((n_rows, D), jnp.float32),
        mesh=mesh,
        scratch_types=scratch,
    )


def _gather(xf, token_pad, tot16):
    return _make_row_gather(RPT, 16, trim=True)(xf, token_pad, tot16)



BMC = 256


def _add3_body(g0_ref, g1_ref, z_ref, y_ref):
    y_ref[...] = g0_ref[0] + g1_ref[0] + z_ref[...]


def _combine(ys, pos, z):
    g = _make_row_gather(K * S, 16)(ys, pos.reshape(-1))
    g3 = g.reshape(K, S, D)
    return pl.pallas_call(
        _add3_body,
        grid=(S // BMC,),
        in_specs=[
            pl.BlockSpec((1, BMC, D), lambda r: (0, r, 0)),
            pl.BlockSpec((1, BMC, D), lambda r: (1, r, 0)),
            pl.BlockSpec((BMC, D), lambda r: (r, 0)),
        ],
        out_specs=pl.BlockSpec((BMC, D), lambda r: (r, 0)),
        out_shape=jax.ShapeDtypeStruct((S, D), jnp.float32),
        compiler_params=pltpu.CompilerParams(
            dimension_semantics=("arbitrary",),
        ),
    )(g3, g3, z)


def kernel(x, weights, indices, W1, W2, W3, Ws1, Ws2, Ws3):
    xf = x.reshape(-1, D)
    token_pad, w_pad, pos, meta, tot16 = _route(indices, weights)
    xs = _gather(xf, token_pad, tot16)
    z = _shared_mlp(xf, Ws1, Ws3, Ws2)
    ys = _grouped_mlp(meta, xs, W1, W3, W2, w_pad)
    y = _combine(ys, pos, z)
    return y.reshape(x.shape)

# --- scband reference (transcript-rebuilt; emitter-appended) ---
"""Pipeline reference for scband-dsref-mo-eno-gate-14199161881016 (READ-ONLY COPY).

The authoritative reference and input builder live on the scoring server;
editing this copy changes nothing except your own understanding.
"""

import jax, jax.numpy as jnp
import numpy as np

DIM = 2048
E = 16
INTER = 1024
N_SHARED = 2
TOPK = 2
B = 1
S = 2048
SHARED_INTER = N_SHARED * INTER


def setup_inputs(seed: int = 0) -> dict:
    key = jax.random.key(seed)
    ks = jax.random.split(key, 9)
    x = jax.random.normal(ks[0], (B, S, DIM), dtype=jnp.float32)
    weights = jax.random.uniform(ks[1], (B * S, TOPK), dtype=jnp.float32)
    indices = jax.random.randint(ks[2], (B * S, TOPK), 0, E)
    W1 = jax.random.normal(ks[3], (E, INTER, DIM), dtype=jnp.float32) * 0.02
    W2 = jax.random.normal(ks[4], (E, DIM, INTER), dtype=jnp.float32) * 0.02
    W3 = jax.random.normal(ks[5], (E, INTER, DIM), dtype=jnp.float32) * 0.02
    Ws1 = jax.random.normal(ks[6], (SHARED_INTER, DIM), dtype=jnp.float32) * 0.02
    Ws2 = jax.random.normal(ks[7], (DIM, SHARED_INTER), dtype=jnp.float32) * 0.02
    Ws3 = jax.random.normal(ks[8], (SHARED_INTER, DIM), dtype=jnp.float32) * 0.02
    return {"x": x, "weights": weights, "indices": indices,
            "W1": W1, "W2": W2, "W3": W3,
            "Ws1": Ws1, "Ws2": Ws2, "Ws3": Ws3}


def reference(x, weights, indices, W1, W2, W3, Ws1, Ws2, Ws3):
    shape = x.shape
    xf = x.reshape(-1, DIM)
    y = jnp.zeros_like(xf)
    for i in range(E):
        h = jax.nn.silu(xf @ W1[i].T) * (xf @ W3[i].T)
        out = h @ W2[i].T
        for t in range(TOPK):
            m = (indices[:, t] == i).astype(xf.dtype)
            y = y + out * (weights[:, t] * m)[:, None]
    z = (jax.nn.silu(xf @ Ws1.T) * (xf @ Ws3.T)) @ Ws2.T
    return (y + z).reshape(shape)

if __name__ == "__main__":
    import jax
    _d = setup_inputs()
    print(jax.jit(kernel)(*tuple(_d.values())))

</pallas_src>

<mosaic_0001>
#map = affine_map<(d0, d1) -> (0, 0)>
#map1 = affine_map<(d0, d1) -> (0)>
module attributes {stable_mosaic.version = 14 : i64} {
  func.func @body(%arg0: i32, %arg1: i32, %arg2: memref<2048x2048xf32, #tpu.memory_space<hbm>>, %arg3: memref<8192xi32, #tpu.memory_space<hbm>>, %arg4: memref<16xi32, #tpu.memory_space<hbm>>, %arg5: memref<8192x2048xf32, #tpu.memory_space<hbm>>, %arg6: memref<256xi32, #tpu.memory_space<vmem>>, %arg7: memref<16xi32, #tpu.memory_space<vmem>>, %arg8: memref<16x2048xf32, #tpu.memory_space<vmem>>, %arg9: memref<16x2048xf32, #tpu.memory_space<vmem>>, %arg10: memref<16x2048xf32, #tpu.memory_space<vmem>>, %arg11: memref<!tpu.dma_semaphore, #tpu.memory_space<semaphore_mem>>, %arg12: memref<!tpu.dma_semaphore, #tpu.memory_space<semaphore_mem>>, %arg13: memref<!tpu.dma_semaphore, #tpu.memory_space<semaphore_mem>>, %arg14: memref<!tpu.dma_semaphore, #tpu.memory_space<semaphore_mem>>, %arg15: memref<!tpu.dma_semaphore, #tpu.memory_space<semaphore_mem>>, %arg16: memref<!tpu.dma_semaphore, #tpu.memory_space<semaphore_mem>>) attributes {dimension_semantics = [#tpu.dimension_semantics<core_parallel>, #tpu.dimension_semantics<subcore_parallel>], iteration_bounds = array<i64: 2, 16>, scalar_prefetch = 0 : i64, scratch_operands = 11 : i64, tpu.core_type = #tpu.core_type<sc_vector_subcore>, window_params = [{transform_indices = #map}, {transform_indices = #map1}, {transform_indices = #map1}, {transform_indices = #map}]} {
    %mul3A = arith.constant 2 : i32
    %mul3A_0 = arith.muli %arg1, %mul3A : i32
    %add3A = arith.addi %mul3A_0, %arg0 : i32
    %mul3A_1 = arith.constant 256 : i32
    %mul3A_2 = arith.muli %add3A, %mul3A_1 : i32
    "tpu.region"() ({
      %run_scoped3A = tpu.sem_alloc : memref<!tpu.dma_semaphore, #tpu.memory_space<semaphore_mem>>
      %dma_start3A = tpu.memref_slice %arg3[%mul3A_2] : memref<8192xi32, #tpu.memory_space<hbm>> -> memref<256xi32, #tpu.memory_space<hbm>>
      %dma_start3A_386 = tpu.memref_slice %arg3[%mul3A_2] : memref<8192xi32, #tpu.memory_space<hbm>> -> memref<256xi32, #tpu.memory_space<hbm>>
      tpu.enqueue_dma source(%dma_start3A_386 : memref<256xi32, #tpu.memory_space<hbm>>) target(%arg6 : memref<256xi32, #tpu.memory_space<vmem>>) target_semaphore(%run_scoped3A : memref<!tpu.dma_semaphore, #tpu.memory_space<semaphore_mem>>)
      %dma_wait3A = tpu.memref_slice %arg3[%mul3A_2] : memref<8192xi32, #tpu.memory_space<hbm>> -> memref<256xi32, #tpu.memory_space<hbm>>
      %dma_wait3A_387 = tpu.memref_slice %arg3[%mul3A_2] : memref<8192xi32, #tpu.memory_space<hbm>> -> memref<256xi32, #tpu.memory_space<hbm>>
      tpu.wait_dma2 semaphore(%run_scoped3A : memref<!tpu.dma_semaphore, #tpu.memory_space<semaphore_mem>>) src(%dma_wait3A_387 : memref<256xi32, #tpu.memory_space<hbm>>) dst(%arg6 : memref<256xi32, #tpu.memory_space<vmem>>)
      tpu.yield
    }) : () -> ()
    "tpu.region"() ({
      %run_scoped3A = tpu.sem_alloc : memref<!tpu.dma_semaphore, #tpu.memory_space<semaphore_mem>>
      tpu.enqueue_dma source(%arg4 : memref<16xi32, #tpu.memory_space<hbm>>) target(%arg7 : memref<16xi32, #tpu.memory_space<vmem>>) target_semaphore(%run_scoped3A : memref<!tpu.dma_semaphore, #tpu.memory_space<semaphore_mem>>)
      tpu.wait_dma2 semaphore(%run_scoped3A : memref<!tpu.dma_semaphore, #tpu.memory_space<semaphore_mem>>) src(%arg4 : memref<16xi32, #tpu.memory_space<hbm>>) dst(%arg7 : memref<16xi32, #tpu.memory_space<vmem>>)
      tpu.yield
    }) : () -> ()
    %get3A = arith.constant 0 : index
    %get3A_3 = tpu.vector_load %arg7[%get3A] {strides = array<i32>} : memref<16xi32, #tpu.memory_space<vmem>>, vector<16xi32>,
    %get3A_4 = vector.shape_cast %get3A_3 : vector<16xi32> to vector<16xi32>
    %slice3A = vector.extract_strided_slice %get3A_4 {offsets = [0], sizes = [1], strides = [1]} : vector<16xi32> to vector<1xi32>
    %squeeze3A = vector.extract %slice3A[0] : i32 from vector<1xi32>
    %add3A_5 = arith.constant 0 : i32
    %add3A_6 = arith.addi %mul3A_2, %add3A_5 : i32
    %lt3A = arith.cmpi slt, %add3A_6, %squeeze3A : i32
    %convert_element_type3A = arith.extui %lt3A : i1 to i32
    %cond3A = arith.constant 0 : i32
    %cond3A_7 = arith.cmpi ne, %convert_element_type3A, %cond3A : i32
    scf.if %cond3A_7 {
      %dma_start3A = arith.constant 0 : i32
      %dma_start3A_386 = tpu.memref_slice %arg6[%dma_start3A] : memref<256xi32, #tpu.memory_space<vmem>> -> memref<16xi32, #tpu.memory_space<vmem>>
      %dma_start3A_387 = arith.constant 0 : i32
      %dma_start3A_388 = arith.constant 0 : i32
      %dma_start3A_389 = tpu.memref_slice %arg2[%dma_start3A_387, %dma_start3A_388] : memref<2048x2048xf32, #tpu.memory_space<hbm>> -> memref<2048x2048xf32, #tpu.memory_space<hbm>>
      tpu.enqueue_indirect_dma source(%dma_start3A_389 : memref<2048x2048xf32, #tpu.memory_space<hbm>>) target(%arg8 : memref<16x2048xf32, #tpu.memory_space<vmem>>) offsets(%dma_start3A_386 : memref<16xi32, #tpu.memory_space<vmem>>) semaphore(%arg11 : memref<!tpu.dma_semaphore, #tpu.memory_space<semaphore_mem>>)
    } else {
    }
    %add3A_8 = arith.constant 16 : i32
    %add3A_9 = arith.addi %mul3A_2, %add3A_8 : i32
    %lt3A_10 = arith.cmpi slt, %add3A_9, %squeeze3A : i32
    %convert_element_type3A_11 = arith.extui %lt3A_10 : i1 to i32
    %cond3A_12 = arith.constant 0 : i32
    %cond3A_13 = arith.cmpi ne, %convert_element_type3A_11, %cond3A_12 : i32
    scf.if %cond3A_13 {
      %dma_start3A = arith.constant 16 : i32
      %dma_start3A_386 = tpu.memref_slice %arg6[%dma_start3A] : memref<256xi32, #tpu.memory_space<vmem>> -> memref<16xi32, #tpu.memory_space<vmem>>
      %dma_start3A_387 = arith.constant 0 : i32
      %dma_start3A_388 = arith.constant 0 : i32
      %dma_start3A_389 = tpu.memref_slice %arg2[%dma_start3A_387, %dma_start3A_388] : memref<2048x2048xf32, #tpu.memory_space<hbm>> -> memref<2048x2048xf32, #tpu.memory_space<hbm>>
      tpu.enqueue_indirect_dma source(%dma_start3A_389 : memref<2048x2048xf32, #tpu.memory_space<hbm>>) target(%arg9 : memref<16x2048xf32, #tpu.memory_space<vmem>>) offsets(%dma_start3A_386 : memref<16xi32, #tpu.memory_space<vmem>>) semaphore(%arg12 : memref<!tpu.dma_semaphore, #tpu.memory_space<semaphore_mem>>)
    } else {
    }
    %add3A_14 = arith.constant 0 : i32
    %add3A_15 = arith.addi %mul3A_2, %add3A_14 : i32
    %lt3A_16 = arith.cmpi slt, %add3A_15, %squeeze3A : i32
    %convert_element_type3A_17 = arith.extui %lt3A_16 : i1 to i32
    %cond3A_18 = arith.constant 0 : i32
    %cond3A_19 = arith.cmpi ne, %convert_element_type3A_17, %cond3A_18 : i32
    scf.if %cond3A_19 {
      %dma_wait3A = arith.constant 0 : i32
      %dma_wait3A_386 = tpu.memref_slice %arg6[%dma_wait3A] : memref<256xi32, #tpu.memory_space<vmem>> -> memref<16xi32, #tpu.memory_space<vmem>>
      %dma_wait3A_387 = arith.constant 0 : i32
      %dma_wait3A_388 = arith.constant 0 : i32
      %dma_wait3A_389 = tpu.memref_slice %arg2[%dma_wait3A_387, %dma_wait3A_388] : memref<2048x2048xf32, #tpu.memory_space<hbm>> -> memref<2048x2048xf32, #tpu.memory_space<hbm>>
      tpu.wait_indirect_dma semaphore(%arg11 : memref<!tpu.dma_semaphore, #tpu.memory_space<semaphore_mem>>) src(%dma_wait3A_389 : memref<2048x2048xf32, #tpu.memory_space<hbm>>) dst(%arg8 : memref<16x2048xf32, #tpu.memory_space<vmem>>)
    } else {
    }
    %add3A_20 = arith.constant 0 : i32
    %add3A_21 = arith.addi %mul3A_2, %add3A_20 : i32
    %lt3A_22 = arith.cmpi slt, %add3A_21, %squeeze3A : i32
    %convert_element_type3A_23 = arith.extui %lt3A_22 : i1 to i32
    %cond3A_24 = arith.constant 0 : i32
    %cond3A_25 = arith.cmpi ne, %convert_element_type3A_23, %cond3A_24 : i32
    scf.if %cond3A_25 {
      %add3A_386 = arith.constant 0 : i32
      %add3A_387 = arith.addi %mul3A_2, %add3A_386 : i32
      %dma_start3A = arith.constant 0 : i32
      %dma_start3A_388 = tpu.memref_slice %arg5[%add3A_387, %dma_start3A] : memref<8192x2048xf32, #tpu.memory_space<hbm>> -> memref<16x2048xf32, #tpu.memory_space<hbm>>
      %dma_start3A_389 = arith.constant 0 : i32
      %dma_start3A_390 = tpu.memref_slice %arg5[%add3A_387, %dma_start3A_389] : memref<8192x2048xf32, #tpu.memory_space<hbm>> -> memref<16x2048xf32, #tpu.memory_space<hbm>>
      tpu.enqueue_dma source(%arg8 : memref<16x2048xf32, #tpu.memory_space<vmem>>) target(%dma_start3A_390 : memref<16x2048xf32, #tpu.memory_space<hbm>>) target_semaphore(%arg14 : memref<!tpu.dma_semaphore, #tpu.memory_space<semaphore_mem>>)
    } else {
    }
    %add3A_26 = arith.constant 32 : i32
    %add3A_27 = arith.addi %mul3A_2, %add3A_26 : i32
    %lt3A_28 = arith.cmpi slt, %add3A_27, %squeeze3A : i32
    %convert_element_type3A_29 = arith.extui %lt3A_28 : i1 to i32
    %cond3A_30 = arith.constant 0 : i32
    %cond3A_31 = arith.cmpi ne, %convert_element_type3A_29, %cond3A_30 : i32
    scf.if %cond3A_31 {
      %dma_start3A = arith.constant 32 : i32
      %dma_start3A_386 = tpu.memref_slice %arg6[%dma_start3A] : memref<256xi32, #tpu.memory_space<vmem>> -> memref<16xi32, #tpu.memory_space<vmem>>
      %dma_start3A_387 = arith.constant 0 : i32
      %dma_start3A_388 = arith.constant 0 : i32
      %dma_start3A_389 = tpu.memref_slice %arg2[%dma_start3A_387, %dma_start3A_388] : memref<2048x2048xf32, #tpu.memory_space<hbm>> -> memref<2048x2048xf32, #tpu.memory_space<hbm>>
      tpu.enqueue_indirect_dma source(%dma_start3A_389 : memref<2048x2048xf32, #tpu.memory_space<hbm>>) target(%arg10 : memref<16x2048xf32, #tpu.memory_space<vmem>>) offsets(%dma_start3A_386 : memref<16xi32, #tpu.memory_space<vmem>>) semaphore(%arg13 : memref<!tpu.dma_semaphore, #tpu.memory_space<semaphore_mem>>)
    } else {
    }
    %add3A_32 = arith.constant 16 : i32
    %add3A_33 = arith.addi %mul3A_2, %add3A_32 : i32
    %lt3A_34 = arith.cmpi slt, %add3A_33, %squeeze3A : i32
    %convert_element_type3A_35 = arith.extui %lt3A_34 : i1 to i32
    %cond3A_36 = arith.constant 0 : i32
    %cond3A_37 = arith.cmpi ne, %convert_element_type3A_35, %cond3A_36 : i32
    scf.if %cond3A_37 {
      %dma_wait3A = arith.constant 16 : i32
      %dma_wait3A_386 = tpu.memref_slice %arg6[%dma_wait3A] : memref<256xi32, #tpu.memory_space<vmem>> -> memref<16xi32, #tpu.memory_space<vmem>>
      %dma_wait3A_387 = arith.constant 0 : i32
      %dma_wait3A_388 = arith.constant 0 : i32
      %dma_wait3A_389 = tpu.memref_slice %arg2[%dma_wait3A_387, %dma_wait3A_388] : memref<2048x2048xf32, #tpu.memory_space<hbm>> -> memref<2048x2048xf32, #tpu.memory_space<hbm>>
      tpu.wait_indirect_dma semaphore(%arg12 : memref<!tpu.dma_semaphore, #tpu.memory_space<semaphore_mem>>) src(%dma_wait3A_389 : memref<2048x2048xf32, #tpu.memory_space<hbm>>) dst(%arg9 : memref<16x2048xf32, #tpu.memory_space<vmem>>)
    } else {
    }
    %add3A_38 = arith.constant 16 : i32
    %add3A_39 = arith.addi %mul3A_2, %add3A_38 : i32
    %lt3A_40 = arith.cmpi slt, %add3A_39, %squeeze3A : i32
    %convert_element_type3A_41 = arith.extui %lt3A_40 : i1 to i32
    %cond3A_42 = arith.constant 0 : i32
    %cond3A_43 = arith.cmpi ne, %convert_element_type3A_41, %cond3A_42 : i32
    scf.if %cond3A_43 {
      %add3A_386 = arith.constant 16 : i32
      %add3A_387 = arith.addi %mul3A_2, %add3A_386 : i32
      %dma_start3A = arith.constant 0 : i32
      %dma_start3A_388 = tpu.memref_slice %arg5[%add3A_387, %dma_start3A] : memref<8192x2048xf32, #tpu.memory_space<hbm>> -> memref<16x2048xf32, #tpu.memory_space<hbm>>
      %dma_start3A_389 = arith.constant 0 : i32
      %dma_start3A_390 = tpu.memref_slice %arg5[%add3A_387, %dma_start3A_389] : memref<8192x2048xf32, #tpu.memory_space<hbm>> -> memref<16x2048xf32, #tpu.memory_space<hbm>>
      tpu.enqueue_dma source(%arg9 : memref<16x2048xf32, #tpu.memory_space<vmem>>) target(%dma_start3A_390 : memref<16x2048xf32, #tpu.memory_space<hbm>>) target_semaphore(%arg15 : memref<!tpu.dma_semaphore, #tpu.memory_space<semaphore_mem>>)
    } else {
    }
    %add3A_44 = arith.constant 0 : i32
    %add3A_45 = arith.addi %mul3A_2, %add3A_44 : i32
    %lt3A_46 = arith.cmpi slt, %add3A_45, %squeeze3A : i32
    %convert_element_type3A_47 = arith.extui %lt3A_46 : i1 to i32
    %cond3A_48 = arith.constant 0 : i32
    %cond3A_49 = arith.cmpi ne, %convert_element_type3A_47, %cond3A_48 : i32
    scf.if %cond3A_49 {
      %add3A_386 = arith.constant 0 : i32
      %add3A_387 = arith.addi %mul3A_2, %add3A_386 : i32
      %dma_wait3A = arith.constant 0 : i32
      %dma_wait3A_388 = tpu.memref_slice %arg5[%add3A_387, %dma_wait3A] : memref<8192x2048xf32, #tpu.memory_space<hbm>> -> memref<16x2048xf32, #tpu.memory_space<hbm>>
      %dma_wait3A_389 = arith.constant 0 : i32
      %dma_wait3A_390 = tpu.memref_slice %arg5[%add3A_387, %dma_wait3A_389] : memref<8192x2048xf32, #tpu.memory_space<hbm>> -> memref<16x2048xf32, #tpu.memory_space<hbm>>
      tpu.wait_dma2 semaphore(%arg14 : memref<!tpu.dma_semaphore, #tpu.memory_space<semaphore_mem>>) src(%arg8 : memref<16x2048xf32, #tpu.memory_space<vmem>>) dst(%dma_wait3A_390 : memref<16x2048xf32, #tpu.memory_space<hbm>>)
    } else {
    }
    %add3A_50 = arith.constant 48 : i32
    %add3A_51 = arith.addi %mul3A_2, %add3A_50 : i32
    %lt3A_52 = arith.cmpi slt, %add3A_51, %squeeze3A : i32
    %convert_element_type3A_53 = arith.extui %lt3A_52 : i1 to i32
    %cond3A_54 = arith.constant 0 : i32
    %cond3A_55 = arith.cmpi ne, %convert_element_type3A_53, %cond3A_54 : i32
    scf.if %cond3A_55 {
      %dma_start3A = arith.constant 48 : i32
      %dma_start3A_386 = tpu.memref_slice %arg6[%dma_start3A] : memref<256xi32, #tpu.memory_space<vmem>> -> memref<16xi32, #tpu.memory_space<vmem>>
      %dma_start3A_387 = arith.constant 0 : i32
      %dma_start3A_388 = arith.constant 0 : i32
      %dma_start3A_389 = tpu.memref_slice %arg2[%dma_start3A_387, %dma_start3A_388] : memref<2048x2048xf32, #tpu.memory_space<hbm>> -> memref<2048x2048xf32, #tpu.memory_space<hbm>>
      tpu.enqueue_indirect_dma source(%dma_start3A_389 : memref<2048x2048xf32, #tpu.memory_space<hbm>>) target(%arg8 : memref<16x2048xf32, #tpu.memory_space<vmem>>) offsets(%dma_start3A_386 : memref<16xi32, #tpu.memory_space<vmem>>) semaphore(%arg11 : memref<!tpu.dma_semaphore, #tpu.memory_space<semaphore_mem>>)
    } else {
    }
    %add3A_56 = arith.constant 32 : i32
    %add3A_57 = arith.addi %mul3A_2, %add3A_56 : i32
    %lt3A_58 = arith.cmpi slt, %add3A_57, %squeeze3A : i32
    %convert_element_type3A_59 = arith.extui %lt3A_58 : i1 to i32
    %cond3A_60 = arith.constant 0 : i32
    %cond3A_61 = arith.cmpi ne, %convert_element_type3A_59, %cond3A_60 : i32
    scf.if %cond3A_61 {
      %dma_wait3A = arith.constant 32 : i32
      %dma_wait3A_386 = tpu.memref_slice %arg6[%dma_wait3A] : memref<256xi32, #tpu.memory_space<vmem>> -> memref<16xi32, #tpu.memory_space<vmem>>
      %dma_wait3A_387 = arith.constant 0 : i32
      %dma_wait3A_388 = arith.constant 0 : i32
      %dma_wait3A_389 = tpu.memref_slice %arg2[%dma_wait3A_387, %dma_wait3A_388] : memref<2048x2048xf32, #tpu.memory_space<hbm>> -> memref<2048x2048xf32, #tpu.memory_space<hbm>>
      tpu.wait_indirect_dma semaphore(%arg13 : memref<!tpu.dma_semaphore, #tpu.memory_space<semaphore_mem>>) src(%dma_wait3A_389 : memref<2048x2048xf32, #tpu.memory_space<hbm>>) dst(%arg10 : memref<16x2048xf32, #tpu.memory_space<vmem>>)
    } else {
    }
    %add3A_62 = arith.constant 32 : i32
    %add3A_63 = arith.addi %mul3A_2, %add3A_62 : i32
    %lt3A_64 = arith.cmpi slt, %add3A_63, %squeeze3A : i32
    %convert_element_type3A_65 = arith.extui %lt3A_64 : i1 to i32
    %cond3A_66 = arith.constant 0 : i32
    %cond3A_67 = arith.cmpi ne, %convert_element_type3A_65, %cond3A_66 : i32
    scf.if %cond3A_67 {
      %add3A_386 = arith.constant 32 : i32
      %add3A_387 = arith.addi %mul3A_2, %add3A_386 : i32
      %dma_start3A = arith.constant 0 : i32
      %dma_start3A_388 = tpu.memref_slice %arg5[%add3A_387, %dma_start3A] : memref<8192x2048xf32, #tpu.memory_space<hbm>> -> memref<16x2048xf32, #tpu.memory_space<hbm>>
      %dma_start3A_389 = arith.constant 0 : i32
      %dma_start3A_390 = tpu.memref_slice %arg5[%add3A_387, %dma_start3A_389] : memref<8192x2048xf32, #tpu.memory_space<hbm>> -> memref<16x2048xf32, #tpu.memory_space<hbm>>
      tpu.enqueue_dma source(%arg10 : memref<16x2048xf32, #tpu.memory_space<vmem>>) target(%dma_start3A_390 : memref<16x2048xf32, #tpu.memory_space<hbm>>) target_semaphore(%arg16 : memref<!tpu.dma_semaphore, #tpu.memory_space<semaphore_mem>>)
    } else {
    }
    %add3A_68 = arith.constant 16 : i32
    %add3A_69 = arith.addi %mul3A_2, %add3A_68 : i32
    %lt3A_70 = arith.cmpi slt, %add3A_69, %squeeze3A : i32
    %convert_element_type3A_71 = arith.extui %lt3A_70 : i1 to i32
    %cond3A_72 = arith.constant 0 : i32
    %cond3A_73 = arith.cmpi ne, %convert_element_type3A_71, %cond3A_72 : i32
    scf.if %cond3A_73 {
      %add3A_386 = arith.constant 16 : i32
      %add3A_387 = arith.addi %mul3A_2, %add3A_386 : i32
      %dma_wait3A = arith.constant 0 : i32
      %dma_wait3A_388 = tpu.memref_slice %arg5[%add3A_387, %dma_wait3A] : memref<8192x2048xf32, #tpu.memory_space<hbm>> -> memref<16x2048xf32, #tpu.memory_space<hbm>>
      %dma_wait3A_389 = arith.constant 0 : i32
      %dma_wait3A_390 = tpu.memref_slice %arg5[%add3A_387, %dma_wait3A_389] : memref<8192x2048xf32, #tpu.memory_space<hbm>> -> memref<16x2048xf32, #tpu.memory_space<hbm>>
      tpu.wait_dma2 semaphore(%arg15 : memref<!tpu.dma_semaphore, #tpu.memory_space<semaphore_mem>>) src(%arg9 : memref<16x2048xf32, #tpu.memory_space<vmem>>) dst(%dma_wait3A_390 : memref<16x2048xf32, #tpu.memory_space<hbm>>)
    } else {
    }
    %add3A_74 = arith.constant 64 : i32
    %add3A_75 = arith.addi %mul3A_2, %add3A_74 : i32
    %lt3A_76 = arith.cmpi slt, %add3A_75, %squeeze3A : i32
    %convert_element_type3A_77 = arith.extui %lt3A_76 : i1 to i32
    %cond3A_78 = arith.constant 0 : i32
    %cond3A_79 = arith.cmpi ne, %convert_element_type3A_77, %cond3A_78 : i32
    scf.if %cond3A_79 {
      %dma_start3A = arith.constant 64 : i32
      %dma_start3A_386 = tpu.memref_slice %arg6[%dma_start3A] : memref<256xi32, #tpu.memory_space<vmem>> -> memref<16xi32, #tpu.memory_space<vmem>>
      %dma_start3A_387 = arith.constant 0 : i32
      %dma_start3A_388 = arith.constant 0 : i32
      %dma_start3A_389 = tpu.memref_slice %arg2[%dma_start3A_387, %dma_start3A_388] : memref<2048x2048xf32, #tpu.memory_space<hbm>> -> memref<2048x2048xf32, #tpu.memory_space<hbm>>
      tpu.enqueue_indirect_dma source(%dma_start3A_389 : memref<2048x2048xf32, #tpu.memory_space<hbm>>) target(%arg9 : memref<16x2048xf32, #tpu.memory_space<vmem>>) offsets(%dma_start3A_386 : memref<16xi32, #tpu.memory_space<vmem>>) semaphore(%arg12 : memref<!tpu.dma_semaphore, #tpu.memory_space<semaphore_mem>>)
    } else {
    }
    %add3A_80 = arith.constant 48 : i32
    %add3A_81 = arith.addi %mul3A_2, %add3A_80 : i32
    %lt3A_82 = arith.cmpi slt, %add3A_81, %squeeze3A : i32
    %convert_element_type3A_83 = arith.extui %lt3A_82 : i1 to i32
    %cond3A_84 = arith.constant 0 : i32
    %cond3A_85 = arith.cmpi ne, %convert_element_type3A_83, %cond3A_84 : i32
    scf.if %cond3A_85 {
      %dma_wait3A = arith.constant 48 : i32
      %dma_wait3A_386 = tpu.memref_slice %arg6[%dma_wait3A] : memref<256xi32, #tpu.memory_space<vmem>> -> memref<16xi32, #tpu.memory_space<vmem>>
      %dma_wait3A_387 = arith.constant 0 : i32
      %dma_wait3A_388 = arith.constant 0 : i32
      %dma_wait3A_389 = tpu.memref_slice %arg2[%dma_wait3A_387, %dma_wait3A_388] : memref<2048x2048xf32, #tpu.memory_space<hbm>> -> memref<2048x2048xf32, #tpu.memory_space<hbm>>
      tpu.wait_indirect_dma semaphore(%arg11 : memref<!tpu.dma_semaphore, #tpu.memory_space<semaphore_mem>>) src(%dma_wait3A_389 : memref<2048x2048xf32, #tpu.memory_space<hbm>>) dst(%arg8 : memref<16x2048xf32, #tpu.memory_space<vmem>>)
    } else {
    }
    %add3A_86 = arith.constant 48 : i32
    %add3A_87 = arith.addi %mul3A_2, %add3A_86 : i32
    %lt3A_88 = arith.cmpi slt, %add3A_87, %squeeze3A : i32
    %convert_element_type3A_89 = arith.extui %lt3A_88 : i1 to i32
    %cond3A_90 = arith.constant 0 : i32
    %cond3A_91 = arith.cmpi ne, %convert_element_type3A_89, %cond3A_90 : i32
    scf.if %cond3A_91 {
      %add3A_386 = arith.constant 48 : i32
      %add3A_387 = arith.addi %mul3A_2, %add3A_386 : i32
      %dma_start3A = arith.constant 0 : i32
      %dma_start3A_388 = tpu.memref_slice %arg5[%add3A_387, %dma_start3A] : memref<8192x2048xf32, #tpu.memory_space<hbm>> -> memref<16x2048xf32, #tpu.memory_space<hbm>>
      %dma_start3A_389 = arith.constant 0 : i32
      %dma_start3A_390 = tpu.memref_slice %arg5[%add3A_387, %dma_start3A_389] : memref<8192x2048xf32, #tpu.memory_space<hbm>> -> memref<16x2048xf32, #tpu.memory_space<hbm>>
      tpu.enqueue_dma source(%arg8 : memref<16x2048xf32, #tpu.memory_space<vmem>>) target(%dma_start3A_390 : memref<16x2048xf32, #tpu.memory_space<hbm>>) target_semaphore(%arg14 : memref<!tpu.dma_semaphore, #tpu.memory_space<semaphore_mem>>)
    } else {
    }
    %add3A_92 = arith.constant 32 : i32
    %add3A_93 = arith.addi %mul3A_2, %add3A_92 : i32
    %lt3A_94 = arith.cmpi slt, %add3A_93, %squeeze3A : i32
    %convert_element_type3A_95 = arith.extui %lt3A_94 : i1 to i32
    %cond3A_96 = arith.constant 0 : i32
    %cond3A_97 = arith.cmpi ne, %convert_element_type3A_95, %cond3A_96 : i32
    scf.if %cond3A_97 {
      %add3A_386 = arith.constant 32 : i32
      %add3A_387 = arith.addi %mul3A_2, %add3A_386 : i32
      %dma_wait3A = arith.constant 0 : i32
      %dma_wait3A_388 = tpu.memref_slice %arg5[%add3A_387, %dma_wait3A] : memref<8192x2048xf32, #tpu.memory_space<hbm>> -> memref<16x2048xf32, #tpu.memory_space<hbm>>
      %dma_wait3A_389 = arith.constant 0 : i32
      %dma_wait3A_390 = tpu.memref_slice %arg5[%add3A_387, %dma_wait3A_389] : memref<8192x2048xf32, #tpu.memory_space<hbm>> -> memref<16x2048xf32, #tpu.memory_space<hbm>>
      tpu.wait_dma2 semaphore(%arg16 : memref<!tpu.dma_semaphore, #tpu.memory_space<semaphore_mem>>) src(%arg10 : memref<16x2048xf32, #tpu.memory_space<vmem>>) dst(%dma_wait3A_390 : memref<16x2048xf32, #tpu.memory_space<hbm>>)
    } else {
    }
    %add3A_98 = arith.constant 80 : i32
    %add3A_99 = arith.addi %mul3A_2, %add3A_98 : i32
    %lt3A_100 = arith.cmpi slt, %add3A_99, %squeeze3A : i32
    %convert_element_type3A_101 = arith.extui %lt3A_100 : i1 to i32
    %cond3A_102 = arith.constant 0 : i32
    %cond3A_103 = arith.cmpi ne, %convert_element_type3A_101, %cond3A_102 : i32
    scf.if %cond3A_103 {
      %dma_start3A = arith.constant 80 : i32
      %dma_start3A_386 = tpu.memref_slice %arg6[%dma_start3A] : memref<256xi32, #tpu.memory_space<vmem>> -> memref<16xi32, #tpu.memory_space<vmem>>
      %dma_start3A_387 = arith.constant 0 : i32
      %dma_start3A_388 = arith.constant 0 : i32
      %dma_start3A_389 = tpu.memref_slice %arg2[%dma_start3A_387, %dma_start3A_388] : memref<2048x2048xf32, #tpu.memory_space<hbm>> -> memref<2048x2048xf32, #tpu.memory_space<hbm>>
      tpu.enqueue_indirect_dma source(%dma_start3A_389 : memref<2048x2048xf32, #tpu.memory_space<hbm>>) target(%arg10 : memref<16x2048xf32, #tpu.memory_space<vmem>>) offsets(%dma_start3A_386 : memref<16xi32, #tpu.memory_space<vmem>>) semaphore(%arg13 : memref<!tpu.dma_semaphore, #tpu.memory_space<semaphore_mem>>)
    } else {
    }
    %add3A_104 = arith.constant 64 : i32
    %add3A_105 = arith.addi %mul3A_2, %add3A_104 : i32
    %lt3A_106 = arith.cmpi slt, %add3A_105, %squeeze3A : i32
    %convert_element_type3A_107 = arith.extui %lt3A_106 : i1 to i32
    %cond3A_108 = arith.constant 0 : i32
    %cond3A_109 = arith.cmpi ne, %convert_element_type3A_107, %cond3A_108 : i32
    scf.if %cond3A_109 {
      %dma_wait3A = arith.constant 64 : i32
      %dma_wait3A_386 = tpu.memref_slice %arg6[%dma_wait3A] : memref<256xi32, #tpu.memory_space<vmem>> -> memref<16xi32, #tpu.memory_space<vmem>>
      %dma_wait3A_387 = arith.constant 0 : i32
      %dma_wait3A_388 = arith.constant 0 : i32
      %dma_wait3A_389 = tpu.memref_slice %arg2[%dma_wait3A_387, %dma_wait3A_388] : memref<2048x2048xf32, #tpu.memory_space<hbm>> -> memref<2048x2048xf32, #tpu.memory_space<hbm>>
      tpu.wait_indirect_dma semaphore(%arg12 : memref<!tpu.dma_semaphore, #tpu.memory_space<semaphore_mem>>) src(%dma_wait3A_389 : memref<2048x2048xf32, #tpu.memory_space<hbm>>) dst(%arg9 : memref<16x2048xf32, #tpu.memory_space<vmem>>)
    } else {
    }
    %add3A_110 = arith.constant 64 : i32
    %add3A_111 = arith.addi %mul3A_2, %add3A_110 : i32
    %lt3A_112 = arith.cmpi slt, %add3A_111, %squeeze3A : i32
    %convert_element_type3A_113 = arith.extui %lt3A_112 : i1 to i32
    %cond3A_114 = arith.constant 0 : i32
    %cond3A_115 = arith.cmpi ne, %convert_element_type3A_113, %cond3A_114 : i32
    scf.if %cond3A_115 {
      %add3A_386 = arith.constant 64 : i32
      %add3A_387 = arith.addi %mul3A_2, %add3A_386 : i32
      %dma_start3A = arith.constant 0 : i32
      %dma_start3A_388 = tpu.memref_slice %arg5[%add3A_387, %dma_start3A] : memref<8192x2048xf32, #tpu.memory_space<hbm>> -> memref<16x2048xf32, #tpu.memory_space<hbm>>
      %dma_start3A_389 = arith.constant 0 : i32
      %dma_start3A_390 = tpu.memref_slice %arg5[%add3A_387, %dma_start3A_389] : memref<8192x2048xf32, #tpu.memory_space<hbm>> -> memref<16x2048xf32, #tpu.memory_space<hbm>>
      tpu.enqueue_dma source(%arg9 : memref<16x2048xf32, #tpu.memory_space<vmem>>) target(%dma_start3A_390 : memref<16x2048xf32, #tpu.memory_space<hbm>>) target_semaphore(%arg15 : memref<!tpu.dma_semaphore, #tpu.memory_space<semaphore_mem>>)
    } else {
    }
    %add3A_116 = arith.constant 48 : i32
    %add3A_117 = arith.addi %mul3A_2, %add3A_116 : i32
    %lt3A_118 = arith.cmpi slt, %add3A_117, %squeeze3A : i32
    %convert_element_type3A_119 = arith.extui %lt3A_118 : i1 to i32
    %cond3A_120 = arith.constant 0 : i32
    %cond3A_121 = arith.cmpi ne, %convert_element_type3A_119, %cond3A_120 : i32
    scf.if %cond3A_121 {
      %add3A_386 = arith.constant 48 : i32
      %add3A_387 = arith.addi %mul3A_2, %add3A_386 : i32
      %dma_wait3A = arith.constant 0 : i32
      %dma_wait3A_388 = tpu.memref_slice %arg5[%add3A_387, %dma_wait3A] : memref<8192x2048xf32, #tpu.memory_space<hbm>> -> memref<16x2048xf32, #tpu.memory_space<hbm>>
      %dma_wait3A_389 = arith.constant 0 : i32
      %dma_wait3A_390 = tpu.memref_slice %arg5[%add3A_387, %dma_wait3A_389] : memref<8192x2048xf32, #tpu.memory_space<hbm>> -> memref<16x2048xf32, #tpu.memory_space<hbm>>
      tpu.wait_dma2 semaphore(%arg14 : memref<!tpu.dma_semaphore, #tpu.memory_space<semaphore_mem>>) src(%arg8 : memref<16x2048xf32, #tpu.memory_space<vmem>>) dst(%dma_wait3A_390 : memref<16x2048xf32, #tpu.memory_space<hbm>>)
    } else {
    }
    %add3A_122 = arith.constant 96 : i32
    %add3A_123 = arith.addi %mul3A_2, %add3A_122 : i32
    %lt3A_124 = arith.cmpi slt, %add3A_123, %squeeze3A : i32
    %convert_element_type3A_125 = arith.extui %lt3A_124 : i1 to i32
    %cond3A_126 = arith.constant 0 : i32
    %cond3A_127 = arith.cmpi ne, %convert_element_type3A_125, %cond3A_126 : i32
    scf.if %cond3A_127 {
      %dma_start3A = arith.constant 96 : i32
      %dma_start3A_386 = tpu.memref_slice %arg6[%dma_start3A] : memref<256xi32, #tpu.memory_space<vmem>> -> memref<16xi32, #tpu.memory_space<vmem>>
      %dma_start3A_387 = arith.constant 0 : i32
      %dma_start3A_388 = arith.constant 0 : i32
      %dma_start3A_389 = tpu.memref_slice %arg2[%dma_start3A_387, %dma_start3A_388] : memref<2048x2048xf32, #tpu.memory_space<hbm>> -> memref<2048x2048xf32, #tpu.memory_space<hbm>>
      tpu.enqueue_indirect_dma source(%dma_start3A_389 : memref<2048x2048xf32, #tpu.memory_space<hbm>>) target(%arg8 : memref<16x2048xf32, #tpu.memory_space<vmem>>) offsets(%dma_start3A_386 : memref<16xi32, #tpu.memory_space<vmem>>) semaphore(%arg11 : memref<!tpu.dma_semaphore, #tpu.memory_space<semaphore_mem>>)
    } else {
    }
    %add3A_128 = arith.constant 80 : i32
    %add3A_129 = arith.addi %mul3A_2, %add3A_128 : i32
    %lt3A_130 = arith.cmpi slt, %add3A_129, %squeeze3A : i32
    %convert_element_type3A_131 = arith.extui %lt3A_130 : i1 to i32
    %cond3A_132 = arith.constant 0 : i32
    %cond3A_133 = arith.cmpi ne, %convert_element_type3A_131, %cond3A_132 : i32
    scf.if %cond3A_133 {
      %dma_wait3A = arith.constant 80 : i32
      %dma_wait3A_386 = tpu.memref_slice %arg6[%dma_wait3A] : memref<256xi32, #tpu.memory_space<vmem>> -> memref<16xi32, #tpu.memory_space<vmem>>
      %dma_wait3A_387 = arith.constant 0 : i32
      %dma_wait3A_388 = arith.constant 0 : i32
      %dma_wait3A_389 = tpu.memref_slice %arg2[%dma_wait3A_387, %dma_wait3A_388] : memref<2048x2048xf32, #tpu.memory_space<hbm>> -> memref<2048x2048xf32, #tpu.memory_space<hbm>>
      tpu.wait_indirect_dma semaphore(%arg13 : memref<!tpu.dma_semaphore, #tpu.memory_space<semaphore_mem>>) src(%dma_wait3A_389 : memref<2048x2048xf32, #tpu.memory_space<hbm>>) dst(%arg10 : memref<16x2048xf32, #tpu.memory_space<vmem>>)
    } else {
    }
    %add3A_134 = arith.constant 80 : i32
    %add3A_135 = arith.addi %mul3A_2, %add3A_134 : i32
    %lt3A_136 = arith.cmpi slt, %add3A_135, %squeeze3A : i32
    %convert_element_type3A_137 = arith.extui %lt3A_136 : i1 to i32
    %cond3A_138 = arith.constant 0 : i32
    %cond3A_139 = arith.cmpi ne, %convert_element_type3A_137, %cond3A_138 : i32
    scf.if %cond3A_139 {
      %add3A_386 = arith.constant 80 : i32
      %add3A_387 = arith.addi %mul3A_2, %add3A_386 : i32
      %dma_start3A = arith.constant 0 : i32
      %dma_start3A_388 = tpu.memref_slice %arg5[%add3A_387, %dma_start3A] : memref<8192x2048xf32, #tpu.memory_space<hbm>> -> memref<16x2048xf32, #tpu.memory_space<hbm>>
      %dma_start3A_389 = arith.constant 0 : i32
      %dma_start3A_390 = tpu.memref_slice %arg5[%add3A_387, %dma_start3A_389] : memref<8192x2048xf32, #tpu.memory_space<hbm>> -> memref<16x2048xf32, #tpu.memory_space<hbm>>
      tpu.enqueue_dma source(%arg10 : memref<16x2048xf32, #tpu.memory_space<vmem>>) target(%dma_start3A_390 : memref<16x2048xf32, #tpu.memory_space<hbm>>) target_semaphore(%arg16 : memref<!tpu.dma_semaphore, #tpu.memory_space<semaphore_mem>>)
    } else {
    }
    %add3A_140 = arith.constant 64 : i32
    %add3A_141 = arith.addi %mul3A_2, %add3A_140 : i32
    %lt3A_142 = arith.cmpi slt, %add3A_141, %squeeze3A : i32
    %convert_element_type3A_143 = arith.extui %lt3A_142 : i1 to i32
    %cond3A_144 = arith.constant 0 : i32
    %cond3A_145 = arith.cmpi ne, %convert_element_type3A_143, %cond3A_144 : i32
    scf.if %cond3A_145 {
      %add3A_386 = arith.constant 64 : i32
      %add3A_387 = arith.addi %mul3A_2, %add3A_386 : i32
      %dma_wait3A = arith.constant 0 : i32
      %dma_wait3A_388 = tpu.memref_slice %arg5[%add3A_387, %dma_wait3A] : memref<8192x2048xf32, #tpu.memory_space<hbm>> -> memref<16x2048xf32, #tpu.memory_space<hbm>>
      %dma_wait3A_389 = arith.constant 0 : i32
      %dma_wait3A_390 = tpu.memref_slice %arg5[%add3A_387, %dma_wait3A_389] : memref<8192x2048xf32, #tpu.memory_space<hbm>> -> memref<16x2048xf32, #tpu.memory_space<hbm>>
      tpu.wait_dma2 semaphore(%arg15 : memref<!tpu.dma_semaphore, #tpu.memory_space<semaphore_mem>>) src(%arg9 : memref<16x2048xf32, #tpu.memory_space<vmem>>) dst(%dma_wait3A_390 : memref<16x2048xf32, #tpu.memory_space<hbm>>)
    } else {
    }
    %add3A_146 = arith.constant 112 : i32
    %add3A_147 = arith.addi %mul3A_2, %add3A_146 : i32
    %lt3A_148 = arith.cmpi slt, %add3A_147, %squeeze3A : i32
    %convert_element_type3A_149 = arith.extui %lt3A_148 : i1 to i32
    %cond3A_150 = arith.constant 0 : i32
    %cond3A_151 = arith.cmpi ne, %convert_element_type3A_149, %cond3A_150 : i32
    scf.if %cond3A_151 {
      %dma_start3A = arith.constant 112 : i32
      %dma_start3A_386 = tpu.memref_slice %arg6[%dma_start3A] : memref<256xi32, #tpu.memory_space<vmem>> -> memref<16xi32, #tpu.memory_space<vmem>>
      %dma_start3A_387 = arith.constant 0 : i32
      %dma_start3A_388 = arith.constant 0 : i32
      %dma_start3A_389 = tpu.memref_slice %arg2[%dma_start3A_387, %dma_start3A_388] : memref<2048x2048xf32, #tpu.memory_space<hbm>> -> memref<2048x2048xf32, #tpu.memory_space<hbm>>
      tpu.enqueue_indirect_dma source(%dma_start3A_389 : memref<2048x2048xf32, #tpu.memory_space<hbm>>) target(%arg9 : memref<16x2048xf32, #tpu.memory_space<vmem>>) offsets(%dma_start3A_386 : memref<16xi32, #tpu.memory_space<vmem>>) semaphore(%arg12 : memref<!tpu.dma_semaphore, #tpu.memory_space<semaphore_mem>>)
    } else {
    }
    %add3A_152 = arith.constant 96 : i32
    %add3A_153 = arith.addi %mul3A_2, %add3A_152 : i32
    %lt3A_154 = arith.cmpi slt, %add3A_153, %squeeze3A : i32
    %convert_element_type3A_155 = arith.extui %lt3A_154 : i1 to i32
    %cond3A_156 = arith.constant 0 : i32
    %cond3A_157 = arith.cmpi ne, %convert_element_type3A_155, %cond3A_156 : i32
    scf.if %cond3A_157 {
      %dma_wait3A = arith.constant 96 : i32
      %dma_wait3A_386 = tpu.memref_slice %arg6[%dma_wait3A] : memref<256xi32, #tpu.memory_space<vmem>> -> memref<16xi32, #tpu.memory_space<vmem>>
      %dma_wait3A_387 = arith.constant 0 : i32
      %dma_wait3A_388 = arith.constant 0 : i32
      %dma_wait3A_389 = tpu.memref_slice %arg2[%dma_wait3A_387, %dma_wait3A_388] : memref<2048x2048xf32, #tpu.memory_space<hbm>> -> memref<2048x2048xf32, #tpu.memory_space<hbm>>
      tpu.wait_indirect_dma semaphore(%arg11 : memref<!tpu.dma_semaphore, #tpu.memory_space<semaphore_mem>>) src(%dma_wait3A_389 : memref<2048x2048xf32, #tpu.memory_space<hbm>>) dst(%arg8 : memref<16x2048xf32, #tpu.memory_space<vmem>>)
    } else {
    }
    %add3A_158 = arith.constant 96 : i32
    %add3A_159 = arith.addi %mul3A_2, %add3A_158 : i32
    %lt3A_160 = arith.cmpi slt, %add3A_159, %squeeze3A : i32
    %convert_element_type3A_161 = arith.extui %lt3A_160 : i1 to i32
    %cond3A_162 = arith.constant 0 : i32
    %cond3A_163 = arith.cmpi ne, %convert_element_type3A_161, %cond3A_162 : i32
    scf.if %cond3A_163 {
      %add3A_386 = arith.constant 96 : i32
      %add3A_387 = arith.addi %mul3A_2, %add3A_386 : i32
      %dma_start3A = arith.constant 0 : i32
      %dma_start3A_388 = tpu.memref_slice %arg5[%add3A_387, %dma_start3A] : memref<8192x2048xf32, #tpu.memory_space<hbm>> -> memref<16x2048xf32, #tpu.memory_space<hbm>>
      %dma_start3A_389 = arith.constant 0 : i32
      %dma_start3A_390 = tpu.memref_slice %arg5[%add3A_387, %dma_start3A_389] : memref<8192x2048xf32, #tpu.memory_space<hbm>> -> memref<16x2048xf32, #tpu.memory_space<hbm>>
      tpu.enqueue_dma source(%arg8 : memref<16x2048xf32, #tpu.memory_space<vmem>>) target(%dma_start3A_390 : memref<16x2048xf32, #tpu.memory_space<hbm>>) target_semaphore(%arg14 : memref<!tpu.dma_semaphore, #tpu.memory_space<semaphore_mem>>)
    } else {
    }
    %add3A_164 = arith.constant 80 : i32
    %add3A_165 = arith.addi %mul3A_2, %add3A_164 : i32
    %lt3A_166 = arith.cmpi slt, %add3A_165, %squeeze3A : i32
    %convert_element_type3A_167 = arith.extui %lt3A_166 : i1 to i32
    %cond3A_168 = arith.constant 0 : i32
    %cond3A_169 = arith.cmpi ne, %convert_element_type3A_167, %cond3A_168 : i32
    scf.if %cond3A_169 {
      %add3A_386 = arith.constant 80 : i32
      %add3A_387 = arith.addi %mul3A_2, %add3A_386 : i32
      %dma_wait3A = arith.constant 0 : i32
      %dma_wait3A_388 = tpu.memref_slice %arg5[%add3A_387, %dma_wait3A] : memref<8192x2048xf32, #tpu.memory_space<hbm>> -> memref<16x2048xf32, #tpu.memory_space<hbm>>
      %dma_wait3A_389 = arith.constant 0 : i32
      %dma_wait3A_390 = tpu.memref_slice %arg5[%add3A_387, %dma_wait3A_389] : memref<8192x2048xf32, #tpu.memory_space<hbm>> -> memref<16x2048xf32, #tpu.memory_space<hbm>>
      tpu.wait_dma2 semaphore(%arg16 : memref<!tpu.dma_semaphore, #tpu.memory_space<semaphore_mem>>) src(%arg10 : memref<16x2048xf32, #tpu.memory_space<vmem>>) dst(%dma_wait3A_390 : memref<16x2048xf32, #tpu.memory_space<hbm>>)
    } else {
    }
    %add3A_170 = arith.constant 128 : i32
    %add3A_171 = arith.addi %mul3A_2, %add3A_170 : i32
    %lt3A_172 = arith.cmpi slt, %add3A_171, %squeeze3A : i32
    %convert_element_type3A_173 = arith.extui %lt3A_172 : i1 to i32
    %cond3A_174 = arith.constant 0 : i32
    %cond3A_175 = arith.cmpi ne, %convert_element_type3A_173, %cond3A_174 : i32
    scf.if %cond3A_175 {
      %dma_start3A = arith.constant 128 : i32
      %dma_start3A_386 = tpu.memref_slice %arg6[%dma_start3A] : memref<256xi32, #tpu.memory_space<vmem>> -> memref<16xi32, #tpu.memory_space<vmem>>
      %dma_start3A_387 = arith.constant 0 : i32
      %dma_start3A_388 = arith.constant 0 : i32
      %dma_start3A_389 = tpu.memref_slice %arg2[%dma_start3A_387, %dma_start3A_388] : memref<2048x2048xf32, #tpu.memory_space<hbm>> -> memref<2048x2048xf32, #tpu.memory_space<hbm>>
      tpu.enqueue_indirect_dma source(%dma_start3A_389 : memref<2048x2048xf32, #tpu.memory_space<hbm>>) target(%arg10 : memref<16x2048xf32, #tpu.memory_space<vmem>>) offsets(%dma_start3A_386 : memref<16xi32, #tpu.memory_space<vmem>>) semaphore(%arg13 : memref<!tpu.dma_semaphore, #tpu.memory_space<semaphore_mem>>)
    } else {
    }
    %add3A_176 = arith.constant 112 : i32
    %add3A_177 = arith.addi %mul3A_2, %add3A_176 : i32
    %lt3A_178 = arith.cmpi slt, %add3A_177, %squeeze3A : i32
    %convert_element_type3A_179 = arith.extui %lt3A_178 : i1 to i32
    %cond3A_180 = arith.constant 0 : i32
    %cond3A_181 = arith.cmpi ne, %convert_element_type3A_179, %cond3A_180 : i32
    scf.if %cond3A_181 {
      %dma_wait3A = arith.constant 112 : i32
      %dma_wait3A_386 = tpu.memref_slice %arg6[%dma_wait3A] : memref<256xi32, #tpu.memory_space<vmem>> -> memref<16xi32, #tpu.memory_space<vmem>>
      %dma_wait3A_387 = arith.constant 0 : i32
      %dma_wait3A_388 = arith.constant 0 : i32
      %dma_wait3A_389 = tpu.memref_slice %arg2[%dma_wait3A_387, %dma_wait3A_388] : memref<2048x2048xf32, #tpu.memory_space<hbm>> -> memref<2048x2048xf32, #tpu.memory_space<hbm>>
      tpu.wait_indirect_dma semaphore(%arg12 : memref<!tpu.dma_semaphore, #tpu.memory_space<semaphore_mem>>) src(%dma_wait3A_389 : memref<2048x2048xf32, #tpu.memory_space<hbm>>) dst(%arg9 : memref<16x2048xf32, #tpu.memory_space<vmem>>)
    } else {
    }
    %add3A_182 = arith.constant 112 : i32
    %add3A_183 = arith.addi %mul3A_2, %add3A_182 : i32
    %lt3A_184 = arith.cmpi slt, %add3A_183, %squeeze3A : i32
    %convert_element_type3A_185 = arith.extui %lt3A_184 : i1 to i32
    %cond3A_186 = arith.constant 0 : i32
    %cond3A_187 = arith.cmpi ne, %convert_element_type3A_185, %cond3A_186 : i32
    scf.if %cond3A_187 {
      %add3A_386 = arith.constant 112 : i32
      %add3A_387 = arith.addi %mul3A_2, %add3A_386 : i32
      %dma_start3A = arith.constant 0 : i32
      %dma_start3A_388 = tpu.memref_slice %arg5[%add3A_387, %dma_start3A] : memref<8192x2048xf32, #tpu.memory_space<hbm>> -> memref<16x2048xf32, #tpu.memory_space<hbm>>
      %dma_start3A_389 = arith.constant 0 : i32
      %dma_start3A_390 = tpu.memref_slice %arg5[%add3A_387, %dma_start3A_389] : memref<8192x2048xf32, #tpu.memory_space<hbm>> -> memref<16x2048xf32, #tpu.memory_space<hbm>>
      tpu.enqueue_dma source(%arg9 : memref<16x2048xf32, #tpu.memory_space<vmem>>) target(%dma_start3A_390 : memref<16x2048xf32, #tpu.memory_space<hbm>>) target_semaphore(%arg15 : memref<!tpu.dma_semaphore, #tpu.memory_space<semaphore_mem>>)
    } else {
    }
    %add3A_188 = arith.constant 96 : i32
    %add3A_189 = arith.addi %mul3A_2, %add3A_188 : i32
    %lt3A_190 = arith.cmpi slt, %add3A_189, %squeeze3A : i32
    %convert_element_type3A_191 = arith.extui %lt3A_190 : i1 to i32
    %cond3A_192 = arith.constant 0 : i32
    %cond3A_193 = arith.cmpi ne, %convert_element_type3A_191, %cond3A_192 : i32
    scf.if %cond3A_193 {
      %add3A_386 = arith.constant 96 : i32
      %add3A_387 = arith.addi %mul3A_2, %add3A_386 : i32
      %dma_wait3A = arith.constant 0 : i32
      %dma_wait3A_388 = tpu.memref_slice %arg5[%add3A_387, %dma_wait3A] : memref<8192x2048xf32, #tpu.memory_space<hbm>> -> memref<16x2048xf32, #tpu.memory_space<hbm>>
      %dma_wait3A_389 = arith.constant 0 : i32
      %dma_wait3A_390 = tpu.memref_slice %arg5[%add3A_387, %dma_wait3A_389] : memref<8192x2048xf32, #tpu.memory_space<hbm>> -> memref<16x2048xf32, #tpu.memory_space<hbm>>
      tpu.wait_dma2 semaphore(%arg14 : memref<!tpu.dma_semaphore, #tpu.memory_space<semaphore_mem>>) src(%arg8 : memref<16x2048xf32, #tpu.memory_space<vmem>>) dst(%dma_wait3A_390 : memref<16x2048xf32, #tpu.memory_space<hbm>>)
    } else {
    }
    %add3A_194 = arith.constant 144 : i32
    %add3A_195 = arith.addi %mul3A_2, %add3A_194 : i32
    %lt3A_196 = arith.cmpi slt, %add3A_195, %squeeze3A : i32
    %convert_element_type3A_197 = arith.extui %lt3A_196 : i1 to i32
    %cond3A_198 = arith.constant 0 : i32
    %cond3A_199 = arith.cmpi ne, %convert_element_type3A_197, %cond3A_198 : i32
    scf.if %cond3A_199 {
      %dma_start3A = arith.constant 144 : i32
      %dma_start3A_386 = tpu.memref_slice %arg6[%dma_start3A] : memref<256xi32, #tpu.memory_space<vmem>> -> memref<16xi32, #tpu.memory_space<vmem>>
      %dma_start3A_387 = arith.constant 0 : i32
      %dma_start3A_388 = arith.constant 0 : i32
      %dma_start3A_389 = tpu.memref_slice %arg2[%dma_start3A_387, %dma_start3A_388] : memref<2048x2048xf32, #tpu.memory_space<hbm>> -> memref<2048x2048xf32, #tpu.memory_space<hbm>>
      tpu.enqueue_indirect_dma source(%dma_start3A_389 : memref<2048x2048xf32, #tpu.memory_space<hbm>>) target(%arg8 : memref<16x2048xf32, #tpu.memory_space<vmem>>) offsets(%dma_start3A_386 : memref<16xi32, #tpu.memory_space<vmem>>) semaphore(%arg11 : memref<!tpu.dma_semaphore, #tpu.memory_space<semaphore_mem>>)
    } else {
    }
    %add3A_200 = arith.constant 128 : i32
    %add3A_201 = arith.addi %mul3A_2, %add3A_200 : i32
    %lt3A_202 = arith.cmpi slt, %add3A_201, %squeeze3A : i32
    %convert_element_type3A_203 = arith.extui %lt3A_202 : i1 to i32
    %cond3A_204 = arith.constant 0 : i32
    %cond3A_205 = arith.cmpi ne, %convert_element_type3A_203, %cond3A_204 : i32
    scf.if %cond3A_205 {
      %dma_wait3A = arith.constant 128 : i32
      %dma_wait3A_386 = tpu.memref_slice %arg6[%dma_wait3A] : memref<256xi32, #tpu.memory_space<vmem>> -> memref<16xi32, #tpu.memory_space<vmem>>
      %dma_wait3A_387 = arith.constant 0 : i32
      %dma_wait3A_388 = arith.constant 0 : i32
      %dma_wait3A_389 = tpu.memref_slice %arg2[%dma_wait3A_387, %dma_wait3A_388] : memref<2048x2048xf32, #tpu.memory_space<hbm>> -> memref<2048x2048xf32, #tpu.memory_space<hbm>>
      tpu.wait_indirect_dma semaphore(%arg13 : memref<!tpu.dma_semaphore, #tpu.memory_space<semaphore_mem>>) src(%dma_wait3A_389 : memref<2048x2048xf32, #tpu.memory_space<hbm>>) dst(%arg10 : memref<16x2048xf32, #tpu.memory_space<vmem>>)
    } else {
    }
    %add3A_206 = arith.constant 128 : i32
    %add3A_207 = arith.addi %mul3A_2, %add3A_206 : i32
    %lt3A_208 = arith.cmpi slt, %add3A_207, %squeeze3A : i32
    %convert_element_type3A_209 = arith.extui %lt3A_208 : i1 to i32
    %cond3A_210 = arith.constant 0 : i32
    %cond3A_211 = arith.cmpi ne, %convert_element_type3A_209, %cond3A_210 : i32
    scf.if %cond3A_211 {
      %add3A_386 = arith.constant 128 : i32
      %add3A_387 = arith.addi %mul3A_2, %add3A_386 : i32
      %dma_start3A = arith.constant 0 : i32
      %dma_start3A_388 = tpu.memref_slice %arg5[%add3A_387, %dma_start3A] : memref<8192x2048xf32, #tpu.memory_space<hbm>> -> memref<16x2048xf32, #tpu.memory_space<hbm>>
      %dma_start3A_389 = arith.constant 0 : i32
      %dma_start3A_390 = tpu.memref_slice %arg5[%add3A_387, %dma_start3A_389] : memref<8192x2048xf32, #tpu.memory_space<hbm>> -> memref<16x2048xf32, #tpu.memory_space<hbm>>
      tpu.enqueue_dma source(%arg10 : memref<16x2048xf32, #tpu.memory_space<vmem>>) target(%dma_start3A_390 : memref<16x2048xf32, #tpu.memory_space<hbm>>) target_semaphore(%arg16 : memref<!tpu.dma_semaphore, #tpu.memory_space<semaphore_mem>>)
    } else {
    }
    %add3A_212 = arith.constant 112 : i32
    %add3A_213 = arith.addi %mul3A_2, %add3A_212 : i32
    %lt3A_214 = arith.cmpi slt, %add3A_213, %squeeze3A : i32
    %convert_element_type3A_215 = arith.extui %lt3A_214 : i1 to i32
    %cond3A_216 = arith.constant 0 : i32
    %cond3A_217 = arith.cmpi ne, %convert_element_type3A_215, %cond3A_216 : i32
    scf.if %cond3A_217 {
      %add3A_386 = arith.constant 112 : i32
      %add3A_387 = arith.addi %mul3A_2, %add3A_386 : i32
      %dma_wait3A = arith.constant 0 : i32
      %dma_wait3A_388 = tpu.memref_slice %arg5[%add3A_387, %dma_wait3A] : memref<8192x2048xf32, #tpu.memory_space<hbm>> -> memref<16x2048xf32, #tpu.memory_space<hbm>>
      %dma_wait3A_389 = arith.constant 0 : i32
      %dma_wait3A_390 = tpu.memref_slice %arg5[%add3A_387, %dma_wait3A_389] : memref<8192x2048xf32, #tpu.memory_space<hbm>> -> memref<16x2048xf32, #tpu.memory_space<hbm>>
      tpu.wait_dma2 semaphore(%arg15 : memref<!tpu.dma_semaphore, #tpu.memory_space<semaphore_mem>>) src(%arg9 : memref<16x2048xf32, #tpu.memory_space<vmem>>) dst(%dma_wait3A_390 : memref<16x2048xf32, #tpu.memory_space<hbm>>)
    } else {
    }
    %add3A_218 = arith.constant 160 : i32
    %add3A_219 = arith.addi %mul3A_2, %add3A_218 : i32
    %lt3A_220 = arith.cmpi slt, %add3A_219, %squeeze3A : i32
    %convert_element_type3A_221 = arith.extui %lt3A_220 : i1 to i32
    %cond3A_222 = arith.constant 0 : i32
    %cond3A_223 = arith.cmpi ne, %convert_element_type3A_221, %cond3A_222 : i32
    scf.if %cond3A_223 {
      %dma_start3A = arith.constant 160 : i32
      %dma_start3A_386 = tpu.memref_slice %arg6[%dma_start3A] : memref<256xi32, #tpu.memory_space<vmem>> -> memref<16xi32, #tpu.memory_space<vmem>>
      %dma_start3A_387 = arith.constant 0 : i32
      %dma_start3A_388 = arith.constant 0 : i32
      %dma_start3A_389 = tpu.memref_slice %arg2[%dma_start3A_387, %dma_start3A_388] : memref<2048x2048xf32, #tpu.memory_space<hbm>> -> memref<2048x2048xf32, #tpu.memory_space<hbm>>
      tpu.enqueue_indirect_dma source(%dma_start3A_389 : memref<2048x2048xf32, #tpu.memory_space<hbm>>) target(%arg9 : memref<16x2048xf32, #tpu.memory_space<vmem>>) offsets(%dma_start3A_386 : memref<16xi32, #tpu.memory_space<vmem>>) semaphore(%arg12 : memref<!tpu.dma_semaphore, #tpu.memory_space<semaphore_mem>>)
    } else {
    }
    %add3A_224 = arith.constant 144 : i32
    %add3A_225 = arith.addi %mul3A_2, %add3A_224 : i32
    %lt3A_226 = arith.cmpi slt, %add3A_225, %squeeze3A : i32
    %convert_element_type3A_227 = arith.extui %lt3A_226 : i1 to i32
    %cond3A_228 = arith.constant 0 : i32
    %cond3A_229 = arith.cmpi ne, %convert_element_type3A_227, %cond3A_228 : i32
    scf.if %cond3A_229 {
      %dma_wait3A = arith.constant 144 : i32
      %dma_wait3A_386 = tpu.memref_slice %arg6[%dma_wait3A] : memref<256xi32, #tpu.memory_space<vmem>> -> memref<16xi32, #tpu.memory_space<vmem>>
      %dma_wait3A_387 = arith.constant 0 : i32
      %dma_wait3A_388 = arith.constant 0 : i32
      %dma_wait3A_389 = tpu.memref_slice %arg2[%dma_wait3A_387, %dma_wait3A_388] : memref<2048x2048xf32, #tpu.memory_space<hbm>> -> memref<2048x2048xf32, #tpu.memory_space<hbm>>
      tpu.wait_indirect_dma semaphore(%arg11 : memref<!tpu.dma_semaphore, #tpu.memory_space<semaphore_mem>>) src(%dma_wait3A_389 : memref<2048x2048xf32, #tpu.memory_space<hbm>>) dst(%arg8 : memref<16x2048xf32, #tpu.memory_space<vmem>>)
    } else {
    }
    %add3A_230 = arith.constant 144 : i32
    %add3A_231 = arith.addi %mul3A_2, %add3A_230 : i32
    %lt3A_232 = arith.cmpi slt, %add3A_231, %squeeze3A : i32
    %convert_element_type3A_233 = arith.extui %lt3A_232 : i1 to i32
    %cond3A_234 = arith.constant 0 : i32
    %cond3A_235 = arith.cmpi ne, %convert_element_type3A_233, %cond3A_234 : i32
    scf.if %cond3A_235 {
      %add3A_386 = arith.constant 144 : i32
      %add3A_387 = arith.addi %mul3A_2, %add3A_386 : i32
      %dma_start3A = arith.constant 0 : i32
      %dma_start3A_388 = tpu.memref_slice %arg5[%add3A_387, %dma_start3A] : memref<8192x2048xf32, #tpu.memory_space<hbm>> -> memref<16x2048xf32, #tpu.memory_space<hbm>>
      %dma_start3A_389 = arith.constant 0 : i32
      %dma_start3A_390 = tpu.memref_slice %arg5[%add3A_387, %dma_start3A_389] : memref<8192x2048xf32, #tpu.memory_space<hbm>> -> memref<16x2048xf32, #tpu.memory_space<hbm>>
      tpu.enqueue_dma source(%arg8 : memref<16x2048xf32, #tpu.memory_space<vmem>>) target(%dma_start3A_390 : memref<16x2048xf32, #tpu.memory_space<hbm>>) target_semaphore(%arg14 : memref<!tpu.dma_semaphore, #tpu.memory_space<semaphore_mem>>)
    } else {
    }
    %add3A_236 = arith.constant 128 : i32
    %add3A_237 = arith.addi %mul3A_2, %add3A_236 : i32
    %lt3A_238 = arith.cmpi slt, %add3A_237, %squeeze3A : i32
    %convert_element_type3A_239 = arith.extui %lt3A_238 : i1 to i32
    %cond3A_240 = arith.constant 0 : i32
    %cond3A_241 = arith.cmpi ne, %convert_element_type3A_239, %cond3A_240 : i32
    scf.if %cond3A_241 {
      %add3A_386 = arith.constant 128 : i32
      %add3A_387 = arith.addi %mul3A_2, %add3A_386 : i32
      %dma_wait3A = arith.constant 0 : i32
      %dma_wait3A_388 = tpu.memref_slice %arg5[%add3A_387, %dma_wait3A] : memref<8192x2048xf32, #tpu.memory_space<hbm>> -> memref<16x2048xf32, #tpu.memory_space<hbm>>
      %dma_wait3A_389 = arith.constant 0 : i32
      %dma_wait3A_390 = tpu.memref_slice %arg5[%add3A_387, %dma_wait3A_389] : memref<8192x2048xf32, #tpu.memory_space<hbm>> -> memref<16x2048xf32, #tpu.memory_space<hbm>>
      tpu.wait_dma2 semaphore(%arg16 : memref<!tpu.dma_semaphore, #tpu.memory_space<semaphore_mem>>) src(%arg10 : memref<16x2048xf32, #tpu.memory_space<vmem>>) dst(%dma_wait3A_390 : memref<16x2048xf32, #tpu.memory_space<hbm>>)
    } else {
    }
    %add3A_242 = arith.constant 176 : i32
    %add3A_243 = arith.addi %mul3A_2, %add3A_242 : i32
    %lt3A_244 = arith.cmpi slt, %add3A_243, %squeeze3A : i32
    %convert_element_type3A_245 = arith.extui %lt3A_244 : i1 to i32
    %cond3A_246 = arith.constant 0 : i32
    %cond3A_247 = arith.cmpi ne, %convert_element_type3A_245, %cond3A_246 : i32
    scf.if %cond3A_247 {
      %dma_start3A = arith.constant 176 : i32
      %dma_start3A_386 = tpu.memref_slice %arg6[%dma_start3A] : memref<256xi32, #tpu.memory_space<vmem>> -> memref<16xi32, #tpu.memory_space<vmem>>
      %dma_start3A_387 = arith.constant 0 : i32
      %dma_start3A_388 = arith.constant 0 : i32
      %dma_start3A_389 = tpu.memref_slice %arg2[%dma_start3A_387, %dma_start3A_388] : memref<2048x2048xf32, #tpu.memory_space<hbm>> -> memref<2048x2048xf32, #tpu.memory_space<hbm>>
      tpu.enqueue_indirect_dma source(%dma_start3A_389 : memref<2048x2048xf32, #tpu.memory_space<hbm>>) target(%arg10 : memref<16x2048xf32, #tpu.memory_space<vmem>>) offsets(%dma_start3A_386 : memref<16xi32, #tpu.memory_space<vmem>>) semaphore(%arg13 : memref<!tpu.dma_semaphore, #tpu.memory_space<semaphore_mem>>)
    } else {
    }
    %add3A_248 = arith.constant 160 : i32
    %add3A_249 = arith.addi %mul3A_2, %add3A_248 : i32
    %lt3A_250 = arith.cmpi slt, %add3A_249, %squeeze3A : i32
    %convert_element_type3A_251 = arith.extui %lt3A_250 : i1 to i32
    %cond3A_252 = arith.constant 0 : i32
    %cond3A_253 = arith.cmpi ne, %convert_element_type3A_251, %cond3A_252 : i32
    scf.if %cond3A_253 {
      %dma_wait3A = arith.constant 160 : i32
      %dma_wait3A_386 = tpu.memref_slice %arg6[%dma_wait3A] : memref<256xi32, #tpu.memory_space<vmem>> -> memref<16xi32, #tpu.memory_space<vmem>>
      %dma_wait3A_387 = arith.constant 0 : i32
      %dma_wait3A_388 = arith.constant 0 : i32
      %dma_wait3A_389 = tpu.memref_slice %arg2[%dma_wait3A_387, %dma_wait3A_388] : memref<2048x2048xf32, #tpu.memory_space<hbm>> -> memref<2048x2048xf32, #tpu.memory_space<hbm>>
      tpu.wait_indirect_dma semaphore(%arg12 : memref<!tpu.dma_semaphore, #tpu.memory_space<semaphore_mem>>) src(%dma_wait3A_389 : memref<2048x2048xf32, #tpu.memory_space<hbm>>) dst(%arg9 : memref<16x2048xf32, #tpu.memory_space<vmem>>)
    } else {
    }
    %add3A_254 = arith.constant 160 : i32
    %add3A_255 = arith.addi %mul3A_2, %add3A_254 : i32
    %lt3A_256 = arith.cmpi slt, %add3A_255, %squeeze3A : i32
    %convert_element_type3A_257 = arith.extui %lt3A_256 : i1 to i32
    %cond3A_258 = arith.constant 0 : i32
    %cond3A_259 = arith.cmpi ne, %convert_element_type3A_257, %cond3A_258 : i32
    scf.if %cond3A_259 {
      %add3A_386 = arith.constant 160 : i32
      %add3A_387 = arith.addi %mul3A_2, %add3A_386 : i32
      %dma_start3A = arith.constant 0 : i32
      %dma_start3A_388 = tpu.memref_slice %arg5[%add3A_387, %dma_start3A] : memref<8192x2048xf32, #tpu.memory_space<hbm>> -> memref<16x2048xf32, #tpu.memory_space<hbm>>
      %dma_start3A_389 = arith.constant 0 : i32
      %dma_start3A_390 = tpu.memref_slice %arg5[%add3A_387, %dma_start3A_389] : memref<8192x2048xf32, #tpu.memory_space<hbm>> -> memref<16x2048xf32, #tpu.memory_space<hbm>>
      tpu.enqueue_dma source(%arg9 : memref<16x2048xf32, #tpu.memory_space<vmem>>) target(%dma_start3A_390 : memref<16x2048xf32, #tpu.memory_space<hbm>>) target_semaphore(%arg15 : memref<!tpu.dma_semaphore, #tpu.memory_space<semaphore_mem>>)
    } else {
    }
    %add3A_260 = arith.constant 144 : i32
    %add3A_261 = arith.addi %mul3A_2, %add3A_260 : i32
    %lt3A_262 = arith.cmpi slt, %add3A_261, %squeeze3A : i32
    %convert_element_type3A_263 = arith.extui %lt3A_262 : i1 to i32
    %cond3A_264 = arith.constant 0 : i32
    %cond3A_265 = arith.cmpi ne, %convert_element_type3A_263, %cond3A_264 : i32
    scf.if %cond3A_265 {
      %add3A_386 = arith.constant 144 : i32
      %add3A_387 = arith.addi %mul3A_2, %add3A_386 : i32
      %dma_wait3A = arith.constant 0 : i32
      %dma_wait3A_388 = tpu.memref_slice %arg5[%add3A_387, %dma_wait3A] : memref<8192x2048xf32, #tpu.memory_space<hbm>> -> memref<16x2048xf32, #tpu.memory_space<hbm>>
      %dma_wait3A_389 = arith.constant 0 : i32
      %dma_wait3A_390 = tpu.memref_slice %arg5[%add3A_387, %dma_wait3A_389] : memref<8192x2048xf32, #tpu.memory_space<hbm>> -> memref<16x2048xf32, #tpu.memory_space<hbm>>
      tpu.wait_dma2 semaphore(%arg14 : memref<!tpu.dma_semaphore, #tpu.memory_space<semaphore_mem>>) src(%arg8 : memref<16x2048xf32, #tpu.memory_space<vmem>>) dst(%dma_wait3A_390 : memref<16x2048xf32, #tpu.memory_space<hbm>>)
    } else {
    }
    %add3A_266 = arith.constant 192 : i32
    %add3A_267 = arith.addi %mul3A_2, %add3A_266 : i32
    %lt3A_268 = arith.cmpi slt, %add3A_267, %squeeze3A : i32
    %convert_element_type3A_269 = arith.extui %lt3A_268 : i1 to i32
    %cond3A_270 = arith.constant 0 : i32
    %cond3A_271 = arith.cmpi ne, %convert_element_type3A_269, %cond3A_270 : i32
    scf.if %cond3A_271 {
      %dma_start3A = arith.constant 192 : i32
      %dma_start3A_386 = tpu.memref_slice %arg6[%dma_start3A] : memref<256xi32, #tpu.memory_space<vmem>> -> memref<16xi32, #tpu.memory_space<vmem>>
      %dma_start3A_387 = arith.constant 0 : i32
      %dma_start3A_388 = arith.constant 0 : i32
      %dma_start3A_389 = tpu.memref_slice %arg2[%dma_start3A_387, %dma_start3A_388] : memref<2048x2048xf32, #tpu.memory_space<hbm>> -> memref<2048x2048xf32, #tpu.memory_space<hbm>>
      tpu.enqueue_indirect_dma source(%dma_start3A_389 : memref<2048x2048xf32, #tpu.memory_space<hbm>>) target(%arg8 : memref<16x2048xf32, #tpu.memory_space<vmem>>) offsets(%dma_start3A_386 : memref<16xi32, #tpu.memory_space<vmem>>) semaphore(%arg11 : memref<!tpu.dma_semaphore, #tpu.memory_space<semaphore_mem>>)
    } else {
    }
    %add3A_272 = arith.constant 176 : i32
    %add3A_273 = arith.addi %mul3A_2, %add3A_272 : i32
    %lt3A_274 = arith.cmpi slt, %add3A_273, %squeeze3A : i32
    %convert_element_type3A_275 = arith.extui %lt3A_274 : i1 to i32
    %cond3A_276 = arith.constant 0 : i32
    %cond3A_277 = arith.cmpi ne, %convert_element_type3A_275, %cond3A_276 : i32
    scf.if %cond3A_277 {
      %dma_wait3A = arith.constant 176 : i32
      %dma_wait3A_386 = tpu.memref_slice %arg6[%dma_wait3A] : memref<256xi32, #tpu.memory_space<vmem>> -> memref<16xi32, #tpu.memory_space<vmem>>
      %dma_wait3A_387 = arith.constant 0 : i32
      %dma_wait3A_388 = arith.constant 0 : i32
      %dma_wait3A_389 = tpu.memref_slice %arg2[%dma_wait3A_387, %dma_wait3A_388] : memref<2048x2048xf32, #tpu.memory_space<hbm>> -> memref<2048x2048xf32, #tpu.memory_space<hbm>>
      tpu.wait_indirect_dma semaphore(%arg13 : memref<!tpu.dma_semaphore, #tpu.memory_space<semaphore_mem>>) src(%dma_wait3A_389 : memref<2048x2048xf32, #tpu.memory_space<hbm>>) dst(%arg10 : memref<16x2048xf32, #tpu.memory_space<vmem>>)
    } else {
    }
    %add3A_278 = arith.constant 176 : i32
    %add3A_279 = arith.addi %mul3A_2, %add3A_278 : i32
    %lt3A_280 = arith.cmpi slt, %add3A_279, %squeeze3A : i32
    %convert_element_type3A_281 = arith.extui %lt3A_280 : i1 to i32
    %cond3A_282 = arith.constant 0 : i32
    %cond3A_283 = arith.cmpi ne, %convert_element_type3A_281, %cond3A_282 : i32
    scf.if %cond3A_283 {
      %add3A_386 = arith.constant 176 : i32
      %add3A_387 = arith.addi %mul3A_2, %add3A_386 : i32
      %dma_start3A = arith.constant 0 : i32
      %dma_start3A_388 = tpu.memref_slice %arg5[%add3A_387, %dma_start3A] : memref<8192x2048xf32, #tpu.memory_space<hbm>> -> memref<16x2048xf32, #tpu.memory_space<hbm>>
      %dma_start3A_389 = arith.constant 0 : i32
      %dma_start3A_390 = tpu.memref_slice %arg5[%add3A_387, %dma_start3A_389] : memref<8192x2048xf32, #tpu.memory_space<hbm>> -> memref<16x2048xf32, #tpu.memory_space<hbm>>
      tpu.enqueue_dma source(%arg10 : memref<16x2048xf32, #tpu.memory_space<vmem>>) target(%dma_start3A_390 : memref<16x2048xf32, #tpu.memory_space<hbm>>) target_semaphore(%arg16 : memref<!tpu.dma_semaphore, #tpu.memory_space<semaphore_mem>>)
    } else {
    }
    %add3A_284 = arith.constant 160 : i32
    %add3A_285 = arith.addi %mul3A_2, %add3A_284 : i32
    %lt3A_286 = arith.cmpi slt, %add3A_285, %squeeze3A : i32
    %convert_element_type3A_287 = arith.extui %lt3A_286 : i1 to i32
    %cond3A_288 = arith.constant 0 : i32
    %cond3A_289 = arith.cmpi ne, %convert_element_type3A_287, %cond3A_288 : i32
    scf.if %cond3A_289 {
      %add3A_386 = arith.constant 160 : i32
      %add3A_387 = arith.addi %mul3A_2, %add3A_386 : i32
      %dma_wait3A = arith.constant 0 : i32
      %dma_wait3A_388 = tpu.memref_slice %arg5[%add3A_387, %dma_wait3A] : memref<8192x2048xf32, #tpu.memory_space<hbm>> -> memref<16x2048xf32, #tpu.memory_space<hbm>>
      %dma_wait3A_389 = arith.constant 0 : i32
      %dma_wait3A_390 = tpu.memref_slice %arg5[%add3A_387, %dma_wait3A_389] : memref<8192x2048xf32, #tpu.memory_space<hbm>> -> memref<16x2048xf32, #tpu.memory_space<hbm>>
      tpu.wait_dma2 semaphore(%arg15 : memref<!tpu.dma_semaphore, #tpu.memory_space<semaphore_mem>>) src(%arg9 : memref<16x2048xf32, #tpu.memory_space<vmem>>) dst(%dma_wait3A_390 : memref<16x2048xf32, #tpu.memory_space<hbm>>)
    } else {
    }
    %add3A_290 = arith.constant 208 : i32
    %add3A_291 = arith.addi %mul3A_2, %add3A_290 : i32
    %lt3A_292 = arith.cmpi slt, %add3A_291, %squeeze3A : i32
    %convert_element_type3A_293 = arith.extui %lt3A_292 : i1 to i32
    %cond3A_294 = arith.constant 0 : i32
    %cond3A_295 = arith.cmpi ne, %convert_element_type3A_293, %cond3A_294 : i32
    scf.if %cond3A_295 {
      %dma_start3A = arith.constant 208 : i32
      %dma_start3A_386 = tpu.memref_slice %arg6[%dma_start3A] : memref<256xi32, #tpu.memory_space<vmem>> -> memref<16xi32, #tpu.memory_space<vmem>>
      %dma_start3A_387 = arith.constant 0 : i32
      %dma_start3A_388 = arith.constant 0 : i32
      %dma_start3A_389 = tpu.memref_slice %arg2[%dma_start3A_387, %dma_start3A_388] : memref<2048x2048xf32, #tpu.memory_space<hbm>> -> memref<2048x2048xf32, #tpu.memory_space<hbm>>
      tpu.enqueue_indirect_dma source(%dma_start3A_389 : memref<2048x2048xf32, #tpu.memory_space<hbm>>) target(%arg9 : memref<16x2048xf32, #tpu.memory_space<vmem>>) offsets(%dma_start3A_386 : memref<16xi32, #tpu.memory_space<vmem>>) semaphore(%arg12 : memref<!tpu.dma_semaphore, #tpu.memory_space<semaphore_mem>>)
    } else {
    }
    %add3A_296 = arith.constant 192 : i32
    %add3A_297 = arith.addi %mul3A_2, %add3A_296 : i32
    %lt3A_298 = arith.cmpi slt, %add3A_297, %squeeze3A : i32
    %convert_element_type3A_299 = arith.extui %lt3A_298 : i1 to i32
    %cond3A_300 = arith.constant 0 : i32
    %cond3A_301 = arith.cmpi ne, %convert_element_type3A_299, %cond3A_300 : i32
    scf.if %cond3A_301 {
      %dma_wait3A = arith.constant 192 : i32
      %dma_wait3A_386 = tpu.memref_slice %arg6[%dma_wait3A] : memref<256xi32, #tpu.memory_space<vmem>> -> memref<16xi32, #tpu.memory_space<vmem>>
      %dma_wait3A_387 = arith.constant 0 : i32
      %dma_wait3A_388 = arith.constant 0 : i32
      %dma_wait3A_389 = tpu.memref_slice %arg2[%dma_wait3A_387, %dma_wait3A_388] : memref<2048x2048xf32, #tpu.memory_space<hbm>> -> memref<2048x2048xf32, #tpu.memory_space<hbm>>
      tpu.wait_indirect_dma semaphore(%arg11 : memref<!tpu.dma_semaphore, #tpu.memory_space<semaphore_mem>>) src(%dma_wait3A_389 : memref<2048x2048xf32, #tpu.memory_space<hbm>>) dst(%arg8 : memref<16x2048xf32, #tpu.memory_space<vmem>>)
    } else {
    }
    %add3A_302 = arith.constant 192 : i32
    %add3A_303 = arith.addi %mul3A_2, %add3A_302 : i32
    %lt3A_304 = arith.cmpi slt, %add3A_303, %squeeze3A : i32
    %convert_element_type3A_305 = arith.extui %lt3A_304 : i1 to i32
    %cond3A_306 = arith.constant 0 : i32
    %cond3A_307 = arith.cmpi ne, %convert_element_type3A_305, %cond3A_306 : i32
    scf.if %cond3A_307 {
      %add3A_386 = arith.constant 192 : i32
      %add3A_387 = arith.addi %mul3A_2, %add3A_386 : i32
      %dma_start3A = arith.constant 0 : i32
      %dma_start3A_388 = tpu.memref_slice %arg5[%add3A_387, %dma_start3A] : memref<8192x2048xf32, #tpu.memory_space<hbm>> -> memref<16x2048xf32, #tpu.memory_space<hbm>>
      %dma_start3A_389 = arith.constant 0 : i32
      %dma_start3A_390 = tpu.memref_slice %arg5[%add3A_387, %dma_start3A_389] : memref<8192x2048xf32, #tpu.memory_space<hbm>> -> memref<16x2048xf32, #tpu.memory_space<hbm>>
      tpu.enqueue_dma source(%arg8 : memref<16x2048xf32, #tpu.memory_space<vmem>>) target(%dma_start3A_390 : memref<16x2048xf32, #tpu.memory_space<hbm>>) target_semaphore(%arg14 : memref<!tpu.dma_semaphore, #tpu.memory_space<semaphore_mem>>)
    } else {
    }
    %add3A_308 = arith.constant 176 : i32
    %add3A_309 = arith.addi %mul3A_2, %add3A_308 : i32
    %lt3A_310 = arith.cmpi slt, %add3A_309, %squeeze3A : i32
    %convert_element_type3A_311 = arith.extui %lt3A_310 : i1 to i32
    %cond3A_312 = arith.constant 0 : i32
    %cond3A_313 = arith.cmpi ne, %convert_element_type3A_311, %cond3A_312 : i32
    scf.if %cond3A_313 {
      %add3A_386 = arith.constant 176 : i32
      %add3A_387 = arith.addi %mul3A_2, %add3A_386 : i32
      %dma_wait3A = arith.constant 0 : i32
      %dma_wait3A_388 = tpu.memref_slice %arg5[%add3A_387, %dma_wait3A] : memref<8192x2048xf32, #tpu.memory_space<hbm>> -> memref<16x2048xf32, #tpu.memory_space<hbm>>
      %dma_wait3A_389 = arith.constant 0 : i32
      %dma_wait3A_390 = tpu.memref_slice %arg5[%add3A_387, %dma_wait3A_389] : memref<8192x2048xf32, #tpu.memory_space<hbm>> -> memref<16x2048xf32, #tpu.memory_space<hbm>>
      tpu.wait_dma2 semaphore(%arg16 : memref<!tpu.dma_semaphore, #tpu.memory_space<semaphore_mem>>) src(%arg10 : memref<16x2048xf32, #tpu.memory_space<vmem>>) dst(%dma_wait3A_390 : memref<16x2048xf32, #tpu.memory_space<hbm>>)
    } else {
    }
    %add3A_314 = arith.constant 224 : i32
    %add3A_315 = arith.addi %mul3A_2, %add3A_314 : i32
    %lt3A_316 = arith.cmpi slt, %add3A_315, %squeeze3A : i32
    %convert_element_type3A_317 = arith.extui %lt3A_316 : i1 to i32
    %cond3A_318 = arith.constant 0 : i32
    %cond3A_319 = arith.cmpi ne, %convert_element_type3A_317, %cond3A_318 : i32
    scf.if %cond3A_319 {
      %dma_start3A = arith.constant 224 : i32
      %dma_start3A_386 = tpu.memref_slice %arg6[%dma_start3A] : memref<256xi32, #tpu.memory_space<vmem>> -> memref<16xi32, #tpu.memory_space<vmem>>
      %dma_start3A_387 = arith.constant 0 : i32
      %dma_start3A_388 = arith.constant 0 : i32
      %dma_start3A_389 = tpu.memref_slice %arg2[%dma_start3A_387, %dma_start3A_388] : memref<2048x2048xf32, #tpu.memory_space<hbm>> -> memref<2048x2048xf32, #tpu.memory_space<hbm>>
      tpu.enqueue_indirect_dma source(%dma_start3A_389 : memref<2048x2048xf32, #tpu.memory_space<hbm>>) target(%arg10 : memref<16x2048xf32, #tpu.memory_space<vmem>>) offsets(%dma_start3A_386 : memref<16xi32, #tpu.memory_space<vmem>>) semaphore(%arg13 : memref<!tpu.dma_semaphore, #tpu.memory_space<semaphore_mem>>)
    } else {
    }
    %add3A_320 = arith.constant 208 : i32
    %add3A_321 = arith.addi %mul3A_2, %add3A_320 : i32
    %lt3A_322 = arith.cmpi slt, %add3A_321, %squeeze3A : i32
    %convert_element_type3A_323 = arith.extui %lt3A_322 : i1 to i32
    %cond3A_324 = arith.constant 0 : i32
    %cond3A_325 = arith.cmpi ne, %convert_element_type3A_323, %cond3A_324 : i32
    scf.if %cond3A_325 {
      %dma_wait3A = arith.constant 208 : i32
      %dma_wait3A_386 = tpu.memref_slice %arg6[%dma_wait3A] : memref<256xi32, #tpu.memory_space<vmem>> -> memref<16xi32, #tpu.memory_space<vmem>>
      %dma_wait3A_387 = arith.constant 0 : i32
      %dma_wait3A_388 = arith.constant 0 : i32
      %dma_wait3A_389 = tpu.memref_slice %arg2[%dma_wait3A_387, %dma_wait3A_388] : memref<2048x2048xf32, #tpu.memory_space<hbm>> -> memref<2048x2048xf32, #tpu.memory_space<hbm>>
      tpu.wait_indirect_dma semaphore(%arg12 : memref<!tpu.dma_semaphore, #tpu.memory_space<semaphore_mem>>) src(%dma_wait3A_389 : memref<2048x2048xf32, #tpu.memory_space<hbm>>) dst(%arg9 : memref<16x2048xf32, #tpu.memory_space<vmem>>)
    } else {
    }
    %add3A_326 = arith.constant 208 : i32
    %add3A_327 = arith.addi %mul3A_2, %add3A_326 : i32
    %lt3A_328 = arith.cmpi slt, %add3A_327, %squeeze3A : i32
    %convert_element_type3A_329 = arith.extui %lt3A_328 : i1 to i32
    %cond3A_330 = arith.constant 0 : i32
    %cond3A_331 = arith.cmpi ne, %convert_element_type3A_329, %cond3A_330 : i32
    scf.if %cond3A_331 {
      %add3A_386 = arith.constant 208 : i32
      %add3A_387 = arith.addi %mul3A_2, %add3A_386 : i32
      %dma_start3A = arith.constant 0 : i32
      %dma_start3A_388 = tpu.memref_slice %arg5[%add3A_387, %dma_start3A] : memref<8192x2048xf32, #tpu.memory_space<hbm>> -> memref<16x2048xf32, #tpu.memory_space<hbm>>
      %dma_start3A_389 = arith.constant 0 : i32
      %dma_start3A_390 = tpu.memref_slice %arg5[%add3A_387, %dma_start3A_389] : memref<8192x2048xf32, #tpu.memory_space<hbm>> -> memref<16x2048xf32, #tpu.memory_space<hbm>>
      tpu.enqueue_dma source(%arg9 : memref<16x2048xf32, #tpu.memory_space<vmem>>) target(%dma_start3A_390 : memref<16x2048xf32, #tpu.memory_space<hbm>>) target_semaphore(%arg15 : memref<!tpu.dma_semaphore, #tpu.memory_space<semaphore_mem>>)
    } else {
    }
    %add3A_332 = arith.constant 192 : i32
    %add3A_333 = arith.addi %mul3A_2, %add3A_332 : i32
    %lt3A_334 = arith.cmpi slt, %add3A_333, %squeeze3A : i32
    %convert_element_type3A_335 = arith.extui %lt3A_334 : i1 to i32
    %cond3A_336 = arith.constant 0 : i32
    %cond3A_337 = arith.cmpi ne, %convert_element_type3A_335, %cond3A_336 : i32
    scf.if %cond3A_337 {
      %add3A_386 = arith.constant 192 : i32
      %add3A_387 = arith.addi %mul3A_2, %add3A_386 : i32
      %dma_wait3A = arith.constant 0 : i32
      %dma_wait3A_388 = tpu.memref_slice %arg5[%add3A_387, %dma_wait3A] : memref<8192x2048xf32, #tpu.memory_space<hbm>> -> memref<16x2048xf32, #tpu.memory_space<hbm>>
      %dma_wait3A_389 = arith.constant 0 : i32
      %dma_wait3A_390 = tpu.memref_slice %arg5[%add3A_387, %dma_wait3A_389] : memref<8192x2048xf32, #tpu.memory_space<hbm>> -> memref<16x2048xf32, #tpu.memory_space<hbm>>
      tpu.wait_dma2 semaphore(%arg14 : memref<!tpu.dma_semaphore, #tpu.memory_space<semaphore_mem>>) src(%arg8 : memref<16x2048xf32, #tpu.memory_space<vmem>>) dst(%dma_wait3A_390 : memref<16x2048xf32, #tpu.memory_space<hbm>>)
    } else {
    }
    %add3A_338 = arith.constant 240 : i32
    %add3A_339 = arith.addi %mul3A_2, %add3A_338 : i32
    %lt3A_340 = arith.cmpi slt, %add3A_339, %squeeze3A : i32
    %convert_element_type3A_341 = arith.extui %lt3A_340 : i1 to i32
    %cond3A_342 = arith.constant 0 : i32
    %cond3A_343 = arith.cmpi ne, %convert_element_type3A_341, %cond3A_342 : i32
    scf.if %cond3A_343 {
      %dma_start3A = arith.constant 240 : i32
      %dma_start3A_386 = tpu.memref_slice %arg6[%dma_start3A] : memref<256xi32, #tpu.memory_space<vmem>> -> memref<16xi32, #tpu.memory_space<vmem>>
      %dma_start3A_387 = arith.constant 0 : i32
      %dma_start3A_388 = arith.constant 0 : i32
      %dma_start3A_389 = tpu.memref_slice %arg2[%dma_start3A_387, %dma_start3A_388] : memref<2048x2048xf32, #tpu.memory_space<hbm>> -> memref<2048x2048xf32, #tpu.memory_space<hbm>>
      tpu.enqueue_indirect_dma source(%dma_start3A_389 : memref<2048x2048xf32, #tpu.memory_space<hbm>>) target(%arg8 : memref<16x2048xf32, #tpu.memory_space<vmem>>) offsets(%dma_start3A_386 : memref<16xi32, #tpu.memory_space<vmem>>) semaphore(%arg11 : memref<!tpu.dma_semaphore, #tpu.memory_space<semaphore_mem>>)
    } else {
    }
    %add3A_344 = arith.constant 224 : i32
    %add3A_345 = arith.addi %mul3A_2, %add3A_344 : i32
    %lt3A_346 = arith.cmpi slt, %add3A_345, %squeeze3A : i32
    %convert_element_type3A_347 = arith.extui %lt3A_346 : i1 to i32
    %cond3A_348 = arith.constant 0 : i32
    %cond3A_349 = arith.cmpi ne, %convert_element_type3A_347, %cond3A_348 : i32
    scf.if %cond3A_349 {
      %dma_wait3A = arith.constant 224 : i32
      %dma_wait3A_386 = tpu.memref_slice %arg6[%dma_wait3A] : memref<256xi32, #tpu.memory_space<vmem>> -> memref<16xi32, #tpu.memory_space<vmem>>
      %dma_wait3A_387 = arith.constant 0 : i32
      %dma_wait3A_388 = arith.constant 0 : i32
      %dma_wait3A_389 = tpu.memref_slice %arg2[%dma_wait3A_387, %dma_wait3A_388] : memref<2048x2048xf32, #tpu.memory_space<hbm>> -> memref<2048x2048xf32, #tpu.memory_space<hbm>>
      tpu.wait_indirect_dma semaphore(%arg13 : memref<!tpu.dma_semaphore, #tpu.memory_space<semaphore_mem>>) src(%dma_wait3A_389 : memref<2048x2048xf32, #tpu.memory_space<hbm>>) dst(%arg10 : memref<16x2048xf32, #tpu.memory_space<vmem>>)
    } else {
    }
    %add3A_350 = arith.constant 224 : i32
    %add3A_351 = arith.addi %mul3A_2, %add3A_350 : i32
    %lt3A_352 = arith.cmpi slt, %add3A_351, %squeeze3A : i32
    %convert_element_type3A_353 = arith.extui %lt3A_352 : i1 to i32
    %cond3A_354 = arith.constant 0 : i32
    %cond3A_355 = arith.cmpi ne, %convert_element_type3A_353, %cond3A_354 : i32
    scf.if %cond3A_355 {
      %add3A_386 = arith.constant 224 : i32
      %add3A_387 = arith.addi %mul3A_2, %add3A_386 : i32
      %dma_start3A = arith.constant 0 : i32
      %dma_start3A_388 = tpu.memref_slice %arg5[%add3A_387, %dma_start3A] : memref<8192x2048xf32, #tpu.memory_space<hbm>> -> memref<16x2048xf32, #tpu.memory_space<hbm>>
      %dma_start3A_389 = arith.constant 0 : i32
      %dma_start3A_390 = tpu.memref_slice %arg5[%add3A_387, %dma_start3A_389] : memref<8192x2048xf32, #tpu.memory_space<hbm>> -> memref<16x2048xf32, #tpu.memory_space<hbm>>
      tpu.enqueue_dma source(%arg10 : memref<16x2048xf32, #tpu.memory_space<vmem>>) target(%dma_start3A_390 : memref<16x2048xf32, #tpu.memory_space<hbm>>) target_semaphore(%arg16 : memref<!tpu.dma_semaphore, #tpu.memory_space<semaphore_mem>>)
    } else {
    }
    %add3A_356 = arith.constant 240 : i32
    %add3A_357 = arith.addi %mul3A_2, %add3A_356 : i32
    %lt3A_358 = arith.cmpi slt, %add3A_357, %squeeze3A : i32
    %convert_element_type3A_359 = arith.extui %lt3A_358 : i1 to i32
    %cond3A_360 = arith.constant 0 : i32
    %cond3A_361 = arith.cmpi ne, %convert_element_type3A_359, %cond3A_360 : i32
    scf.if %cond3A_361 {
      %dma_wait3A = arith.constant 240 : i32
      %dma_wait3A_386 = tpu.memref_slice %arg6[%dma_wait3A] : memref<256xi32, #tpu.memory_space<vmem>> -> memref<16xi32, #tpu.memory_space<vmem>>
      %dma_wait3A_387 = arith.constant 0 : i32
      %dma_wait3A_388 = arith.constant 0 : i32
      %dma_wait3A_389 = tpu.memref_slice %arg2[%dma_wait3A_387, %dma_wait3A_388] : memref<2048x2048xf32, #tpu.memory_space<hbm>> -> memref<2048x2048xf32, #tpu.memory_space<hbm>>
      tpu.wait_indirect_dma semaphore(%arg11 : memref<!tpu.dma_semaphore, #tpu.memory_space<semaphore_mem>>) src(%dma_wait3A_389 : memref<2048x2048xf32, #tpu.memory_space<hbm>>) dst(%arg8 : memref<16x2048xf32, #tpu.memory_space<vmem>>)
    } else {
    }
    %add3A_362 = arith.constant 240 : i32
    %add3A_363 = arith.addi %mul3A_2, %add3A_362 : i32
    %lt3A_364 = arith.cmpi slt, %add3A_363, %squeeze3A : i32
    %convert_element_type3A_365 = arith.extui %lt3A_364 : i1 to i32
    %cond3A_366 = arith.constant 0 : i32
    %cond3A_367 = arith.cmpi ne, %convert_element_type3A_365, %cond3A_366 : i32
    scf.if %cond3A_367 {
      %add3A_386 = arith.constant 240 : i32
      %add3A_387 = arith.addi %mul3A_2, %add3A_386 : i32
      %dma_start3A = arith.constant 0 : i32
      %dma_start3A_388 = tpu.memref_slice %arg5[%add3A_387, %dma_start3A] : memref<8192x2048xf32, #tpu.memory_space<hbm>> -> memref<16x2048xf32, #tpu.memory_space<hbm>>
      %dma_start3A_389 = arith.constant 0 : i32
      %dma_start3A_390 = tpu.memref_slice %arg5[%add3A_387, %dma_start3A_389] : memref<8192x2048xf32, #tpu.memory_space<hbm>> -> memref<16x2048xf32, #tpu.memory_space<hbm>>
      tpu.enqueue_dma source(%arg8 : memref<16x2048xf32, #tpu.memory_space<vmem>>) target(%dma_start3A_390 : memref<16x2048xf32, #tpu.memory_space<hbm>>) target_semaphore(%arg14 : memref<!tpu.dma_semaphore, #tpu.memory_space<semaphore_mem>>)
    } else {
    }
    %add3A_368 = arith.constant 208 : i32
    %add3A_369 = arith.addi %mul3A_2, %add3A_368 : i32
    %lt3A_370 = arith.cmpi slt, %add3A_369, %squeeze3A : i32
    %convert_element_type3A_371 = arith.extui %lt3A_370 : i1 to i32
    %cond3A_372 = arith.constant 0 : i32
    %cond3A_373 = arith.cmpi ne, %convert_element_type3A_371, %cond3A_372 : i32
    scf.if %cond3A_373 {
      %add3A_386 = arith.constant 208 : i32
      %add3A_387 = arith.addi %mul3A_2, %add3A_386 : i32
      %dma_wait3A = arith.constant 0 : i32
      %dma_wait3A_388 = tpu.memref_slice %arg5[%add3A_387, %dma_wait3A] : memref<8192x2048xf32, #tpu.memory_space<hbm>> -> memref<16x2048xf32, #tpu.memory_space<hbm>>
      %dma_wait3A_389 = arith.constant 0 : i32
      %dma_wait3A_390 = tpu.memref_slice %arg5[%add3A_387, %dma_wait3A_389] : memref<8192x2048xf32, #tpu.memory_space<hbm>> -> memref<16x2048xf32, #tpu.memory_space<hbm>>
      tpu.wait_dma2 semaphore(%arg15 : memref<!tpu.dma_semaphore, #tpu.memory_space<semaphore_mem>>) src(%arg9 : memref<16x2048xf32, #tpu.memory_space<vmem>>) dst(%dma_wait3A_390 : memref<16x2048xf32, #tpu.memory_space<hbm>>)
    } else {
    }
    %add3A_374 = arith.constant 224 : i32
    %add3A_375 = arith.addi %mul3A_2, %add3A_374 : i32
    %lt3A_376 = arith.cmpi slt, %add3A_375, %squeeze3A : i32
    %convert_element_type3A_377 = arith.extui %lt3A_376 : i1 to i32
    %cond3A_378 = arith.constant 0 : i32
    %cond3A_379 = arith.cmpi ne, %convert_element_type3A_377, %cond3A_378 : i32
    scf.if %cond3A_379 {
      %add3A_386 = arith.constant 224 : i32
      %add3A_387 = arith.addi %mul3A_2, %add3A_386 : i32
      %dma_wait3A = arith.constant 0 : i32
      %dma_wait3A_388 = tpu.memref_slice %arg5[%add3A_387, %dma_wait3A] : memref<8192x2048xf32, #tpu.memory_space<hbm>> -> memref<16x2048xf32, #tpu.memory_space<hbm>>
      %dma_wait3A_389 = arith.constant 0 : i32
      %dma_wait3A_390 = tpu.memref_slice %arg5[%add3A_387, %dma_wait3A_389] : memref<8192x2048xf32, #tpu.memory_space<hbm>> -> memref<16x2048xf32, #tpu.memory_space<hbm>>
      tpu.wait_dma2 semaphore(%arg16 : memref<!tpu.dma_semaphore, #tpu.memory_space<semaphore_mem>>) src(%arg10 : memref<16x2048xf32, #tpu.memory_space<vmem>>) dst(%dma_wait3A_390 : memref<16x2048xf32, #tpu.memory_space<hbm>>)
    } else {
    }
    %add3A_380 = arith.constant 240 : i32
    %add3A_381 = arith.addi %mul3A_2, %add3A_380 : i32
    %lt3A_382 = arith.cmpi slt, %add3A_381, %squeeze3A : i32
    %convert_element_type3A_383 = arith.extui %lt3A_382 : i1 to i32
    %cond3A_384 = arith.constant 0 : i32
    %cond3A_385 = arith.cmpi ne, %convert_element_type3A_383, %cond3A_384 : i32
    scf.if %cond3A_385 {
      %add3A_386 = arith.constant 240 : i32
      %add3A_387 = arith.addi %mul3A_2, %add3A_386 : i32
      %dma_wait3A = arith.constant 0 : i32
      %dma_wait3A_388 = tpu.memref_slice %arg5[%add3A_387, %dma_wait3A] : memref<8192x2048xf32, #tpu.memory_space<hbm>> -> memref<16x2048xf32, #tpu.memory_space<hbm>>
      %dma_wait3A_389 = arith.constant 0 : i32
      %dma_wait3A_390 = tpu.memref_slice %arg5[%add3A_387, %dma_wait3A_389] : memref<8192x2048xf32, #tpu.memory_space<hbm>> -> memref<16x2048xf32, #tpu.memory_space<hbm>>
      tpu.wait_dma2 semaphore(%arg14 : memref<!tpu.dma_semaphore, #tpu.memory_space<semaphore_mem>>) src(%arg8 : memref<16x2048xf32, #tpu.memory_space<vmem>>) dst(%dma_wait3A_390 : memref<16x2048xf32, #tpu.memory_space<hbm>>)
    } else {
    }
    return
  }
}

#map = affine_map<(d0, d1) -> (0, 0)>
#map1 = affine_map<(d0, d1) -> (0)>
module attributes {stable_mosaic.version = 14 : i64} {
  func.func @body(%arg0: i32, %arg1: i32, %arg2: memref<8192x2048xf32, #tpu.memory_space<hbm>>, %arg3: memref<4096xi32, #tpu.memory_space<hbm>>, %arg4: memref<4096x2048xf32, #tpu.memory_space<hbm>>, %arg5: memref<128xi32, #tpu.memory_space<vmem>>, %arg6: memref<16x2048xf32, #tpu.memory_space<vmem>>, %arg7: memref<16x2048xf32, #tpu.memory_space<vmem>>, %arg8: memref<16x2048xf32, #tpu.memory_space<vmem>>, %arg9: memref<!tpu.dma_semaphore, #tpu.memory_space<semaphore_mem>>, %arg10: memref<!tpu.dma_semaphore, #tpu.memory_space<semaphore_mem>>, %arg11: memref<!tpu.dma_semaphore, #tpu.memory_space<semaphore_mem>>, %arg12: memref<!tpu.dma_semaphore, #tpu.memory_space<semaphore_mem>>, %arg13: memref<!tpu.dma_semaphore, #tpu.memory_space<semaphore_mem>>, %arg14: memref<!tpu.dma_semaphore, #tpu.memory_space<semaphore_mem>>) attributes {dimension_semantics = [#tpu.dimension_semantics<core_parallel>, #tpu.dimension_semantics<subcore_parallel>], iteration_bounds = array<i64: 2, 16>, scalar_prefetch = 0 : i64, scratch_operands = 10 : i64, tpu.core_type = #tpu.core_type<sc_vector_subcore>, window_params = [{transform_indices = #map}, {transform_indices = #map1}, {transform_indices = #map}]} {
    %mul3A = arith.constant 2 : i32
    %mul3A_0 = arith.muli %arg1, %mul3A : i32
    %add3A = arith.addi %mul3A_0, %arg0 : i32
    %mul3A_1 = arith.constant 128 : i32
    %mul3A_2 = arith.muli %add3A, %mul3A_1 : i32
    "tpu.region"() ({
      %run_scoped3A = tpu.sem_alloc : memref<!tpu.dma_semaphore, #tpu.memory_space<semaphore_mem>>
      %dma_start3A_177 = tpu.memref_slice %arg3[%mul3A_2] : memref<4096xi32, #tpu.memory_space<hbm>> -> memref<128xi32, #tpu.memory_space<hbm>>
      %dma_start3A_178 = tpu.memref_slice %arg3[%mul3A_2] : memref<4096xi32, #tpu.memory_space<hbm>> -> memref<128xi32, #tpu.memory_space<hbm>>
      tpu.enqueue_dma source(%dma_start3A_178 : memref<128xi32, #tpu.memory_space<hbm>>) target(%arg5 : memref<128xi32, #tpu.memory_space<vmem>>) target_semaphore(%run_scoped3A : memref<!tpu.dma_semaphore, #tpu.memory_space<semaphore_mem>>)
      %dma_wait3A_179 = tpu.memref_slice %arg3[%mul3A_2] : memref<4096xi32, #tpu.memory_space<hbm>> -> memref<128xi32, #tpu.memory_space<hbm>>
      %dma_wait3A_180 = tpu.memref_slice %arg3[%mul3A_2] : memref<4096xi32, #tpu.memory_space<hbm>> -> memref<128xi32, #tpu.memory_space<hbm>>
      tpu.wait_dma2 semaphore(%run_scoped3A : memref<!tpu.dma_semaphore, #tpu.memory_space<semaphore_mem>>) src(%dma_wait3A_180 : memref<128xi32, #tpu.memory_space<hbm>>) dst(%arg5 : memref<128xi32, #tpu.memory_space<vmem>>)
      tpu.yield
    }) : () -> ()
    %dma_start3A = arith.constant 0 : i32
    %dma_start3A_3 = tpu.memref_slice %arg5[%dma_start3A] : memref<128xi32, #tpu.memory_space<vmem>> -> memref<16xi32, #tpu.memory_space<vmem>>
    %dma_start3A_4 = arith.constant 0 : i32
    %dma_start3A_5 = arith.constant 0 : i32
    %dma_start3A_6 = tpu.memref_slice %arg2[%dma_start3A_4, %dma_start3A_5] : memref<8192x2048xf32, #tpu.memory_space<hbm>> -> memref<8192x2048xf32, #tpu.memory_space<hbm>>
    tpu.enqueue_indirect_dma source(%dma_start3A_6 : memref<8192x2048xf32, #tpu.memory_space<hbm>>) target(%arg6 : memref<16x2048xf32, #tpu.memory_space<vmem>>) offsets(%dma_start3A_3 : memref<16xi32, #tpu.memory_space<vmem>>) semaphore(%arg9 : memref<!tpu.dma_semaphore, #tpu.memory_space<semaphore_mem>>)
    %dma_start3A_7 = arith.constant 16 : i32
    %dma_start3A_8 = tpu.memref_slice %arg5[%dma_start3A_7] : memref<128xi32, #tpu.memory_space<vmem>> -> memref<16xi32, #tpu.memory_space<vmem>>
    %dma_start3A_9 = arith.constant 0 : i32
    %dma_start3A_10 = arith.constant 0 : i32
    %dma_start3A_11 = tpu.memref_slice %arg2[%dma_start3A_9, %dma_start3A_10] : memref<8192x2048xf32, #tpu.memory_space<hbm>> -> memref<8192x2048xf32, #tpu.memory_space<hbm>>
    tpu.enqueue_indirect_dma source(%dma_start3A_11 : memref<8192x2048xf32, #tpu.memory_space<hbm>>) target(%arg7 : memref<16x2048xf32, #tpu.memory_space<vmem>>) offsets(%dma_start3A_8 : memref<16xi32, #tpu.memory_space<vmem>>) semaphore(%arg10 : memref<!tpu.dma_semaphore, #tpu.memory_space<semaphore_mem>>)
    %dma_wait3A = arith.constant 0 : i32
    %dma_wait3A_12 = tpu.memref_slice %arg5[%dma_wait3A] : memref<128xi32, #tpu.memory_space<vmem>> -> memref<16xi32, #tpu.memory_space<vmem>>
    %dma_wait3A_13 = arith.constant 0 : i32
    %dma_wait3A_14 = arith.constant 0 : i32
    %dma_wait3A_15 = tpu.memref_slice %arg2[%dma_wait3A_13, %dma_wait3A_14] : memref<8192x2048xf32, #tpu.memory_space<hbm>> -> memref<8192x2048xf32, #tpu.memory_space<hbm>>
    tpu.wait_indirect_dma semaphore(%arg9 : memref<!tpu.dma_semaphore, #tpu.memory_space<semaphore_mem>>) src(%dma_wait3A_15 : memref<8192x2048xf32, #tpu.memory_space<hbm>>) dst(%arg6 : memref<16x2048xf32, #tpu.memory_space<vmem>>)
    %add3A_16 = arith.constant 0 : i32
    %add3A_17 = arith.addi %mul3A_2, %add3A_16 : i32
    %dma_start3A_18 = arith.constant 0 : i32
    %dma_start3A_19 = tpu.memref_slice %arg4[%add3A_17, %dma_start3A_18] : memref<4096x2048xf32, #tpu.memory_space<hbm>> -> memref<16x2048xf32, #tpu.memory_space<hbm>>
    %dma_start3A_20 = arith.constant 0 : i32
    %dma_start3A_21 = tpu.memref_slice %arg4[%add3A_17, %dma_start3A_20] : memref<4096x2048xf32, #tpu.memory_space<hbm>> -> memref<16x2048xf32, #tpu.memory_space<hbm>>
    tpu.enqueue_dma source(%arg6 : memref<16x2048xf32, #tpu.memory_space<vmem>>) target(%dma_start3A_21 : memref<16x2048xf32, #tpu.memory_space<hbm>>) target_semaphore(%arg12 : memref<!tpu.dma_semaphore, #tpu.memory_space<semaphore_mem>>)
    %dma_start3A_22 = arith.constant 32 : i32
    %dma_start3A_23 = tpu.memref_slice %arg5[%dma_start3A_22] : memref<128xi32, #tpu.memory_space<vmem>> -> memref<16xi32, #tpu.memory_space<vmem>>
    %dma_start3A_24 = arith.constant 0 : i32
    %dma_start3A_25 = arith.constant 0 : i32
    %dma_start3A_26 = tpu.memref_slice %arg2[%dma_start3A_24, %dma_start3A_25] : memref<8192x2048xf32, #tpu.memory_space<hbm>> -> memref<8192x2048xf32, #tpu.memory_space<hbm>>
    tpu.enqueue_indirect_dma source(%dma_start3A_26 : memref<8192x2048xf32, #tpu.memory_space<hbm>>) target(%arg8 : memref<16x2048xf32, #tpu.memory_space<vmem>>) offsets(%dma_start3A_23 : memref<16xi32, #tpu.memory_space<vmem>>) semaphore(%arg11 : memref<!tpu.dma_semaphore, #tpu.memory_space<semaphore_mem>>)
    %dma_wait3A_27 = arith.constant 16 : i32
    %dma_wait3A_28 = tpu.memref_slice %arg5[%dma_wait3A_27] : memref<128xi32, #tpu.memory_space<vmem>> -> memref<16xi32, #tpu.memory_space<vmem>>
    %dma_wait3A_29 = arith.constant 0 : i32
    %dma_wait3A_30 = arith.constant 0 : i32
    %dma_wait3A_31 = tpu.memref_slice %arg2[%dma_wait3A_29, %dma_wait3A_30] : memref<8192x2048xf32, #tpu.memory_space<hbm>> -> memref<8192x2048xf32, #tpu.memory_space<hbm>>
    tpu.wait_indirect_dma semaphore(%arg10 : memref<!tpu.dma_semaphore, #tpu.memory_space<semaphore_mem>>) src(%dma_wait3A_31 : memref<8192x2048xf32, #tpu.memory_space<hbm>>) dst(%arg7 : memref<16x2048xf32, #tpu.memory_space<vmem>>)
    %add3A_32 = arith.constant 16 : i32
    %add3A_33 = arith.addi %mul3A_2, %add3A_32 : i32
    %dma_start3A_34 = arith.constant 0 : i32
    %dma_start3A_35 = tpu.memref_slice %arg4[%add3A_33, %dma_start3A_34] : memref<4096x2048xf32, #tpu.memory_space<hbm>> -> memref<16x2048xf32, #tpu.memory_space<hbm>>
    %dma_start3A_36 = arith.constant 0 : i32
    %dma_start3A_37 = tpu.memref_slice %arg4[%add3A_33, %dma_start3A_36] : memref<4096x2048xf32, #tpu.memory_space<hbm>> -> memref<16x2048xf32, #tpu.memory_space<hbm>>
    tpu.enqueue_dma source(%arg7 : memref<16x2048xf32, #tpu.memory_space<vmem>>) target(%dma_start3A_37 : memref<16x2048xf32, #tpu.memory_space<hbm>>) target_semaphore(%arg13 : memref<!tpu.dma_semaphore, #tpu.memory_space<semaphore_mem>>)
    %add3A_38 = arith.constant 0 : i32
    %add3A_39 = arith.addi %mul3A_2, %add3A_38 : i32
    %dma_wait3A_40 = arith.constant 0 : i32
    %dma_wait3A_41 = tpu.memref_slice %arg4[%add3A_39, %dma_wait3A_40] : memref<4096x2048xf32, #tpu.memory_space<hbm>> -> memref<16x2048xf32, #tpu.memory_space<hbm>>
    %dma_wait3A_42 = arith.constant 0 : i32
    %dma_wait3A_43 = tpu.memref_slice %arg4[%add3A_39, %dma_wait3A_42] : memref<4096x2048xf32, #tpu.memory_space<hbm>> -> memref<16x2048xf32, #tpu.memory_space<hbm>>
    tpu.wait_dma2 semaphore(%arg12 : memref<!tpu.dma_semaphore, #tpu.memory_space<semaphore_mem>>) src(%arg6 : memref<16x2048xf32, #tpu.memory_space<vmem>>) dst(%dma_wait3A_43 : memref<16x2048xf32, #tpu.memory_space<hbm>>)
    %dma_start3A_44 = arith.constant 48 : i32
    %dma_start3A_45 = tpu.memref_slice %arg5[%dma_start3A_44] : memref<128xi32, #tpu.memory_space<vmem>> -> memref<16xi32, #tpu.memory_space<vmem>>
    %dma_start3A_46 = arith.constant 0 : i32
    %dma_start3A_47 = arith.constant 0 : i32
    %dma_start3A_48 = tpu.memref_slice %arg2[%dma_start3A_46, %dma_start3A_47] : memref<8192x2048xf32, #tpu.memory_space<hbm>> -> memref<8192x2048xf32, #tpu.memory_space<hbm>>
    tpu.enqueue_indirect_dma source(%dma_start3A_48 : memref<8192x2048xf32, #tpu.memory_space<hbm>>) target(%arg6 : memref<16x2048xf32, #tpu.memory_space<vmem>>) offsets(%dma_start3A_45 : memref<16xi32, #tpu.memory_space<vmem>>) semaphore(%arg9 : memref<!tpu.dma_semaphore, #tpu.memory_space<semaphore_mem>>)
    %dma_wait3A_49 = arith.constant 32 : i32
    %dma_wait3A_50 = tpu.memref_slice %arg5[%dma_wait3A_49] : memref<128xi32, #tpu.memory_space<vmem>> -> memref<16xi32, #tpu.memory_space<vmem>>
    %dma_wait3A_51 = arith.constant 0 : i32
    %dma_wait3A_52 = arith.constant 0 : i32
    %dma_wait3A_53 = tpu.memref_slice %arg2[%dma_wait3A_51, %dma_wait3A_52] : memref<8192x2048xf32, #tpu.memory_space<hbm>> -> memref<8192x2048xf32, #tpu.memory_space<hbm>>
    tpu.wait_indirect_dma semaphore(%arg11 : memref<!tpu.dma_semaphore, #tpu.memory_space<semaphore_mem>>) src(%dma_wait3A_53 : memref<8192x2048xf32, #tpu.memory_space<hbm>>) dst(%arg8 : memref<16x2048xf32, #tpu.memory_space<vmem>>)
    %add3A_54 = arith.constant 32 : i32
    %add3A_55 = arith.addi %mul3A_2, %add3A_54 : i32
    %dma_start3A_56 = arith.constant 0 : i32
    %dma_start3A_57 = tpu.memref_slice %arg4[%add3A_55, %dma_start3A_56] : memref<4096x2048xf32, #tpu.memory_space<hbm>> -> memref<16x2048xf32, #tpu.memory_space<hbm>>
    %dma_start3A_58 = arith.constant 0 : i32
    %dma_start3A_59 = tpu.memref_slice %arg4[%add3A_55, %dma_start3A_58] : memref<4096x2048xf32, #tpu.memory_space<hbm>> -> memref<16x2048xf32, #tpu.memory_space<hbm>>
    tpu.enqueue_dma source(%arg8 : memref<16x2048xf32, #tpu.memory_space<vmem>>) target(%dma_start3A_59 : memref<16x2048xf32, #tpu.memory_space<hbm>>) target_semaphore(%arg14 : memref<!tpu.dma_semaphore, #tpu.memory_space<semaphore_mem>>)
    %add3A_60 = arith.constant 16 : i32
    %add3A_61 = arith.addi %mul3A_2, %add3A_60 : i32
    %dma_wait3A_62 = arith.constant 0 : i32
    %dma_wait3A_63 = tpu.memref_slice %arg4[%add3A_61, %dma_wait3A_62] : memref<4096x2048xf32, #tpu.memory_space<hbm>> -> memref<16x2048xf32, #tpu.memory_space<hbm>>
    %dma_wait3A_64 = arith.constant 0 : i32
    %dma_wait3A_65 = tpu.memref_slice %arg4[%add3A_61, %dma_wait3A_64] : memref<4096x2048xf32, #tpu.memory_space<hbm>> -> memref<16x2048xf32, #tpu.memory_space<hbm>>
    tpu.wait_dma2 semaphore(%arg13 : memref<!tpu.dma_semaphore, #tpu.memory_space<semaphore_mem>>) src(%arg7 : memref<16x2048xf32, #tpu.memory_space<vmem>>) dst(%dma_wait3A_65 : memref<16x2048xf32, #tpu.memory_space<hbm>>)
    %dma_start3A_66 = arith.constant 64 : i32
    %dma_start3A_67 = tpu.memref_slice %arg5[%dma_start3A_66] : memref<128xi32, #tpu.memory_space<vmem>> -> memref<16xi32, #tpu.memory_space<vmem>>
    %dma_start3A_68 = arith.constant 0 : i32
    %dma_start3A_69 = arith.constant 0 : i32
    %dma_start3A_70 = tpu.memref_slice %arg2[%dma_start3A_68, %dma_start3A_69] : memref<8192x2048xf32, #tpu.memory_space<hbm>> -> memref<8192x2048xf32, #tpu.memory_space<hbm>>
    tpu.enqueue_indirect_dma source(%dma_start3A_70 : memref<8192x2048xf32, #tpu.memory_space<hbm>>) target(%arg7 : memref<16x2048xf32, #tpu.memory_space<vmem>>) offsets(%dma_start3A_67 : memref<16xi32, #tpu.memory_space<vmem>>) semaphore(%arg10 : memref<!tpu.dma_semaphore, #tpu.memory_space<semaphore_mem>>)
    %dma_wait3A_71 = arith.constant 48 : i32
    %dma_wait3A_72 = tpu.memref_slice %arg5[%dma_wait3A_71] : memref<128xi32, #tpu.memory_space<vmem>> -> memref<16xi32, #tpu.memory_space<vmem>>
    %dma_wait3A_73 = arith.constant 0 : i32
    %dma_wait3A_74 = arith.constant 0 : i32
    %dma_wait3A_75 = tpu.memref_slice %arg2[%dma_wait3A_73, %dma_wait3A_74] : memref<8192x2048xf32, #tpu.memory_space<hbm>> -> memref<8192x2048xf32, #tpu.memory_space<hbm>>
    tpu.wait_indirect_dma semaphore(%arg9 : memref<!tpu.dma_semaphore, #tpu.memory_space<semaphore_mem>>) src(%dma_wait3A_75 : memref<8192x2048xf32, #tpu.memory_space<hbm>>) dst(%arg6 : memref<16x2048xf32, #tpu.memory_space<vmem>>)
    %add3A_76 = arith.constant 48 : i32
    %add3A_77 = arith.addi %mul3A_2, %add3A_76 : i32
    %dma_start3A_78 = arith.constant 0 : i32
    %dma_start3A_79 = tpu.memref_slice %arg4[%add3A_77, %dma_start3A_78] : memref<4096x2048xf32, #tpu.memory_space<hbm>> -> memref<16x2048xf32, #tpu.memory_space<hbm>>
    %dma_start3A_80 = arith.constant 0 : i32
    %dma_start3A_81 = tpu.memref_slice %arg4[%add3A_77, %dma_start3A_80] : memref<4096x2048xf32, #tpu.memory_space<hbm>> -> memref<16x2048xf32, #tpu.memory_space<hbm>>
    tpu.enqueue_dma source(%arg6 : memref<16x2048xf32, #tpu.memory_space<vmem>>) target(%dma_start3A_81 : memref<16x2048xf32, #tpu.memory_space<hbm>>) target_semaphore(%arg12 : memref<!tpu.dma_semaphore, #tpu.memory_space<semaphore_mem>>)
    %add3A_82 = arith.constant 32 : i32
    %add3A_83 = arith.addi %mul3A_2, %add3A_82 : i32
    %dma_wait3A_84 = arith.constant 0 : i32
    %dma_wait3A_85 = tpu.memref_slice %arg4[%add3A_83, %dma_wait3A_84] : memref<4096x2048xf32, #tpu.memory_space<hbm>> -> memref<16x2048xf32, #tpu.memory_space<hbm>>
    %dma_wait3A_86 = arith.constant 0 : i32
    %dma_wait3A_87 = tpu.memref_slice %arg4[%add3A_83, %dma_wait3A_86] : memref<4096x2048xf32, #tpu.memory_space<hbm>> -> memref<16x2048xf32, #tpu.memory_space<hbm>>
    tpu.wait_dma2 semaphore(%arg14 : memref<!tpu.dma_semaphore, #tpu.memory_space<semaphore_mem>>) src(%arg8 : memref<16x2048xf32, #tpu.memory_space<vmem>>) dst(%dma_wait3A_87 : memref<16x2048xf32, #tpu.memory_space<hbm>>)
    %dma_start3A_88 = arith.constant 80 : i32
    %dma_start3A_89 = tpu.memref_slice %arg5[%dma_start3A_88] : memref<128xi32, #tpu.memory_space<vmem>> -> memref<16xi32, #tpu.memory_space<vmem>>
    %dma_start3A_90 = arith.constant 0 : i32
    %dma_start3A_91 = arith.constant 0 : i32
    %dma_start3A_92 = tpu.memref_slice %arg2[%dma_start3A_90, %dma_start3A_91] : memref<8192x2048xf32, #tpu.memory_space<hbm>> -> memref<8192x2048xf32, #tpu.memory_space<hbm>>
    tpu.enqueue_indirect_dma source(%dma_start3A_92 : memref<8192x2048xf32, #tpu.memory_space<hbm>>) target(%arg8 : memref<16x2048xf32, #tpu.memory_space<vmem>>) offsets(%dma_start3A_89 : memref<16xi32, #tpu.memory_space<vmem>>) semaphore(%arg11 : memref<!tpu.dma_semaphore, #tpu.memory_space<semaphore_mem>>)
    %dma_wait3A_93 = arith.constant 64 : i32
    %dma_wait3A_94 = tpu.memref_slice %arg5[%dma_wait3A_93] : memref<128xi32, #tpu.memory_space<vmem>> -> memref<16xi32, #tpu.memory_space<vmem>>
    %dma_wait3A_95 = arith.constant 0 : i32
    %dma_wait3A_96 = arith.constant 0 : i32
    %dma_wait3A_97 = tpu.memref_slice %arg2[%dma_wait3A_95, %dma_wait3A_96] : memref<8192x2048xf32, #tpu.memory_space<hbm>> -> memref<8192x2048xf32, #tpu.memory_space<hbm>>
    tpu.wait_indirect_dma semaphore(%arg10 : memref<!tpu.dma_semaphore, #tpu.memory_space<semaphore_mem>>) src(%dma_wait3A_97 : memref<8192x2048xf32, #tpu.memory_space<hbm>>) dst(%arg7 : memref<16x2048xf32, #tpu.memory_space<vmem>>)
    %add3A_98 = arith.constant 64 : i32
    %add3A_99 = arith.addi %mul3A_2, %add3A_98 : i32
    %dma_start3A_100 = arith.constant 0 : i32
    %dma_start3A_101 = tpu.memref_slice %arg4[%add3A_99, %dma_start3A_100] : memref<4096x2048xf32, #tpu.memory_space<hbm>> -> memref<16x2048xf32, #tpu.memory_space<hbm>>
    %dma_start3A_102 = arith.constant 0 : i32
    %dma_start3A_103 = tpu.memref_slice %arg4[%add3A_99, %dma_start3A_102] : memref<4096x2048xf32, #tpu.memory_space<hbm>> -> memref<16x2048xf32, #tpu.memory_space<hbm>>
    tpu.enqueue_dma source(%arg7 : memref<16x2048xf32, #tpu.memory_space<vmem>>) target(%dma_start3A_103 : memref<16x2048xf32, #tpu.memory_space<hbm>>) target_semaphore(%arg13 : memref<!tpu.dma_semaphore, #tpu.memory_space<semaphore_mem>>)
    %add3A_104 = arith.constant 48 : i32
    %add3A_105 = arith.addi %mul3A_2, %add3A_104 : i32
    %dma_wait3A_106 = arith.constant 0 : i32
    %dma_wait3A_107 = tpu.memref_slice %arg4[%add3A_105, %dma_wait3A_106] : memref<4096x2048xf32, #tpu.memory_space<hbm>> -> memref<16x2048xf32, #tpu.memory_space<hbm>>
    %dma_wait3A_108 = arith.constant 0 : i32
    %dma_wait3A_109 = tpu.memref_slice %arg4[%add3A_105, %dma_wait3A_108] : memref<4096x2048xf32, #tpu.memory_space<hbm>> -> memref<16x2048xf32, #tpu.memory_space<hbm>>
    tpu.wait_dma2 semaphore(%arg12 : memref<!tpu.dma_semaphore, #tpu.memory_space<semaphore_mem>>) src(%arg6 : memref<16x2048xf32, #tpu.memory_space<vmem>>) dst(%dma_wait3A_109 : memref<16x2048xf32, #tpu.memory_space<hbm>>)
    %dma_start3A_110 = arith.constant 96 : i32
    %dma_start3A_111 = tpu.memref_slice %arg5[%dma_start3A_110] : memref<128xi32, #tpu.memory_space<vmem>> -> memref<16xi32, #tpu.memory_space<vmem>>
    %dma_start3A_112 = arith.constant 0 : i32
    %dma_start3A_113 = arith.constant 0 : i32
    %dma_start3A_114 = tpu.memref_slice %arg2[%dma_start3A_112, %dma_start3A_113] : memref<8192x2048xf32, #tpu.memory_space<hbm>> -> memref<8192x2048xf32, #tpu.memory_space<hbm>>
    tpu.enqueue_indirect_dma source(%dma_start3A_114 : memref<8192x2048xf32, #tpu.memory_space<hbm>>) target(%arg6 : memref<16x2048xf32, #tpu.memory_space<vmem>>) offsets(%dma_start3A_111 : memref<16xi32, #tpu.memory_space<vmem>>) semaphore(%arg9 : memref<!tpu.dma_semaphore, #tpu.memory_space<semaphore_mem>>)
    %dma_wait3A_115 = arith.constant 80 : i32
    %dma_wait3A_116 = tpu.memref_slice %arg5[%dma_wait3A_115] : memref<128xi32, #tpu.memory_space<vmem>> -> memref<16xi32, #tpu.memory_space<vmem>>
    %dma_wait3A_117 = arith.constant 0 : i32
    %dma_wait3A_118 = arith.constant 0 : i32
    %dma_wait3A_119 = tpu.memref_slice %arg2[%dma_wait3A_117, %dma_wait3A_118] : memref<8192x2048xf32, #tpu.memory_space<hbm>> -> memref<8192x2048xf32, #tpu.memory_space<hbm>>
    tpu.wait_indirect_dma semaphore(%arg11 : memref<!tpu.dma_semaphore, #tpu.memory_space<semaphore_mem>>) src(%dma_wait3A_119 : memref<8192x2048xf32, #tpu.memory_space<hbm>>) dst(%arg8 : memref<16x2048xf32, #tpu.memory_space<vmem>>)
    %add3A_120 = arith.constant 80 : i32
    %add3A_121 = arith.addi %mul3A_2, %add3A_120 : i32
    %dma_start3A_122 = arith.constant 0 : i32
    %dma_start3A_123 = tpu.memref_slice %arg4[%add3A_121, %dma_start3A_122] : memref<4096x2048xf32, #tpu.memory_space<hbm>> -> memref<16x2048xf32, #tpu.memory_space<hbm>>
    %dma_start3A_124 = arith.constant 0 : i32
    %dma_start3A_125 = tpu.memref_slice %arg4[%add3A_121, %dma_start3A_124] : memref<4096x2048xf32, #tpu.memory_space<hbm>> -> memref<16x2048xf32, #tpu.memory_space<hbm>>
    tpu.enqueue_dma source(%arg8 : memref<16x2048xf32, #tpu.memory_space<vmem>>) target(%dma_start3A_125 : memref<16x2048xf32, #tpu.memory_space<hbm>>) target_semaphore(%arg14 : memref<!tpu.dma_semaphore, #tpu.memory_space<semaphore_mem>>)
    %add3A_126 = arith.constant 64 : i32
    %add3A_127 = arith.addi %mul3A_2, %add3A_126 : i32
    %dma_wait3A_128 = arith.constant 0 : i32
    %dma_wait3A_129 = tpu.memref_slice %arg4[%add3A_127, %dma_wait3A_128] : memref<4096x2048xf32, #tpu.memory_space<hbm>> -> memref<16x2048xf32, #tpu.memory_space<hbm>>
    %dma_wait3A_130 = arith.constant 0 : i32
    %dma_wait3A_131 = tpu.memref_slice %arg4[%add3A_127, %dma_wait3A_130] : memref<4096x2048xf32, #tpu.memory_space<hbm>> -> memref<16x2048xf32, #tpu.memory_space<hbm>>
    tpu.wait_dma2 semaphore(%arg13 : memref<!tpu.dma_semaphore, #tpu.memory_space<semaphore_mem>>) src(%arg7 : memref<16x2048xf32, #tpu.memory_space<vmem>>) dst(%dma_wait3A_131 : memref<16x2048xf32, #tpu.memory_space<hbm>>)
    %dma_start3A_132 = arith.constant 112 : i32
    %dma_start3A_133 = tpu.memref_slice %arg5[%dma_start3A_132] : memref<128xi32, #tpu.memory_space<vmem>> -> memref<16xi32, #tpu.memory_space<vmem>>
    %dma_start3A_134 = arith.constant 0 : i32
    %dma_start3A_135 = arith.constant 0 : i32
    %dma_start3A_136 = tpu.memref_slice %arg2[%dma_start3A_134, %dma_start3A_135] : memref<8192x2048xf32, #tpu.memory_space<hbm>> -> memref<8192x2048xf32, #tpu.memory_space<hbm>>
    tpu.enqueue_indirect_dma source(%dma_start3A_136 : memref<8192x2048xf32, #tpu.memory_space<hbm>>) target(%arg7 : memref<16x2048xf32, #tpu.memory_space<vmem>>) offsets(%dma_start3A_133 : memref<16xi32, #tpu.memory_space<vmem>>) semaphore(%arg10 : memref<!tpu.dma_semaphore, #tpu.memory_space<semaphore_mem>>)
    %dma_wait3A_137 = arith.constant 96 : i32
    %dma_wait3A_138 = tpu.memref_slice %arg5[%dma_wait3A_137] : memref<128xi32, #tpu.memory_space<vmem>> -> memref<16xi32, #tpu.memory_space<vmem>>
    %dma_wait3A_139 = arith.constant 0 : i32
    %dma_wait3A_140 = arith.constant 0 : i32
    %dma_wait3A_141 = tpu.memref_slice %arg2[%dma_wait3A_139, %dma_wait3A_140] : memref<8192x2048xf32, #tpu.memory_space<hbm>> -> memref<8192x2048xf32, #tpu.memory_space<hbm>>
    tpu.wait_indirect_dma semaphore(%arg9 : memref<!tpu.dma_semaphore, #tpu.memory_space<semaphore_mem>>) src(%dma_wait3A_141 : memref<8192x2048xf32, #tpu.memory_space<hbm>>) dst(%arg6 : memref<16x2048xf32, #tpu.memory_space<vmem>>)
    %add3A_142 = arith.constant 96 : i32
    %add3A_143 = arith.addi %mul3A_2, %add3A_142 : i32
    %dma_start3A_144 = arith.constant 0 : i32
    %dma_start3A_145 = tpu.memref_slice %arg4[%add3A_143, %dma_start3A_144] : memref<4096x2048xf32, #tpu.memory_space<hbm>> -> memref<16x2048xf32, #tpu.memory_space<hbm>>
    %dma_start3A_146 = arith.constant 0 : i32
    %dma_start3A_147 = tpu.memref_slice %arg4[%add3A_143, %dma_start3A_146] : memref<4096x2048xf32, #tpu.memory_space<hbm>> -> memref<16x2048xf32, #tpu.memory_space<hbm>>
    tpu.enqueue_dma source(%arg6 : memref<16x2048xf32, #tpu.memory_space<vmem>>) target(%dma_start3A_147 : memref<16x2048xf32, #tpu.memory_space<hbm>>) target_semaphore(%arg12 : memref<!tpu.dma_semaphore, #tpu.memory_space<semaphore_mem>>)
    %dma_wait3A_148 = arith.constant 112 : i32
    %dma_wait3A_149 = tpu.memref_slice %arg5[%dma_wait3A_148] : memref<128xi32, #tpu.memory_space<vmem>> -> memref<16xi32, #tpu.memory_space<vmem>>
    %dma_wait3A_150 = arith.constant 0 : i32
    %dma_wait3A_151 = arith.constant 0 : i32
    %dma_wait3A_152 = tpu.memref_slice %arg2[%dma_wait3A_150, %dma_wait3A_151] : memref<8192x2048xf32, #tpu.memory_space<hbm>> -> memref<8192x2048xf32, #tpu.memory_space<hbm>>
    tpu.wait_indirect_dma semaphore(%arg10 : memref<!tpu.dma_semaphore, #tpu.memory_space<semaphore_mem>>) src(%dma_wait3A_152 : memref<8192x2048xf32, #tpu.memory_space<hbm>>) dst(%arg7 : memref<16x2048xf32, #tpu.memory_space<vmem>>)
    %add3A_153 = arith.constant 112 : i32
    %add3A_154 = arith.addi %mul3A_2, %add3A_153 : i32
    %dma_start3A_155 = arith.constant 0 : i32
    %dma_start3A_156 = tpu.memref_slice %arg4[%add3A_154, %dma_start3A_155] : memref<4096x2048xf32, #tpu.memory_space<hbm>> -> memref<16x2048xf32, #tpu.memory_space<hbm>>
    %dma_start3A_157 = arith.constant 0 : i32
    %dma_start3A_158 = tpu.memref_slice %arg4[%add3A_154, %dma_start3A_157] : memref<4096x2048xf32, #tpu.memory_space<hbm>> -> memref<16x2048xf32, #tpu.memory_space<hbm>>
    tpu.enqueue_dma source(%arg7 : memref<16x2048xf32, #tpu.memory_space<vmem>>) target(%dma_start3A_158 : memref<16x2048xf32, #tpu.memory_space<hbm>>) target_semaphore(%arg13 : memref<!tpu.dma_semaphore, #tpu.memory_space<semaphore_mem>>)
    %add3A_159 = arith.constant 80 : i32
    %add3A_160 = arith.addi %mul3A_2, %add3A_159 : i32
    %dma_wait3A_161 = arith.constant 0 : i32
    %dma_wait3A_162 = tpu.memref_slice %arg4[%add3A_160, %dma_wait3A_161] : memref<4096x2048xf32, #tpu.memory_space<hbm>> -> memref<16x2048xf32, #tpu.memory_space<hbm>>
    %dma_wait3A_163 = arith.constant 0 : i32
    %dma_wait3A_164 = tpu.memref_slice %arg4[%add3A_160, %dma_wait3A_163] : memref<4096x2048xf32, #tpu.memory_space<hbm>> -> memref<16x2048xf32, #tpu.memory_space<hbm>>
    tpu.wait_dma2 semaphore(%arg14 : memref<!tpu.dma_semaphore, #tpu.memory_space<semaphore_mem>>) src(%arg8 : memref<16x2048xf32, #tpu.memory_space<vmem>>) dst(%dma_wait3A_164 : memref<16x2048xf32, #tpu.memory_space<hbm>>)
    %add3A_165 = arith.constant 96 : i32
    %add3A_166 = arith.addi %mul3A_2, %add3A_165 : i32
    %dma_wait3A_167 = arith.constant 0 : i32
    %dma_wait3A_168 = tpu.memref_slice %arg4[%add3A_166, %dma_wait3A_167] : memref<4096x2048xf32, #tpu.memory_space<hbm>> -> memref<16x2048xf32, #tpu.memory_space<hbm>>
    %dma_wait3A_169 = arith.constant 0 : i32
    %dma_wait3A_170 = tpu.memref_slice %arg4[%add3A_166, %dma_wait3A_169] : memref<4096x2048xf32, #tpu.memory_space<hbm>> -> memref<16x2048xf32, #tpu.memory_space<hbm>>
    tpu.wait_dma2 semaphore(%arg12 : memref<!tpu.dma_semaphore, #tpu.memory_space<semaphore_mem>>) src(%arg6 : memref<16x2048xf32, #tpu.memory_space<vmem>>) dst(%dma_wait3A_170 : memref<16x2048xf32, #tpu.memory_space<hbm>>)
    %add3A_171 = arith.constant 112 : i32
    %add3A_172 = arith.addi %mul3A_2, %add3A_171 : i32
    %dma_wait3A_173 = arith.constant 0 : i32
    %dma_wait3A_174 = tpu.memref_slice %arg4[%add3A_172, %dma_wait3A_173] : memref<4096x2048xf32, #tpu.memory_space<hbm>> -> memref<16x2048xf32, #tpu.memory_space<hbm>>
    %dma_wait3A_175 = arith.constant 0 : i32
    %dma_wait3A_176 = tpu.memref_slice %arg4[%add3A_172, %dma_wait3A_175] : memref<4096x2048xf32, #tpu.memory_space<hbm>> -> memref<16x2048xf32, #tpu.memory_space<hbm>>
    tpu.wait_dma2 semaphore(%arg13 : memref<!tpu.dma_semaphore, #tpu.memory_space<semaphore_mem>>) src(%arg7 : memref<16x2048xf32, #tpu.memory_space<vmem>>) dst(%dma_wait3A_176 : memref<16x2048xf32, #tpu.memory_space<hbm>>)
    return
  }
}

module attributes {stable_mosaic.version = 14 : i64} {
  func.func @_group_body(%arg0: i32, %arg1: memref<3x32xi32, #tpu.memory_space<smem>>, %arg2: memref<256x2048xf32, #tpu.memory_space<vmem>>, %arg3: memref<1x1024x2048xf32, #tpu.memory_space<vmem>>, %arg4: memref<1x1024x2048xf32, #tpu.memory_space<vmem>>, %arg5: memref<1x2048x1024xf32, #tpu.memory_space<vmem>>, %arg6: memref<1x1x256xf32, #tpu.memory_space<vmem>>, %arg7: memref<256x2048xf32, #tpu.memory_space<vmem>>) attributes {dimension_semantics = [#tpu.dimension_semantics<arbitrary>], iteration_bounds = array<i64: 32>, scalar_prefetch = 1 : i64, scratch_operands = 0 : i64, tpu.core_type = #tpu.core_type<tc>, window_params = [{transform_indices = @transform_0, window_bounds = array<i64: 256, 2048>}, {transform_indices = @transform_1, window_bounds = array<i64: 1, 1024, 2048>}, {transform_indices = @transform_2, window_bounds = array<i64: 1, 1024, 2048>}, {transform_indices = @transform_3, window_bounds = array<i64: 1, 2048, 1024>}, {transform_indices = @transform_4, window_bounds = array<i64: 1, 1, 256>}, {transform_indices = @transform_5, window_bounds = array<i64: 256, 2048>}]} {
    %get3A = arith.constant 1 : index
    %get3A_0 = arith.index_cast %arg0 : i32 to index
    %get3A_1 = memref.load %arg1[%get3A, %get3A_0] : memref<3x32xi32, #tpu.memory_space<smem>>
    %eq3A = arith.constant 1 : i32
    %eq3A_2 = arith.cmpi eq, %get3A_1, %eq3A : i32
    %convert_element_type3A = arith.extui %eq3A_2 : i1 to i32
    %cond3A = arith.constant 0 : i32
    %cond3A_3 = arith.cmpi ne, %convert_element_type3A, %cond3A : i32
    scf.if %cond3A_3 {
      %get3A_4 = arith.constant 0 : index
      %get3A_5 = arith.constant 0 : index
      %get3A_6 = vector.load %arg2[%get3A_4, %get3A_5] : memref<256x2048xf32, #tpu.memory_space<vmem>>, vector<256x2048xf32>
      %convert_element_type3A_7 = arith.truncf %get3A_6 : vector<256x2048xf32> to vector<256x2048xbf16>
      %get3A_8 = arith.constant 0 : index
      %get3A_9 = arith.constant 0 : index
      %get3A_10 = arith.constant 0 : index
      %get3A_11 = vector.load %arg3[%get3A_8, %get3A_9, %get3A_10] : memref<1x1024x2048xf32, #tpu.memory_space<vmem>>, vector<1x1024x2048xf32>
      %get3A_12 = vector.shape_cast %get3A_11 : vector<1x1024x2048xf32> to vector<1024x2048xf32>
      %convert_element_type3A_13 = arith.truncf %get3A_12 : vector<1024x2048xf32> to vector<1024x2048xbf16>
      %get3A_14 = arith.constant 0 : index
      %get3A_15 = arith.constant 0 : index
      %get3A_16 = arith.constant 0 : index
      %get3A_17 = vector.load %arg4[%get3A_14, %get3A_15, %get3A_16] : memref<1x1024x2048xf32, #tpu.memory_space<vmem>>, vector<1x1024x2048xf32>
      %get3A_18 = vector.shape_cast %get3A_17 : vector<1x1024x2048xf32> to vector<1024x2048xf32>
      %convert_element_type3A_19 = arith.truncf %get3A_18 : vector<1024x2048xf32> to vector<1024x2048xbf16>
      %get3A_20 = arith.constant 0 : index
      %get3A_21 = arith.constant 0 : index
      %get3A_22 = arith.constant 0 : index
      %get3A_23 = vector.load %arg5[%get3A_20, %get3A_21, %get3A_22] : memref<1x2048x1024xf32, #tpu.memory_space<vmem>>, vector<1x2048x1024xf32>
      %get3A_24 = vector.shape_cast %get3A_23 : vector<1x2048x1024xf32> to vector<2048x1024xf32>
      %convert_element_type3A_25 = arith.truncf %get3A_24 : vector<2048x1024xf32> to vector<2048x1024xbf16>
      %dot_general3A = arith.constant dense<0.000000e+00> : vector<256x1024xf32>
      %dot_general3A_26 = tpu.matmul %convert_element_type3A_7, %convert_element_type3A_13, %dot_general3A {dimension_numbers = #tpu.dot_dimension_numbers<[1], [1], [0], [0], [0, 0, 1, 0], [], []>, transpose_lhs_hint = false} : vector<256x2048xbf16>, vector<1024x2048xbf16>, vector<256x1024xf32> -> vector<256x1024xf32>
      %dot_general3A_27 = arith.constant dense<0.000000e+00> : vector<256x1024xf32>
      %dot_general3A_28 = tpu.matmul %convert_element_type3A_7, %convert_element_type3A_19, %dot_general3A_27 {dimension_numbers = #tpu.dot_dimension_numbers<[1], [1], [0], [0], [0, 0, 1, 0], [], []>, transpose_lhs_hint = false} : vector<256x2048xbf16>, vector<1024x2048xbf16>, vector<256x1024xf32> -> vector<256x1024xf32>
      %logistic3A = arith.negf %dot_general3A_26 : vector<256x1024xf32>
      %logistic3A_29 = math.exp %logistic3A : vector<256x1024xf32>
      %logistic3A_30 = arith.constant 1.000000e+00 : f32
      %logistic3A_31 = vector.broadcast %logistic3A_30 : f32 to vector<256x1024xf32>
      %logistic3A_32 = arith.addf %logistic3A_31, %logistic3A_29 : vector<256x1024xf32>
      %logistic3A_33 = arith.divf %logistic3A_31, %logistic3A_32 : vector<256x1024xf32>
      %mul3A = arith.mulf %dot_general3A_26, %logistic3A_33 : vector<256x1024xf32>
      %mul3A_34 = arith.mulf %mul3A, %dot_general3A_28 : vector<256x1024xf32>
      %convert_element_type3A_35 = arith.truncf %mul3A_34 : vector<256x1024xf32> to vector<256x1024xbf16>
      %dot_general3A_36 = arith.constant dense<0.000000e+00> : vector<256x2048xf32>
      %dot_general3A_37 = tpu.matmul %convert_element_type3A_35, %convert_element_type3A_25, %dot_general3A_36 {dimension_numbers = #tpu.dot_dimension_numbers<[1], [1], [0], [0], [0, 0, 1, 0], [], []>, transpose_lhs_hint = false} : vector<256x1024xbf16>, vector<2048x1024xbf16>, vector<256x2048xf32> -> vector<256x2048xf32>
      %get3A_38 = arith.constant 0 : index
      %get3A_39 = arith.constant 0 : index
      %get3A_40 = arith.constant 0 : index
      %get3A_41 = vector.load %arg6[%get3A_38, %get3A_39, %get3A_40] : memref<1x1x256xf32, #tpu.memory_space<vmem>>, vector<1x1x256xf32>
      %get3A_42 = vector.shape_cast %get3A_41 : vector<1x1x256xf32> to vector<256xf32>
      %broadcast_in_dim3A = vector.shape_cast %get3A_42 : vector<256xf32> to vector<256x1xf32>
      %mul3A_43 = vector.broadcast %broadcast_in_dim3A : vector<256x1xf32> to vector<256x2048xf32>
      %mul3A_44 = arith.mulf %dot_general3A_37, %mul3A_43 : vector<256x2048xf32>
      %swap3A = arith.constant 0 : index
      %swap3A_45 = arith.constant 0 : index
      %swap3A_46 = vector.load %arg7[%swap3A, %swap3A_45] : memref<256x2048xf32, #tpu.memory_space<vmem>>, vector<256x2048xf32>
      tpu.vector_store %arg7[%swap3A, %swap3A_45], %mul3A_44 {strides = array<i32>} : memref<256x2048xf32, #tpu.memory_space<vmem>>, vector<256x2048xf32>,
    } else {
    }
    return
  }
  func.func @transform_0(%arg0: i32, %arg1: memref<3x32xi32, #tpu.memory_space<smem>>) -> (i32, i32) {
    %get3A = arith.constant 2 : index
    %get3A_0 = arith.index_cast %arg0 : i32 to index
    %get3A_1 = memref.load %arg1[%get3A, %get3A_0] : memref<3x32xi32, #tpu.memory_space<smem>>
    %c0_i32 = arith.constant 0 : i32
    %c0_i32_2 = arith.constant 0 : i32
    return %get3A_1, %c0_i32 : i32, i32
  }
  func.func @transform_1(%arg0: i32, %arg1: memref<3x32xi32, #tpu.memory_space<smem>>) -> (i32, i32, i32) {
    %get3A = arith.constant 0 : index
    %get3A_0 = arith.index_cast %arg0 : i32 to index
    %get3A_1 = memref.load %arg1[%get3A, %get3A_0] : memref<3x32xi32, #tpu.memory_space<smem>>
    %c0_i32 = arith.constant 0 : i32
    %c0_i32_2 = arith.constant 0 : i32
    %c0_i32_3 = arith.constant 0 : i32
    return %get3A_1, %c0_i32, %c0_i32_2 : i32, i32, i32
  }
  func.func @transform_2(%arg0: i32, %arg1: memref<3x32xi32, #tpu.memory_space<smem>>) -> (i32, i32, i32) {
    %get3A = arith.constant 0 : index
    %get3A_0 = arith.index_cast %arg0 : i32 to index
    %get3A_1 = memref.load %arg1[%get3A, %get3A_0] : memref<3x32xi32, #tpu.memory_space<smem>>
    %c0_i32 = arith.constant 0 : i32
    %c0_i32_2 = arith.constant 0 : i32
    %c0_i32_3 = arith.constant 0 : i32
    return %get3A_1, %c0_i32, %c0_i32_2 : i32, i32, i32
  }
  func.func @transform_3(%arg0: i32, %arg1: memref<3x32xi32, #tpu.memory_space<smem>>) -> (i32, i32, i32) {
    %get3A = arith.constant 0 : index
    %get3A_0 = arith.index_cast %arg0 : i32 to index
    %get3A_1 = memref.load %arg1[%get3A, %get3A_0] : memref<3x32xi32, #tpu.memory_space<smem>>
    %c0_i32 = arith.constant 0 : i32
    %c0_i32_2 = arith.constant 0 : i32
    %c0_i32_3 = arith.constant 0 : i32
    return %get3A_1, %c0_i32, %c0_i32_2 : i32, i32, i32
  }
  func.func @transform_4(%arg0: i32, %arg1: memref<3x32xi32, #tpu.memory_space<smem>>) -> (i32, i32, i32) {
    %c0_i32 = arith.constant 0 : i32
    %c0_i32_0 = arith.constant 0 : i32
    %c0_i32_1 = arith.constant 0 : i32
    return %arg0, %c0_i32, %c0_i32_0 : i32, i32, i32
  }
  func.func @transform_5(%arg0: i32, %arg1: memref<3x32xi32, #tpu.memory_space<smem>>) -> (i32, i32) {
    %c0_i32 = arith.constant 0 : i32
    %c0_i32_0 = arith.constant 0 : i32
    return %arg0, %c0_i32 : i32, i32
  }
}

module attributes {stable_mosaic.version = 14 : i64} {
  func.func @_shared_body(%arg0: i32, %arg1: i32, %arg2: memref<1024x2048xf32, #tpu.memory_space<vmem>>, %arg3: memref<512x2048xf32, #tpu.memory_space<vmem>>, %arg4: memref<512x2048xf32, #tpu.memory_space<vmem>>, %arg5: memref<2048x512xf32, #tpu.memory_space<vmem>>, %arg6: memref<1024x2048xf32, #tpu.memory_space<vmem>>) attributes {dimension_semantics = [#tpu.dimension_semantics<arbitrary>, #tpu.dimension_semantics<arbitrary>], iteration_bounds = array<i64: 2, 4>, scalar_prefetch = 0 : i64, scratch_operands = 0 : i64, tpu.core_type = #tpu.core_type<tc>, window_params = [{transform_indices = @transform_0, window_bounds = array<i64: 1024, 2048>}, {transform_indices = @transform_1, window_bounds = array<i64: 512, 2048>}, {transform_indices = @transform_2, window_bounds = array<i64: 512, 2048>}, {transform_indices = @transform_3, window_bounds = array<i64: 2048, 512>}, {transform_indices = @transform_4, window_bounds = array<i64: 1024, 2048>}]} {
    %get3A = arith.constant 0 : index
    %get3A_0 = arith.constant 0 : index
    %get3A_1 = vector.load %arg2[%get3A, %get3A_0] : memref<1024x2048xf32, #tpu.memory_space<vmem>>, vector<1024x2048xf32>
    %convert_element_type3A = arith.truncf %get3A_1 : vector<1024x2048xf32> to vector<1024x2048xbf16>
    %get3A_2 = arith.constant 0 : index
    %get3A_3 = arith.constant 0 : index
    %get3A_4 = vector.load %arg3[%get3A_2, %get3A_3] : memref<512x2048xf32, #tpu.memory_space<vmem>>, vector<512x2048xf32>
    %convert_element_type3A_5 = arith.truncf %get3A_4 : vector<512x2048xf32> to vector<512x2048xbf16>
    %get3A_6 = arith.constant 0 : index
    %get3A_7 = arith.constant 0 : index
    %get3A_8 = vector.load %arg4[%get3A_6, %get3A_7] : memref<512x2048xf32, #tpu.memory_space<vmem>>, vector<512x2048xf32>
    %convert_element_type3A_9 = arith.truncf %get3A_8 : vector<512x2048xf32> to vector<512x2048xbf16>
    %get3A_10 = arith.constant 0 : index
    %get3A_11 = arith.constant 0 : index
    %get3A_12 = vector.load %arg5[%get3A_10, %get3A_11] : memref<2048x512xf32, #tpu.memory_space<vmem>>, vector<2048x512xf32>
    %convert_element_type3A_13 = arith.truncf %get3A_12 : vector<2048x512xf32> to vector<2048x512xbf16>
    %dot_general3A = arith.constant dense<0.000000e+00> : vector<1024x512xf32>
    %dot_general3A_14 = tpu.matmul %convert_element_type3A, %convert_element_type3A_5, %dot_general3A {dimension_numbers = #tpu.dot_dimension_numbers<[1], [1], [0], [0], [0, 0, 1, 0], [], []>, transpose_lhs_hint = false} : vector<1024x2048xbf16>, vector<512x2048xbf16>, vector<1024x512xf32> -> vector<1024x512xf32>
    %dot_general3A_15 = arith.constant dense<0.000000e+00> : vector<1024x512xf32>
    %dot_general3A_16 = tpu.matmul %convert_element_type3A, %convert_element_type3A_9, %dot_general3A_15 {dimension_numbers = #tpu.dot_dimension_numbers<[1], [1], [0], [0], [0, 0, 1, 0], [], []>, transpose_lhs_hint = false} : vector<1024x2048xbf16>, vector<512x2048xbf16>, vector<1024x512xf32> -> vector<1024x512xf32>
    %logistic3A = arith.negf %dot_general3A_14 : vector<1024x512xf32>
    %logistic3A_17 = math.exp %logistic3A : vector<1024x512xf32>
    %logistic3A_18 = arith.constant 1.000000e+00 : f32
    %logistic3A_19 = vector.broadcast %logistic3A_18 : f32 to vector<1024x512xf32>
    %logistic3A_20 = arith.addf %logistic3A_19, %logistic3A_17 : vector<1024x512xf32>
    %logistic3A_21 = arith.divf %logistic3A_19, %logistic3A_20 : vector<1024x512xf32>
    %mul3A = arith.mulf %dot_general3A_14, %logistic3A_21 : vector<1024x512xf32>
    %mul3A_22 = arith.mulf %mul3A, %dot_general3A_16 : vector<1024x512xf32>
    %convert_element_type3A_23 = arith.truncf %mul3A_22 : vector<1024x512xf32> to vector<1024x512xbf16>
    %dot_general3A_24 = arith.constant dense<0.000000e+00> : vector<1024x2048xf32>
    %dot_general3A_25 = tpu.matmul %convert_element_type3A_23, %convert_element_type3A_13, %dot_general3A_24 {dimension_numbers = #tpu.dot_dimension_numbers<[1], [1], [0], [0], [0, 0, 1, 0], [], []>, transpose_lhs_hint = false} : vector<1024x512xbf16>, vector<2048x512xbf16>, vector<1024x2048xf32> -> vector<1024x2048xf32>
    %eq3A = arith.constant 0 : i32
    %eq3A_26 = arith.cmpi eq, %arg1, %eq3A : i32
    %convert_element_type3A_27 = arith.extui %eq3A_26 : i1 to i32
    %cond3A = arith.constant 0 : i32
    %cond3A_28 = arith.cmpi ne, %convert_element_type3A_27, %cond3A : i32
    scf.if %cond3A_28 {
      %swap3A = arith.constant 0 : index
      %swap3A_33 = arith.constant 0 : index
      %swap3A_34 = vector.load %arg6[%swap3A, %swap3A_33] : memref<1024x2048xf32, #tpu.memory_space<vmem>>, vector<1024x2048xf32>
      tpu.vector_store %arg6[%swap3A, %swap3A_33], %dot_general3A_25 {strides = array<i32>} : memref<1024x2048xf32, #tpu.memory_space<vmem>>, vector<1024x2048xf32>,
    } else {
    }
    %ne3A = arith.constant 0 : i32
    %ne3A_29 = arith.cmpi ne, %arg1, %ne3A : i32
    %convert_element_type3A_30 = arith.extui %ne3A_29 : i1 to i32
    %cond3A_31 = arith.constant 0 : i32
    %cond3A_32 = arith.cmpi ne, %convert_element_type3A_30, %cond3A_31 : i32
    scf.if %cond3A_32 {
      %get3A_33 = arith.constant 0 : index
      %get3A_34 = arith.constant 0 : index
      %get3A_35 = vector.load %arg6[%get3A_33, %get3A_34] : memref<1024x2048xf32, #tpu.memory_space<vmem>>, vector<1024x2048xf32>
      %add3A = arith.addf %get3A_35, %dot_general3A_25 : vector<1024x2048xf32>
      %swap3A = arith.constant 0 : index
      %swap3A_36 = arith.constant 0 : index
      %swap3A_37 = vector.load %arg6[%swap3A, %swap3A_36] : memref<1024x2048xf32, #tpu.memory_space<vmem>>, vector<1024x2048xf32>
      tpu.vector_store %arg6[%swap3A, %swap3A_36], %add3A {strides = array<i32>} : memref<1024x2048xf32, #tpu.memory_space<vmem>>, vector<1024x2048xf32>,
    } else {
    }
    return
  }
  func.func @transform_0(%arg0: i32, %arg1: i32) -> (i32, i32) {
    %c0_i32 = arith.constant 0 : i32
    %c0_i32_0 = arith.constant 0 : i32
    return %arg0, %c0_i32 : i32, i32
  }
  func.func @transform_1(%arg0: i32, %arg1: i32) -> (i32, i32) {
    %c0_i32 = arith.constant 0 : i32
    %c0_i32_0 = arith.constant 0 : i32
    return %arg1, %c0_i32 : i32, i32
  }
  func.func @transform_2(%arg0: i32, %arg1: i32) -> (i32, i32) {
    %c0_i32 = arith.constant 0 : i32
    %c0_i32_0 = arith.constant 0 : i32
    return %arg1, %c0_i32 : i32, i32
  }
  func.func @transform_3(%arg0: i32, %arg1: i32) -> (i32, i32) {
    %c0_i32 = arith.constant 0 : i32
    %c0_i32_0 = arith.constant 0 : i32
    return %c0_i32, %arg1 : i32, i32
  }
  func.func @transform_4(%arg0: i32, %arg1: i32) -> (i32, i32) {
    %c0_i32 = arith.constant 0 : i32
    %c0_i32_0 = arith.constant 0 : i32
    return %arg0, %c0_i32 : i32, i32
  }
}

module attributes {stable_mosaic.version = 14 : i64} {
  func.func @_add3_body(%arg0: i32, %arg1: memref<1x256x2048xf32, #tpu.memory_space<vmem>>, %arg2: memref<1x256x2048xf32, #tpu.memory_space<vmem>>, %arg3: memref<256x2048xf32, #tpu.memory_space<vmem>>, %arg4: memref<256x2048xf32, #tpu.memory_space<vmem>>) attributes {dimension_semantics = [#tpu.dimension_semantics<arbitrary>], iteration_bounds = array<i64: 8>, scalar_prefetch = 0 : i64, scratch_operands = 0 : i64, tpu.core_type = #tpu.core_type<tc>, window_params = [{transform_indices = @transform_0, window_bounds = array<i64: 1, 256, 2048>}, {transform_indices = @transform_1, window_bounds = array<i64: 1, 256, 2048>}, {transform_indices = @transform_2, window_bounds = array<i64: 256, 2048>}, {transform_indices = @transform_3, window_bounds = array<i64: 256, 2048>}]} {
    %get3A = arith.constant 0 : index
    %get3A_0 = arith.constant 0 : index
    %get3A_1 = arith.constant 0 : index
    %get3A_2 = vector.load %arg1[%get3A, %get3A_0, %get3A_1] : memref<1x256x2048xf32, #tpu.memory_space<vmem>>, vector<1x256x2048xf32>
    %get3A_3 = vector.shape_cast %get3A_2 : vector<1x256x2048xf32> to vector<256x2048xf32>
    %get3A_4 = arith.constant 0 : index
    %get3A_5 = arith.constant 0 : index
    %get3A_6 = arith.constant 0 : index
    %get3A_7 = vector.load %arg2[%get3A_4, %get3A_5, %get3A_6] : memref<1x256x2048xf32, #tpu.memory_space<vmem>>, vector<1x256x2048xf32>
    %get3A_8 = vector.shape_cast %get3A_7 : vector<1x256x2048xf32> to vector<256x2048xf32>
    %add3A = arith.addf %get3A_3, %get3A_8 : vector<256x2048xf32>
    %get3A_9 = arith.constant 0 : index
    %get3A_10 = arith.constant 0 : index
    %get3A_11 = vector.load %arg3[%get3A_9, %get3A_10] : memref<256x2048xf32, #tpu.memory_space<vmem>>, vector<256x2048xf32>
    %add3A_12 = arith.addf %add3A, %get3A_11 : vector<256x2048xf32>
    %swap3A = arith.constant 0 : index
    %swap3A_13 = arith.constant 0 : index
    %swap3A_14 = vector.load %arg4[%swap3A, %swap3A_13] : memref<256x2048xf32, #tpu.memory_space<vmem>>, vector<256x2048xf32>
    tpu.vector_store %arg4[%swap3A, %swap3A_13], %add3A_12 {strides = array<i32>} : memref<256x2048xf32, #tpu.memory_space<vmem>>, vector<256x2048xf32>,
    return
  }
  func.func @transform_0(%arg0: i32) -> (i32, i32, i32) {
    %c0_i32 = arith.constant 0 : i32
    %c0_i32_0 = arith.constant 0 : i32
    %c0_i32_1 = arith.constant 0 : i32
    return %c0_i32, %arg0, %c0_i32_0 : i32, i32, i32
  }
  func.func @transform_1(%arg0: i32) -> (i32, i32, i32) {
    %c1_i32 = arith.constant 1 : i32
    %c0_i32 = arith.constant 0 : i32
    %c0_i32_0 = arith.constant 0 : i32
    return %c1_i32, %arg0, %c0_i32 : i32, i32, i32
  }
  func.func @transform_2(%arg0: i32) -> (i32, i32) {
    %c0_i32 = arith.constant 0 : i32
    %c0_i32_0 = arith.constant 0 : i32
    return %arg0, %c0_i32 : i32, i32
  }
  func.func @transform_3(%arg0: i32) -> (i32, i32) {
    %c0_i32 = arith.constant 0 : i32
    %c0_i32_0 = arith.constant 0 : i32
    return %arg0, %c0_i32 : i32, i32
  }
}

</mosaic_0001>

<sc_bundles>
// kernel: gather_offload_async_start.1
scs
__scs_entry_jumppad:
0x0: {  	(pc) =	sbr.rel $0x88, $3  }
0x1: {  	(tag) =	ssettag $0x0;
	lr =	simm.s32 $0x1  }
0x2: {  	[smem:$0x3F98] =	sst lr;
	_ =	strace $0xD0000000  }
0x3: {  	_ = 	snop  }
0x4: {  	_ = 	snop  }
0x5: {  	_ = 	snop  }
0x6: {  	_ = 	snop  }
0x7: {  	_ = 	snop  }
__scs_overlays_trampoline_lowered:
0x8: {  	[smem:$0x3FA7] =	sst s0  }
0x9: {  	[smem:$0x3FA8] =	sst s1  }
0xa: {  	[smem:$0x3FA9] =	sst s2  }
0xb: {  	[smem:$0x3FAA] =	sst s3  }
0xc: {  	[smem:$0x3FAB] =	sst s4  }
0xd: {  	[smem:$0x3FAC] =	sst s5  }
0xe: {  	[smem:$0x3FAD] =	sst s6  }
0xf: {  	[smem:$0x3FAE] =	sst s7  }
0x10: {  	[smem:$0x3FAF] =	sst s8  }
0x11: {  	[smem:$0x3FB0] =	sst s9;
	s0 =	simm.s32 @!p0 $0x0  }
0x12: {  	s1 =	sld [smem:$0x3F96];
	s0 =	simm.s32 @p0 $0x1  }
0x13: {  	[smem:$0x3FB1] =	sst s0;
	s0 =	simm.s32 @!p1 $0x0  }
0x14: {  	s2 =	sld [smem:$0x3F95];
	s0 =	simm.s32 @p1 $0x1  }
0x15: {  	[smem:$0x3FB2] =	sst s0;
	s0 =	simm.s32 @!p2 $0x0  }
0x16: {  	s3 =	sld [smem:$0x3FDB];
	s0 =	simm.s32 @p2 $0x1  }
0x17: {  	s4 =	simm.s32 $0x1BF5;
	[smem:$0x3FB4] =	sst s0  }
0x18: {  	s0 =	sld [smem:$0x3F97];
	_ =	swait.ge [sflag:s4], $0x0  }
0x19: {  	s7 =	sld [smem:$0x3F98]  }
0x1a: {  	s8 =	sadd.s32 $0xFFFFE003, lr  }
0x1b: {  	s9 =	sadd.s32 $0xFFFFFEF7, lr;
	s5 =	simm.s32 $0xFFFFFFFF;
	p2 =	slt.u32 s8, $0xFFFFF086  }
0x1c: {  	p1 =	slt.u32 s9, $0xF7A;
	s5 =	simm.s32 @!p2 $0x0  }
0x1d: {  	s5 =	simm.s32 @p1 $0x1;
	p0 =	seq.s32 s7, s2  }
0x1e: {  	s7 =	smul.u32 @!p0 $0xF7A, s2;
	p2 =	seq.s32 @!p0 s5, $0x0  }
0x1f: {  	s9 =	smul.u32 $0xF7A, s1;
	s8 =	simm.s32 @!p0 $0x1BF5;
	p2 =	por !p2, p0  }
0x20: {  	[sflag:s8] =	ssyncset.s32 @!p0 $0xFFFFF086;
	s6 =	sadd.s32 @!p0 s3, s7;
	s7 =	simm.s32 @!p0 $0x108  }
0x21: {  	s3 =	sadd.s32 s3, s9;
	s6 =	sadd.s32 @!p0 $0x88, s6;
	s7 =	simm.s32 @p2 $0x1082  }
0x22: {  	[simem:s7], [sflag:s8] =	dma.local @!p0 [hbm:s6], $0xF7A  }
0x23: {  	s9 =	sor.u32 $0xD0000000, s2;
	s6 =	simm.s32 $0x108;
	_ =	swait.ge @!p0 [sflag:s8], $0x0  }
0x24: {  	s3 =	sadd.s32 $0x88, s3;
	s6 =	simm.s32 @!p1 $0x1082;
	[sflag:s4] =	ssyncset.s32 $0xFFFFF086  }
0x25: {  	[simem:s6], [sflag:s4] =	dma.local [hbm:s3], $0xF7A  }
0x26: {  	[smem:$0x3F98] =	sst s1;
	(tag) =	ssettag s2;
	_ =	strace s9  }
0x27: {  	s1 =	sld [smem:$0x3FA8]  }
0x28: {  	s2 =	sld [smem:$0x3FA9]  }
0x29: {  	s4 =	sld [smem:$0x3FAB]  }
0x2a: {  	p0 =	seq.s32 s5, $0x0;
	s5 =	sld [smem:$0x3FAC]  }
0x2b: {  	s6 =	sld [smem:$0x3FAD]  }
0x2c: {  	s7 =	sld [smem:$0x3FAE]  }
0x2d: {  	s3 =	simm.s32 $0x108;
	s8 =	sld [smem:$0x3FAF]  }
0x2e: {  	s3 =	simm.s32 @!p0 $0x1082;
	s9 =	sld [smem:$0x3FB0]  }
0x2f: {  	lr =	sadd.s32 s0, s3;
	s0 =	sld [smem:$0x3FA7]  }
0x30: {  	s3 =	sld [smem:$0x3FAA]  }
0x31: {  	[smem:$0x3FB3] =	sst s10  }
0x32: {  	s10 =	sld [smem:$0x3FB1];
	_ =	sdelay $0x3  }
0x33: {  	p0 =	seq.s32 s10, $0x1;
	s10 =	sld [smem:$0x3FB3];
	_ =	sdelay $0x3  }
0x34: {  	[smem:$0x3FB3] =	sst s10  }
0x35: {  	s10 =	sld [smem:$0x3FB2];
	_ =	sdelay $0x3  }
0x36: {  	p1 =	seq.s32 s10, $0x1;
	s10 =	sld [smem:$0x3FB3];
	_ =	sdelay $0x3  }
0x37: {  	[smem:$0x3FB3] =	sst s10  }
0x38: {  	s10 =	sld [smem:$0x3FB4]  }
0x39: {  	_ = 	snop;
	(pc) =	sbr.ind lr, $3  }
0x3a: {  	_ = 	snop  }
0x3b: {  	_ = 	snop  }
0x3c: {  	p2 =	seq.s32 s10, $0x1;
	s10 =	sld [smem:$0x3FB3]  }
0x3d: {  	_ =	shalt  }
0x3e: {  	_ =	shalt  }
0x3f: {  	_ =	shalt  }
0x40: {  	_ =	shalt  }
0x41: {  	_ =	shalt  }
0x42: {  	_ =	shalt  }
0x43: {  	_ =	shalt  }
0x44: {  	_ =	shalt  }
0x45: {  	_ =	shalt  }
0x46: {  	_ =	shalt  }
0x47: {  	_ =	shalt  }
0x48: {  	_ =	shalt  }
0x49: {  	_ =	shalt  }
0x4a: {  	_ =	shalt  }
0x4b: {  	_ =	shalt  }
0x4c: {  	_ =	shalt  }
0x4d: {  	_ =	shalt  }
0x4e: {  	_ =	shalt  }
0x4f: {  	_ =	shalt  }
0x50: {  	_ =	shalt  }
0x51: {  	_ =	shalt  }
0x52: {  	_ =	shalt  }
0x53: {  	_ =	shalt  }
0x54: {  	_ =	shalt  }
0x55: {  	_ =	shalt  }
0x56: {  	_ =	shalt  }
0x57: {  	_ =	shalt  }
0x58: {  	_ =	shalt  }
0x59: {  	_ =	shalt  }
0x5a: {  	_ =	shalt  }
0x5b: {  	_ =	shalt  }
0x5c: {  	_ =	shalt  }
0x5d: {  	_ =	shalt  }
0x5e: {  	_ =	shalt  }
0x5f: {  	_ =	shalt  }
0x60: {  	_ =	shalt  }
0x61: {  	_ =	shalt  }
0x62: {  	_ =	shalt  }
0x63: {  	_ =	shalt  }
0x64: {  	_ =	shalt  }
0x65: {  	_ =	shalt  }
0x66: {  	_ =	shalt  }
0x67: {  	_ =	shalt  }
0x68: {  	_ =	shalt  }
0x69: {  	_ =	shalt  }
0x6a: {  	_ =	shalt  }
0x6b: {  	_ =	shalt  }
0x6c: {  	_ =	shalt  }
0x6d: {  	_ =	shalt  }
0x6e: {  	_ =	shalt  }
0x6f: {  	_ =	shalt  }
0x70: {  	_ =	shalt  }
0x71: {  	_ =	shalt  }
0x72: {  	_ =	shalt  }
0x73: {  	_ =	shalt  }
0x74: {  	_ =	shalt  }
0x75: {  	_ =	shalt  }
0x76: {  	_ =	shalt  }
0x77: {  	_ =	shalt  }
0x78: {  	_ =	shalt  }
0x79: {  	_ =	shalt  }
0x7a: {  	_ =	shalt  }
0x7b: {  	_ =	shalt  }
0x7c: {  	_ =	shalt  }
0x7d: {  	_ =	shalt  }
0x7e: {  	_ =	shalt  }
0x7f: {  	_ =	shalt  }
0x80: {  	_ =	shalt  }
0x81: {  	_ =	shalt  }
0x82: {  	_ =	shalt  }
0x83: {  	_ =	shalt  }
0x84: {  	_ =	shalt  }
0x85: {  	_ =	shalt  }
0x86: {  	_ =	shalt  }
0x87: {  	_ =	shalt  }
.Lfunc_end0:
.L_simem_size_0:
called_computation.2_lowered:
.L_overlay_start_0:
0x88: {  	s2 =	sld [smem:$0x3FD9]  }
0x89: {  	s3 =	sld [smem:$0x3FFE];
	_ =	sdelay $0x1  }
0x8a: {  	s1 =	srdreg.scid  }
0x8b: {  	s0 =	sand.u32 $0x1, s1  }
0x8c: {  	s16 =	sshll.u32 s0, $0xA;
	s2 =	sadd.s32 s3, s2  }
0x8d: {  	s2 =	sadd.s32 s2, s16  }
0x8e: {  	[smem:$0x3FBF] =	sst s2  }
0x8f: {  	_ = 	snop  }
0x90: {  	(tm) =	ssettm $0x1  }
0x91: {  	s17 =	sld [smem:$0x3FFB];
	_ =	sdelay $0x3  }
0x92: {  	_ =	strace s17  }
0x93: {  	s2 =	sld [smem:$0x3FFC];
	_ =	sdelay $0x3  }
0x94: {  	_ =	strace s2  }
0x95: {  	s2 =	sld [smem:$0x3FFD];
	_ =	sdelay $0x3  }
0x96: {  	_ =	strace s2  }
0x97: {  	_ =	strace $0x8FFFFFFF  }
0x98: {  	s18 =	sld [smem:$0x3FDB];
	_ =	sdelay $0x1  }
0x99: {  	s19 =	simm.s32 $_scs_section_size  }
0x9a: {  	s4 =	simm.s32 $_size__tile_overlayer_lowered;
	s5 =	simm.s32 $_tile_overlayer_lowered  }
0x9b: {  	s22 =	simm.s32 $0x1BFF;
	s21 =	sshll.u32 s5, $0x1;
	s2 =	sadd.s32 s19, s18  }
0x9c: {  	s6 =	simm.s32 $0x0;
	s20 =	sshll.u32 s4, $0x1;
	s4 =	sadd.s32 s21, s2  }
0x9d: {  	[timem:s6], [sflag:s22] =	dma.local [hbm:s4], s20  }
0x9e: {  	_ =	swait.ge [sflag:s22], s20  }
0x9f: {  	s3 =	ssub.s32 $0x0, s20;
	[sflag:s22] =	ssyncset.done $0x0  }
0xa0: {  	[sflag:s22] =	ssyncadd.s32 s3;
	_ =	sdelay $0x1  }
0xa1: {  	s23 =	simm.s32 $0x1B8B  }
0xa2: {  	_ =	swait.ge [sflag:s23], $0x1  }
0xa3: {  	[sflag:s23] =	ssyncset.done $0x0  }
0xa4: {  	s25 =	simm.s32 $0x1B8E;
	s24 =	sld [smem:$0x3FFE];
	[sflag:s23] =	ssyncadd.s32 $0xFFFFFFFF  }
0xa5: {  	s26 =	simm.s32 $execute0_lowered;
	[smem:$0x3FD2] =	sst s25  }
0xa6: {  	s4 =	sshll.u32 s26, $0x1;
	_ =	strace $0x8000004C;
	[dreg:$0x1] =	wrdreg $0xFFFFFFFF  }
0xa7: {  	s28 =	simm.s32 $_size_execute0_lowered;
	s2 =	sadd.s32 s2, s4;
	[dreg:$0x0] =	wrdreg $0x0  }
0xa8: {  	s4 =	sshll.u32 s28, $0x1;
	[dreg:$0x2] =	wrdreg s2  }
0xa9: {  	[dreg:$0x3] =	wrdreg s4  }
0xaa: {  	[dreg:$0x4] =	wrdreg $0xC0  }
0xab: {  	_ =	task [dreg:s6], $0x5FFFF  }
0xac: {  	[dreg:$0x1] =	wrdreg $0xFFFFFFFF  }
0xad: {  	[dreg:$0x0] =	wrdreg $0x60  }
0xae: {  	[dreg:$0x2] =	wrdreg s24  }
0xaf: {  	[dreg:$0x3] =	wrdreg $0x9  }
0xb0: {  	_ =	task.clear_ibuf [dreg:s6], $0x4FFFF;
	_ =	strace $0x9000004C  }
0xb1: {  	s29 =	simm.s32 $0x9;
	_ =	strace $0x8000004E  }
0xb2: {  	_ =	swait.ge [sflag:s29], $0x1  }
0xb3: {  	[sflag:s29] =	ssyncadd.s32 $0xFFFFFFFF  }
0xb4: {  	_ =	strace $0x9000004E  }
0xb5: {  	_ =	sfence  }
0xb6: {  	s30 =	sld [smem:$0x0];
	_ =	sdelay $0x2  }
0xb7: {  	s31 =	sshll.u32 s1, $0xD;
	s1 =	sshrl.u32 s1, $0x2  }
0xb8: {  	s3 =	sand.u32 $0x4000, s31;
	s1 =	sadd.s32 s1, s30  }
0xb9: {  	s0 =	sor.u32 s3, s0;
	s1 =	sshll.u32 s1, $0x11  }
0xba: {  	s0 =	sor.u32 s1, s0  }
0xbb: {  	s0 =	sadd.s32 $0x8F2B, s0  }
0xbc: {  	[sflag:s0] =	ssyncadd.remote.s32 $0x1  }
0xbd: {  	_ =	sfence.sel $0xFFFF  }
0xbe: {  	[dreg:$0x0] =	wrdreg $0xFFFFFFFF;
	(pc) =	sbr.abs _section_cstart, $3  }
0xbf: {  	[dreg:$0x1] =	wrdreg $0xFFFFFFFF  }
0xc0: {  	_ =	task.clear_ibuf [dreg:s6], $0x2FFFF;
	_ =	strace $0x9FFFFFFF  }
0xc1: {  	(tm) =	ssettm $0x7FFFFFFF  }
tec
execute0_lowered:
.L_overlay_start_1:
0x0: {  	(tag) =	ssettag $0x1  }
0x1: {  	s1 =	srdreg.scid  }
0x2: {  	s0 =	stileid.u32;
	s2 =	rddreg [dreg:$0x0];
	s6 =	simm.s32 $0x1  }
0x3: {  	s9 =	simm.s32 $0x1;
	s10 =	simm.s32 $0x3;
	s1 =	sshll.u32 s1, $0x6  }
0x4: {  	s13 =	simm.s32 $0x0;
	s3 =	sshll.u32 s0, $0x7;
	s4 =	sand.u32 $0x40, s1  }
0x5: {  	s12 =	simm.s32 $0x0;
	s5 =	sadd.s32 $0x400, s2;
	s3 =	sor.u32 s3, s4  }
0x6: {  	s1 =	rddreg [dreg:$0x1];
	_ =	strace $0x8000004D;
	s8 =	ssub.s32 $0x1000, s3  }
.Ltmp0:
0x7: {  	s4 =	sadd.s32 $0xA00, s2;
	s7 =	sand.u32 $0x7C0, s8;
	(pc) =	sbr.rel .LBB2_1-.Ltmp0, $4  }
0x8: {  	[sflag:s6] =	ssyncpa.u1 $0x0;
	s11 =	smov.u32 s3;
	p0 =	sne.s32 s7, $0x0  }
0x9: {  	s8 =	sshrl.u32 s8, $0xB;
	s7 =	simm.s32 $0x2;
	s9 =	simm.s32 @!p0 $0x0  }
0xa: {  	[sflag:s7] =	ssyncpa.u1 $0x0;
	p0 =	por $0x0, $0x0;
	s8 =	sadd.s32 s9, s8  }
0xb: {  	vm0 =	vmmov $0xffff;
	[sflag:s10] =	ssyncpa.u1 $0x0;
	s10 =	simm.s32 $0x0;
	s9 =	sadd.s32 $0x1, s8  }
.LBB2_4:
0xc: {  	v2 =	vnsel vm1, $0x0, v2  }
0xd: {  	vm1 =	vgt.s32 v0, $0x0;
	v2 =	vmin.u32 v2, $0xFFF  }
0xe: {  	v0 =	vnsel vm1, $0x0, v0  }
0xf: {  	v0 =	vmin.u32 v0, $0xFFF  }
0x10: {  	[tilespmem:s15], [sflag:$0x1] =	stream.indirect_vreg.gather [hbm4b:s4+s10], $0x1, v1, vm0, $0x4038;
	[tilespmem:$0x100] =	vst v63  }
0x11: {  	(ifvalue) =	ssetifvalue $0x7FFFFFFF  }
0x12: {  	[tilespmem:s16], [sflag:$0x1] =	stream.indirect_vreg.gather [hbm4b:s4+s10], $0x1, v2, vm0, $0x4038;
	[tilespmem:$0x100] =	vst v63  }
0x13: {  	s29 =	sadd.s32 $0x10, s16;
	(ifvalue) =	ssetifvalue $0x7FFFFFFF  }
0x14: {  	[tilespmem:s29], [sflag:$0x1] =	stream.indirect_vreg.gather [hbm4b:s4+s10], $0x1, v0, vm0, $0x4038;
	[tilespmem:$0x100] =	vst v63  }
0x15: {  	_ =	swait.ge [sflag:s6], $0x40  }
0x16: {  	s30 =	sshrl.u32 s13, $0x3;
	[sflag:s6] =	ssyncset.done $0x0  }
0x17: {  	s31 =	sand.u32 $0x7, s13;
	s15 =	sadd.s32 s2, s30;
	[sflag:s6] =	ssyncadd.s32 $0xFFFFFFC0  }
0x18: {  	[hbm4b:s15+s31] =	stream.linear.scatter [tilespmem:s14], [sflag:$0x3], $0x40, $0x38;
	[tilespmem:$0x100] =	vst v63  }
.LBB2_5:
0x19: {  	s15 =	sadd.s32 $0x800, s11  }
0x1a: {  	p2 =	sgt.s32 s15, $0xFFF  }
0x1b: {  	s15 =	smov.u32 @p2 s3;
	p2 =	sne.s32 s12, s9  }
.Ltmp1:
0x1c: {  	p1 =	slt.u32 s12, $0x2;
	(pc) =	sbr.rel @!p2 .LBB2_6-.Ltmp1, $4  }
0x1d: {  	s14 =	simm.s32 @!p1 $0x3  }
0x1e: {  	s16 =	sadd.s32 $0x1, s12;
	_ =	swait.ge @!p1 [sflag:s14], $0x40  }
0x1f: {  	s13 =	smov.u32 s11;
	p0 =	por !p0, !p0;
	[sflag:s14] =	ssyncset.done @!p1 $0x0  }
0x20: {  	s12 =	smov.u32 s16;
	s11 =	smov.u32 s15;
	[sflag:s14] =	ssyncadd.s32 @!p1 $0xFFFFFFC0  }
.LBB2_1:
0x21: {  	p1 =	sge.u32 s12, s8  }
0x22: {  	s14 =	sxor.u32 @!p1 $0xFFFFFFFF, s12  }
0x23: {  	s31 =	sadd.s32 $0xFFFFFFFF, s12;
	s15 =	sshrl.u32 @!p1 s11, $0x3;
	s14 =	sshll.u32 @!p1 s14, $0x6  }
0x24: {  	s16 =	sand.u32 @!p1 $0x7, s11;
	s15 =	sadd.s32 @!p1 s5, s15;
	s14 =	sand.u32 @!p1 $0x40, s14  }
0x25: {  	[tilespmem:s14], [sflag:$0x2] =	stream.linear.gather @!p1 [hbm4b:s15+s16], $0x40, $0x38;
	[tilespmem:$0x100] =	vst v63  }
0x26: {  	p1 =	sge.u32 s31, s8  }
.Ltmp2:
0x27: {  	_ = 	snop;
	(pc) =	sbr.rel @p1 .LBB2_5-.Ltmp2, $1  }
0x28: {  	_ =	sdelay $0x3  }
0x29: {  	s14 =	simm.s32 $0x1  }
0x2a: {  	_ =	swait.ge [sflag:s7], $0x40;
	s14 =	simm.s32 @!p0 $0x0  }
0x2b: {  	[sflag:s7] =	ssyncset.done $0x0;
	s14 =	sshll.u32 s14, $0x6  }
0x2c: {  	[sflag:s7] =	ssyncadd.s32 $0xFFFFFFC0;
	(ifvalue) =	ssetifvalue $0x7FFFFFFF;
	v0 =	vld.msk [tilespmem:s14+$0x0 ss:$0x1], $0xffff;
	_ =	sdelay $0x4  }
0x2d: {  	s15 =	sadd.s32 $0x10, s14;
	vm1 =	vgt.s32 v0, $0x0  }
0x2e: {  	v2 =	vld.msk [tilespmem:s15+$0x0 ss:$0x1], $0xffff;
	v1 =	vnsel vm1, $0x0, v0  }
0x2f: {  	v1 =	vmin.u32 v1, $0xFFF;
	_ =	sdelay $0x1  }
0x30: {  	s16 =	sshll.u32 s12, $0x6;
	s18 =	simm.s32 $0x20  }
0x31: {  	s16 =	sand.u32 $0x40, s16;
	s17 =	sadd.s32 $0x10, s15;
	s15 =	sor.u32 $0x80, s14  }
0x32: {  	s14 =	sor.u32 $0x80, s16;
	s16 =	sadd.s32 $0x10, s15;
	v0 =	vld.msk [tilespmem:s17+$0x0 ss:$0x1], $0xffff;
	vm1 =	vgt.s32 v2, $0x0;
	(ifvalue) =	ssetifvalue $0x7FFFFFFF  }
.LBB2_3:
0x33: {  	[tilespmem:s15], [sflag:$0x1] =	stream.indirect_vreg.gather [hbm4b:s4+s10], $0x1, v1, vm0, $0x4038;
	[tilespmem:$0x100] =	vst v63  }
0x34: {  	s18 =	sadd.s32 $0x10, s18  }
0x35: {  	v2 =	vnsel vm1, $0x0, v2;
	p1 =	slt.u32 s18, $0x30  }
.Ltmp3:
0x36: {  	s15 =	smov.u32 s16;
	v1 =	vmin.u32 v2, $0xFFF;
	(pc) =	sbr.rel @p1 .LBB2_3-.Ltmp3, $3  }
0x37: {  	_ =	sdelay $0x1  }
0x38: {  	s17 =	sadd.s32 $0x10, s17  }
0x39: {  	vm1 =	vgt.s32 v0, $0x0;
	s16 =	sadd.s32 $0x10, s16;
	v2 =	vmov v0;
	(ifvalue) =	ssetifvalue $0x7FFFFFFF;
	v0 =	vld.msk [tilespmem:s17+$0x0 ss:$0x1], $0xffff  }
.Ltmp4:
0x3a: {  	_ = 	snop;
	(pc) =	sbr.rel .LBB2_4-.Ltmp4, $1  }
0x3b: {  	_ =	sdelay $0x3  }
.LBB2_6:
0x3c: {  	_ =	sfence.sel $0x180000  }
0x3d: {  	s2 =	simm.s32 $0x2;
	[bflag:$0x0] =	sbarrier.arrive $0xFFFF  }
0x3e: {  	s30 =	simm.s32 $0x3;
	[sflag:s2] =	ssyncpa.u1 $0x1  }
0x3f: {  	s31 =	simm.s32 $0x1;
	[sflag:s30] =	ssyncpa.u1 $0x1  }
0x40: {  	[sflag:s31] =	ssyncpa.u1 $0x1  }
0x41: {  	p0 =	sne.s32 s0, $0x0;
	_ =	strace $0x9000004D  }
0x42: {  	s0 =	sadd.s32 @!p0 $0x100000, s1;
	[bflag:$0x2] =	sbarrier.arrive $0xFFFF  }
0x43: {  	[sflag:s0] =	ssyncadd.tile.s32 @!p0 $0x1;
	_ =	shalt  }
.Lfunc_end2:
_tile_overlayer_lowered:
.L_overlay_start_2:
0x44: {  	(tag) =	ssettag $0x2  }
0x45: {  	s0 =	rddreg [dreg:$0x0];
	s2 =	stileid.u32  }
0x46: {  	s1 =	rddreg [dreg:$0x1];
	p0 =	sne.s32 s2, $0x0  }
0x47: {  	s3 =	rddreg [dreg:$0x2];
	[bflag:$0x3] =	sbarrier.arrive $0xFFFF;
	s2 =	simm.s32 @!p0 $0x1C01  }
0x48: {  	[timem:s3], [sflag:s2] =	dma.local @!p0 [hbm:s0], s1  }
0x49: {  	s0 =	simm.s32 @!p0 $0x1  }
0x4a: {  	_ =	swait.ge @!p0 [sflag:s0], s1  }
0x4b: {  	s1 =	ssub.s32 @!p0 $0x0, s1;
	[sflag:s0] =	ssyncset.done @!p0 $0x0  }
0x4c: {  	[sflag:s0] =	ssyncadd.s32 @!p0 s1  }
0x4d: {  	[bflag:$0x3] =	sbarrier.arrive $0xFFFF  }
0x4e: {  	_ =	shalt  }

// kernel: gather_offload_async_start
scs
__scs_entry_jumppad:
0x0: {  	(pc) =	sbr.rel $0x88, $3  }
0x1: {  	(tag) =	ssettag $0x0;
	lr =	simm.s32 $0x1  }
0x2: {  	[smem:$0x3F98] =	sst lr;
	_ =	strace $0xD0000000  }
0x3: {  	_ = 	snop  }
0x4: {  	_ = 	snop  }
0x5: {  	_ = 	snop  }
0x6: {  	_ = 	snop  }
0x7: {  	_ = 	snop  }
__scs_overlays_trampoline_lowered:
0x8: {  	[smem:$0x3FA7] =	sst s0  }
0x9: {  	[smem:$0x3FA8] =	sst s1  }
0xa: {  	[smem:$0x3FA9] =	sst s2  }
0xb: {  	[smem:$0x3FAA] =	sst s3  }
0xc: {  	[smem:$0x3FAB] =	sst s4  }
0xd: {  	[smem:$0x3FAC] =	sst s5  }
0xe: {  	[smem:$0x3FAD] =	sst s6  }
0xf: {  	[smem:$0x3FAE] =	sst s7  }
0x10: {  	[smem:$0x3FAF] =	sst s8  }
0x11: {  	[smem:$0x3FB0] =	sst s9;
	s0 =	simm.s32 @!p0 $0x0  }
0x12: {  	s1 =	sld [smem:$0x3F96];
	s0 =	simm.s32 @p0 $0x1  }
0x13: {  	[smem:$0x3FB1] =	sst s0;
	s0 =	simm.s32 @!p1 $0x0  }
0x14: {  	s2 =	sld [smem:$0x3F95];
	s0 =	simm.s32 @p1 $0x1  }
0x15: {  	[smem:$0x3FB2] =	sst s0;
	s0 =	simm.s32 @!p2 $0x0  }
0x16: {  	s3 =	sld [smem:$0x3FDB];
	s0 =	simm.s32 @p2 $0x1  }
0x17: {  	s4 =	simm.s32 $0x1BF5;
	[smem:$0x3FB4] =	sst s0  }
0x18: {  	s0 =	sld [smem:$0x3F97];
	_ =	swait.ge [sflag:s4], $0x0  }
0x19: {  	s7 =	sld [smem:$0x3F98]  }
0x1a: {  	s8 =	sadd.s32 $0xFFFFE003, lr  }
0x1b: {  	s9 =	sadd.s32 $0xFFFFFEF7, lr;
	s5 =	simm.s32 $0xFFFFFFFF;
	p2 =	slt.u32 s8, $0xFFFFF086  }
0x1c: {  	p1 =	slt.u32 s9, $0xF7A;
	s5 =	simm.s32 @!p2 $0x0  }
0x1d: {  	s5 =	simm.s32 @p1 $0x1;
	p0 =	seq.s32 s7, s2  }
0x1e: {  	s7 =	smul.u32 @!p0 $0xF7A, s2;
	p2 =	seq.s32 @!p0 s5, $0x0  }
0x1f: {  	s9 =	smul.u32 $0xF7A, s1;
	s8 =	simm.s32 @!p0 $0x1BF5;
	p2 =	por !p2, p0  }
0x20: {  	[sflag:s8] =	ssyncset.s32 @!p0 $0xFFFFF086;
	s6 =	sadd.s32 @!p0 s3, s7;
	s7 =	simm.s32 @!p0 $0x108  }
0x21: {  	s3 =	sadd.s32 s3, s9;
	s6 =	sadd.s32 @!p0 $0x88, s6;
	s7 =	simm.s32 @p2 $0x1082  }
0x22: {  	[simem:s7], [sflag:s8] =	dma.local @!p0 [hbm:s6], $0xF7A  }
0x23: {  	s9 =	sor.u32 $0xD0000000, s2;
	s6 =	simm.s32 $0x108;
	_ =	swait.ge @!p0 [sflag:s8], $0x0  }
0x24: {  	s3 =	sadd.s32 $0x88, s3;
	s6 =	simm.s32 @!p1 $0x1082;
	[sflag:s4] =	ssyncset.s32 $0xFFFFF086  }
0x25: {  	[simem:s6], [sflag:s4] =	dma.local [hbm:s3], $0xF7A  }
0x26: {  	[smem:$0x3F98] =	sst s1;
	(tag) =	ssettag s2;
	_ =	strace s9  }
0x27: {  	s1 =	sld [smem:$0x3FA8]  }
0x28: {  	s2 =	sld [smem:$0x3FA9]  }
0x29: {  	s4 =	sld [smem:$0x3FAB]  }
0x2a: {  	p0 =	seq.s32 s5, $0x0;
	s5 =	sld [smem:$0x3FAC]  }
0x2b: {  	s6 =	sld [smem:$0x3FAD]  }
0x2c: {  	s7 =	sld [smem:$0x3FAE]  }
0x2d: {  	s3 =	simm.s32 $0x108;
	s8 =	sld [smem:$0x3FAF]  }
0x2e: {  	s3 =	simm.s32 @!p0 $0x1082;
	s9 =	sld [smem:$0x3FB0]  }
0x2f: {  	lr =	sadd.s32 s0, s3;
	s0 =	sld [smem:$0x3FA7]  }
0x30: {  	s3 =	sld [smem:$0x3FAA]  }
0x31: {  	[smem:$0x3FB3] =	sst s10  }
0x32: {  	s10 =	sld [smem:$0x3FB1];
	_ =	sdelay $0x3  }
0x33: {  	p0 =	seq.s32 s10, $0x1;
	s10 =	sld [smem:$0x3FB3];
	_ =	sdelay $0x3  }
0x34: {  	[smem:$0x3FB3] =	sst s10  }
0x35: {  	s10 =	sld [smem:$0x3FB2];
	_ =	sdelay $0x3  }
0x36: {  	p1 =	seq.s32 s10, $0x1;
	s10 =	sld [smem:$0x3FB3];
	_ =	sdelay $0x3  }
0x37: {  	[smem:$0x3FB3] =	sst s10  }
0x38: {  	s10 =	sld [smem:$0x3FB4]  }
0x39: {  	_ = 	snop;
	(pc) =	sbr.ind lr, $3  }
0x3a: {  	_ = 	snop  }
0x3b: {  	_ = 	snop  }
0x3c: {  	p2 =	seq.s32 s10, $0x1;
	s10 =	sld [smem:$0x3FB3]  }
0x3d: {  	_ =	shalt  }
0x3e: {  	_ =	shalt  }
0x3f: {  	_ =	shalt  }
0x40: {  	_ =	shalt  }
0x41: {  	_ =	shalt  }
0x42: {  	_ =	shalt  }
0x43: {  	_ =	shalt  }
0x44: {  	_ =	shalt  }
0x45: {  	_ =	shalt  }
0x46: {  	_ =	shalt  }
0x47: {  	_ =	shalt  }
0x48: {  	_ =	shalt  }
0x49: {  	_ =	shalt  }
0x4a: {  	_ =	shalt  }
0x4b: {  	_ =	shalt  }
0x4c: {  	_ =	shalt  }
0x4d: {  	_ =	shalt  }
0x4e: {  	_ =	shalt  }
0x4f: {  	_ =	shalt  }
0x50: {  	_ =	shalt  }
0x51: {  	_ =	shalt  }
0x52: {  	_ =	shalt  }
0x53: {  	_ =	shalt  }
0x54: {  	_ =	shalt  }
0x55: {  	_ =	shalt  }
0x56: {  	_ =	shalt  }
0x57: {  	_ =	shalt  }
0x58: {  	_ =	shalt  }
0x59: {  	_ =	shalt  }
0x5a: {  	_ =	shalt  }
0x5b: {  	_ =	shalt  }
0x5c: {  	_ =	shalt  }
0x5d: {  	_ =	shalt  }
0x5e: {  	_ =	shalt  }
0x5f: {  	_ =	shalt  }
0x60: {  	_ =	shalt  }
0x61: {  	_ =	shalt  }
0x62: {  	_ =	shalt  }
0x63: {  	_ =	shalt  }
0x64: {  	_ =	shalt  }
0x65: {  	_ =	shalt  }
0x66: {  	_ =	shalt  }
0x67: {  	_ =	shalt  }
0x68: {  	_ =	shalt  }
0x69: {  	_ =	shalt  }
0x6a: {  	_ =	shalt  }
0x6b: {  	_ =	shalt  }
0x6c: {  	_ =	shalt  }
0x6d: {  	_ =	shalt  }
0x6e: {  	_ =	shalt  }
0x6f: {  	_ =	shalt  }
0x70: {  	_ =	shalt  }
0x71: {  	_ =	shalt  }
0x72: {  	_ =	shalt  }
0x73: {  	_ =	shalt  }
0x74: {  	_ =	shalt  }
0x75: {  	_ =	shalt  }
0x76: {  	_ =	shalt  }
0x77: {  	_ =	shalt  }
0x78: {  	_ =	shalt  }
0x79: {  	_ =	shalt  }
0x7a: {  	_ =	shalt  }
0x7b: {  	_ =	shalt  }
0x7c: {  	_ =	shalt  }
0x7d: {  	_ =	shalt  }
0x7e: {  	_ =	shalt  }
0x7f: {  	_ =	shalt  }
0x80: {  	_ =	shalt  }
0x81: {  	_ =	shalt  }
0x82: {  	_ =	shalt  }
0x83: {  	_ =	shalt  }
0x84: {  	_ =	shalt  }
0x85: {  	_ =	shalt  }
0x86: {  	_ =	shalt  }
0x87: {  	_ =	shalt  }
.Lfunc_end0:
.L_simem_size_0:
called_computation.1_lowered:
.L_overlay_start_0:
0x88: {  	s2 =	sld [smem:$0x3FD9]  }
0x89: {  	s3 =	sld [smem:$0x3FFE];
	_ =	sdelay $0x1  }
0x8a: {  	s1 =	srdreg.scid  }
0x8b: {  	s0 =	sand.u32 $0x1, s1  }
0x8c: {  	s16 =	sshll.u32 s0, $0xA;
	s2 =	sadd.s32 s3, s2  }
0x8d: {  	s2 =	sadd.s32 s2, s16  }
0x8e: {  	[smem:$0x3FBF] =	sst s2  }
0x8f: {  	_ = 	snop  }
0x90: {  	(tm) =	ssettm $0x1  }
0x91: {  	s17 =	sld [smem:$0x3FFB];
	_ =	sdelay $0x3  }
0x92: {  	_ =	strace s17  }
0x93: {  	s2 =	sld [smem:$0x3FFC];
	_ =	sdelay $0x3  }
0x94: {  	_ =	strace s2  }
0x95: {  	s2 =	sld [smem:$0x3FFD];
	_ =	sdelay $0x3  }
0x96: {  	_ =	strace s2  }
0x97: {  	_ =	strace $0x8FFFFFFF  }
0x98: {  	s18 =	sld [smem:$0x3FDB];
	_ =	sdelay $0x1  }
0x99: {  	s19 =	simm.s32 $_scs_section_size  }
0x9a: {  	s4 =	simm.s32 $_size__tile_overlayer_lowered;
	s5 =	simm.s32 $_tile_overlayer_lowered  }
0x9b: {  	s22 =	simm.s32 $0x1BFF;
	s21 =	sshll.u32 s5, $0x1;
	s2 =	sadd.s32 s19, s18  }
0x9c: {  	s6 =	simm.s32 $0x0;
	s20 =	sshll.u32 s4, $0x1;
	s4 =	sadd.s32 s21, s2  }
0x9d: {  	[timem:s6], [sflag:s22] =	dma.local [hbm:s4], s20  }
0x9e: {  	_ =	swait.ge [sflag:s22], s20  }
0x9f: {  	s3 =	ssub.s32 $0x0, s20;
	[sflag:s22] =	ssyncset.done $0x0  }
0xa0: {  	[sflag:s22] =	ssyncadd.s32 s3;
	_ =	sdelay $0x1  }
0xa1: {  	s23 =	simm.s32 $0x1B8B  }
0xa2: {  	_ =	swait.ge [sflag:s23], $0x1  }
0xa3: {  	[sflag:s23] =	ssyncset.done $0x0  }
0xa4: {  	s25 =	simm.s32 $0x1B8E;
	s24 =	sld [smem:$0x3FFE];
	[sflag:s23] =	ssyncadd.s32 $0xFFFFFFFF  }
0xa5: {  	s26 =	simm.s32 $execute0_lowered;
	[smem:$0x3FD2] =	sst s25  }
0xa6: {  	s4 =	sshll.u32 s26, $0x1;
	_ =	strace $0x80000049;
	[dreg:$0x1] =	wrdreg $0xFFFFFFFF  }
0xa7: {  	s28 =	simm.s32 $_size_execute0_lowered;
	s2 =	sadd.s32 s2, s4;
	[dreg:$0x0] =	wrdreg $0x0  }
0xa8: {  	s4 =	sshll.u32 s28, $0x1;
	[dreg:$0x2] =	wrdreg s2  }
0xa9: {  	[dreg:$0x3] =	wrdreg s4  }
0xaa: {  	[dreg:$0x4] =	wrdreg $0xC0  }
0xab: {  	_ =	task [dreg:s6], $0x5FFFF  }
0xac: {  	[dreg:$0x1] =	wrdreg $0xFFFFFFFF  }
0xad: {  	[dreg:$0x0] =	wrdreg $0x60  }
0xae: {  	[dreg:$0x2] =	wrdreg s24  }
0xaf: {  	[dreg:$0x3] =	wrdreg $0x9  }
0xb0: {  	_ =	task.clear_ibuf [dreg:s6], $0x4FFFF;
	_ =	strace $0x90000049  }
0xb1: {  	s29 =	simm.s32 $0x9;
	_ =	strace $0x8000004B  }
0xb2: {  	_ =	swait.ge [sflag:s29], $0x1  }
0xb3: {  	[sflag:s29] =	ssyncadd.s32 $0xFFFFFFFF  }
0xb4: {  	_ =	strace $0x9000004B  }
0xb5: {  	_ =	sfence  }
0xb6: {  	s30 =	sld [smem:$0x0];
	_ =	sdelay $0x2  }
0xb7: {  	s31 =	sshll.u32 s1, $0xD;
	s1 =	sshrl.u32 s1, $0x2  }
0xb8: {  	s3 =	sand.u32 $0x4000, s31;
	s1 =	sadd.s32 s1, s30  }
0xb9: {  	s0 =	sor.u32 s3, s0;
	s1 =	sshll.u32 s1, $0x11  }
0xba: {  	s0 =	sor.u32 s1, s0  }
0xbb: {  	s0 =	sadd.s32 $0x8F2B, s0  }
0xbc: {  	[sflag:s0] =	ssyncadd.remote.s32 $0x1  }
0xbd: {  	_ =	sfence.sel $0xFFFF  }
0xbe: {  	[dreg:$0x0] =	wrdreg $0xFFFFFFFF;
	(pc) =	sbr.abs _section_cstart, $3  }
0xbf: {  	[dreg:$0x1] =	wrdreg $0xFFFFFFFF  }
0xc0: {  	_ =	task.clear_ibuf [dreg:s6], $0x2FFFF;
	_ =	strace $0x9FFFFFFF  }
0xc1: {  	(tm) =	ssettm $0x7FFFFFFF  }
tec
execute0_lowered:
.L_overlay_start_1:
0x0: {  	(tag) =	ssettag $0x1  }
0x1: {  	s1 =	srdreg.scid  }
0x2: {  	s0 =	stileid.u32;
	s2 =	rddreg [dreg:$0x0];
	s6 =	simm.s32 $0x1  }
0x3: {  	s9 =	simm.s32 $0x1;
	s10 =	simm.s32 $0x3;
	s1 =	sshll.u32 s1, $0x6  }
0x4: {  	s13 =	simm.s32 $0x0;
	s3 =	sshll.u32 s0, $0x7;
	s4 =	sand.u32 $0x40, s1  }
0x5: {  	s12 =	simm.s32 $0x0;
	s5 =	sadd.s32 $0x4800, s2;
	s3 =	sor.u32 s3, s4  }
0x6: {  	s1 =	rddreg [dreg:$0x1];
	_ =	strace $0x8000004A;
	s8 =	ssub.s32 $0x1000, s3  }
.Ltmp0:
0x7: {  	s4 =	sadd.s32 $0x400, s2;
	s7 =	sand.u32 $0x7C0, s8;
	(pc) =	sbr.rel .LBB2_1-.Ltmp0, $4  }
0x8: {  	[sflag:s6] =	ssyncpa.u1 $0x0;
	s11 =	smov.u32 s3;
	p0 =	sne.s32 s7, $0x0  }
0x9: {  	s8 =	sshrl.u32 s8, $0xB;
	s7 =	simm.s32 $0x2;
	s9 =	simm.s32 @!p0 $0x0  }
0xa: {  	[sflag:s7] =	ssyncpa.u1 $0x0;
	p0 =	por $0x0, $0x0;
	s8 =	sadd.s32 s9, s8  }
0xb: {  	vm0 =	vmmov $0xffff;
	[sflag:s10] =	ssyncpa.u1 $0x0;
	s10 =	simm.s32 $0x0;
	s9 =	sadd.s32 $0x1, s8  }
.LBB2_4:
0xc: {  	v2 =	vnsel vm1, $0x0, v2  }
0xd: {  	vm1 =	vgt.s32 v0, $0x0;
	v2 =	vmin.u32 v2, $0xFFF  }
0xe: {  	v0 =	vnsel vm1, $0x0, v0  }
0xf: {  	v0 =	vmin.u32 v0, $0xFFF  }
0x10: {  	[tilespmem:s15], [sflag:$0x1] =	stream.indirect_vreg.gather [hbm4b:s2+s10], $0x1, v1, vm0, $0x4038;
	[tilespmem:$0x100] =	vst v63  }
0x11: {  	(ifvalue) =	ssetifvalue $0x7FFFFFFF  }
0x12: {  	[tilespmem:s16], [sflag:$0x1] =	stream.indirect_vreg.gather [hbm4b:s2+s10], $0x1, v2, vm0, $0x4038;
	[tilespmem:$0x100] =	vst v63  }
0x13: {  	s29 =	sadd.s32 $0x10, s16;
	(ifvalue) =	ssetifvalue $0x7FFFFFFF  }
0x14: {  	[tilespmem:s29], [sflag:$0x1] =	stream.indirect_vreg.gather [hbm4b:s2+s10], $0x1, v0, vm0, $0x4038;
	[tilespmem:$0x100] =	vst v63  }
0x15: {  	_ =	swait.ge [sflag:s6], $0x40  }
0x16: {  	s30 =	sshrl.u32 s13, $0x3;
	[sflag:s6] =	ssyncset.done $0x0  }
0x17: {  	s31 =	sand.u32 $0x7, s13;
	s15 =	sadd.s32 s5, s30;
	[sflag:s6] =	ssyncadd.s32 $0xFFFFFFC0  }
0x18: {  	[hbm4b:s15+s31] =	stream.linear.scatter [tilespmem:s14], [sflag:$0x3], $0x40, $0x38;
	[tilespmem:$0x100] =	vst v63  }
.LBB2_5:
0x19: {  	s15 =	sadd.s32 $0x800, s11  }
0x1a: {  	p2 =	sgt.s32 s15, $0xFFF  }
0x1b: {  	s15 =	smov.u32 @p2 s3;
	p2 =	sne.s32 s12, s9  }
.Ltmp1:
0x1c: {  	p1 =	slt.u32 s12, $0x2;
	(pc) =	sbr.rel @!p2 .LBB2_6-.Ltmp1, $4  }
0x1d: {  	s14 =	simm.s32 @!p1 $0x3  }
0x1e: {  	s16 =	sadd.s32 $0x1, s12;
	_ =	swait.ge @!p1 [sflag:s14], $0x40  }
0x1f: {  	s13 =	smov.u32 s11;
	p0 =	por !p0, !p0;
	[sflag:s14] =	ssyncset.done @!p1 $0x0  }
0x20: {  	s12 =	smov.u32 s16;
	s11 =	smov.u32 s15;
	[sflag:s14] =	ssyncadd.s32 @!p1 $0xFFFFFFC0  }
.LBB2_1:
0x21: {  	p1 =	sge.u32 s12, s8  }
0x22: {  	s14 =	sxor.u32 @!p1 $0xFFFFFFFF, s12  }
0x23: {  	s31 =	sadd.s32 $0xFFFFFFFF, s12;
	s15 =	sshrl.u32 @!p1 s11, $0x3;
	s14 =	sshll.u32 @!p1 s14, $0x6  }
0x24: {  	s16 =	sand.u32 @!p1 $0x7, s11;
	s15 =	sadd.s32 @!p1 s4, s15;
	s14 =	sand.u32 @!p1 $0x40, s14  }
0x25: {  	[tilespmem:s14], [sflag:$0x2] =	stream.linear.gather @!p1 [hbm4b:s15+s16], $0x40, $0x38;
	[tilespmem:$0x100] =	vst v63  }
0x26: {  	p1 =	sge.u32 s31, s8  }
.Ltmp2:
0x27: {  	_ = 	snop;
	(pc) =	sbr.rel @p1 .LBB2_5-.Ltmp2, $1  }
0x28: {  	_ =	sdelay $0x3  }
0x29: {  	s14 =	simm.s32 $0x1  }
0x2a: {  	_ =	swait.ge [sflag:s7], $0x40;
	s14 =	simm.s32 @!p0 $0x0  }
0x2b: {  	[sflag:s7] =	ssyncset.done $0x0;
	s14 =	sshll.u32 s14, $0x6  }
0x2c: {  	[sflag:s7] =	ssyncadd.s32 $0xFFFFFFC0;
	(ifvalue) =	ssetifvalue $0x7FFFFFFF;
	v0 =	vld.msk [tilespmem:s14+$0x0 ss:$0x1], $0xffff;
	_ =	sdelay $0x4  }
0x2d: {  	s15 =	sadd.s32 $0x10, s14;
	vm1 =	vgt.s32 v0, $0x0  }
0x2e: {  	v2 =	vld.msk [tilespmem:s15+$0x0 ss:$0x1], $0xffff;
	v1 =	vnsel vm1, $0x0, v0  }
0x2f: {  	v1 =	vmin.u32 v1, $0xFFF;
	_ =	sdelay $0x1  }
0x30: {  	s16 =	sshll.u32 s12, $0x6;
	s18 =	simm.s32 $0x20  }
0x31: {  	s16 =	sand.u32 $0x40, s16;
	s17 =	sadd.s32 $0x10, s15;
	s15 =	sor.u32 $0x80, s14  }
0x32: {  	s14 =	sor.u32 $0x80, s16;
	s16 =	sadd.s32 $0x10, s15;
	v0 =	vld.msk [tilespmem:s17+$0x0 ss:$0x1], $0xffff;
	vm1 =	vgt.s32 v2, $0x0;
	(ifvalue) =	ssetifvalue $0x7FFFFFFF  }
.LBB2_3:
0x33: {  	[tilespmem:s15], [sflag:$0x1] =	stream.indirect_vreg.gather [hbm4b:s2+s10], $0x1, v1, vm0, $0x4038;
	[tilespmem:$0x100] =	vst v63  }
0x34: {  	s18 =	sadd.s32 $0x10, s18  }
0x35: {  	v2 =	vnsel vm1, $0x0, v2;
	p1 =	slt.u32 s18, $0x30  }
.Ltmp3:
0x36: {  	s15 =	smov.u32 s16;
	v1 =	vmin.u32 v2, $0xFFF;
	(pc) =	sbr.rel @p1 .LBB2_3-.Ltmp3, $3  }
0x37: {  	_ =	sdelay $0x1  }
0x38: {  	s17 =	sadd.s32 $0x10, s17  }
0x39: {  	vm1 =	vgt.s32 v0, $0x0;
	s16 =	sadd.s32 $0x10, s16;
	v2 =	vmov v0;
	(ifvalue) =	ssetifvalue $0x7FFFFFFF;
	v0 =	vld.msk [tilespmem:s17+$0x0 ss:$0x1], $0xffff  }
.Ltmp4:
0x3a: {  	_ = 	snop;
	(pc) =	sbr.rel .LBB2_4-.Ltmp4, $1  }
0x3b: {  	_ =	sdelay $0x3  }
.LBB2_6:
0x3c: {  	_ =	sfence.sel $0x180000  }
0x3d: {  	s2 =	simm.s32 $0x2;
	[bflag:$0x0] =	sbarrier.arrive $0xFFFF  }
0x3e: {  	s30 =	simm.s32 $0x3;
	[sflag:s2] =	ssyncpa.u1 $0x1  }
0x3f: {  	s31 =	simm.s32 $0x1;
	[sflag:s30] =	ssyncpa.u1 $0x1  }
0x40: {  	[sflag:s31] =	ssyncpa.u1 $0x1  }
0x41: {  	p0 =	sne.s32 s0, $0x0;
	_ =	strace $0x9000004A  }
0x42: {  	s0 =	sadd.s32 @!p0 $0x100000, s1;
	[bflag:$0x2] =	sbarrier.arrive $0xFFFF  }
0x43: {  	[sflag:s0] =	ssyncadd.tile.s32 @!p0 $0x1;
	_ =	shalt  }
.Lfunc_end2:
_tile_overlayer_lowered:
.L_overlay_start_2:
0x44: {  	(tag) =	ssettag $0x2  }
0x45: {  	s0 =	rddreg [dreg:$0x0];
	s2 =	stileid.u32  }
0x46: {  	s1 =	rddreg [dreg:$0x1];
	p0 =	sne.s32 s2, $0x0  }
0x47: {  	s3 =	rddreg [dreg:$0x2];
	[bflag:$0x3] =	sbarrier.arrive $0xFFFF;
	s2 =	simm.s32 @!p0 $0x1C01  }
0x48: {  	[timem:s3], [sflag:s2] =	dma.local @!p0 [hbm:s0], s1  }
0x49: {  	s0 =	simm.s32 @!p0 $0x1  }
0x4a: {  	_ =	swait.ge @!p0 [sflag:s0], s1  }
0x4b: {  	s1 =	ssub.s32 @!p0 $0x0, s1;
	[sflag:s0] =	ssyncset.done @!p0 $0x0  }
0x4c: {  	[sflag:s0] =	ssyncadd.s32 @!p0 s1  }
0x4d: {  	[bflag:$0x3] =	sbarrier.arrive $0xFFFF  }
0x4e: {  	_ =	shalt  }

// kernel: kernel.10.cloned.1.call-start
scs
__scs_entry_jumppad:
0x0: {  	(pc) =	sbr.rel $0x88, $3  }
0x1: {  	(tag) =	ssettag $0x0;
	lr =	simm.s32 $0x1  }
0x2: {  	[smem:$0x3F98] =	sst lr;
	_ =	strace $0xD0000000  }
0x3: {  	_ = 	snop  }
0x4: {  	_ = 	snop  }
0x5: {  	_ = 	snop  }
0x6: {  	_ = 	snop  }
0x7: {  	_ = 	snop  }
__scs_overlays_trampoline_lowered:
0x8: {  	[smem:$0x3FA7] =	sst s0  }
0x9: {  	[smem:$0x3FA8] =	sst s1  }
0xa: {  	[smem:$0x3FA9] =	sst s2  }
0xb: {  	[smem:$0x3FAA] =	sst s3  }
0xc: {  	[smem:$0x3FAB] =	sst s4  }
0xd: {  	[smem:$0x3FAC] =	sst s5  }
0xe: {  	[smem:$0x3FAD] =	sst s6  }
0xf: {  	[smem:$0x3FAE] =	sst s7  }
0x10: {  	[smem:$0x3FAF] =	sst s8  }
0x11: {  	[smem:$0x3FB0] =	sst s9;
	s0 =	simm.s32 @!p0 $0x0  }
0x12: {  	s1 =	sld [smem:$0x3F96];
	s0 =	simm.s32 @p0 $0x1  }
0x13: {  	[smem:$0x3FB1] =	sst s0;
	s0 =	simm.s32 @!p1 $0x0  }
0x14: {  	s2 =	sld [smem:$0x3F95];
	s0 =	simm.s32 @p1 $0x1  }
0x15: {  	[smem:$0x3FB2] =	sst s0;
	s0 =	simm.s32 @!p2 $0x0  }
0x16: {  	s3 =	sld [smem:$0x3FDB];
	s0 =	simm.s32 @p2 $0x1  }
0x17: {  	s4 =	simm.s32 $0x1BF5;
	[smem:$0x3FB4] =	sst s0  }
0x18: {  	s0 =	sld [smem:$0x3F97];
	_ =	swait.ge [sflag:s4], $0x0  }
0x19: {  	s7 =	sld [smem:$0x3F98]  }
0x1a: {  	s8 =	sadd.s32 $0xFFFFE003, lr  }
0x1b: {  	s9 =	sadd.s32 $0xFFFFFEF7, lr;
	s5 =	simm.s32 $0xFFFFFFFF;
	p2 =	slt.u32 s8, $0xFFFFF086  }
0x1c: {  	p1 =	slt.u32 s9, $0xF7A;
	s5 =	simm.s32 @!p2 $0x0  }
0x1d: {  	s5 =	simm.s32 @p1 $0x1;
	p0 =	seq.s32 s7, s2  }
0x1e: {  	s7 =	smul.u32 @!p0 $0xF7A, s2;
	p2 =	seq.s32 @!p0 s5, $0x0  }
0x1f: {  	s9 =	smul.u32 $0xF7A, s1;
	s8 =	simm.s32 @!p0 $0x1BF5;
	p2 =	por !p2, p0  }
0x20: {  	[sflag:s8] =	ssyncset.s32 @!p0 $0xFFFFF086;
	s6 =	sadd.s32 @!p0 s3, s7;
	s7 =	simm.s32 @!p0 $0x108  }
0x21: {  	s3 =	sadd.s32 s3, s9;
	s6 =	sadd.s32 @!p0 $0x88, s6;
	s7 =	simm.s32 @p2 $0x1082  }
0x22: {  	[simem:s7], [sflag:s8] =	dma.local @!p0 [hbm:s6], $0xF7A  }
0x23: {  	s9 =	sor.u32 $0xD0000000, s2;
	s6 =	simm.s32 $0x108;
	_ =	swait.ge @!p0 [sflag:s8], $0x0  }
0x24: {  	s3 =	sadd.s32 $0x88, s3;
	s6 =	simm.s32 @!p1 $0x1082;
	[sflag:s4] =	ssyncset.s32 $0xFFFFF086  }
0x25: {  	[simem:s6], [sflag:s4] =	dma.local [hbm:s3], $0xF7A  }
0x26: {  	[smem:$0x3F98] =	sst s1;
	(tag) =	ssettag s2;
	_ =	strace s9  }
0x27: {  	s1 =	sld [smem:$0x3FA8]  }
0x28: {  	s2 =	sld [smem:$0x3FA9]  }
0x29: {  	s4 =	sld [smem:$0x3FAB]  }
0x2a: {  	p0 =	seq.s32 s5, $0x0;
	s5 =	sld [smem:$0x3FAC]  }
0x2b: {  	s6 =	sld [smem:$0x3FAD]  }
0x2c: {  	s7 =	sld [smem:$0x3FAE]  }
0x2d: {  	s3 =	simm.s32 $0x108;
	s8 =	sld [smem:$0x3FAF]  }
0x2e: {  	s3 =	simm.s32 @!p0 $0x1082;
	s9 =	sld [smem:$0x3FB0]  }
0x2f: {  	lr =	sadd.s32 s0, s3;
	s0 =	sld [smem:$0x3FA7]  }
0x30: {  	s3 =	sld [smem:$0x3FAA]  }
0x31: {  	[smem:$0x3FB3] =	sst s10  }
0x32: {  	s10 =	sld [smem:$0x3FB1];
	_ =	sdelay $0x3  }
0x33: {  	p0 =	seq.s32 s10, $0x1;
	s10 =	sld [smem:$0x3FB3];
	_ =	sdelay $0x3  }
0x34: {  	[smem:$0x3FB3] =	sst s10  }
0x35: {  	s10 =	sld [smem:$0x3FB2];
	_ =	sdelay $0x3  }
0x36: {  	p1 =	seq.s32 s10, $0x1;
	s10 =	sld [smem:$0x3FB3];
	_ =	sdelay $0x3  }
0x37: {  	[smem:$0x3FB3] =	sst s10  }
0x38: {  	s10 =	sld [smem:$0x3FB4]  }
0x39: {  	_ = 	snop;
	(pc) =	sbr.ind lr, $3  }
0x3a: {  	_ = 	snop  }
0x3b: {  	_ = 	snop  }
0x3c: {  	p2 =	seq.s32 s10, $0x1;
	s10 =	sld [smem:$0x3FB3]  }
0x3d: {  	_ =	shalt  }
0x3e: {  	_ =	shalt  }
0x3f: {  	_ =	shalt  }
0x40: {  	_ =	shalt  }
0x41: {  	_ =	shalt  }
0x42: {  	_ =	shalt  }
0x43: {  	_ =	shalt  }
0x44: {  	_ =	shalt  }
0x45: {  	_ =	shalt  }
0x46: {  	_ =	shalt  }
0x47: {  	_ =	shalt  }
0x48: {  	_ =	shalt  }
0x49: {  	_ =	shalt  }
0x4a: {  	_ =	shalt  }
0x4b: {  	_ =	shalt  }
0x4c: {  	_ =	shalt  }
0x4d: {  	_ =	shalt  }
0x4e: {  	_ =	shalt  }
0x4f: {  	_ =	shalt  }
0x50: {  	_ =	shalt  }
0x51: {  	_ =	shalt  }
0x52: {  	_ =	shalt  }
0x53: {  	_ =	shalt  }
0x54: {  	_ =	shalt  }
0x55: {  	_ =	shalt  }
0x56: {  	_ =	shalt  }
0x57: {  	_ =	shalt  }
0x58: {  	_ =	shalt  }
0x59: {  	_ =	shalt  }
0x5a: {  	_ =	shalt  }
0x5b: {  	_ =	shalt  }
0x5c: {  	_ =	shalt  }
0x5d: {  	_ =	shalt  }
0x5e: {  	_ =	shalt  }
0x5f: {  	_ =	shalt  }
0x60: {  	_ =	shalt  }
0x61: {  	_ =	shalt  }
0x62: {  	_ =	shalt  }
0x63: {  	_ =	shalt  }
0x64: {  	_ =	shalt  }
0x65: {  	_ =	shalt  }
0x66: {  	_ =	shalt  }
0x67: {  	_ =	shalt  }
0x68: {  	_ =	shalt  }
0x69: {  	_ =	shalt  }
0x6a: {  	_ =	shalt  }
0x6b: {  	_ =	shalt  }
0x6c: {  	_ =	shalt  }
0x6d: {  	_ =	shalt  }
0x6e: {  	_ =	shalt  }
0x6f: {  	_ =	shalt  }
0x70: {  	_ =	shalt  }
0x71: {  	_ =	shalt  }
0x72: {  	_ =	shalt  }
0x73: {  	_ =	shalt  }
0x74: {  	_ =	shalt  }
0x75: {  	_ =	shalt  }
0x76: {  	_ =	shalt  }
0x77: {  	_ =	shalt  }
0x78: {  	_ =	shalt  }
0x79: {  	_ =	shalt  }
0x7a: {  	_ =	shalt  }
0x7b: {  	_ =	shalt  }
0x7c: {  	_ =	shalt  }
0x7d: {  	_ =	shalt  }
0x7e: {  	_ =	shalt  }
0x7f: {  	_ =	shalt  }
0x80: {  	_ =	shalt  }
0x81: {  	_ =	shalt  }
0x82: {  	_ =	shalt  }
0x83: {  	_ =	shalt  }
0x84: {  	_ =	shalt  }
0x85: {  	_ =	shalt  }
0x86: {  	_ =	shalt  }
0x87: {  	_ =	shalt  }
.Lfunc_end0:
.L_simem_size_0:
called_computation.4_lowered:
.L_overlay_start_0:
0x88: {  	s2 =	sld [smem:$0x3FD9]  }
0x89: {  	s3 =	sld [smem:$0x3FFE];
	_ =	sdelay $0x1  }
0x8a: {  	s1 =	srdreg.scid  }
0x8b: {  	s0 =	sand.u32 $0x1, s1  }
0x8c: {  	s16 =	sshll.u32 s0, $0xA;
	s2 =	sadd.s32 s3, s2  }
0x8d: {  	s2 =	sadd.s32 s2, s16  }
0x8e: {  	[smem:$0x3FBF] =	sst s2  }
0x8f: {  	_ = 	snop  }
0x90: {  	(tm) =	ssettm $0x1  }
0x91: {  	s17 =	sld [smem:$0x3FFB];
	_ =	sdelay $0x3  }
0x92: {  	_ =	strace s17  }
0x93: {  	s2 =	sld [smem:$0x3FFC];
	_ =	sdelay $0x3  }
0x94: {  	_ =	strace s2  }
0x95: {  	s2 =	sld [smem:$0x3FFD];
	_ =	sdelay $0x3  }
0x96: {  	_ =	strace s2  }
0x97: {  	_ =	strace $0x8FFFFFFF  }
0x98: {  	s18 =	sld [smem:$0x3FDB];
	_ =	sdelay $0x1  }
0x99: {  	s19 =	simm.s32 $_scs_section_size  }
0x9a: {  	s4 =	simm.s32 $_size__tile_overlayer_lowered;
	s5 =	simm.s32 $_tile_overlayer_lowered  }
0x9b: {  	s22 =	simm.s32 $0x1BFF;
	s21 =	sshll.u32 s5, $0x1;
	s2 =	sadd.s32 s19, s18  }
0x9c: {  	s6 =	simm.s32 $0x0;
	s20 =	sshll.u32 s4, $0x1;
	s4 =	sadd.s32 s21, s2  }
0x9d: {  	[timem:s6], [sflag:s22] =	dma.local [hbm:s4], s20  }
0x9e: {  	_ =	swait.ge [sflag:s22], s20  }
0x9f: {  	s3 =	ssub.s32 $0x0, s20;
	[sflag:s22] =	ssyncset.done $0x0  }
0xa0: {  	[sflag:s22] =	ssyncadd.s32 s3;
	_ =	sdelay $0x1  }
0xa1: {  	s23 =	simm.s32 $0x1B8B  }
0xa2: {  	_ =	swait.ge [sflag:s23], $0x1  }
0xa3: {  	[sflag:s23] =	ssyncset.done $0x0  }
0xa4: {  	s25 =	simm.s32 $0x1B8E;
	s24 =	sld [smem:$0x3FFE];
	[sflag:s23] =	ssyncadd.s32 $0xFFFFFFFF  }
0xa5: {  	s26 =	simm.s32 $execute0_lowered;
	[smem:$0x3FD2] =	sst s25  }
0xa6: {  	s4 =	sshll.u32 s26, $0x1;
	_ =	strace $0x80000052;
	[dreg:$0x1] =	wrdreg $0xFFFFFFFF  }
0xa7: {  	s28 =	simm.s32 $_size_execute0_lowered;
	s2 =	sadd.s32 s2, s4;
	[dreg:$0x0] =	wrdreg $0x0  }
0xa8: {  	s4 =	sshll.u32 s28, $0x1;
	[dreg:$0x2] =	wrdreg s2  }
0xa9: {  	[dreg:$0x3] =	wrdreg s4  }
0xaa: {  	[dreg:$0x4] =	wrdreg $0xC0  }
0xab: {  	_ =	task [dreg:s6], $0x5FFFF  }
0xac: {  	[dreg:$0x1] =	wrdreg $0xFFFFFFFF  }
0xad: {  	[dreg:$0x0] =	wrdreg $0x60  }
0xae: {  	[dreg:$0x2] =	wrdreg s24  }
0xaf: {  	[dreg:$0x3] =	wrdreg $0x9  }
0xb0: {  	_ =	task.clear_ibuf [dreg:s6], $0x4FFFF;
	_ =	strace $0x90000052  }
0xb1: {  	s29 =	simm.s32 $0x9;
	_ =	strace $0x80000054  }
0xb2: {  	_ =	swait.ge [sflag:s29], $0x1  }
0xb3: {  	[sflag:s29] =	ssyncadd.s32 $0xFFFFFFFF  }
0xb4: {  	_ =	strace $0x90000054  }
0xb5: {  	_ =	sfence  }
0xb6: {  	s30 =	sld [smem:$0x0];
	_ =	sdelay $0x2  }
0xb7: {  	s31 =	sshll.u32 s1, $0xD;
	s1 =	sshrl.u32 s1, $0x2  }
0xb8: {  	s3 =	sand.u32 $0x4000, s31;
	s1 =	sadd.s32 s1, s30  }
0xb9: {  	s0 =	sor.u32 s3, s0;
	s1 =	sshll.u32 s1, $0x11  }
0xba: {  	s0 =	sor.u32 s1, s0  }
0xbb: {  	s0 =	sadd.s32 $0x8F2B, s0  }
0xbc: {  	[sflag:s0] =	ssyncadd.remote.s32 $0x1  }
0xbd: {  	_ =	sfence.sel $0xFFFF  }
0xbe: {  	[dreg:$0x0] =	wrdreg $0xFFFFFFFF;
	(pc) =	sbr.abs _section_cstart, $3  }
0xbf: {  	[dreg:$0x1] =	wrdreg $0xFFFFFFFF  }
0xc0: {  	_ =	task.clear_ibuf [dreg:s6], $0x2FFFF;
	_ =	strace $0x9FFFFFFF  }
0xc1: {  	(tm) =	ssettm $0x7FFFFFFF  }
tec
execute0_lowered:
.L_overlay_start_1:
0x0: {  	(tag) =	ssettag $0x1  }
0x1: {  	s0 =	rddreg [dreg:$0x0];
	s1 =	srdreg.scid  }
0x2: {  	s3 =	stileid.u32;
	s2 =	simm.s32 $0x0;
	s14 =	simm.s32 $0x1  }
0x3: {  	s28 =	simm.s32 $0x2;
	s29 =	simm.s32 $0x4;
	s30 =	simm.s32 $0x80  }
0x4: {  	s31 =	simm.s32 $0x8080;
	s13 =	simm.s32 $0x10080;
	s15 =	simm.s32 $0x11080  }
0x5: {  	s16 =	simm.s32 $0x11880;
	s17 =	simm.s32 $0x12080;
	s18 =	simm.s32 $0x12880  }
0x6: {  	s19 =	simm.s32 $0x13080;
	s20 =	simm.s32 $0x13880;
	s21 =	simm.s32 $0x14080  }
0x7: {  	s22 =	simm.s32 $0x14880;
	s23 =	simm.s32 $0x15080;
	s1 =	sand.u32 $0x1, s1  }
0x8: {  	s3 =	sshll.u32 s3, $0x8;
	[smem:$0x7FF] =	sst s2;
	s4 =	sshll.u32 s1, $0x7  }
0x9: {  	_ =	strace $0x80000053;
	s1 =	ssub.s32 $0x2, s1;
	s4 =	sor.u32 s4, s3  }
0xa: {  	s3 =	sadd.s32 $0x204A00, s0;
	s24 =	sshrl.u32 s1, $0x1;
	s5 =	sshrl.u32 s4, $0x3  }
0xb: {  	s4 =	sshll.u32 s4, $0x8;
	s1 =	ssub.s32 s1, s24;
	s5 =	sadd.s32 s5, s0  }
0xc: {  	s24 =	simm.s32 $0x15880;
	s11 =	sadd.s32 s4, s0;
	s5 =	sadd.s32 $0x200, s5  }
0xd: {  	s4 =	sadd.s32 $0x204B00, s0;
	s25 =	sadd.s32 $0x400, s11;
	[dreg:$0x2] =	wrdreg s5  }
0xe: {  	s6 =	sadd.s32 $0x1400, s11;
	s7 =	sadd.s32 $0x2400, s11;
	[dreg:$0x3] =	wrdreg s25  }
0xf: {  	s8 =	sadd.s32 $0x3400, s11;
	s9 =	sadd.s32 $0x4400, s11;
	[dreg:$0x4] =	wrdreg s6  }
0x10: {  	s10 =	sadd.s32 $0x5400, s11;
	s12 =	sadd.s32 $0x6400, s11;
	[dreg:$0x5] =	wrdreg s7  }
0x11: {  	s26 =	sadd.s32 $0x7400, s11;
	s11 =	smax.u32 s1, $0x1;
	[dreg:$0x6] =	wrdreg s8  }
0x12: {  	s5 =	sadd.s32 $0x204C00, s0;
	s6 =	sadd.s32 $0x204D00, s0;
	[dreg:$0x7] =	wrdreg s9  }
0x13: {  	v2 =	vlaneseq.u32;
	s7 =	sadd.s32 $0x204E00, s0;
	s8 =	sadd.s32 $0x204F00, s0;
	[dreg:$0x8] =	wrdreg s10  }
0x14: {  	vm0 =	vmmov $0xffff;
	v1 =	vshrl.u32 v2, $0x3;
	s9 =	sadd.s32 $0x205000, s0;
	s10 =	sadd.s32 $0x205100, s0;
	[dreg:$0x9] =	wrdreg s12  }
0x15: {  	v0 =	vand.u32 $0x7, v2;
	v2 =	vor.u32 $0x8, v2;
	v1 =	vmul.u32 $0x8, v1;
	[dreg:$0xa] =	wrdreg s26;
	s0 =	simm.s32 $0x5;
	s26 =	simm.s32 $0x16080  }
.LBB2_1:
0x16: {  	s12 =	rddreg [dreg:$0x2];
	s1 =	simm.s32 $0x7  }
0x17: {  	[tilespmem:s2], [sflag:$0x7] =	stream.linear.gather [hbm4b:s12+s2], $0x80, $0x38;
	[tilespmem:$0x18080] =	vst v63  }
0x18: {  	_ =	swait.ge [sflag:s1], $0x80  }
0x19: {  	[sflag:s1] =	ssyncset.done $0x0  }
0x1a: {  	[sflag:s1] =	ssyncadd.s32 $0xFFFFFF80  }
0x1b: {  	v3 =	vld [tilespmem:$0x0];
	_ =	sdelay $0x4  }
0x1c: {  	v4 =	vshll.u32 v3, $0x4  }
0x1d: {  	v3 =	vand.u32 $0x7, v3;
	v4 =	vand.u32 $0xFFFFFF80, v4  }
0x1e: {  	v3 =	vor.u32 v3, v4  }
0x1f: {  	v4 =	vperm.xlane v3, v0;
	_ =	sdelay $0x1  }
0x20: {  	v4 =	vadd.s32 v1, v4;
	_ =	sdelay $0x4  }
0x21: {  	[tilespmem:s30], [sflag:$0x1] =	stream.indirect_vreg.gather [hbm4b:s3+s2], $0x80, v4, vm0, $0xb8;
	[tilespmem:$0x18080] =	vst v63  }
0x22: {  	s1 =	simm.s32 $0x880  }
0x23: {  	[tilespmem:s1], [sflag:$0x1] =	stream.indirect_vreg.gather [hbm4b:s4+s2], $0x80, v4, vm0, $0xb8;
	[tilespmem:$0x18080] =	vst v63  }
0x24: {  	s25 =	simm.s32 $0x1080  }
0x25: {  	[tilespmem:s25], [sflag:$0x1] =	stream.indirect_vreg.gather [hbm4b:s5+s2], $0x80, v4, vm0, $0xb8;
	[tilespmem:$0x18080] =	vst v63  }
0x26: {  	s12 =	simm.s32 $0x1880  }
0x27: {  	[tilespmem:s12], [sflag:$0x1] =	stream.indirect_vreg.gather [hbm4b:s6+s2], $0x80, v4, vm0, $0xb8;
	[tilespmem:$0x18080] =	vst v63  }
0x28: {  	s25 =	simm.s32 $0x2080  }
0x29: {  	[tilespmem:s25], [sflag:$0x1] =	stream.indirect_vreg.gather [hbm4b:s7+s2], $0x80, v4, vm0, $0xb8;
	[tilespmem:$0x18080] =	vst v63  }
0x2a: {  	v3 =	vperm.xlane v3, v2;
	s12 =	simm.s32 $0x2880  }
0x2b: {  	[tilespmem:s12], [sflag:$0x1] =	stream.indirect_vreg.gather [hbm4b:s8+s2], $0x80, v4, vm0, $0xb8;
	[tilespmem:$0x18080] =	vst v63  }
0x2c: {  	v3 =	vadd.s32 v1, v3;
	s12 =	simm.s32 $0x3080  }
0x2d: {  	[tilespmem:s12], [sflag:$0x1] =	stream.indirect_vreg.gather [hbm4b:s9+s2], $0x80, v4, vm0, $0xb8;
	[tilespmem:$0x18080] =	vst v63  }
0x2e: {  	s12 =	simm.s32 $0x3880  }
0x2f: {  	[tilespmem:s12], [sflag:$0x1] =	stream.indirect_vreg.gather [hbm4b:s10+s2], $0x80, v4, vm0, $0xb8;
	[tilespmem:$0x18080] =	vst v63  }
0x30: {  	s12 =	simm.s32 $0x4080  }
0x31: {  	[tilespmem:s12], [sflag:$0x1] =	stream.indirect_vreg.gather [hbm4b:s3+s2], $0x80, v3, vm0, $0xb8;
	[tilespmem:$0x18080] =	vst v63  }
0x32: {  	s12 =	simm.s32 $0x4880  }
0x33: {  	[tilespmem:s12], [sflag:$0x1] =	stream.indirect_vreg.gather [hbm4b:s4+s2], $0x80, v3, vm0, $0xb8;
	[tilespmem:$0x18080] =	vst v63  }
0x34: {  	s12 =	simm.s32 $0x5080  }
0x35: {  	[tilespmem:s12], [sflag:$0x1] =	stream.indirect_vreg.gather [hbm4b:s5+s2], $0x80, v3, vm0, $0xb8;
	[tilespmem:$0x18080] =	vst v63  }
0x36: {  	s12 =	simm.s32 $0x5880  }
0x37: {  	[tilespmem:s12], [sflag:$0x1] =	stream.indirect_vreg.gather [hbm4b:s6+s2], $0x80, v3, vm0, $0xb8;
	[tilespmem:$0x18080] =	vst v63  }
0x38: {  	s12 =	simm.s32 $0x6080  }
0x39: {  	[tilespmem:s12], [sflag:$0x1] =	stream.indirect_vreg.gather [hbm4b:s7+s2], $0x80, v3, vm0, $0xb8;
	[tilespmem:$0x18080] =	vst v63  }
0x3a: {  	s12 =	simm.s32 $0x6880  }
0x3b: {  	[tilespmem:s12], [sflag:$0x1] =	stream.indirect_vreg.gather [hbm4b:s8+s2], $0x80, v3, vm0, $0xb8;
	[tilespmem:$0x18080] =	vst v63  }
0x3c: {  	s12 =	simm.s32 $0x7080  }
0x3d: {  	[tilespmem:s12], [sflag:$0x1] =	stream.indirect_vreg.gather [hbm4b:s9+s2], $0x80, v3, vm0, $0xb8;
	[tilespmem:$0x18080] =	vst v63  }
0x3e: {  	s12 =	simm.s32 $0x7880  }
0x3f: {  	[tilespmem:s12], [sflag:$0x1] =	stream.indirect_vreg.gather [hbm4b:s10+s2], $0x80, v3, vm0, $0xb8;
	[tilespmem:$0x18080] =	vst v63  }
0x40: {  	v3 =	vld [tilespmem:$0x10];
	_ =	sdelay $0x4  }
0x41: {  	v57 =	vshll.u32 v3, $0x4  }
0x42: {  	v3 =	vand.u32 $0x7, v3;
	v4 =	vand.u32 $0xFFFFFF80, v57  }
0x43: {  	v3 =	vor.u32 v3, v4  }
0x44: {  	v4 =	vperm.xlane v3, v0;
	_ =	sdelay $0x1  }
0x45: {  	v4 =	vadd.s32 v1, v4;
	_ =	sdelay $0x4  }
0x46: {  	[tilespmem:s31], [sflag:$0x2] =	stream.indirect_vreg.gather [hbm4b:s3+s2], $0x80, v4, vm0, $0xb8;
	[tilespmem:$0x18080] =	vst v63  }
0x47: {  	s12 =	simm.s32 $0x8880  }
0x48: {  	[tilespmem:s12], [sflag:$0x2] =	stream.indirect_vreg.gather [hbm4b:s4+s2], $0x80, v4, vm0, $0xb8;
	[tilespmem:$0x18080] =	vst v63  }
0x49: {  	s12 =	simm.s32 $0x9080  }
0x4a: {  	[tilespmem:s12], [sflag:$0x2] =	stream.indirect_vreg.gather [hbm4b:s5+s2], $0x80, v4, vm0, $0xb8;
	[tilespmem:$0x18080] =	vst v63  }
0x4b: {  	s12 =	simm.s32 $0x9880  }
0x4c: {  	[tilespmem:s12], [sflag:$0x2] =	stream.indirect_vreg.gather [hbm4b:s6+s2], $0x80, v4, vm0, $0xb8;
	[tilespmem:$0x18080] =	vst v63  }
0x4d: {  	s12 =	simm.s32 $0xA080  }
0x4e: {  	[tilespmem:s12], [sflag:$0x2] =	stream.indirect_vreg.gather [hbm4b:s7+s2], $0x80, v4, vm0, $0xb8;
	[tilespmem:$0x18080] =	vst v63  }
0x4f: {  	v3 =	vperm.xlane v3, v2;
	s12 =	simm.s32 $0xA880  }
0x50: {  	[tilespmem:s12], [sflag:$0x2] =	stream.indirect_vreg.gather [hbm4b:s8+s2], $0x80, v4, vm0, $0xb8;
	[tilespmem:$0x18080] =	vst v63  }
0x51: {  	v3 =	vadd.s32 v1, v3;
	s12 =	simm.s32 $0xB080  }
0x52: {  	[tilespmem:s12], [sflag:$0x2] =	stream.indirect_vreg.gather [hbm4b:s9+s2], $0x80, v4, vm0, $0xb8;
	[tilespmem:$0x18080] =	vst v63  }
0x53: {  	s12 =	simm.s32 $0xB880  }
0x54: {  	[tilespmem:s12], [sflag:$0x2] =	stream.indirect_vreg.gather [hbm4b:s10+s2], $0x80, v4, vm0, $0xb8;
	[tilespmem:$0x18080] =	vst v63  }
0x55: {  	s12 =	simm.s32 $0xC080  }
0x56: {  	[tilespmem:s12], [sflag:$0x2] =	stream.indirect_vreg.gather [hbm4b:s3+s2], $0x80, v3, vm0, $0xb8;
	[tilespmem:$0x18080] =	vst v63  }
0x57: {  	s12 =	simm.s32 $0xC880  }
0x58: {  	[tilespmem:s12], [sflag:$0x2] =	stream.indirect_vreg.gather [hbm4b:s4+s2], $0x80, v3, vm0, $0xb8;
	[tilespmem:$0x18080] =	vst v63  }
0x59: {  	s12 =	simm.s32 $0xD080  }
0x5a: {  	[tilespmem:s12], [sflag:$0x2] =	stream.indirect_vreg.gather [hbm4b:s5+s2], $0x80, v3, vm0, $0xb8;
	[tilespmem:$0x18080] =	vst v63  }
0x5b: {  	s12 =	simm.s32 $0xD880  }
0x5c: {  	[tilespmem:s12], [sflag:$0x2] =	stream.indirect_vreg.gather [hbm4b:s6+s2], $0x80, v3, vm0, $0xb8;
	[tilespmem:$0x18080] =	vst v63  }
0x5d: {  	s12 =	simm.s32 $0xE080  }
0x5e: {  	[tilespmem:s12], [sflag:$0x2] =	stream.indirect_vreg.gather [hbm4b:s7+s2], $0x80, v3, vm0, $0xb8;
	[tilespmem:$0x18080] =	vst v63  }
0x5f: {  	s12 =	simm.s32 $0xE880  }
0x60: {  	[tilespmem:s12], [sflag:$0x2] =	stream.indirect_vreg.gather [hbm4b:s8+s2], $0x80, v3, vm0, $0xb8;
	[tilespmem:$0x18080] =	vst v63  }
0x61: {  	s12 =	simm.s32 $0xF080  }
0x62: {  	[tilespmem:s12], [sflag:$0x2] =	stream.indirect_vreg.gather [hbm4b:s9+s2], $0x80, v3, vm0, $0xb8;
	[tilespmem:$0x18080] =	vst v63  }
0x63: {  	s12 =	simm.s32 $0xF880  }
0x64: {  	[tilespmem:s12], [sflag:$0x2] =	stream.indirect_vreg.gather [hbm4b:s10+s2], $0x80, v3, vm0, $0xb8;
	[tilespmem:$0x18080] =	vst v63  }
0x65: {  	_ =	swait.ge [sflag:s14], $0x8000  }
0x66: {  	[sflag:s14] =	ssyncset.done $0x0  }
0x67: {  	s1 =	rddreg [dreg:$0x3];
	[sflag:s14] =	ssyncadd.s32 $0xFFFF8000  }
0x68: {  	[hbm4b:s1+s2] =	stream.linear.scatter [tilespmem:s30], [sflag:$0x4], $0x8000, $0x38;
	[tilespmem:$0x18080] =	vst v63  }
0x69: {  	v3 =	vld [tilespmem:$0x20];
	_ =	sdelay $0x4  }
0x6a: {  	v58 =	vshll.u32 v3, $0x4  }
0x6b: {  	v3 =	vand.u32 $0x7, v3;
	v4 =	vand.u32 $0xFFFFFF80, v58  }
0x6c: {  	v3 =	vor.u32 v3, v4  }
0x6d: {  	v4 =	vperm.xlane v3, v0;
	_ =	sdelay $0x1  }
0x6e: {  	v4 =	vadd.s32 v1, v4;
	_ =	sdelay $0x4  }
0x6f: {  	[tilespmem:s13], [sflag:$0x3] =	stream.indirect_vreg.gather [hbm4b:s3+s2], $0x80, v4, vm0, $0xb8;
	[tilespmem:$0x18080] =	vst v63  }
0x70: {  	s12 =	simm.s32 $0x10880  }
0x71: {  	[tilespmem:s12], [sflag:$0x3] =	stream.indirect_vreg.gather [hbm4b:s4+s2], $0x80, v4, vm0, $0xb8;
	[tilespmem:$0x18080] =	vst v63  }
0x72: {  	_ = 	snop  }
0x73: {  	[tilespmem:s15], [sflag:$0x3] =	stream.indirect_vreg.gather [hbm4b:s5+s2], $0x80, v4, vm0, $0xb8;
	[tilespmem:$0x18080] =	vst v63  }
0x74: {  	_ = 	snop  }
0x75: {  	[tilespmem:s16], [sflag:$0x3] =	stream.indirect_vreg.gather [hbm4b:s6+s2], $0x80, v4, vm0, $0xb8;
	[tilespmem:$0x18080] =	vst v63  }
0x76: {  	_ = 	snop  }
0x77: {  	[tilespmem:s17], [sflag:$0x3] =	stream.indirect_vreg.gather [hbm4b:s7+s2], $0x80, v4, vm0, $0xb8;
	[tilespmem:$0x18080] =	vst v63  }
0x78: {  	v3 =	vperm.xlane v3, v2  }
0x79: {  	[tilespmem:s18], [sflag:$0x3] =	stream.indirect_vreg.gather [hbm4b:s8+s2], $0x80, v4, vm0, $0xb8;
	[tilespmem:$0x18080] =	vst v63  }
0x7a: {  	v3 =	vadd.s32 v1, v3  }
0x7b: {  	[tilespmem:s19], [sflag:$0x3] =	stream.indirect_vreg.gather [hbm4b:s9+s2], $0x80, v4, vm0, $0xb8;
	[tilespmem:$0x18080] =	vst v63  }
0x7c: {  	_ = 	snop  }
0x7d: {  	[tilespmem:s20], [sflag:$0x3] =	stream.indirect_vreg.gather [hbm4b:s10+s2], $0x80, v4, vm0, $0xb8;
	[tilespmem:$0x18080] =	vst v63  }
0x7e: {  	_ = 	snop  }
0x7f: {  	[tilespmem:s21], [sflag:$0x3] =	stream.indirect_vreg.gather [hbm4b:s3+s2], $0x80, v3, vm0, $0xb8;
	[tilespmem:$0x18080] =	vst v63  }
0x80: {  	_ = 	snop  }
0x81: {  	[tilespmem:s22], [sflag:$0x3] =	stream.indirect_vreg.gather [hbm4b:s4+s2], $0x80, v3, vm0, $0xb8;
	[tilespmem:$0x18080] =	vst v63  }
0x82: {  	_ = 	snop  }
0x83: {  	[tilespmem:s23], [sflag:$0x3] =	stream.indirect_vreg.gather [hbm4b:s5+s2], $0x80, v3, vm0, $0xb8;
	[tilespmem:$0x18080] =	vst v63  }
0x84: {  	_ = 	snop  }
0x85: {  	[tilespmem:s24], [sflag:$0x3] =	stream.indirect_vreg.gather [hbm4b:s6+s2], $0x80, v3, vm0, $0xb8;
	[tilespmem:$0x18080] =	vst v63  }
0x86: {  	_ = 	snop  }
0x87: {  	[tilespmem:s26], [sflag:$0x3] =	stream.indirect_vreg.gather [hbm4b:s7+s2], $0x80, v3, vm0, $0xb8;
	[tilespmem:$0x18080] =	vst v63  }
0x88: {  	s12 =	simm.s32 $0x16880  }
0x89: {  	[tilespmem:s12], [sflag:$0x3] =	stream.indirect_vreg.gather [hbm4b:s8+s2], $0x80, v3, vm0, $0xb8;
	[tilespmem:$0x18080] =	vst v63  }
0x8a: {  	s12 =	simm.s32 $0x17080  }
0x8b: {  	[tilespmem:s12], [sflag:$0x3] =	stream.indirect_vreg.gather [hbm4b:s9+s2], $0x80, v3, vm0, $0xb8;
	[tilespmem:$0x18080] =	vst v63  }
0x8c: {  	s12 =	simm.s32 $0x17880  }
0x8d: {  	[tilespmem:s12], [sflag:$0x3] =	stream.indirect_vreg.gather [hbm4b:s10+s2], $0x80, v3, vm0, $0xb8;
	[tilespmem:$0x18080] =	vst v63  }
0x8e: {  	_ =	swait.ge [sflag:s28], $0x8000  }
0x8f: {  	[sflag:s28] =	ssyncset.done $0x0  }
0x90: {  	s1 =	rddreg [dreg:$0x4];
	[sflag:s28] =	ssyncadd.s32 $0xFFFF8000  }
0x91: {  	[hbm4b:s1+s2] =	stream.linear.scatter [tilespmem:s31], [sflag:$0x5], $0x8000, $0x38;
	[tilespmem:$0x18080] =	vst v63  }
0x92: {  	_ =	swait.ge [sflag:s29], $0x8000  }
0x93: {  	[sflag:s29] =	ssyncset.done $0x0  }
0x94: {  	[sflag:s29] =	ssyncadd.s32 $0xFFFF8000  }
0x95: {  	v3 =	vld [tilespmem:$0x30];
	_ =	sdelay $0x4  }
0x96: {  	v59 =	vshll.u32 v3, $0x4  }
0x97: {  	v3 =	vand.u32 $0x7, v3;
	v4 =	vand.u32 $0xFFFFFF80, v59  }
0x98: {  	v3 =	vor.u32 v3, v4  }
0x99: {  	v4 =	vperm.xlane v3, v0;
	_ =	sdelay $0x1  }
0x9a: {  	v4 =	vadd.s32 v1, v4;
	_ =	sdelay $0x4  }
0x9b: {  	[tilespmem:s30], [sflag:$0x1] =	stream.indirect_vreg.gather [hbm4b:s3+s2], $0x80, v4, vm0, $0xb8;
	[tilespmem:$0x18080] =	vst v63  }
0x9c: {  	s12 =	simm.s32 $0x880  }
0x9d: {  	[tilespmem:s12], [sflag:$0x1] =	stream.indirect_vreg.gather [hbm4b:s4+s2], $0x80, v4, vm0, $0xb8;
	[tilespmem:$0x18080] =	vst v63  }
0x9e: {  	s12 =	simm.s32 $0x1080  }
0x9f: {  	[tilespmem:s12], [sflag:$0x1] =	stream.indirect_vreg.gather [hbm4b:s5+s2], $0x80, v4, vm0, $0xb8;
	[tilespmem:$0x18080] =	vst v63  }
0xa0: {  	s12 =	simm.s32 $0x1880  }
0xa1: {  	[tilespmem:s12], [sflag:$0x1] =	stream.indirect_vreg.gather [hbm4b:s6+s2], $0x80, v4, vm0, $0xb8;
	[tilespmem:$0x18080] =	vst v63  }
0xa2: {  	s25 =	simm.s32 $0x2080  }
0xa3: {  	[tilespmem:s25], [sflag:$0x1] =	stream.indirect_vreg.gather [hbm4b:s7+s2], $0x80, v4, vm0, $0xb8;
	[tilespmem:$0x18080] =	vst v63  }
0xa4: {  	v3 =	vperm.xlane v3, v2;
	s25 =	simm.s32 $0x2880  }
0xa5: {  	[tilespmem:s25], [sflag:$0x1] =	stream.indirect_vreg.gather [hbm4b:s8+s2], $0x80, v4, vm0, $0xb8;
	[tilespmem:$0x18080] =	vst v63  }
0xa6: {  	v3 =	vadd.s32 v1, v3;
	s12 =	simm.s32 $0x3080  }
0xa7: {  	[tilespmem:s12], [sflag:$0x1] =	stream.indirect_vreg.gather [hbm4b:s9+s2], $0x80, v4, vm0, $0xb8;
	[tilespmem:$0x18080] =	vst v63  }
0xa8: {  	s25 =	simm.s32 $0x3880  }
0xa9: {  	[tilespmem:s25], [sflag:$0x1] =	stream.indirect_vreg.gather [hbm4b:s10+s2], $0x80, v4, vm0, $0xb8;
	[tilespmem:$0x18080] =	vst v63  }
0xaa: {  	s12 =	simm.s32 $0x4080  }
0xab: {  	[tilespmem:s12], [sflag:$0x1] =	stream.indirect_vreg.gather [hbm4b:s3+s2], $0x80, v3, vm0, $0xb8;
	[tilespmem:$0x18080] =	vst v63  }
0xac: {  	s25 =	simm.s32 $0x4880  }
0xad: {  	[tilespmem:s25], [sflag:$0x1] =	stream.indirect_vreg.gather [hbm4b:s4+s2], $0x80, v3, vm0, $0xb8;
	[tilespmem:$0x18080] =	vst v63  }
0xae: {  	s12 =	simm.s32 $0x5080  }
0xaf: {  	[tilespmem:s12], [sflag:$0x1] =	stream.indirect_vreg.gather [hbm4b:s5+s2], $0x80, v3, vm0, $0xb8;
	[tilespmem:$0x18080] =	vst v63  }
0xb0: {  	s25 =	simm.s32 $0x5880  }
0xb1: {  	[tilespmem:s25], [sflag:$0x1] =	stream.indirect_vreg.gather [hbm4b:s6+s2], $0x80, v3, vm0, $0xb8;
	[tilespmem:$0x18080] =	vst v63  }
0xb2: {  	s12 =	simm.s32 $0x6080  }
0xb3: {  	[tilespmem:s12], [sflag:$0x1] =	stream.indirect_vreg.gather [hbm4b:s7+s2], $0x80, v3, vm0, $0xb8;
	[tilespmem:$0x18080] =	vst v63  }
0xb4: {  	s25 =	simm.s32 $0x6880  }
0xb5: {  	[tilespmem:s25], [sflag:$0x1] =	stream.indirect_vreg.gather [hbm4b:s8+s2], $0x80, v3, vm0, $0xb8;
	[tilespmem:$0x18080] =	vst v63  }
0xb6: {  	s12 =	simm.s32 $0x7080  }
0xb7: {  	[tilespmem:s12], [sflag:$0x1] =	stream.indirect_vreg.gather [hbm4b:s9+s2], $0x80, v3, vm0, $0xb8;
	[tilespmem:$0x18080] =	vst v63  }
0xb8: {  	s25 =	simm.s32 $0x7880  }
0xb9: {  	[tilespmem:s25], [sflag:$0x1] =	stream.indirect_vreg.gather [hbm4b:s10+s2], $0x80, v3, vm0, $0xb8;
	[tilespmem:$0x18080] =	vst v63  }
0xba: {  	s25 =	simm.s32 $0x3  }
0xbb: {  	_ =	swait.ge [sflag:s25], $0x8000  }
0xbc: {  	[sflag:s25] =	ssyncset.done $0x0  }
0xbd: {  	s1 =	rddreg [dreg:$0x5];
	[sflag:s25] =	ssyncadd.s32 $0xFFFF8000  }
0xbe: {  	[hbm4b:s1+s2] =	stream.linear.scatter [tilespmem:s13], [sflag:$0x6], $0x8000, $0x38;
	[tilespmem:$0x18080] =	vst v63  }
0xbf: {  	_ =	swait.ge [sflag:s0], $0x8000  }
0xc0: {  	[sflag:s0] =	ssyncset.done $0x0  }
0xc1: {  	[sflag:s0] =	ssyncadd.s32 $0xFFFF8000  }
0xc2: {  	v3 =	vld [tilespmem:$0x40];
	_ =	sdelay $0x4  }
0xc3: {  	v60 =	vshll.u32 v3, $0x4  }
0xc4: {  	v3 =	vand.u32 $0x7, v3;
	v4 =	vand.u32 $0xFFFFFF80, v60  }
0xc5: {  	v3 =	vor.u32 v3, v4  }
0xc6: {  	v4 =	vperm.xlane v3, v0;
	_ =	sdelay $0x1  }
0xc7: {  	v4 =	vadd.s32 v1, v4;
	_ =	sdelay $0x4  }
0xc8: {  	[tilespmem:s31], [sflag:$0x2] =	stream.indirect_vreg.gather [hbm4b:s3+s2], $0x80, v4, vm0, $0xb8;
	[tilespmem:$0x18080] =	vst v63  }
0xc9: {  	s12 =	simm.s32 $0x8880  }
0xca: {  	[tilespmem:s12], [sflag:$0x2] =	stream.indirect_vreg.gather [hbm4b:s4+s2], $0x80, v4, vm0, $0xb8;
	[tilespmem:$0x18080] =	vst v63  }
0xcb: {  	s12 =	simm.s32 $0x9080  }
0xcc: {  	[tilespmem:s12], [sflag:$0x2] =	stream.indirect_vreg.gather [hbm4b:s5+s2], $0x80, v4, vm0, $0xb8;
	[tilespmem:$0x18080] =	vst v63  }
0xcd: {  	s12 =	simm.s32 $0x9880  }
0xce: {  	[tilespmem:s12], [sflag:$0x2] =	stream.indirect_vreg.gather [hbm4b:s6+s2], $0x80, v4, vm0, $0xb8;
	[tilespmem:$0x18080] =	vst v63  }
0xcf: {  	s12 =	simm.s32 $0xA080  }
0xd0: {  	[tilespmem:s12], [sflag:$0x2] =	stream.indirect_vreg.gather [hbm4b:s7+s2], $0x80, v4, vm0, $0xb8;
	[tilespmem:$0x18080] =	vst v63  }
0xd1: {  	v3 =	vperm.xlane v3, v2;
	s12 =	simm.s32 $0xA880  }
0xd2: {  	[tilespmem:s12], [sflag:$0x2] =	stream.indirect_vreg.gather [hbm4b:s8+s2], $0x80, v4, vm0, $0xb8;
	[tilespmem:$0x18080] =	vst v63  }
0xd3: {  	v3 =	vadd.s32 v1, v3;
	s12 =	simm.s32 $0xB080  }
0xd4: {  	[tilespmem:s12], [sflag:$0x2] =	stream.indirect_vreg.gather [hbm4b:s9+s2], $0x80, v4, vm0, $0xb8;
	[tilespmem:$0x18080] =	vst v63  }
0xd5: {  	s12 =	simm.s32 $0xB880  }
0xd6: {  	[tilespmem:s12], [sflag:$0x2] =	stream.indirect_vreg.gather [hbm4b:s10+s2], $0x80, v4, vm0, $0xb8;
	[tilespmem:$0x18080] =	vst v63  }
0xd7: {  	s12 =	simm.s32 $0xC080  }
0xd8: {  	[tilespmem:s12], [sflag:$0x2] =	stream.indirect_vreg.gather [hbm4b:s3+s2], $0x80, v3, vm0, $0xb8;
	[tilespmem:$0x18080] =	vst v63  }
0xd9: {  	s12 =	simm.s32 $0xC880  }
0xda: {  	[tilespmem:s12], [sflag:$0x2] =	stream.indirect_vreg.gather [hbm4b:s4+s2], $0x80, v3, vm0, $0xb8;
	[tilespmem:$0x18080] =	vst v63  }
0xdb: {  	s12 =	simm.s32 $0xD080  }
0xdc: {  	[tilespmem:s12], [sflag:$0x2] =	stream.indirect_vreg.gather [hbm4b:s5+s2], $0x80, v3, vm0, $0xb8;
	[tilespmem:$0x18080] =	vst v63  }
0xdd: {  	s12 =	simm.s32 $0xD880  }
0xde: {  	[tilespmem:s12], [sflag:$0x2] =	stream.indirect_vreg.gather [hbm4b:s6+s2], $0x80, v3, vm0, $0xb8;
	[tilespmem:$0x18080] =	vst v63  }
0xdf: {  	s12 =	simm.s32 $0xE080  }
0xe0: {  	[tilespmem:s12], [sflag:$0x2] =	stream.indirect_vreg.gather [hbm4b:s7+s2], $0x80, v3, vm0, $0xb8;
	[tilespmem:$0x18080] =	vst v63  }
0xe1: {  	s12 =	simm.s32 $0xE880  }
0xe2: {  	[tilespmem:s12], [sflag:$0x2] =	stream.indirect_vreg.gather [hbm4b:s8+s2], $0x80, v3, vm0, $0xb8;
	[tilespmem:$0x18080] =	vst v63  }
0xe3: {  	s12 =	simm.s32 $0xF080  }
0xe4: {  	[tilespmem:s12], [sflag:$0x2] =	stream.indirect_vreg.gather [hbm4b:s9+s2], $0x80, v3, vm0, $0xb8;
	[tilespmem:$0x18080] =	vst v63  }
0xe5: {  	s12 =	simm.s32 $0xF880  }
0xe6: {  	[tilespmem:s12], [sflag:$0x2] =	stream.indirect_vreg.gather [hbm4b:s10+s2], $0x80, v3, vm0, $0xb8;
	[tilespmem:$0x18080] =	vst v63  }
0xe7: {  	_ =	swait.ge [sflag:s14], $0x8000  }
0xe8: {  	[sflag:s14] =	ssyncset.done $0x0  }
0xe9: {  	s1 =	rddreg [dreg:$0x6];
	[sflag:s14] =	ssyncadd.s32 $0xFFFF8000  }
0xea: {  	[hbm4b:s1+s2] =	stream.linear.scatter [tilespmem:s30], [sflag:$0x4], $0x8000, $0x38;
	[tilespmem:$0x18080] =	vst v63  }
0xeb: {  	s1 =	simm.s32 $0x6  }
0xec: {  	_ =	swait.ge [sflag:s1], $0x8000  }
0xed: {  	[sflag:s1] =	ssyncset.done $0x0  }
0xee: {  	[sflag:s1] =	ssyncadd.s32 $0xFFFF8000  }
0xef: {  	v3 =	vld [tilespmem:$0x50];
	_ =	sdelay $0x4  }
0xf0: {  	v61 =	vshll.u32 v3, $0x4  }
0xf1: {  	v3 =	vand.u32 $0x7, v3;
	v4 =	vand.u32 $0xFFFFFF80, v61  }
0xf2: {  	v3 =	vor.u32 v3, v4  }
0xf3: {  	v4 =	vperm.xlane v3, v0;
	_ =	sdelay $0x1  }
0xf4: {  	v4 =	vadd.s32 v1, v4;
	_ =	sdelay $0x4  }
0xf5: {  	[tilespmem:s13], [sflag:$0x3] =	stream.indirect_vreg.gather [hbm4b:s3+s2], $0x80, v4, vm0, $0xb8;
	[tilespmem:$0x18080] =	vst v63  }
0xf6: {  	s12 =	simm.s32 $0x10880  }
0xf7: {  	[tilespmem:s12], [sflag:$0x3] =	stream.indirect_vreg.gather [hbm4b:s4+s2], $0x80, v4, vm0, $0xb8;
	[tilespmem:$0x18080] =	vst v63  }
0xf8: {  	_ = 	snop  }
0xf9: {  	[tilespmem:s15], [sflag:$0x3] =	stream.indirect_vreg.gather [hbm4b:s5+s2], $0x80, v4, vm0, $0xb8;
	[tilespmem:$0x18080] =	vst v63  }
0xfa: {  	_ = 	snop  }
0xfb: {  	[tilespmem:s16], [sflag:$0x3] =	stream.indirect_vreg.gather [hbm4b:s6+s2], $0x80, v4, vm0, $0xb8;
	[tilespmem:$0x18080] =	vst v63  }
0xfc: {  	_ = 	snop  }
0xfd: {  	[tilespmem:s17], [sflag:$0x3] =	stream.indirect_vreg.gather [hbm4b:s7+s2], $0x80, v4, vm0, $0xb8;
	[tilespmem:$0x18080] =	vst v63  }
0xfe: {  	v3 =	vperm.xlane v3, v2  }
0xff: {  	[tilespmem:s18], [sflag:$0x3] =	stream.indirect_vreg.gather [hbm4b:s8+s2], $0x80, v4, vm0, $0xb8;
	[tilespmem:$0x18080] =	vst v63  }
0x100: {  	v3 =	vadd.s32 v1, v3  }
0x101: {  	[tilespmem:s19], [sflag:$0x3] =	stream.indirect_vreg.gather [hbm4b:s9+s2], $0x80, v4, vm0, $0xb8;
	[tilespmem:$0x18080] =	vst v63  }
0x102: {  	_ = 	snop  }
0x103: {  	[tilespmem:s20], [sflag:$0x3] =	stream.indirect_vreg.gather [hbm4b:s10+s2], $0x80, v4, vm0, $0xb8;
	[tilespmem:$0x18080] =	vst v63  }
0x104: {  	_ = 	snop  }
0x105: {  	[tilespmem:s21], [sflag:$0x3] =	stream.indirect_vreg.gather [hbm4b:s3+s2], $0x80, v3, vm0, $0xb8;
	[tilespmem:$0x18080] =	vst v63  }
0x106: {  	_ = 	snop  }
0x107: {  	[tilespmem:s22], [sflag:$0x3] =	stream.indirect_vreg.gather [hbm4b:s4+s2], $0x80, v3, vm0, $0xb8;
	[tilespmem:$0x18080] =	vst v63  }
0x108: {  	_ = 	snop  }
0x109: {  	[tilespmem:s23], [sflag:$0x3] =	stream.indirect_vreg.gather [hbm4b:s5+s2], $0x80, v3, vm0, $0xb8;
	[tilespmem:$0x18080] =	vst v63  }
0x10a: {  	_ = 	snop  }
0x10b: {  	[tilespmem:s24], [sflag:$0x3] =	stream.indirect_vreg.gather [hbm4b:s6+s2], $0x80, v3, vm0, $0xb8;
	[tilespmem:$0x18080] =	vst v63  }
0x10c: {  	_ = 	snop  }
0x10d: {  	[tilespmem:s26], [sflag:$0x3] =	stream.indirect_vreg.gather [hbm4b:s7+s2], $0x80, v3, vm0, $0xb8;
	[tilespmem:$0x18080] =	vst v63  }
0x10e: {  	s12 =	simm.s32 $0x16880  }
0x10f: {  	[tilespmem:s12], [sflag:$0x3] =	stream.indirect_vreg.gather [hbm4b:s8+s2], $0x80, v3, vm0, $0xb8;
	[tilespmem:$0x18080] =	vst v63  }
0x110: {  	s12 =	simm.s32 $0x17080  }
0x111: {  	[tilespmem:s12], [sflag:$0x3] =	stream.indirect_vreg.gather [hbm4b:s9+s2], $0x80, v3, vm0, $0xb8;
	[tilespmem:$0x18080] =	vst v63  }
0x112: {  	s12 =	simm.s32 $0x17880  }
0x113: {  	[tilespmem:s12], [sflag:$0x3] =	stream.indirect_vreg.gather [hbm4b:s10+s2], $0x80, v3, vm0, $0xb8;
	[tilespmem:$0x18080] =	vst v63  }
0x114: {  	_ =	swait.ge [sflag:s28], $0x8000  }
0x115: {  	[sflag:s28] =	ssyncset.done $0x0  }
0x116: {  	s12 =	rddreg [dreg:$0x7];
	[sflag:s28] =	ssyncadd.s32 $0xFFFF8000  }
0x117: {  	[hbm4b:s12+s2] =	stream.linear.scatter [tilespmem:s31], [sflag:$0x5], $0x8000, $0x38;
	[tilespmem:$0x18080] =	vst v63  }
0x118: {  	_ =	swait.ge [sflag:s29], $0x8000  }
0x119: {  	[sflag:s29] =	ssyncset.done $0x0  }
0x11a: {  	[sflag:s29] =	ssyncadd.s32 $0xFFFF8000  }
0x11b: {  	v3 =	vld [tilespmem:$0x60];
	_ =	sdelay $0x4  }
0x11c: {  	v62 =	vshll.u32 v3, $0x4  }
0x11d: {  	v3 =	vand.u32 $0x7, v3;
	v4 =	vand.u32 $0xFFFFFF80, v62  }
0x11e: {  	v3 =	vor.u32 v3, v4  }
0x11f: {  	v4 =	vperm.xlane v3, v0;
	_ =	sdelay $0x1  }
0x120: {  	v4 =	vadd.s32 v1, v4;
	_ =	sdelay $0x4  }
0x121: {  	[tilespmem:s30], [sflag:$0x1] =	stream.indirect_vreg.gather [hbm4b:s3+s2], $0x80, v4, vm0, $0xb8;
	[tilespmem:$0x18080] =	vst v63  }
0x122: {  	s12 =	simm.s32 $0x880  }
0x123: {  	[tilespmem:s12], [sflag:$0x1] =	stream.indirect_vreg.gather [hbm4b:s4+s2], $0x80, v4, vm0, $0xb8;
	[tilespmem:$0x18080] =	vst v63  }
0x124: {  	s12 =	simm.s32 $0x1080  }
0x125: {  	[tilespmem:s12], [sflag:$0x1] =	stream.indirect_vreg.gather [hbm4b:s5+s2], $0x80, v4, vm0, $0xb8;
	[tilespmem:$0x18080] =	vst v63  }
0x126: {  	s12 =	simm.s32 $0x1880  }
0x127: {  	[tilespmem:s12], [sflag:$0x1] =	stream.indirect_vreg.gather [hbm4b:s6+s2], $0x80, v4, vm0, $0xb8;
	[tilespmem:$0x18080] =	vst v63  }
0x128: {  	s12 =	simm.s32 $0x2080  }
0x129: {  	[tilespmem:s12], [sflag:$0x1] =	stream.indirect_vreg.gather [hbm4b:s7+s2], $0x80, v4, vm0, $0xb8;
	[tilespmem:$0x18080] =	vst v63  }
0x12a: {  	v3 =	vperm.xlane v3, v2;
	s12 =	simm.s32 $0x2880  }
0x12b: {  	[tilespmem:s12], [sflag:$0x1] =	stream.indirect_vreg.gather [hbm4b:s8+s2], $0x80, v4, vm0, $0xb8;
	[tilespmem:$0x18080] =	vst v63  }
0x12c: {  	v3 =	vadd.s32 v1, v3;
	s12 =	simm.s32 $0x3080  }
0x12d: {  	[tilespmem:s12], [sflag:$0x1] =	stream.indirect_vreg.gather [hbm4b:s9+s2], $0x80, v4, vm0, $0xb8;
	[tilespmem:$0x18080] =	vst v63  }
0x12e: {  	s12 =	simm.s32 $0x3880  }
0x12f: {  	[tilespmem:s12], [sflag:$0x1] =	stream.indirect_vreg.gather [hbm4b:s10+s2], $0x80, v4, vm0, $0xb8;
	[tilespmem:$0x18080] =	vst v63  }
0x130: {  	s12 =	simm.s32 $0x4080  }
0x131: {  	[tilespmem:s12], [sflag:$0x1] =	stream.indirect_vreg.gather [hbm4b:s3+s2], $0x80, v3, vm0, $0xb8;
	[tilespmem:$0x18080] =	vst v63  }
0x132: {  	s12 =	simm.s32 $0x4880  }
0x133: {  	[tilespmem:s12], [sflag:$0x1] =	stream.indirect_vreg.gather [hbm4b:s4+s2], $0x80, v3, vm0, $0xb8;
	[tilespmem:$0x18080] =	vst v63  }
0x134: {  	s12 =	simm.s32 $0x5080  }
0x135: {  	[tilespmem:s12], [sflag:$0x1] =	stream.indirect_vreg.gather [hbm4b:s5+s2], $0x80, v3, vm0, $0xb8;
	[tilespmem:$0x18080] =	vst v63  }
0x136: {  	s12 =	simm.s32 $0x5880  }
0x137: {  	[tilespmem:s12], [sflag:$0x1] =	stream.indirect_vreg.gather [hbm4b:s6+s2], $0x80, v3, vm0, $0xb8;
	[tilespmem:$0x18080] =	vst v63  }
0x138: {  	s12 =	simm.s32 $0x6080  }
0x139: {  	[tilespmem:s12], [sflag:$0x1] =	stream.indirect_vreg.gather [hbm4b:s7+s2], $0x80, v3, vm0, $0xb8;
	[tilespmem:$0x18080] =	vst v63  }
0x13a: {  	s12 =	simm.s32 $0x6880  }
0x13b: {  	[tilespmem:s12], [sflag:$0x1] =	stream.indirect_vreg.gather [hbm4b:s8+s2], $0x80, v3, vm0, $0xb8;
	[tilespmem:$0x18080] =	vst v63  }
0x13c: {  	s12 =	simm.s32 $0x7080  }
0x13d: {  	[tilespmem:s12], [sflag:$0x1] =	stream.indirect_vreg.gather [hbm4b:s9+s2], $0x80, v3, vm0, $0xb8;
	[tilespmem:$0x18080] =	vst v63  }
0x13e: {  	s12 =	simm.s32 $0x7880  }
0x13f: {  	[tilespmem:s12], [sflag:$0x1] =	stream.indirect_vreg.gather [hbm4b:s10+s2], $0x80, v3, vm0, $0xb8;
	[tilespmem:$0x18080] =	vst v63  }
0x140: {  	_ =	swait.ge [sflag:s25], $0x8000  }
0x141: {  	[sflag:s25] =	ssyncset.done $0x0  }
0x142: {  	s12 =	rddreg [dreg:$0x8];
	[sflag:s25] =	ssyncadd.s32 $0xFFFF8000  }
0x143: {  	[hbm4b:s12+s2] =	stream.linear.scatter [tilespmem:s13], [sflag:$0x6], $0x8000, $0x38;
	[tilespmem:$0x18080] =	vst v63  }
0x144: {  	_ =	swait.ge [sflag:s0], $0x8000  }
0x145: {  	[sflag:s0] =	ssyncset.done $0x0  }
0x146: {  	[sflag:s0] =	ssyncadd.s32 $0xFFFF8000  }
0x147: {  	v3 =	vld [tilespmem:$0x70];
	_ =	sdelay $0x4  }
0x148: {  	v63 =	vshll.u32 v3, $0x4  }
0x149: {  	v3 =	vand.u32 $0x7, v3;
	v4 =	vand.u32 $0xFFFFFF80, v63  }
0x14a: {  	v3 =	vor.u32 v3, v4  }
0x14b: {  	v4 =	vperm.xlane v3, v0;
	_ =	sdelay $0x1  }
0x14c: {  	v4 =	vadd.s32 v1, v4;
	_ =	sdelay $0x4  }
0x14d: {  	[tilespmem:s31], [sflag:$0x2] =	stream.indirect_vreg.gather [hbm4b:s3+s2], $0x80, v4, vm0, $0xb8;
	[tilespmem:$0x18080] =	vst v63  }
0x14e: {  	s25 =	simm.s32 $0x8880  }
0x14f: {  	[tilespmem:s25], [sflag:$0x2] =	stream.indirect_vreg.gather [hbm4b:s4+s2], $0x80, v4, vm0, $0xb8;
	[tilespmem:$0x18080] =	vst v63  }
0x150: {  	s25 =	simm.s32 $0x9080  }
0x151: {  	[tilespmem:s25], [sflag:$0x2] =	stream.indirect_vreg.gather [hbm4b:s5+s2], $0x80, v4, vm0, $0xb8;
	[tilespmem:$0x18080] =	vst v63  }
0x152: {  	s25 =	simm.s32 $0x9880  }
0x153: {  	[tilespmem:s25], [sflag:$0x2] =	stream.indirect_vreg.gather [hbm4b:s6+s2], $0x80, v4, vm0, $0xb8;
	[tilespmem:$0x18080] =	vst v63  }
0x154: {  	s25 =	simm.s32 $0xA080  }
0x155: {  	[tilespmem:s25], [sflag:$0x2] =	stream.indirect_vreg.gather [hbm4b:s7+s2], $0x80, v4, vm0, $0xb8;
	[tilespmem:$0x18080] =	vst v63  }
0x156: {  	v3 =	vperm.xlane v3, v2;
	s25 =	simm.s32 $0xA880  }
0x157: {  	[tilespmem:s25], [sflag:$0x2] =	stream.indirect_vreg.gather [hbm4b:s8+s2], $0x80, v4, vm0, $0xb8;
	[tilespmem:$0x18080] =	vst v63  }
0x158: {  	v3 =	vadd.s32 v1, v3;
	s25 =	simm.s32 $0xB080  }
0x159: {  	[tilespmem:s25], [sflag:$0x2] =	stream.indirect_vreg.gather [hbm4b:s9+s2], $0x80, v4, vm0, $0xb8;
	[tilespmem:$0x18080] =	vst v63  }
0x15a: {  	s25 =	simm.s32 $0xB880  }
0x15b: {  	[tilespmem:s25], [sflag:$0x2] =	stream.indirect_vreg.gather [hbm4b:s10+s2], $0x80, v4, vm0, $0xb8;
	[tilespmem:$0x18080] =	vst v63  }
0x15c: {  	s25 =	simm.s32 $0xC080  }
0x15d: {  	[tilespmem:s25], [sflag:$0x2] =	stream.indirect_vreg.gather [hbm4b:s3+s2], $0x80, v3, vm0, $0xb8;
	[tilespmem:$0x18080] =	vst v63  }
0x15e: {  	s25 =	simm.s32 $0xC880  }
0x15f: {  	[tilespmem:s25], [sflag:$0x2] =	stream.indirect_vreg.gather [hbm4b:s4+s2], $0x80, v3, vm0, $0xb8;
	[tilespmem:$0x18080] =	vst v63  }
0x160: {  	s25 =	simm.s32 $0xD080  }
0x161: {  	[tilespmem:s25], [sflag:$0x2] =	stream.indirect_vreg.gather [hbm4b:s5+s2], $0x80, v3, vm0, $0xb8;
	[tilespmem:$0x18080] =	vst v63  }
0x162: {  	s25 =	simm.s32 $0xD880  }
0x163: {  	[tilespmem:s25], [sflag:$0x2] =	stream.indirect_vreg.gather [hbm4b:s6+s2], $0x80, v3, vm0, $0xb8;
	[tilespmem:$0x18080] =	vst v63  }
0x164: {  	s25 =	simm.s32 $0xE080  }
0x165: {  	[tilespmem:s25], [sflag:$0x2] =	stream.indirect_vreg.gather [hbm4b:s7+s2], $0x80, v3, vm0, $0xb8;
	[tilespmem:$0x18080] =	vst v63  }
0x166: {  	s25 =	simm.s32 $0xE880  }
0x167: {  	[tilespmem:s25], [sflag:$0x2] =	stream.indirect_vreg.gather [hbm4b:s8+s2], $0x80, v3, vm0, $0xb8;
	[tilespmem:$0x18080] =	vst v63  }
0x168: {  	s25 =	simm.s32 $0xF080  }
0x169: {  	[tilespmem:s25], [sflag:$0x2] =	stream.indirect_vreg.gather [hbm4b:s9+s2], $0x80, v3, vm0, $0xb8;
	[tilespmem:$0x18080] =	vst v63  }
0x16a: {  	s25 =	simm.s32 $0xF880  }
0x16b: {  	[tilespmem:s25], [sflag:$0x2] =	stream.indirect_vreg.gather [hbm4b:s10+s2], $0x80, v3, vm0, $0xb8;
	[tilespmem:$0x18080] =	vst v63  }
0x16c: {  	_ =	swait.ge [sflag:s14], $0x8000  }
0x16d: {  	[sflag:s14] =	ssyncset.done $0x0  }
0x16e: {  	s25 =	rddreg [dreg:$0x9];
	[sflag:s14] =	ssyncadd.s32 $0xFFFF8000  }
0x16f: {  	[hbm4b:s25+s2] =	stream.linear.scatter [tilespmem:s30], [sflag:$0x4], $0x8000, $0x38;
	[tilespmem:$0x18080] =	vst v63  }
0x170: {  	_ =	swait.ge [sflag:s28], $0x8000  }
0x171: {  	[sflag:s28] =	ssyncset.done $0x0  }
0x172: {  	s25 =	rddreg [dreg:$0xa];
	[sflag:s28] =	ssyncadd.s32 $0xFFFF8000  }
0x173: {  	[hbm4b:s25+s2] =	stream.linear.scatter [tilespmem:s31], [sflag:$0x5], $0x8000, $0x38;
	[tilespmem:$0x18080] =	vst v63  }
0x174: {  	_ =	swait.ge [sflag:s1], $0x8000  }
0x175: {  	[sflag:s1] =	ssyncset.done $0x0  }
0x176: {  	[sflag:s1] =	ssyncadd.s32 $0xFFFF8000  }
0x177: {  	p0 =	sne.s32 s11, $0x1;
	_ =	swait.ge [sflag:s29], $0x8000  }
.Ltmp0:
0x178: {  	[sflag:s29] =	ssyncset.done $0x0;
	(pc) =	sbr.rel @p0 .LBB2_1-.Ltmp0, $4  }
0x179: {  	[sflag:s29] =	ssyncadd.s32 $0xFFFF8000  }
0x17a: {  	_ =	swait.ge [sflag:s0], $0x8000  }
0x17b: {  	[sflag:s0] =	ssyncset.done $0x0  }
0x17c: {  	s11 =	sadd.s32 $0xFFFFFFFF, s11;
	[sflag:s0] =	ssyncadd.s32 $0xFFFF8000  }
0x17d: {  	_ =	sfence.sel $0x180000  }
0x17e: {  	[bflag:$0x0] =	sbarrier.arrive $0xFFFF  }
0x17f: {  	_ =	strace $0x90000053  }
0x180: {  	s0 =	stileid.u32;
	[bflag:$0x2] =	sbarrier.arrive $0xFFFF  }
0x181: {  	p0 =	sne.s32 s0, $0x0;
	s0 =	rddreg [dreg:$0x1]  }
0x182: {  	s0 =	sadd.s32 @!p0 $0x100000, s0  }
0x183: {  	[sflag:s0] =	ssyncadd.tile.s32 @!p0 $0x1;
	_ =	shalt  }
.Lfunc_end2:
_tile_overlayer_lowered:
.L_overlay_start_2:
0x184: {  	(tag) =	ssettag $0x2  }
0x185: {  	s0 =	rddreg [dreg:$0x0];
	s2 =	stileid.u32  }
0x186: {  	s1 =	rddreg [dreg:$0x1];
	p0 =	sne.s32 s2, $0x0  }
0x187: {  	s3 =	rddreg [dreg:$0x2];
	[bflag:$0x3] =	sbarrier.arrive $0xFFFF;
	s2 =	simm.s32 @!p0 $0x1C07  }
0x188: {  	[timem:s3], [sflag:s2] =	dma.local @!p0 [hbm:s0], s1  }
0x189: {  	s0 =	simm.s32 @!p0 $0x7  }
0x18a: {  	_ =	swait.ge @!p0 [sflag:s0], s1  }
0x18b: {  	s1 =	ssub.s32 @!p0 $0x0, s1;
	[sflag:s0] =	ssyncset.done @!p0 $0x0  }
0x18c: {  	[sflag:s0] =	ssyncadd.s32 @!p0 s1  }
0x18d: {  	[bflag:$0x3] =	sbarrier.arrive $0xFFFF  }
0x18e: {  	_ =	shalt  }

// kernel: kernel.7.cloned.1.call-start
scs
__scs_entry_jumppad:
0x0: {  	(pc) =	sbr.rel $0x88, $3  }
0x1: {  	(tag) =	ssettag $0x0;
	lr =	simm.s32 $0x1  }
0x2: {  	[smem:$0x3F98] =	sst lr;
	_ =	strace $0xD0000000  }
0x3: {  	_ = 	snop  }
0x4: {  	_ = 	snop  }
0x5: {  	_ = 	snop  }
0x6: {  	_ = 	snop  }
0x7: {  	_ = 	snop  }
__scs_overlays_trampoline_lowered:
0x8: {  	[smem:$0x3FA7] =	sst s0  }
0x9: {  	[smem:$0x3FA8] =	sst s1  }
0xa: {  	[smem:$0x3FA9] =	sst s2  }
0xb: {  	[smem:$0x3FAA] =	sst s3  }
0xc: {  	[smem:$0x3FAB] =	sst s4  }
0xd: {  	[smem:$0x3FAC] =	sst s5  }
0xe: {  	[smem:$0x3FAD] =	sst s6  }
0xf: {  	[smem:$0x3FAE] =	sst s7  }
0x10: {  	[smem:$0x3FAF] =	sst s8  }
0x11: {  	[smem:$0x3FB0] =	sst s9;
	s0 =	simm.s32 @!p0 $0x0  }
0x12: {  	s1 =	sld [smem:$0x3F96];
	s0 =	simm.s32 @p0 $0x1  }
0x13: {  	[smem:$0x3FB1] =	sst s0;
	s0 =	simm.s32 @!p1 $0x0  }
0x14: {  	s2 =	sld [smem:$0x3F95];
	s0 =	simm.s32 @p1 $0x1  }
0x15: {  	[smem:$0x3FB2] =	sst s0;
	s0 =	simm.s32 @!p2 $0x0  }
0x16: {  	s3 =	sld [smem:$0x3FDB];
	s0 =	simm.s32 @p2 $0x1  }
0x17: {  	s4 =	simm.s32 $0x1BF5;
	[smem:$0x3FB4] =	sst s0  }
0x18: {  	s0 =	sld [smem:$0x3F97];
	_ =	swait.ge [sflag:s4], $0x0  }
0x19: {  	s7 =	sld [smem:$0x3F98]  }
0x1a: {  	s8 =	sadd.s32 $0xFFFFE003, lr  }
0x1b: {  	s9 =	sadd.s32 $0xFFFFFEF7, lr;
	s5 =	simm.s32 $0xFFFFFFFF;
	p2 =	slt.u32 s8, $0xFFFFF086  }
0x1c: {  	p1 =	slt.u32 s9, $0xF7A;
	s5 =	simm.s32 @!p2 $0x0  }
0x1d: {  	s5 =	simm.s32 @p1 $0x1;
	p0 =	seq.s32 s7, s2  }
0x1e: {  	s7 =	smul.u32 @!p0 $0xF7A, s2;
	p2 =	seq.s32 @!p0 s5, $0x0  }
0x1f: {  	s9 =	smul.u32 $0xF7A, s1;
	s8 =	simm.s32 @!p0 $0x1BF5;
	p2 =	por !p2, p0  }
0x20: {  	[sflag:s8] =	ssyncset.s32 @!p0 $0xFFFFF086;
	s6 =	sadd.s32 @!p0 s3, s7;
	s7 =	simm.s32 @!p0 $0x108  }
0x21: {  	s3 =	sadd.s32 s3, s9;
	s6 =	sadd.s32 @!p0 $0x88, s6;
	s7 =	simm.s32 @p2 $0x1082  }
0x22: {  	[simem:s7], [sflag:s8] =	dma.local @!p0 [hbm:s6], $0xF7A  }
0x23: {  	s9 =	sor.u32 $0xD0000000, s2;
	s6 =	simm.s32 $0x108;
	_ =	swait.ge @!p0 [sflag:s8], $0x0  }
0x24: {  	s3 =	sadd.s32 $0x88, s3;
	s6 =	simm.s32 @!p1 $0x1082;
	[sflag:s4] =	ssyncset.s32 $0xFFFFF086  }
0x25: {  	[simem:s6], [sflag:s4] =	dma.local [hbm:s3], $0xF7A  }
0x26: {  	[smem:$0x3F98] =	sst s1;
	(tag) =	ssettag s2;
	_ =	strace s9  }
0x27: {  	s1 =	sld [smem:$0x3FA8]  }
0x28: {  	s2 =	sld [smem:$0x3FA9]  }
0x29: {  	s4 =	sld [smem:$0x3FAB]  }
0x2a: {  	p0 =	seq.s32 s5, $0x0;
	s5 =	sld [smem:$0x3FAC]  }
0x2b: {  	s6 =	sld [smem:$0x3FAD]  }
0x2c: {  	s7 =	sld [smem:$0x3FAE]  }
0x2d: {  	s3 =	simm.s32 $0x108;
	s8 =	sld [smem:$0x3FAF]  }
0x2e: {  	s3 =	simm.s32 @!p0 $0x1082;
	s9 =	sld [smem:$0x3FB0]  }
0x2f: {  	lr =	sadd.s32 s0, s3;
	s0 =	sld [smem:$0x3FA7]  }
0x30: {  	s3 =	sld [smem:$0x3FAA]  }
0x31: {  	[smem:$0x3FB3] =	sst s10  }
0x32: {  	s10 =	sld [smem:$0x3FB1];
	_ =	sdelay $0x3  }
0x33: {  	p0 =	seq.s32 s10, $0x1;
	s10 =	sld [smem:$0x3FB3];
	_ =	sdelay $0x3  }
0x34: {  	[smem:$0x3FB3] =	sst s10  }
0x35: {  	s10 =	sld [smem:$0x3FB2];
	_ =	sdelay $0x3  }
0x36: {  	p1 =	seq.s32 s10, $0x1;
	s10 =	sld [smem:$0x3FB3];
	_ =	sdelay $0x3  }
0x37: {  	[smem:$0x3FB3] =	sst s10  }
0x38: {  	s10 =	sld [smem:$0x3FB4]  }
0x39: {  	_ = 	snop;
	(pc) =	sbr.ind lr, $3  }
0x3a: {  	_ = 	snop  }
0x3b: {  	_ = 	snop  }
0x3c: {  	p2 =	seq.s32 s10, $0x1;
	s10 =	sld [smem:$0x3FB3]  }
0x3d: {  	_ =	shalt  }
0x3e: {  	_ =	shalt  }
0x3f: {  	_ =	shalt  }
0x40: {  	_ =	shalt  }
0x41: {  	_ =	shalt  }
0x42: {  	_ =	shalt  }
0x43: {  	_ =	shalt  }
0x44: {  	_ =	shalt  }
0x45: {  	_ =	shalt  }
0x46: {  	_ =	shalt  }
0x47: {  	_ =	shalt  }
0x48: {  	_ =	shalt  }
0x49: {  	_ =	shalt  }
0x4a: {  	_ =	shalt  }
0x4b: {  	_ =	shalt  }
0x4c: {  	_ =	shalt  }
0x4d: {  	_ =	shalt  }
0x4e: {  	_ =	shalt  }
0x4f: {  	_ =	shalt  }
0x50: {  	_ =	shalt  }
0x51: {  	_ =	shalt  }
0x52: {  	_ =	shalt  }
0x53: {  	_ =	shalt  }
0x54: {  	_ =	shalt  }
0x55: {  	_ =	shalt  }
0x56: {  	_ =	shalt  }
0x57: {  	_ =	shalt  }
0x58: {  	_ =	shalt  }
0x59: {  	_ =	shalt  }
0x5a: {  	_ =	shalt  }
0x5b: {  	_ =	shalt  }
0x5c: {  	_ =	shalt  }
0x5d: {  	_ =	shalt  }
0x5e: {  	_ =	shalt  }
0x5f: {  	_ =	shalt  }
0x60: {  	_ =	shalt  }
0x61: {  	_ =	shalt  }
0x62: {  	_ =	shalt  }
0x63: {  	_ =	shalt  }
0x64: {  	_ =	shalt  }
0x65: {  	_ =	shalt  }
0x66: {  	_ =	shalt  }
0x67: {  	_ =	shalt  }
0x68: {  	_ =	shalt  }
0x69: {  	_ =	shalt  }
0x6a: {  	_ =	shalt  }
0x6b: {  	_ =	shalt  }
0x6c: {  	_ =	shalt  }
0x6d: {  	_ =	shalt  }
0x6e: {  	_ =	shalt  }
0x6f: {  	_ =	shalt  }
0x70: {  	_ =	shalt  }
0x71: {  	_ =	shalt  }
0x72: {  	_ =	shalt  }
0x73: {  	_ =	shalt  }
0x74: {  	_ =	shalt  }
0x75: {  	_ =	shalt  }
0x76: {  	_ =	shalt  }
0x77: {  	_ =	shalt  }
0x78: {  	_ =	shalt  }
0x79: {  	_ =	shalt  }
0x7a: {  	_ =	shalt  }
0x7b: {  	_ =	shalt  }
0x7c: {  	_ =	shalt  }
0x7d: {  	_ =	shalt  }
0x7e: {  	_ =	shalt  }
0x7f: {  	_ =	shalt  }
0x80: {  	_ =	shalt  }
0x81: {  	_ =	shalt  }
0x82: {  	_ =	shalt  }
0x83: {  	_ =	shalt  }
0x84: {  	_ =	shalt  }
0x85: {  	_ =	shalt  }
0x86: {  	_ =	shalt  }
0x87: {  	_ =	shalt  }
.Lfunc_end0:
.L_simem_size_0:
called_computation.3_lowered:
.L_overlay_start_0:
0x88: {  	s2 =	sld [smem:$0x3FD9]  }
0x89: {  	s3 =	sld [smem:$0x3FFE];
	_ =	sdelay $0x1  }
0x8a: {  	s1 =	srdreg.scid  }
0x8b: {  	s0 =	sand.u32 $0x1, s1  }
0x8c: {  	s17 =	sshll.u32 s0, $0xA;
	s2 =	sadd.s32 s3, s2  }
0x8d: {  	s2 =	sadd.s32 s2, s17  }
0x8e: {  	[smem:$0x3FBF] =	sst s2  }
0x8f: {  	_ = 	snop  }
0x90: {  	s18 =	sld [smem:$0x3FC9]  }
0x91: {  	s4 =	sld [smem:$0x3FD0];
	(tm) =	ssettm $0x1  }
0x92: {  	s19 =	sld [smem:$0x3FFB];
	_ =	sdelay $0x3  }
0x93: {  	_ =	strace s19  }
0x94: {  	s2 =	sld [smem:$0x3FFC];
	_ =	sdelay $0x3  }
0x95: {  	_ =	strace s2  }
0x96: {  	s2 =	sld [smem:$0x3FFD];
	_ =	sdelay $0x3  }
0x97: {  	_ =	strace s2  }
0x98: {  	_ =	strace $0x8FFFFFFF  }
0x99: {  	s20 =	sld [smem:$0x3FDB];
	_ =	sdelay $0x1  }
0x9a: {  	s5 =	simm.s32 $_scs_section_size  }
0x9b: {  	s6 =	simm.s32 $_size__tile_overlayer_lowered;
	s7 =	simm.s32 $_tile_overlayer_lowered  }
0x9c: {  	s8 =	simm.s32 $0x1BFF;
	s21 =	sshll.u32 s7, $0x1;
	s5 =	sadd.s32 s5, s20  }
0x9d: {  	s22 =	simm.s32 $0x0;
	s6 =	sshll.u32 s6, $0x1;
	s7 =	sadd.s32 s21, s5  }
0x9e: {  	[timem:s22], [sflag:s8] =	dma.local [hbm:s7], s6  }
0x9f: {  	_ =	swait.ge [sflag:s8], s6  }
0xa0: {  	s6 =	ssub.s32 $0x0, s6;
	[sflag:s8] =	ssyncset.done $0x0  }
0xa1: {  	[sflag:s8] =	ssyncadd.s32 s6;
	_ =	sdelay $0x1  }
0xa2: {  	s23 =	simm.s32 $0x1B8B  }
0xa3: {  	_ =	swait.ge [sflag:s23], $0x1  }
0xa4: {  	[sflag:s23] =	ssyncset.done $0x0  }
0xa5: {  	[sflag:s23] =	ssyncadd.s32 $0xFFFFFFFF  }
0xa6: {  	s6 =	sld [smem:$0x0]  }
0xa7: {  	s7 =	sand.u32 $0xFFFFFFFE, s1  }
0xa8: {  	p0 =	sne.s32 s1, s7  }
0xa9: {  	s7 =	sshll.u32 @p0 s7, $0xE  }
0xaa: {  	s7 =	sadd.s32 @p0 $0x11B8D, s7;
	s8 =	sshll.u32 @p0 s6, $0x11  }
0xab: {  	s7 =	sor.u32 @p0 s8, s7  }
0xac: {  	[sflag:s7] =	ssyncadd.remote.s32 @p0 $0x1;
	_ =	sdelay $0x1  }
0xad: {  	s7 =	simm.s32 @p0 $0x1B8D  }
0xae: {  	_ =	swait.eq @p0 [sflag:s7], $0x1  }
0xaf: {  	[sflag:s7] =	ssyncadd.s32 @p0 $0xFFFFFFFF  }
0xb0: {  	s8 =	sshll.u32 @!p0 s1, $0xE  }
0xb1: {  	s8 =	sor.u32 @!p0 $0x4000, s8;
	s7 =	simm.s32 @!p0 $0x1B8D  }
0xb2: {  	s6 =	sshll.u32 @!p0 s6, $0x11;
	s8 =	sadd.s32 @!p0 $0x11B8D, s8;
	_ =	swait.eq @!p0 [sflag:s7], $0x1  }
0xb3: {  	s6 =	sor.u32 @!p0 s6, s8;
	[sflag:s7] =	ssyncadd.s32 @!p0 $0xFFFFFFFF  }
0xb4: {  	s25 =	simm.s32 $0x1B8E;
	s24 =	sld [smem:$0x3FFE];
	[sflag:s6] =	ssyncadd.remote.s32 @!p0 $0x1  }
0xb5: {  	s26 =	simm.s32 $execute0_lowered;
	[smem:$0x3FD2] =	sst s25  }
0xb6: {  	s7 =	sshll.u32 s26, $0x1;
	_ =	strace $0x8000004F;
	[dreg:$0x1] =	wrdreg $0xFFFFFFFF  }
0xb7: {  	s28 =	simm.s32 $_size_execute0_lowered;
	s5 =	sadd.s32 s5, s7;
	[dreg:$0x0] =	wrdreg $0x0  }
0xb8: {  	s7 =	sshll.u32 s28, $0x1;
	[dreg:$0x2] =	wrdreg s5  }
0xb9: {  	[dreg:$0x3] =	wrdreg s7  }
0xba: {  	[dreg:$0x4] =	wrdreg $0xC0  }
0xbb: {  	_ =	task [dreg:s22], $0x5FFFF  }
0xbc: {  	[dreg:$0x1] =	wrdreg $0xFFFFFFFF  }
0xbd: {  	[dreg:$0x0] =	wrdreg $0x60  }
0xbe: {  	[dreg:$0x2] =	wrdreg s18  }
0xbf: {  	[dreg:$0x3] =	wrdreg s4  }
0xc0: {  	[dreg:$0x4] =	wrdreg s24  }
0xc1: {  	[dreg:$0x5] =	wrdreg $0xA  }
0xc2: {  	_ =	task.clear_ibuf [dreg:s22], $0x6FFFF;
	_ =	strace $0x9000004F  }
0xc3: {  	s29 =	simm.s32 $0xA;
	_ =	strace $0x80000051  }
0xc4: {  	_ =	swait.ge [sflag:s29], $0x1  }
0xc5: {  	[sflag:s29] =	ssyncadd.s32 $0xFFFFFFFF  }
0xc6: {  	_ =	strace $0x90000051  }
0xc7: {  	_ =	sfence  }
0xc8: {  	s30 =	sld [smem:$0x0];
	_ =	sdelay $0x2  }
0xc9: {  	s31 =	sshll.u32 s1, $0xD;
	s1 =	sshrl.u32 s1, $0x2  }
0xca: {  	s4 =	sand.u32 $0x4000, s31;
	s1 =	sadd.s32 s1, s30  }
0xcb: {  	s0 =	sor.u32 s4, s0;
	s1 =	sshll.u32 s1, $0x11  }
0xcc: {  	s0 =	sor.u32 s1, s0  }
0xcd: {  	s0 =	sadd.s32 $0x8F2B, s0  }
0xce: {  	[sflag:s0] =	ssyncadd.remote.s32 $0x1  }
0xcf: {  	_ =	sfence.sel $0xFFFF  }
0xd0: {  	[dreg:$0x0] =	wrdreg $0xFFFFFFFF;
	(pc) =	sbr.abs _section_cstart, $3  }
0xd1: {  	[dreg:$0x1] =	wrdreg $0xFFFFFFFF  }
0xd2: {  	_ =	task.clear_ibuf [dreg:s22], $0x2FFFF;
	_ =	strace $0x9FFFFFFF  }
0xd3: {  	(tm) =	ssettm $0x7FFFFFFF  }
tec
execute0_lowered:
.L_overlay_start_1:
0x0: {  	(tag) =	ssettag $0x1  }
0x1: {  	s1 =	rddreg [dreg:$0x0]  }
0x2: {  	s3 =	rddreg [dreg:$0x1]  }
0x3: {  	s0 =	rddreg [dreg:$0x2];
	s4 =	simm.s32 $0x0  }
0x4: {  	s2 =	srdreg.scid;
	s25 =	stileid.u32;
	s29 =	simm.s32 $0x7  }
0x5: {  	[smem:$0x7FF] =	sst s4;
	s2 =	sand.u32 $0x1, s2;
	s4 =	sshll.u32 s25, $0x9  }
0x6: {  	s6 =	sadd.s32 $0x600, s0;
	s31 =	sadd.s32 $0x4A00, s0;
	s28 =	sadd.s32 $0x700, s1  }
0x7: {  	_ =	strace $0x80000050;
	s5 =	sshll.u32 s2, $0x8;
	s7 =	ssub.s32 $0x2, s2  }
0x8: {  	[dreg:$0x4] =	wrdreg s6;
	s6 =	sadd.s32 $0x200, s1;
	s4 =	sor.u32 s5, s4  }
0x9: {  	s26 =	sshrl.u32 s7, $0x1;
	s5 =	sadd.s32 $0x100, s1;
	s30 =	sshrl.u32 s4, $0x3  }
0xa: {  	s0 =	ssub.s32 s7, s26;
	s12 =	sshll.u32 s4, $0x8;
	s13 =	sor.u32 $0x10, s4  }
0xb: {  	s8 =	sor.u32 $0x20, s4;
	s9 =	sor.u32 $0x30, s4;
	[dreg:$0x17] =	wrdreg s13  }
0xc: {  	s3 =	sadd.s32 s3, s30;
	s14 =	sshll.u32 s13, $0x8;
	[dreg:$0x18] =	wrdreg s8  }
0xd: {  	s10 =	sshll.u32 s8, $0x8;
	s11 =	sshll.u32 s9, $0x8;
	[dreg:$0x5] =	wrdreg s3  }
0xe: {  	s3 =	sadd.s32 s31, s12;
	s15 =	sadd.s32 s31, s10;
	s10 =	sor.u32 $0x40, s4  }
0xf: {  	s16 =	sadd.s32 s31, s11;
	s11 =	sor.u32 $0x50, s4;
	[dreg:$0x6] =	wrdreg s3  }
0x10: {  	s12 =	sor.u32 $0x60, s4;
	s3 =	sadd.s32 s31, s14;
	[dreg:$0x8] =	wrdreg s15  }
0x11: {  	[dreg:$0x9] =	wrdreg s16;
	s17 =	sshll.u32 s10, $0x8;
	s13 =	sshll.u32 s11, $0x8  }
0x12: {  	s14 =	sshll.u32 s12, $0x8;
	[dreg:$0x7] =	wrdreg s3;
	s3 =	sadd.s32 s31, s17  }
0x13: {  	s15 =	sor.u32 $0x90, s4;
	s18 =	sadd.s32 s31, s13;
	[dreg:$0xa] =	wrdreg s3  }
0x14: {  	s13 =	sor.u32 $0x70, s4;
	s19 =	sadd.s32 s31, s14;
	[dreg:$0xb] =	wrdreg s18  }
0x15: {  	s14 =	sor.u32 $0x80, s4;
	s17 =	sshll.u32 s15, $0x8;
	[dreg:$0xc] =	wrdreg s19  }
0x16: {  	s20 =	sshll.u32 s13, $0x8;
	s16 =	sshll.u32 s14, $0x8;
	s22 =	sadd.s32 s31, s17  }
0x17: {  	s17 =	sor.u32 $0xB0, s4;
	s18 =	sor.u32 $0xC0, s4;
	s3 =	sadd.s32 s31, s20  }
0x18: {  	s21 =	sadd.s32 s31, s16;
	s16 =	sor.u32 $0xA0, s4;
	[dreg:$0xf] =	wrdreg s22  }
0x19: {  	s19 =	sshll.u32 s17, $0x8;
	s20 =	sshll.u32 s18, $0x8;
	[dreg:$0xd] =	wrdreg s3  }
0x1a: {  	[dreg:$0xe] =	wrdreg s21;
	s23 =	sshll.u32 s16, $0x8;
	s24 =	sadd.s32 s31, s19  }
0x1b: {  	s19 =	sor.u32 $0xD0, s4;
	s25 =	sadd.s32 s31, s20;
	s20 =	sor.u32 $0xE0, s4  }
0x1c: {  	s21 =	sor.u32 $0xF0, s4;
	s3 =	sadd.s32 s31, s23;
	[dreg:$0x11] =	wrdreg s24  }
0x1d: {  	[dreg:$0x12] =	wrdreg s25;
	s26 =	sshll.u32 s19, $0x8;
	s22 =	sshll.u32 s20, $0x8  }
0x1e: {  	s23 =	sshll.u32 s21, $0x8;
	[dreg:$0x10] =	wrdreg s3;
	s3 =	sadd.s32 s31, s26  }
0x1f: {  	s24 =	sadd.s32 $0x500, s1;
	s30 =	sadd.s32 s31, s22;
	[dreg:$0x13] =	wrdreg s3  }
0x20: {  	s25 =	smax.u32 s0, $0x1;
	s2 =	sadd.s32 s31, s23;
	[dreg:$0x14] =	wrdreg s30  }
0x21: {  	s22 =	sadd.s32 $0x300, s1;
	s31 =	simm.s32 $0x100;
	[dreg:$0x15] =	wrdreg s2  }
0x22: {  	s23 =	sadd.s32 $0x400, s1;
	s26 =	sadd.s32 $0x600, s1;
	[dreg:$0x16] =	wrdreg s31  }
.LBB2_1:
0x23: {  	s0 =	rddreg [dreg:$0x5];
	s3 =	simm.s32 $0x0  }
0x24: {  	[tilespmem:s3], [sflag:$0x7] =	stream.linear.gather [hbm4b:s0+s3], $0x100, $0x38;
	[tilespmem:$0x18180] =	vst v63  }
0x25: {  	_ =	swait.ge [sflag:s29], $0x100  }
0x26: {  	s7 =	rddreg [dreg:$0x4];
	[sflag:s29] =	ssyncset.done $0x0  }
0x27: {  	s2 =	rddreg [dreg:$0x16];
	[sflag:s29] =	ssyncadd.s32 $0xFFFFFF00  }
0x28: {  	[tilespmem:s2], [sflag:$0x7] =	stream.linear.gather [hbm4b:s7+s3], $0x80, $0x38;
	[tilespmem:$0x18180] =	vst v63  }
0x29: {  	_ =	swait.ge [sflag:s29], $0x80  }
0x2a: {  	[sflag:s29] =	ssyncset.done $0x0  }
0x2b: {  	[sflag:s29] =	ssyncadd.s32 $0xFFFFFF80  }
0x2c: {  	v0 =	vld [tilespmem:$0x100];
	_ =	sdelay $0x4  }
0x2d: {  	(v2sf) =	vpush v0, $0x0;
	_ =	sdelay $0xe  }
0x2e: {  	s30 =	spop (v2sf)  }
0x2f: {  	p1 =	sge.s32 s4, s30  }
0x30: {  	v0 =	vld @!p1 [tilespmem:$0x0];
	_ =	sdelay $0x4  }
0x31: {  	v1 =	vshll.u32 @!p1 v0, $0x4  }
0x32: {  	v2 =	vlaneseq.u32 @!p1;
	v0 =	vand.u32 @!p1 $0x7, v0;
	v1 =	vand.u32 @!p1 $0xFFFFFF80, v1  }
0x33: {  	v3 =	vshrl.u32 @!p1 v2, $0x3;
	v0 =	vor.u32 @!p1 v0, v1;
	v1 =	vand.u32 @!p1 $0x7, v2  }
0x34: {  	v3 =	vmul.u32 @!p1 $0x8, v3;
	v1 =	vperm.xlane @!p1 v0, v1;
	_ =	sdelay $0x1  }
0x35: {  	v1 =	vadd.s32 @!p1 v3, v1;
	_ =	sdelay $0x3  }
0x36: {  	vm0 =	vmmov @!p1 $0xffff;
	s2 =	simm.s32 @!p1 $0x0;
	s31 =	simm.s32 @!p1 $0x180  }
0x37: {  	[tilespmem:s31], [sflag:$0x1] =	stream.indirect_vreg.gather @!p1 [hbm4b:s1+s2], $0x80, v1, vm0, $0xb8;
	[tilespmem:$0x18180] =	vst v63  }
0x38: {  	s0 =	simm.s32 @!p1 $0x980  }
0x39: {  	[tilespmem:s0], [sflag:$0x1] =	stream.indirect_vreg.gather @!p1 [hbm4b:s5+s2], $0x80, v1, vm0, $0xb8;
	[tilespmem:$0x18180] =	vst v63  }
0x3a: {  	s0 =	simm.s32 @!p1 $0x1180  }
0x3b: {  	[tilespmem:s0], [sflag:$0x1] =	stream.indirect_vreg.gather @!p1 [hbm4b:s6+s2], $0x80, v1, vm0, $0xb8;
	[tilespmem:$0x18180] =	vst v63  }
0x3c: {  	s0 =	simm.s32 @!p1 $0x1980  }
0x3d: {  	[tilespmem:s0], [sflag:$0x1] =	stream.indirect_vreg.gather @!p1 [hbm4b:s22+s2], $0x80, v1, vm0, $0xb8;
	[tilespmem:$0x18180] =	vst v63  }
0x3e: {  	s0 =	simm.s32 @!p1 $0x2180  }
0x3f: {  	v2 =	vor.u32 @!p1 $0x8, v2;
	[tilespmem:s0], [sflag:$0x1] =	stream.indirect_vreg.gather @!p1 [hbm4b:s23+s2], $0x80, v1, vm0, $0xb8;
	[tilespmem:$0x18180] =	vst v63  }
0x40: {  	v0 =	vperm.xlane @!p1 v0, v2;
	s0 =	simm.s32 @!p1 $0x2980  }
0x41: {  	[tilespmem:s0], [sflag:$0x1] =	stream.indirect_vreg.gather @!p1 [hbm4b:s24+s2], $0x80, v1, vm0, $0xb8;
	[tilespmem:$0x18180] =	vst v63  }
0x42: {  	v0 =	vadd.s32 @!p1 v3, v0;
	s0 =	simm.s32 @!p1 $0x3180  }
0x43: {  	[tilespmem:s0], [sflag:$0x1] =	stream.indirect_vreg.gather @!p1 [hbm4b:s26+s2], $0x80, v1, vm0, $0xb8;
	[tilespmem:$0x18180] =	vst v63  }
0x44: {  	s0 =	simm.s32 @!p1 $0x3980  }
0x45: {  	[tilespmem:s0], [sflag:$0x1] =	stream.indirect_vreg.gather @!p1 [hbm4b:s28+s2], $0x80, v1, vm0, $0xb8;
	[tilespmem:$0x18180] =	vst v63  }
0x46: {  	s0 =	simm.s32 @!p1 $0x4180  }
0x47: {  	[tilespmem:s0], [sflag:$0x1] =	stream.indirect_vreg.gather @!p1 [hbm4b:s1+s2], $0x80, v0, vm0, $0xb8;
	[tilespmem:$0x18180] =	vst v63  }
0x48: {  	s0 =	simm.s32 @!p1 $0x4980  }
0x49: {  	[tilespmem:s0], [sflag:$0x1] =	stream.indirect_vreg.gather @!p1 [hbm4b:s5+s2], $0x80, v0, vm0, $0xb8;
	[tilespmem:$0x18180] =	vst v63  }
0x4a: {  	s0 =	simm.s32 @!p1 $0x5180  }
0x4b: {  	[tilespmem:s0], [sflag:$0x1] =	stream.indirect_vreg.gather @!p1 [hbm4b:s6+s2], $0x80, v0, vm0, $0xb8;
	[tilespmem:$0x18180] =	vst v63  }
0x4c: {  	s0 =	simm.s32 @!p1 $0x5980  }
0x4d: {  	[tilespmem:s0], [sflag:$0x1] =	stream.indirect_vreg.gather @!p1 [hbm4b:s22+s2], $0x80, v0, vm0, $0xb8;
	[tilespmem:$0x18180] =	vst v63  }
0x4e: {  	s0 =	simm.s32 @!p1 $0x6180  }
0x4f: {  	[tilespmem:s0], [sflag:$0x1] =	stream.indirect_vreg.gather @!p1 [hbm4b:s23+s2], $0x80, v0, vm0, $0xb8;
	[tilespmem:$0x18180] =	vst v63  }
0x50: {  	s0 =	simm.s32 @!p1 $0x6980  }
0x51: {  	[tilespmem:s0], [sflag:$0x1] =	stream.indirect_vreg.gather @!p1 [hbm4b:s24+s2], $0x80, v0, vm0, $0xb8;
	[tilespmem:$0x18180] =	vst v63  }
0x52: {  	s8 =	rddreg [dreg:$0x17];
	s0 =	simm.s32 @!p1 $0x7180  }
0x53: {  	[tilespmem:s0], [sflag:$0x1] =	stream.indirect_vreg.gather @!p1 [hbm4b:s26+s2], $0x80, v0, vm0, $0xb8;
	[tilespmem:$0x18180] =	vst v63  }
0x54: {  	p2 =	sge.s32 s8, s30;
	s0 =	simm.s32 @!p1 $0x7980  }
0x55: {  	[tilespmem:s0], [sflag:$0x1] =	stream.indirect_vreg.gather @!p1 [hbm4b:s28+s2], $0x80, v0, vm0, $0xb8;
	[tilespmem:$0x18180] =	vst v63  }
0x56: {  	v0 =	vld @!p2 [tilespmem:$0x10];
	_ =	sdelay $0x4  }
0x57: {  	v1 =	vshll.u32 @!p2 v0, $0x4  }
0x58: {  	v2 =	vlaneseq.u32 @!p2;
	v0 =	vand.u32 @!p2 $0x7, v0;
	v1 =	vand.u32 @!p2 $0xFFFFFF80, v1  }
0x59: {  	v3 =	vshrl.u32 @!p2 v2, $0x3;
	v0 =	vor.u32 @!p2 v0, v1;
	v1 =	vand.u32 @!p2 $0x7, v2  }
0x5a: {  	v3 =	vmul.u32 @!p2 $0x8, v3;
	v1 =	vperm.xlane @!p2 v0, v1;
	_ =	sdelay $0x1  }
0x5b: {  	v1 =	vadd.s32 @!p2 v3, v1;
	_ =	sdelay $0x3  }
0x5c: {  	s3 =	simm.s32 @!p2 $0x8180;
	vm0 =	vmmov @!p2 $0xffff;
	s0 =	simm.s32 @!p2 $0x0  }
0x5d: {  	[tilespmem:s3], [sflag:$0x2] =	stream.indirect_vreg.gather @!p2 [hbm4b:s1+s0], $0x80, v1, vm0, $0xb8;
	[tilespmem:$0x18180] =	vst v63  }
0x5e: {  	s7 =	simm.s32 @!p2 $0x8980  }
0x5f: {  	[tilespmem:s7], [sflag:$0x2] =	stream.indirect_vreg.gather @!p2 [hbm4b:s5+s0], $0x80, v1, vm0, $0xb8;
	[tilespmem:$0x18180] =	vst v63  }
0x60: {  	s7 =	simm.s32 @!p2 $0x9180  }
0x61: {  	[tilespmem:s7], [sflag:$0x2] =	stream.indirect_vreg.gather @!p2 [hbm4b:s6+s0], $0x80, v1, vm0, $0xb8;
	[tilespmem:$0x18180] =	vst v63  }
0x62: {  	s7 =	simm.s32 @!p2 $0x9980  }
0x63: {  	[tilespmem:s7], [sflag:$0x2] =	stream.indirect_vreg.gather @!p2 [hbm4b:s22+s0], $0x80, v1, vm0, $0xb8;
	[tilespmem:$0x18180] =	vst v63  }
0x64: {  	s7 =	simm.s32 @!p2 $0xA180  }
0x65: {  	v2 =	vor.u32 @!p2 $0x8, v2;
	[tilespmem:s7], [sflag:$0x2] =	stream.indirect_vreg.gather @!p2 [hbm4b:s23+s0], $0x80, v1, vm0, $0xb8;
	[tilespmem:$0x18180] =	vst v63  }
0x66: {  	v0 =	vperm.xlane @!p2 v0, v2;
	s7 =	simm.s32 @!p2 $0xA980  }
0x67: {  	[tilespmem:s7], [sflag:$0x2] =	stream.indirect_vreg.gather @!p2 [hbm4b:s24+s0], $0x80, v1, vm0, $0xb8;
	[tilespmem:$0x18180] =	vst v63  }
0x68: {  	v0 =	vadd.s32 @!p2 v3, v0;
	s7 =	simm.s32 @!p2 $0xB180  }
0x69: {  	[tilespmem:s7], [sflag:$0x2] =	stream.indirect_vreg.gather @!p2 [hbm4b:s26+s0], $0x80, v1, vm0, $0xb8;
	[tilespmem:$0x18180] =	vst v63  }
0x6a: {  	s7 =	simm.s32 @!p2 $0xB980  }
0x6b: {  	[tilespmem:s7], [sflag:$0x2] =	stream.indirect_vreg.gather @!p2 [hbm4b:s28+s0], $0x80, v1, vm0, $0xb8;
	[tilespmem:$0x18180] =	vst v63  }
0x6c: {  	s7 =	simm.s32 @!p2 $0xC180  }
0x6d: {  	[tilespmem:s7], [sflag:$0x2] =	stream.indirect_vreg.gather @!p2 [hbm4b:s1+s0], $0x80, v0, vm0, $0xb8;
	[tilespmem:$0x18180] =	vst v63  }
0x6e: {  	s7 =	simm.s32 @!p2 $0xC980  }
0x6f: {  	[tilespmem:s7], [sflag:$0x2] =	stream.indirect_vreg.gather @!p2 [hbm4b:s5+s0], $0x80, v0, vm0, $0xb8;
	[tilespmem:$0x18180] =	vst v63  }
0x70: {  	s7 =	simm.s32 @!p2 $0xD180  }
0x71: {  	[tilespmem:s7], [sflag:$0x2] =	stream.indirect_vreg.gather @!p2 [hbm4b:s6+s0], $0x80, v0, vm0, $0xb8;
	[tilespmem:$0x18180] =	vst v63  }
0x72: {  	s7 =	simm.s32 @!p2 $0xD980  }
0x73: {  	[tilespmem:s7], [sflag:$0x2] =	stream.indirect_vreg.gather @!p2 [hbm4b:s22+s0], $0x80, v0, vm0, $0xb8;
	[tilespmem:$0x18180] =	vst v63  }
0x74: {  	s7 =	simm.s32 @!p2 $0xE180  }
0x75: {  	[tilespmem:s7], [sflag:$0x2] =	stream.indirect_vreg.gather @!p2 [hbm4b:s23+s0], $0x80, v0, vm0, $0xb8;
	[tilespmem:$0x18180] =	vst v63  }
0x76: {  	s7 =	simm.s32 @!p2 $0xE980  }
0x77: {  	[tilespmem:s7], [sflag:$0x2] =	stream.indirect_vreg.gather @!p2 [hbm4b:s24+s0], $0x80, v0, vm0, $0xb8;
	[tilespmem:$0x18180] =	vst v63  }
0x78: {  	s7 =	simm.s32 @!p2 $0xF180  }
0x79: {  	[tilespmem:s7], [sflag:$0x2] =	stream.indirect_vreg.gather @!p2 [hbm4b:s26+s0], $0x80, v0, vm0, $0xb8;
	[tilespmem:$0x18180] =	vst v63  }
0x7a: {  	s7 =	simm.s32 @!p2 $0xF980  }
0x7b: {  	[tilespmem:s7], [sflag:$0x2] =	stream.indirect_vreg.gather @!p2 [hbm4b:s28+s0], $0x80, v0, vm0, $0xb8;
	[tilespmem:$0x18180] =	vst v63  }
0x7c: {  	s7 =	simm.s32 @!p1 $0x1  }
0x7d: {  	_ =	swait.ge @!p1 [sflag:s7], $0x8000  }
0x7e: {  	[sflag:s7] =	ssyncset.done @!p1 $0x0  }
0x7f: {  	s8 =	rddreg [dreg:$0x6];
	[sflag:s7] =	ssyncadd.s32 @!p1 $0xFFFF8000  }
0x80: {  	[hbm4b:s8+s2] =	stream.linear.scatter @!p1 [tilespmem:s31], [sflag:$0x4], $0x8000, $0x38;
	[tilespmem:$0x18180] =	vst v63  }
0x81: {  	s31 =	rddreg [dreg:$0x18]  }
0x82: {  	p0 =	sge.s32 s31, s30  }
0x83: {  	v0 =	vld @!p0 [tilespmem:$0x20];
	_ =	sdelay $0x4  }
0x84: {  	v1 =	vshll.u32 @!p0 v0, $0x4  }
0x85: {  	v2 =	vlaneseq.u32 @!p0;
	v0 =	vand.u32 @!p0 $0x7, v0;
	v1 =	vand.u32 @!p0 $0xFFFFFF80, v1  }
0x86: {  	v3 =	vshrl.u32 @!p0 v2, $0x3;
	v0 =	vor.u32 @!p0 v0, v1;
	v1 =	vand.u32 @!p0 $0x7, v2  }
0x87: {  	v3 =	vmul.u32 @!p0 $0x8, v3;
	v1 =	vperm.xlane @!p0 v0, v1;
	_ =	sdelay $0x1  }
0x88: {  	v1 =	vadd.s32 @!p0 v3, v1;
	_ =	sdelay $0x3  }
0x89: {  	vm0 =	vmmov @!p0 $0xffff;
	s31 =	simm.s32 @!p0 $0x0;
	s2 =	simm.s32 @!p0 $0x10180  }
0x8a: {  	[tilespmem:s2], [sflag:$0x3] =	stream.indirect_vreg.gather @!p0 [hbm4b:s1+s31], $0x80, v1, vm0, $0xb8;
	[tilespmem:$0x18180] =	vst v63  }
0x8b: {  	s7 =	simm.s32 @!p0 $0x10980  }
0x8c: {  	[tilespmem:s7], [sflag:$0x3] =	stream.indirect_vreg.gather @!p0 [hbm4b:s5+s31], $0x80, v1, vm0, $0xb8;
	[tilespmem:$0x18180] =	vst v63  }
0x8d: {  	s7 =	simm.s32 @!p0 $0x11180  }
0x8e: {  	[tilespmem:s7], [sflag:$0x3] =	stream.indirect_vreg.gather @!p0 [hbm4b:s6+s31], $0x80, v1, vm0, $0xb8;
	[tilespmem:$0x18180] =	vst v63  }
0x8f: {  	s7 =	simm.s32 @!p0 $0x11980  }
0x90: {  	[tilespmem:s7], [sflag:$0x3] =	stream.indirect_vreg.gather @!p0 [hbm4b:s22+s31], $0x80, v1, vm0, $0xb8;
	[tilespmem:$0x18180] =	vst v63  }
0x91: {  	s7 =	simm.s32 @!p0 $0x12180  }
0x92: {  	v2 =	vor.u32 @!p0 $0x8, v2;
	[tilespmem:s7], [sflag:$0x3] =	stream.indirect_vreg.gather @!p0 [hbm4b:s23+s31], $0x80, v1, vm0, $0xb8;
	[tilespmem:$0x18180] =	vst v63  }
0x93: {  	v0 =	vperm.xlane @!p0 v0, v2;
	s7 =	simm.s32 @!p0 $0x12980  }
0x94: {  	[tilespmem:s7], [sflag:$0x3] =	stream.indirect_vreg.gather @!p0 [hbm4b:s24+s31], $0x80, v1, vm0, $0xb8;
	[tilespmem:$0x18180] =	vst v63  }
0x95: {  	v0 =	vadd.s32 @!p0 v3, v0;
	s7 =	simm.s32 @!p0 $0x13180  }
0x96: {  	[tilespmem:s7], [sflag:$0x3] =	stream.indirect_vreg.gather @!p0 [hbm4b:s26+s31], $0x80, v1, vm0, $0xb8;
	[tilespmem:$0x18180] =	vst v63  }
0x97: {  	s7 =	simm.s32 @!p0 $0x13980  }
0x98: {  	[tilespmem:s7], [sflag:$0x3] =	stream.indirect_vreg.gather @!p0 [hbm4b:s28+s31], $0x80, v1, vm0, $0xb8;
	[tilespmem:$0x18180] =	vst v63  }
0x99: {  	s7 =	simm.s32 @!p0 $0x14180  }
0x9a: {  	[tilespmem:s7], [sflag:$0x3] =	stream.indirect_vreg.gather @!p0 [hbm4b:s1+s31], $0x80, v0, vm0, $0xb8;
	[tilespmem:$0x18180] =	vst v63  }
0x9b: {  	s7 =	simm.s32 @!p0 $0x14980  }
0x9c: {  	[tilespmem:s7], [sflag:$0x3] =	stream.indirect_vreg.gather @!p0 [hbm4b:s5+s31], $0x80, v0, vm0, $0xb8;
	[tilespmem:$0x18180] =	vst v63  }
0x9d: {  	s7 =	simm.s32 @!p0 $0x15180  }
0x9e: {  	[tilespmem:s7], [sflag:$0x3] =	stream.indirect_vreg.gather @!p0 [hbm4b:s6+s31], $0x80, v0, vm0, $0xb8;
	[tilespmem:$0x18180] =	vst v63  }
0x9f: {  	s7 =	simm.s32 @!p0 $0x15980  }
0xa0: {  	[tilespmem:s7], [sflag:$0x3] =	stream.indirect_vreg.gather @!p0 [hbm4b:s22+s31], $0x80, v0, vm0, $0xb8;
	[tilespmem:$0x18180] =	vst v63  }
0xa1: {  	s7 =	simm.s32 @!p0 $0x16180  }
0xa2: {  	[tilespmem:s7], [sflag:$0x3] =	stream.indirect_vreg.gather @!p0 [hbm4b:s23+s31], $0x80, v0, vm0, $0xb8;
	[tilespmem:$0x18180] =	vst v63  }
0xa3: {  	s7 =	simm.s32 @!p0 $0x16980  }
0xa4: {  	[tilespmem:s7], [sflag:$0x3] =	stream.indirect_vreg.gather @!p0 [hbm4b:s24+s31], $0x80, v0, vm0, $0xb8;
	[tilespmem:$0x18180] =	vst v63  }
0xa5: {  	s7 =	simm.s32 @!p0 $0x17180  }
0xa6: {  	[tilespmem:s7], [sflag:$0x3] =	stream.indirect_vreg.gather @!p0 [hbm4b:s26+s31], $0x80, v0, vm0, $0xb8;
	[tilespmem:$0x18180] =	vst v63  }
0xa7: {  	s7 =	simm.s32 @!p0 $0x17980  }
0xa8: {  	[tilespmem:s7], [sflag:$0x3] =	stream.indirect_vreg.gather @!p0 [hbm4b:s28+s31], $0x80, v0, vm0, $0xb8;
	[tilespmem:$0x18180] =	vst v63  }
0xa9: {  	s7 =	simm.s32 @!p2 $0x2  }
0xaa: {  	_ =	swait.ge @!p2 [sflag:s7], $0x8000  }
0xab: {  	[sflag:s7] =	ssyncset.done @!p2 $0x0  }
0xac: {  	s8 =	rddreg [dreg:$0x7];
	[sflag:s7] =	ssyncadd.s32 @!p2 $0xFFFF8000  }
0xad: {  	[hbm4b:s8+s0] =	stream.linear.scatter @!p2 [tilespmem:s3], [sflag:$0x5], $0x8000, $0x38;
	[tilespmem:$0x18180] =	vst v63  }
0xae: {  	s0 =	simm.s32 @!p1 $0x4  }
0xaf: {  	_ =	swait.ge @!p1 [sflag:s0], $0x8000  }
0xb0: {  	[sflag:s0] =	ssyncset.done @!p1 $0x0  }
0xb1: {  	[sflag:s0] =	ssyncadd.s32 @!p1 $0xFFFF8000;
	p1 =	sge.s32 s9, s30  }
0xb2: {  	v0 =	vld @!p1 [tilespmem:$0x30];
	_ =	sdelay $0x4  }
0xb3: {  	v1 =	vshll.u32 @!p1 v0, $0x4  }
0xb4: {  	v2 =	vlaneseq.u32 @!p1;
	v0 =	vand.u32 @!p1 $0x7, v0;
	v1 =	vand.u32 @!p1 $0xFFFFFF80, v1  }
0xb5: {  	v3 =	vshrl.u32 @!p1 v2, $0x3;
	v0 =	vor.u32 @!p1 v0, v1;
	v1 =	vand.u32 @!p1 $0x7, v2  }
0xb6: {  	v3 =	vmul.u32 @!p1 $0x8, v3;
	v1 =	vperm.xlane @!p1 v0, v1;
	_ =	sdelay $0x1  }
0xb7: {  	v1 =	vadd.s32 @!p1 v3, v1;
	_ =	sdelay $0x3  }
0xb8: {  	vm0 =	vmmov @!p1 $0xffff;
	s0 =	simm.s32 @!p1 $0x0;
	s3 =	simm.s32 @!p1 $0x180  }
0xb9: {  	[tilespmem:s3], [sflag:$0x1] =	stream.indirect_vreg.gather @!p1 [hbm4b:s1+s0], $0x80, v1, vm0, $0xb8;
	[tilespmem:$0x18180] =	vst v63  }
0xba: {  	s7 =	simm.s32 @!p1 $0x980  }
0xbb: {  	[tilespmem:s7], [sflag:$0x1] =	stream.indirect_vreg.gather @!p1 [hbm4b:s5+s0], $0x80, v1, vm0, $0xb8;
	[tilespmem:$0x18180] =	vst v63  }
0xbc: {  	s7 =	simm.s32 @!p1 $0x1180  }
0xbd: {  	[tilespmem:s7], [sflag:$0x1] =	stream.indirect_vreg.gather @!p1 [hbm4b:s6+s0], $0x80, v1, vm0, $0xb8;
	[tilespmem:$0x18180] =	vst v63  }
0xbe: {  	s7 =	simm.s32 @!p1 $0x1980  }
0xbf: {  	[tilespmem:s7], [sflag:$0x1] =	stream.indirect_vreg.gather @!p1 [hbm4b:s22+s0], $0x80, v1, vm0, $0xb8;
	[tilespmem:$0x18180] =	vst v63  }
0xc0: {  	s7 =	simm.s32 @!p1 $0x2180  }
0xc1: {  	v2 =	vor.u32 @!p1 $0x8, v2;
	[tilespmem:s7], [sflag:$0x1] =	stream.indirect_vreg.gather @!p1 [hbm4b:s23+s0], $0x80, v1, vm0, $0xb8;
	[tilespmem:$0x18180] =	vst v63  }
0xc2: {  	v0 =	vperm.xlane @!p1 v0, v2;
	s7 =	simm.s32 @!p1 $0x2980  }
0xc3: {  	[tilespmem:s7], [sflag:$0x1] =	stream.indirect_vreg.gather @!p1 [hbm4b:s24+s0], $0x80, v1, vm0, $0xb8;
	[tilespmem:$0x18180] =	vst v63  }
0xc4: {  	v0 =	vadd.s32 @!p1 v3, v0;
	s7 =	simm.s32 @!p1 $0x3180  }
0xc5: {  	[tilespmem:s7], [sflag:$0x1] =	stream.indirect_vreg.gather @!p1 [hbm4b:s26+s0], $0x80, v1, vm0, $0xb8;
	[tilespmem:$0x18180] =	vst v63  }
0xc6: {  	s7 =	simm.s32 @!p1 $0x3980  }
0xc7: {  	[tilespmem:s7], [sflag:$0x1] =	stream.indirect_vreg.gather @!p1 [hbm4b:s28+s0], $0x80, v1, vm0, $0xb8;
	[tilespmem:$0x18180] =	vst v63  }
0xc8: {  	s7 =	simm.s32 @!p1 $0x4180  }
0xc9: {  	[tilespmem:s7], [sflag:$0x1] =	stream.indirect_vreg.gather @!p1 [hbm4b:s1+s0], $0x80, v0, vm0, $0xb8;
	[tilespmem:$0x18180] =	vst v63  }
0xca: {  	s7 =	simm.s32 @!p1 $0x4980  }
0xcb: {  	[tilespmem:s7], [sflag:$0x1] =	stream.indirect_vreg.gather @!p1 [hbm4b:s5+s0], $0x80, v0, vm0, $0xb8;
	[tilespmem:$0x18180] =	vst v63  }
0xcc: {  	s7 =	simm.s32 @!p1 $0x5180  }
0xcd: {  	[tilespmem:s7], [sflag:$0x1] =	stream.indirect_vreg.gather @!p1 [hbm4b:s6+s0], $0x80, v0, vm0, $0xb8;
	[tilespmem:$0x18180] =	vst v63  }
0xce: {  	s7 =	simm.s32 @!p1 $0x5980  }
0xcf: {  	[tilespmem:s7], [sflag:$0x1] =	stream.indirect_vreg.gather @!p1 [hbm4b:s22+s0], $0x80, v0, vm0, $0xb8;
	[tilespmem:$0x18180] =	vst v63  }
0xd0: {  	s7 =	simm.s32 @!p1 $0x6180  }
0xd1: {  	[tilespmem:s7], [sflag:$0x1] =	stream.indirect_vreg.gather @!p1 [hbm4b:s23+s0], $0x80, v0, vm0, $0xb8;
	[tilespmem:$0x18180] =	vst v63  }
0xd2: {  	s7 =	simm.s32 @!p1 $0x6980  }
0xd3: {  	[tilespmem:s7], [sflag:$0x1] =	stream.indirect_vreg.gather @!p1 [hbm4b:s24+s0], $0x80, v0, vm0, $0xb8;
	[tilespmem:$0x18180] =	vst v63  }
0xd4: {  	s7 =	simm.s32 @!p1 $0x7180  }
0xd5: {  	[tilespmem:s7], [sflag:$0x1] =	stream.indirect_vreg.gather @!p1 [hbm4b:s26+s0], $0x80, v0, vm0, $0xb8;
	[tilespmem:$0x18180] =	vst v63  }
0xd6: {  	s7 =	simm.s32 @!p1 $0x7980  }
0xd7: {  	[tilespmem:s7], [sflag:$0x1] =	stream.indirect_vreg.gather @!p1 [hbm4b:s28+s0], $0x80, v0, vm0, $0xb8;
	[tilespmem:$0x18180] =	vst v63  }
0xd8: {  	s7 =	simm.s32 @!p0 $0x3  }
0xd9: {  	_ =	swait.ge @!p0 [sflag:s7], $0x8000  }
0xda: {  	[sflag:s7] =	ssyncset.done @!p0 $0x0  }
0xdb: {  	s8 =	rddreg [dreg:$0x8];
	[sflag:s7] =	ssyncadd.s32 @!p0 $0xFFFF8000  }
0xdc: {  	[hbm4b:s8+s31] =	stream.linear.scatter @!p0 [tilespmem:s2], [sflag:$0x6], $0x8000, $0x38;
	[tilespmem:$0x18180] =	vst v63  }
0xdd: {  	s2 =	simm.s32 @!p2 $0x5  }
0xde: {  	_ =	swait.ge @!p2 [sflag:s2], $0x8000  }
0xdf: {  	[sflag:s2] =	ssyncset.done @!p2 $0x0  }
0xe0: {  	[sflag:s2] =	ssyncadd.s32 @!p2 $0xFFFF8000;
	p2 =	sge.s32 s10, s30  }
0xe1: {  	v0 =	vld @!p2 [tilespmem:$0x40];
	_ =	sdelay $0x4  }
0xe2: {  	v1 =	vshll.u32 @!p2 v0, $0x4  }
0xe3: {  	v2 =	vlaneseq.u32 @!p2;
	v0 =	vand.u32 @!p2 $0x7, v0;
	v1 =	vand.u32 @!p2 $0xFFFFFF80, v1  }
0xe4: {  	v3 =	vshrl.u32 @!p2 v2, $0x3;
	v0 =	vor.u32 @!p2 v0, v1;
	v1 =	vand.u32 @!p2 $0x7, v2  }
0xe5: {  	v3 =	vmul.u32 @!p2 $0x8, v3;
	v1 =	vperm.xlane @!p2 v0, v1;
	_ =	sdelay $0x1  }
0xe6: {  	v1 =	vadd.s32 @!p2 v3, v1;
	_ =	sdelay $0x3  }
0xe7: {  	vm0 =	vmmov @!p2 $0xffff;
	s31 =	simm.s32 @!p2 $0x0;
	s2 =	simm.s32 @!p2 $0x8180  }
0xe8: {  	[tilespmem:s2], [sflag:$0x2] =	stream.indirect_vreg.gather @!p2 [hbm4b:s1+s31], $0x80, v1, vm0, $0xb8;
	[tilespmem:$0x18180] =	vst v63  }
0xe9: {  	s7 =	simm.s32 @!p2 $0x8980  }
0xea: {  	[tilespmem:s7], [sflag:$0x2] =	stream.indirect_vreg.gather @!p2 [hbm4b:s5+s31], $0x80, v1, vm0, $0xb8;
	[tilespmem:$0x18180] =	vst v63  }
0xeb: {  	s7 =	simm.s32 @!p2 $0x9180  }
0xec: {  	[tilespmem:s7], [sflag:$0x2] =	stream.indirect_vreg.gather @!p2 [hbm4b:s6+s31], $0x80, v1, vm0, $0xb8;
	[tilespmem:$0x18180] =	vst v63  }
0xed: {  	s7 =	simm.s32 @!p2 $0x9980  }
0xee: {  	[tilespmem:s7], [sflag:$0x2] =	stream.indirect_vreg.gather @!p2 [hbm4b:s22+s31], $0x80, v1, vm0, $0xb8;
	[tilespmem:$0x18180] =	vst v63  }
0xef: {  	s7 =	simm.s32 @!p2 $0xA180  }
0xf0: {  	v2 =	vor.u32 @!p2 $0x8, v2;
	[tilespmem:s7], [sflag:$0x2] =	stream.indirect_vreg.gather @!p2 [hbm4b:s23+s31], $0x80, v1, vm0, $0xb8;
	[tilespmem:$0x18180] =	vst v63  }
0xf1: {  	v0 =	vperm.xlane @!p2 v0, v2;
	s7 =	simm.s32 @!p2 $0xA980  }
0xf2: {  	[tilespmem:s7], [sflag:$0x2] =	stream.indirect_vreg.gather @!p2 [hbm4b:s24+s31], $0x80, v1, vm0, $0xb8;
	[tilespmem:$0x18180] =	vst v63  }
0xf3: {  	v0 =	vadd.s32 @!p2 v3, v0;
	s7 =	simm.s32 @!p2 $0xB180  }
0xf4: {  	[tilespmem:s7], [sflag:$0x2] =	stream.indirect_vreg.gather @!p2 [hbm4b:s26+s31], $0x80, v1, vm0, $0xb8;
	[tilespmem:$0x18180] =	vst v63  }
0xf5: {  	s7 =	simm.s32 @!p2 $0xB980  }
0xf6: {  	[tilespmem:s7], [sflag:$0x2] =	stream.indirect_vreg.gather @!p2 [hbm4b:s28+s31], $0x80, v1, vm0, $0xb8;
	[tilespmem:$0x18180] =	vst v63  }
0xf7: {  	s7 =	simm.s32 @!p2 $0xC180  }
0xf8: {  	[tilespmem:s7], [sflag:$0x2] =	stream.indirect_vreg.gather @!p2 [hbm4b:s1+s31], $0x80, v0, vm0, $0xb8;
	[tilespmem:$0x18180] =	vst v63  }
0xf9: {  	s7 =	simm.s32 @!p2 $0xC980  }
0xfa: {  	[tilespmem:s7], [sflag:$0x2] =	stream.indirect_vreg.gather @!p2 [hbm4b:s5+s31], $0x80, v0, vm0, $0xb8;
	[tilespmem:$0x18180] =	vst v63  }
0xfb: {  	s7 =	simm.s32 @!p2 $0xD180  }
0xfc: {  	[tilespmem:s7], [sflag:$0x2] =	stream.indirect_vreg.gather @!p2 [hbm4b:s6+s31], $0x80, v0, vm0, $0xb8;
	[tilespmem:$0x18180] =	vst v63  }
0xfd: {  	s7 =	simm.s32 @!p2 $0xD980  }
0xfe: {  	[tilespmem:s7], [sflag:$0x2] =	stream.indirect_vreg.gather @!p2 [hbm4b:s22+s31], $0x80, v0, vm0, $0xb8;
	[tilespmem:$0x18180] =	vst v63  }
0xff: {  	s7 =	simm.s32 @!p2 $0xE180  }
0x100: {  	[tilespmem:s7], [sflag:$0x2] =	stream.indirect_vreg.gather @!p2 [hbm4b:s23+s31], $0x80, v0, vm0, $0xb8;
	[tilespmem:$0x18180] =	vst v63  }
0x101: {  	s7 =	simm.s32 @!p2 $0xE980  }
0x102: {  	[tilespmem:s7], [sflag:$0x2] =	stream.indirect_vreg.gather @!p2 [hbm4b:s24+s31], $0x80, v0, vm0, $0xb8;
	[tilespmem:$0x18180] =	vst v63  }
0x103: {  	s7 =	simm.s32 @!p2 $0xF180  }
0x104: {  	[tilespmem:s7], [sflag:$0x2] =	stream.indirect_vreg.gather @!p2 [hbm4b:s26+s31], $0x80, v0, vm0, $0xb8;
	[tilespmem:$0x18180] =	vst v63  }
0x105: {  	s7 =	simm.s32 @!p2 $0xF980  }
0x106: {  	[tilespmem:s7], [sflag:$0x2] =	stream.indirect_vreg.gather @!p2 [hbm4b:s28+s31], $0x80, v0, vm0, $0xb8;
	[tilespmem:$0x18180] =	vst v63  }
0x107: {  	s7 =	simm.s32 @!p1 $0x1  }
0x108: {  	_ =	swait.ge @!p1 [sflag:s7], $0x8000  }
0x109: {  	[sflag:s7] =	ssyncset.done @!p1 $0x0  }
0x10a: {  	s8 =	rddreg [dreg:$0x9];
	[sflag:s7] =	ssyncadd.s32 @!p1 $0xFFFF8000  }
0x10b: {  	[hbm4b:s8+s0] =	stream.linear.scatter @!p1 [tilespmem:s3], [sflag:$0x4], $0x8000, $0x38;
	[tilespmem:$0x18180] =	vst v63  }
0x10c: {  	s0 =	simm.s32 @!p0 $0x6  }
0x10d: {  	_ =	swait.ge @!p0 [sflag:s0], $0x8000  }
0x10e: {  	[sflag:s0] =	ssyncset.done @!p0 $0x0  }
0x10f: {  	[sflag:s0] =	ssyncadd.s32 @!p0 $0xFFFF8000;
	p0 =	sge.s32 s11, s30  }
0x110: {  	v0 =	vld @!p0 [tilespmem:$0x50];
	_ =	sdelay $0x4  }
0x111: {  	v1 =	vshll.u32 @!p0 v0, $0x4  }
0x112: {  	v2 =	vlaneseq.u32 @!p0;
	v0 =	vand.u32 @!p0 $0x7, v0;
	v1 =	vand.u32 @!p0 $0xFFFFFF80, v1  }
0x113: {  	v3 =	vshrl.u32 @!p0 v2, $0x3;
	v0 =	vor.u32 @!p0 v0, v1;
	v1 =	vand.u32 @!p0 $0x7, v2  }
0x114: {  	v3 =	vmul.u32 @!p0 $0x8, v3;
	v1 =	vperm.xlane @!p0 v0, v1;
	_ =	sdelay $0x1  }
0x115: {  	v1 =	vadd.s32 @!p0 v3, v1;
	_ =	sdelay $0x3  }
0x116: {  	vm0 =	vmmov @!p0 $0xffff;
	s0 =	simm.s32 @!p0 $0x0;
	s3 =	simm.s32 @!p0 $0x10180  }
0x117: {  	[tilespmem:s3], [sflag:$0x3] =	stream.indirect_vreg.gather @!p0 [hbm4b:s1+s0], $0x80, v1, vm0, $0xb8;
	[tilespmem:$0x18180] =	vst v63  }
0x118: {  	s7 =	simm.s32 @!p0 $0x10980  }
0x119: {  	[tilespmem:s7], [sflag:$0x3] =	stream.indirect_vreg.gather @!p0 [hbm4b:s5+s0], $0x80, v1, vm0, $0xb8;
	[tilespmem:$0x18180] =	vst v63  }
0x11a: {  	s7 =	simm.s32 @!p0 $0x11180  }
0x11b: {  	[tilespmem:s7], [sflag:$0x3] =	stream.indirect_vreg.gather @!p0 [hbm4b:s6+s0], $0x80, v1, vm0, $0xb8;
	[tilespmem:$0x18180] =	vst v63  }
0x11c: {  	s7 =	simm.s32 @!p0 $0x11980  }
0x11d: {  	[tilespmem:s7], [sflag:$0x3] =	stream.indirect_vreg.gather @!p0 [hbm4b:s22+s0], $0x80, v1, vm0, $0xb8;
	[tilespmem:$0x18180] =	vst v63  }
0x11e: {  	s7 =	simm.s32 @!p0 $0x12180  }
0x11f: {  	v2 =	vor.u32 @!p0 $0x8, v2;
	[tilespmem:s7], [sflag:$0x3] =	stream.indirect_vreg.gather @!p0 [hbm4b:s23+s0], $0x80, v1, vm0, $0xb8;
	[tilespmem:$0x18180] =	vst v63  }
0x120: {  	v0 =	vperm.xlane @!p0 v0, v2;
	s7 =	simm.s32 @!p0 $0x12980  }
0x121: {  	[tilespmem:s7], [sflag:$0x3] =	stream.indirect_vreg.gather @!p0 [hbm4b:s24+s0], $0x80, v1, vm0, $0xb8;
	[tilespmem:$0x18180] =	vst v63  }
0x122: {  	v0 =	vadd.s32 @!p0 v3, v0;
	s7 =	simm.s32 @!p0 $0x13180  }
0x123: {  	[tilespmem:s7], [sflag:$0x3] =	stream.indirect_vreg.gather @!p0 [hbm4b:s26+s0], $0x80, v1, vm0, $0xb8;
	[tilespmem:$0x18180] =	vst v63  }
0x124: {  	s7 =	simm.s32 @!p0 $0x13980  }
0x125: {  	[tilespmem:s7], [sflag:$0x3] =	stream.indirect_vreg.gather @!p0 [hbm4b:s28+s0], $0x80, v1, vm0, $0xb8;
	[tilespmem:$0x18180] =	vst v63  }
0x126: {  	s7 =	simm.s32 @!p0 $0x14180  }
0x127: {  	[tilespmem:s7], [sflag:$0x3] =	stream.indirect_vreg.gather @!p0 [hbm4b:s1+s0], $0x80, v0, vm0, $0xb8;
	[tilespmem:$0x18180] =	vst v63  }
0x128: {  	s7 =	simm.s32 @!p0 $0x14980  }
0x129: {  	[tilespmem:s7], [sflag:$0x3] =	stream.indirect_vreg.gather @!p0 [hbm4b:s5+s0], $0x80, v0, vm0, $0xb8;
	[tilespmem:$0x18180] =	vst v63  }
0x12a: {  	s7 =	simm.s32 @!p0 $0x15180  }
0x12b: {  	[tilespmem:s7], [sflag:$0x3] =	stream.indirect_vreg.gather @!p0 [hbm4b:s6+s0], $0x80, v0, vm0, $0xb8;
	[tilespmem:$0x18180] =	vst v63  }
0x12c: {  	s7 =	simm.s32 @!p0 $0x15980  }
0x12d: {  	[tilespmem:s7], [sflag:$0x3] =	stream.indirect_vreg.gather @!p0 [hbm4b:s22+s0], $0x80, v0, vm0, $0xb8;
	[tilespmem:$0x18180] =	vst v63  }
0x12e: {  	s7 =	simm.s32 @!p0 $0x16180  }
0x12f: {  	[tilespmem:s7], [sflag:$0x3] =	stream.indirect_vreg.gather @!p0 [hbm4b:s23+s0], $0x80, v0, vm0, $0xb8;
	[tilespmem:$0x18180] =	vst v63  }
0x130: {  	s7 =	simm.s32 @!p0 $0x16980  }
0x131: {  	[tilespmem:s7], [sflag:$0x3] =	stream.indirect_vreg.gather @!p0 [hbm4b:s24+s0], $0x80, v0, vm0, $0xb8;
	[tilespmem:$0x18180] =	vst v63  }
0x132: {  	s7 =	simm.s32 @!p0 $0x17180  }
0x133: {  	[tilespmem:s7], [sflag:$0x3] =	stream.indirect_vreg.gather @!p0 [hbm4b:s26+s0], $0x80, v0, vm0, $0xb8;
	[tilespmem:$0x18180] =	vst v63  }
0x134: {  	s7 =	simm.s32 @!p0 $0x17980  }
0x135: {  	[tilespmem:s7], [sflag:$0x3] =	stream.indirect_vreg.gather @!p0 [hbm4b:s28+s0], $0x80, v0, vm0, $0xb8;
	[tilespmem:$0x18180] =	vst v63  }
0x136: {  	s7 =	simm.s32 @!p2 $0x2  }
0x137: {  	_ =	swait.ge @!p2 [sflag:s7], $0x8000  }
0x138: {  	[sflag:s7] =	ssyncset.done @!p2 $0x0  }
0x139: {  	s8 =	rddreg [dreg:$0xa];
	[sflag:s7] =	ssyncadd.s32 @!p2 $0xFFFF8000  }
0x13a: {  	[hbm4b:s8+s31] =	stream.linear.scatter @!p2 [tilespmem:s2], [sflag:$0x5], $0x8000, $0x38;
	[tilespmem:$0x18180] =	vst v63  }
0x13b: {  	s2 =	simm.s32 @!p1 $0x4  }
0x13c: {  	_ =	swait.ge @!p1 [sflag:s2], $0x8000  }
0x13d: {  	[sflag:s2] =	ssyncset.done @!p1 $0x0  }
0x13e: {  	[sflag:s2] =	ssyncadd.s32 @!p1 $0xFFFF8000;
	p1 =	sge.s32 s12, s30  }
0x13f: {  	v0 =	vld @!p1 [tilespmem:$0x60];
	_ =	sdelay $0x4  }
0x140: {  	v1 =	vshll.u32 @!p1 v0, $0x4  }
0x141: {  	v2 =	vlaneseq.u32 @!p1;
	v0 =	vand.u32 @!p1 $0x7, v0;
	v1 =	vand.u32 @!p1 $0xFFFFFF80, v1  }
0x142: {  	v3 =	vshrl.u32 @!p1 v2, $0x3;
	v0 =	vor.u32 @!p1 v0, v1;
	v1 =	vand.u32 @!p1 $0x7, v2  }
0x143: {  	v3 =	vmul.u32 @!p1 $0x8, v3;
	v1 =	vperm.xlane @!p1 v0, v1;
	_ =	sdelay $0x1  }
0x144: {  	v1 =	vadd.s32 @!p1 v3, v1;
	_ =	sdelay $0x3  }
0x145: {  	vm0 =	vmmov @!p1 $0xffff;
	s31 =	simm.s32 @!p1 $0x0;
	s2 =	simm.s32 @!p1 $0x180  }
0x146: {  	[tilespmem:s2], [sflag:$0x1] =	stream.indirect_vreg.gather @!p1 [hbm4b:s1+s31], $0x80, v1, vm0, $0xb8;
	[tilespmem:$0x18180] =	vst v63  }
0x147: {  	s7 =	simm.s32 @!p1 $0x980  }
0x148: {  	[tilespmem:s7], [sflag:$0x1] =	stream.indirect_vreg.gather @!p1 [hbm4b:s5+s31], $0x80, v1, vm0, $0xb8;
	[tilespmem:$0x18180] =	vst v63  }
0x149: {  	s7 =	simm.s32 @!p1 $0x1180  }
0x14a: {  	[tilespmem:s7], [sflag:$0x1] =	stream.indirect_vreg.gather @!p1 [hbm4b:s6+s31], $0x80, v1, vm0, $0xb8;
	[tilespmem:$0x18180] =	vst v63  }
0x14b: {  	s7 =	simm.s32 @!p1 $0x1980  }
0x14c: {  	[tilespmem:s7], [sflag:$0x1] =	stream.indirect_vreg.gather @!p1 [hbm4b:s22+s31], $0x80, v1, vm0, $0xb8;
	[tilespmem:$0x18180] =	vst v63  }
0x14d: {  	s7 =	simm.s32 @!p1 $0x2180  }
0x14e: {  	v2 =	vor.u32 @!p1 $0x8, v2;
	[tilespmem:s7], [sflag:$0x1] =	stream.indirect_vreg.gather @!p1 [hbm4b:s23+s31], $0x80, v1, vm0, $0xb8;
	[tilespmem:$0x18180] =	vst v63  }
0x14f: {  	v0 =	vperm.xlane @!p1 v0, v2;
	s7 =	simm.s32 @!p1 $0x2980  }
0x150: {  	[tilespmem:s7], [sflag:$0x1] =	stream.indirect_vreg.gather @!p1 [hbm4b:s24+s31], $0x80, v1, vm0, $0xb8;
	[tilespmem:$0x18180] =	vst v63  }
0x151: {  	v0 =	vadd.s32 @!p1 v3, v0;
	s7 =	simm.s32 @!p1 $0x3180  }
0x152: {  	[tilespmem:s7], [sflag:$0x1] =	stream.indirect_vreg.gather @!p1 [hbm4b:s26+s31], $0x80, v1, vm0, $0xb8;
	[tilespmem:$0x18180] =	vst v63  }
0x153: {  	s7 =	simm.s32 @!p1 $0x3980  }
0x154: {  	[tilespmem:s7], [sflag:$0x1] =	stream.indirect_vreg.gather @!p1 [hbm4b:s28+s31], $0x80, v1, vm0, $0xb8;
	[tilespmem:$0x18180] =	vst v63  }
0x155: {  	s7 =	simm.s32 @!p1 $0x4180  }
0x156: {  	[tilespmem:s7], [sflag:$0x1] =	stream.indirect_vreg.gather @!p1 [hbm4b:s1+s31], $0x80, v0, vm0, $0xb8;
	[tilespmem:$0x18180] =	vst v63  }
0x157: {  	s7 =	simm.s32 @!p1 $0x4980  }
0x158: {  	[tilespmem:s7], [sflag:$0x1] =	stream.indirect_vreg.gather @!p1 [hbm4b:s5+s31], $0x80, v0, vm0, $0xb8;
	[tilespmem:$0x18180] =	vst v63  }
0x159: {  	s7 =	simm.s32 @!p1 $0x5180  }
0x15a: {  	[tilespmem:s7], [sflag:$0x1] =	stream.indirect_vreg.gather @!p1 [hbm4b:s6+s31], $0x80, v0, vm0, $0xb8;
	[tilespmem:$0x18180] =	vst v63  }
0x15b: {  	s7 =	simm.s32 @!p1 $0x5980  }
0x15c: {  	[tilespmem:s7], [sflag:$0x1] =	stream.indirect_vreg.gather @!p1 [hbm4b:s22+s31], $0x80, v0, vm0, $0xb8;
	[tilespmem:$0x18180] =	vst v63  }
0x15d: {  	s7 =	simm.s32 @!p1 $0x6180  }
0x15e: {  	[tilespmem:s7], [sflag:$0x1] =	stream.indirect_vreg.gather @!p1 [hbm4b:s23+s31], $0x80, v0, vm0, $0xb8;
	[tilespmem:$0x18180] =	vst v63  }
0x15f: {  	s7 =	simm.s32 @!p1 $0x6980  }
0x160: {  	[tilespmem:s7], [sflag:$0x1] =	stream.indirect_vreg.gather @!p1 [hbm4b:s24+s31], $0x80, v0, vm0, $0xb8;
	[tilespmem:$0x18180] =	vst v63  }
0x161: {  	s7 =	simm.s32 @!p1 $0x7180  }
0x162: {  	[tilespmem:s7], [sflag:$0x1] =	stream.indirect_vreg.gather @!p1 [hbm4b:s26+s31], $0x80, v0, vm0, $0xb8;
	[tilespmem:$0x18180] =	vst v63  }
0x163: {  	s7 =	simm.s32 @!p1 $0x7980  }
0x164: {  	[tilespmem:s7], [sflag:$0x1] =	stream.indirect_vreg.gather @!p1 [hbm4b:s28+s31], $0x80, v0, vm0, $0xb8;
	[tilespmem:$0x18180] =	vst v63  }
0x165: {  	s7 =	simm.s32 @!p0 $0x3  }
0x166: {  	_ =	swait.ge @!p0 [sflag:s7], $0x8000  }
0x167: {  	[sflag:s7] =	ssyncset.done @!p0 $0x0  }
0x168: {  	s8 =	rddreg [dreg:$0xb];
	[sflag:s7] =	ssyncadd.s32 @!p0 $0xFFFF8000  }
0x169: {  	[hbm4b:s8+s0] =	stream.linear.scatter @!p0 [tilespmem:s3], [sflag:$0x6], $0x8000, $0x38;
	[tilespmem:$0x18180] =	vst v63  }
0x16a: {  	s0 =	simm.s32 @!p2 $0x5  }
0x16b: {  	_ =	swait.ge @!p2 [sflag:s0], $0x8000  }
0x16c: {  	[sflag:s0] =	ssyncset.done @!p2 $0x0  }
0x16d: {  	[sflag:s0] =	ssyncadd.s32 @!p2 $0xFFFF8000;
	p2 =	sge.s32 s13, s30  }
0x16e: {  	v0 =	vld @!p2 [tilespmem:$0x70];
	_ =	sdelay $0x4  }
0x16f: {  	v1 =	vshll.u32 @!p2 v0, $0x4  }
0x170: {  	v2 =	vlaneseq.u32 @!p2;
	v0 =	vand.u32 @!p2 $0x7, v0;
	v1 =	vand.u32 @!p2 $0xFFFFFF80, v1  }
0x171: {  	v3 =	vshrl.u32 @!p2 v2, $0x3;
	v0 =	vor.u32 @!p2 v0, v1;
	v1 =	vand.u32 @!p2 $0x7, v2  }
0x172: {  	v3 =	vmul.u32 @!p2 $0x8, v3;
	v1 =	vperm.xlane @!p2 v0, v1;
	_ =	sdelay $0x1  }
0x173: {  	v1 =	vadd.s32 @!p2 v3, v1;
	_ =	sdelay $0x3  }
0x174: {  	vm0 =	vmmov @!p2 $0xffff;
	s0 =	simm.s32 @!p2 $0x0;
	s3 =	simm.s32 @!p2 $0x8180  }
0x175: {  	[tilespmem:s3], [sflag:$0x2] =	stream.indirect_vreg.gather @!p2 [hbm4b:s1+s0], $0x80, v1, vm0, $0xb8;
	[tilespmem:$0x18180] =	vst v63  }
0x176: {  	s7 =	simm.s32 @!p2 $0x8980  }
0x177: {  	[tilespmem:s7], [sflag:$0x2] =	stream.indirect_vreg.gather @!p2 [hbm4b:s5+s0], $0x80, v1, vm0, $0xb8;
	[tilespmem:$0x18180] =	vst v63  }
0x178: {  	s7 =	simm.s32 @!p2 $0x9180  }
0x179: {  	[tilespmem:s7], [sflag:$0x2] =	stream.indirect_vreg.gather @!p2 [hbm4b:s6+s0], $0x80, v1, vm0, $0xb8;
	[tilespmem:$0x18180] =	vst v63  }
0x17a: {  	s7 =	simm.s32 @!p2 $0x9980  }
0x17b: {  	[tilespmem:s7], [sflag:$0x2] =	stream.indirect_vreg.gather @!p2 [hbm4b:s22+s0], $0x80, v1, vm0, $0xb8;
	[tilespmem:$0x18180] =	vst v63  }
0x17c: {  	s7 =	simm.s32 @!p2 $0xA180  }
0x17d: {  	v2 =	vor.u32 @!p2 $0x8, v2;
	[tilespmem:s7], [sflag:$0x2] =	stream.indirect_vreg.gather @!p2 [hbm4b:s23+s0], $0x80, v1, vm0, $0xb8;
	[tilespmem:$0x18180] =	vst v63  }
0x17e: {  	v0 =	vperm.xlane @!p2 v0, v2;
	s7 =	simm.s32 @!p2 $0xA980  }
0x17f: {  	[tilespmem:s7], [sflag:$0x2] =	stream.indirect_vreg.gather @!p2 [hbm4b:s24+s0], $0x80, v1, vm0, $0xb8;
	[tilespmem:$0x18180] =	vst v63  }
0x180: {  	v0 =	vadd.s32 @!p2 v3, v0;
	s7 =	simm.s32 @!p2 $0xB180  }
0x181: {  	[tilespmem:s7], [sflag:$0x2] =	stream.indirect_vreg.gather @!p2 [hbm4b:s26+s0], $0x80, v1, vm0, $0xb8;
	[tilespmem:$0x18180] =	vst v63  }
0x182: {  	s7 =	simm.s32 @!p2 $0xB980  }
0x183: {  	[tilespmem:s7], [sflag:$0x2] =	stream.indirect_vreg.gather @!p2 [hbm4b:s28+s0], $0x80, v1, vm0, $0xb8;
	[tilespmem:$0x18180] =	vst v63  }
0x184: {  	s7 =	simm.s32 @!p2 $0xC180  }
0x185: {  	[tilespmem:s7], [sflag:$0x2] =	stream.indirect_vreg.gather @!p2 [hbm4b:s1+s0], $0x80, v0, vm0, $0xb8;
	[tilespmem:$0x18180] =	vst v63  }
0x186: {  	s7 =	simm.s32 @!p2 $0xC980  }
0x187: {  	[tilespmem:s7], [sflag:$0x2] =	stream.indirect_vreg.gather @!p2 [hbm4b:s5+s0], $0x80, v0, vm0, $0xb8;
	[tilespmem:$0x18180] =	vst v63  }
0x188: {  	s7 =	simm.s32 @!p2 $0xD180  }
0x189: {  	[tilespmem:s7], [sflag:$0x2] =	stream.indirect_vreg.gather @!p2 [hbm4b:s6+s0], $0x80, v0, vm0, $0xb8;
	[tilespmem:$0x18180] =	vst v63  }
0x18a: {  	s7 =	simm.s32 @!p2 $0xD980  }
0x18b: {  	[tilespmem:s7], [sflag:$0x2] =	stream.indirect_vreg.gather @!p2 [hbm4b:s22+s0], $0x80, v0, vm0, $0xb8;
	[tilespmem:$0x18180] =	vst v63  }
0x18c: {  	s7 =	simm.s32 @!p2 $0xE180  }
0x18d: {  	[tilespmem:s7], [sflag:$0x2] =	stream.indirect_vreg.gather @!p2 [hbm4b:s23+s0], $0x80, v0, vm0, $0xb8;
	[tilespmem:$0x18180] =	vst v63  }
0x18e: {  	s7 =	simm.s32 @!p2 $0xE980  }
0x18f: {  	[tilespmem:s7], [sflag:$0x2] =	stream.indirect_vreg.gather @!p2 [hbm4b:s24+s0], $0x80, v0, vm0, $0xb8;
	[tilespmem:$0x18180] =	vst v63  }
0x190: {  	s7 =	simm.s32 @!p2 $0xF180  }
0x191: {  	[tilespmem:s7], [sflag:$0x2] =	stream.indirect_vreg.gather @!p2 [hbm4b:s26+s0], $0x80, v0, vm0, $0xb8;
	[tilespmem:$0x18180] =	vst v63  }
0x192: {  	s7 =	simm.s32 @!p2 $0xF980  }
0x193: {  	[tilespmem:s7], [sflag:$0x2] =	stream.indirect_vreg.gather @!p2 [hbm4b:s28+s0], $0x80, v0, vm0, $0xb8;
	[tilespmem:$0x18180] =	vst v63  }
0x194: {  	s7 =	simm.s32 @!p1 $0x1  }
0x195: {  	_ =	swait.ge @!p1 [sflag:s7], $0x8000  }
0x196: {  	[sflag:s7] =	ssyncset.done @!p1 $0x0  }
0x197: {  	s8 =	rddreg [dreg:$0xc];
	[sflag:s7] =	ssyncadd.s32 @!p1 $0xFFFF8000  }
0x198: {  	[hbm4b:s8+s31] =	stream.linear.scatter @!p1 [tilespmem:s2], [sflag:$0x4], $0x8000, $0x38;
	[tilespmem:$0x18180] =	vst v63  }
0x199: {  	s2 =	simm.s32 @!p0 $0x6  }
0x19a: {  	_ =	swait.ge @!p0 [sflag:s2], $0x8000  }
0x19b: {  	[sflag:s2] =	ssyncset.done @!p0 $0x0  }
0x19c: {  	[sflag:s2] =	ssyncadd.s32 @!p0 $0xFFFF8000;
	p0 =	sge.s32 s14, s30  }
0x19d: {  	v0 =	vld @!p0 [tilespmem:$0x80];
	_ =	sdelay $0x4  }
0x19e: {  	v1 =	vshll.u32 @!p0 v0, $0x4  }
0x19f: {  	v2 =	vlaneseq.u32 @!p0;
	v0 =	vand.u32 @!p0 $0x7, v0;
	v1 =	vand.u32 @!p0 $0xFFFFFF80, v1  }
0x1a0: {  	v3 =	vshrl.u32 @!p0 v2, $0x3;
	v0 =	vor.u32 @!p0 v0, v1;
	v1 =	vand.u32 @!p0 $0x7, v2  }
0x1a1: {  	v3 =	vmul.u32 @!p0 $0x8, v3;
	v1 =	vperm.xlane @!p0 v0, v1;
	_ =	sdelay $0x1  }
0x1a2: {  	v1 =	vadd.s32 @!p0 v3, v1;
	_ =	sdelay $0x3  }
0x1a3: {  	vm0 =	vmmov @!p0 $0xffff;
	s31 =	simm.s32 @!p0 $0x0;
	s2 =	simm.s32 @!p0 $0x10180  }
0x1a4: {  	[tilespmem:s2], [sflag:$0x3] =	stream.indirect_vreg.gather @!p0 [hbm4b:s1+s31], $0x80, v1, vm0, $0xb8;
	[tilespmem:$0x18180] =	vst v63  }
0x1a5: {  	s7 =	simm.s32 @!p0 $0x10980  }
0x1a6: {  	[tilespmem:s7], [sflag:$0x3] =	stream.indirect_vreg.gather @!p0 [hbm4b:s5+s31], $0x80, v1, vm0, $0xb8;
	[tilespmem:$0x18180] =	vst v63  }
0x1a7: {  	s7 =	simm.s32 @!p0 $0x11180  }
0x1a8: {  	[tilespmem:s7], [sflag:$0x3] =	stream.indirect_vreg.gather @!p0 [hbm4b:s6+s31], $0x80, v1, vm0, $0xb8;
	[tilespmem:$0x18180] =	vst v63  }
0x1a9: {  	s7 =	simm.s32 @!p0 $0x11980  }
0x1aa: {  	[tilespmem:s7], [sflag:$0x3] =	stream.indirect_vreg.gather @!p0 [hbm4b:s22+s31], $0x80, v1, vm0, $0xb8;
	[tilespmem:$0x18180] =	vst v63  }
0x1ab: {  	s7 =	simm.s32 @!p0 $0x12180  }
0x1ac: {  	v2 =	vor.u32 @!p0 $0x8, v2;
	[tilespmem:s7], [sflag:$0x3] =	stream.indirect_vreg.gather @!p0 [hbm4b:s23+s31], $0x80, v1, vm0, $0xb8;
	[tilespmem:$0x18180] =	vst v63  }
0x1ad: {  	v0 =	vperm.xlane @!p0 v0, v2;
	s7 =	simm.s32 @!p0 $0x12980  }
0x1ae: {  	[tilespmem:s7], [sflag:$0x3] =	stream.indirect_vreg.gather @!p0 [hbm4b:s24+s31], $0x80, v1, vm0, $0xb8;
	[tilespmem:$0x18180] =	vst v63  }
0x1af: {  	v0 =	vadd.s32 @!p0 v3, v0;
	s7 =	simm.s32 @!p0 $0x13180  }
0x1b0: {  	[tilespmem:s7], [sflag:$0x3] =	stream.indirect_vreg.gather @!p0 [hbm4b:s26+s31], $0x80, v1, vm0, $0xb8;
	[tilespmem:$0x18180] =	vst v63  }
0x1b1: {  	s7 =	simm.s32 @!p0 $0x13980  }
0x1b2: {  	[tilespmem:s7], [sflag:$0x3] =	stream.indirect_vreg.gather @!p0 [hbm4b:s28+s31], $0x80, v1, vm0, $0xb8;
	[tilespmem:$0x18180] =	vst v63  }
0x1b3: {  	s7 =	simm.s32 @!p0 $0x14180  }
0x1b4: {  	[tilespmem:s7], [sflag:$0x3] =	stream.indirect_vreg.gather @!p0 [hbm4b:s1+s31], $0x80, v0, vm0, $0xb8;
	[tilespmem:$0x18180] =	vst v63  }
0x1b5: {  	s7 =	simm.s32 @!p0 $0x14980  }
0x1b6: {  	[tilespmem:s7], [sflag:$0x3] =	stream.indirect_vreg.gather @!p0 [hbm4b:s5+s31], $0x80, v0, vm0, $0xb8;
	[tilespmem:$0x18180] =	vst v63  }
0x1b7: {  	s7 =	simm.s32 @!p0 $0x15180  }
0x1b8: {  	[tilespmem:s7], [sflag:$0x3] =	stream.indirect_vreg.gather @!p0 [hbm4b:s6+s31], $0x80, v0, vm0, $0xb8;
	[tilespmem:$0x18180] =	vst v63  }
0x1b9: {  	s7 =	simm.s32 @!p0 $0x15980  }
0x1ba: {  	[tilespmem:s7], [sflag:$0x3] =	stream.indirect_vreg.gather @!p0 [hbm4b:s22+s31], $0x80, v0, vm0, $0xb8;
	[tilespmem:$0x18180] =	vst v63  }
0x1bb: {  	s7 =	simm.s32 @!p0 $0x16180  }
0x1bc: {  	[tilespmem:s7], [sflag:$0x3] =	stream.indirect_vreg.gather @!p0 [hbm4b:s23+s31], $0x80, v0, vm0, $0xb8;
	[tilespmem:$0x18180] =	vst v63  }
0x1bd: {  	s7 =	simm.s32 @!p0 $0x16980  }
0x1be: {  	[tilespmem:s7], [sflag:$0x3] =	stream.indirect_vreg.gather @!p0 [hbm4b:s24+s31], $0x80, v0, vm0, $0xb8;
	[tilespmem:$0x18180] =	vst v63  }
0x1bf: {  	s7 =	simm.s32 @!p0 $0x17180  }
0x1c0: {  	[tilespmem:s7], [sflag:$0x3] =	stream.indirect_vreg.gather @!p0 [hbm4b:s26+s31], $0x80, v0, vm0, $0xb8;
	[tilespmem:$0x18180] =	vst v63  }
0x1c1: {  	s7 =	simm.s32 @!p0 $0x17980  }
0x1c2: {  	[tilespmem:s7], [sflag:$0x3] =	stream.indirect_vreg.gather @!p0 [hbm4b:s28+s31], $0x80, v0, vm0, $0xb8;
	[tilespmem:$0x18180] =	vst v63  }
0x1c3: {  	s7 =	simm.s32 @!p2 $0x2  }
0x1c4: {  	_ =	swait.ge @!p2 [sflag:s7], $0x8000  }
0x1c5: {  	[sflag:s7] =	ssyncset.done @!p2 $0x0  }
0x1c6: {  	s8 =	rddreg [dreg:$0xd];
	[sflag:s7] =	ssyncadd.s32 @!p2 $0xFFFF8000  }
0x1c7: {  	[hbm4b:s8+s0] =	stream.linear.scatter @!p2 [tilespmem:s3], [sflag:$0x5], $0x8000, $0x38;
	[tilespmem:$0x18180] =	vst v63  }
0x1c8: {  	s0 =	simm.s32 @!p1 $0x4  }
0x1c9: {  	_ =	swait.ge @!p1 [sflag:s0], $0x8000  }
0x1ca: {  	[sflag:s0] =	ssyncset.done @!p1 $0x0  }
0x1cb: {  	[sflag:s0] =	ssyncadd.s32 @!p1 $0xFFFF8000;
	p1 =	sge.s32 s15, s30  }
0x1cc: {  	v0 =	vld @!p1 [tilespmem:$0x90];
	_ =	sdelay $0x4  }
0x1cd: {  	v1 =	vshll.u32 @!p1 v0, $0x4  }
0x1ce: {  	v2 =	vlaneseq.u32 @!p1;
	v0 =	vand.u32 @!p1 $0x7, v0;
	v1 =	vand.u32 @!p1 $0xFFFFFF80, v1  }
0x1cf: {  	v3 =	vshrl.u32 @!p1 v2, $0x3;
	v0 =	vor.u32 @!p1 v0, v1;
	v1 =	vand.u32 @!p1 $0x7, v2  }
0x1d0: {  	v3 =	vmul.u32 @!p1 $0x8, v3;
	v1 =	vperm.xlane @!p1 v0, v1;
	_ =	sdelay $0x1  }
0x1d1: {  	v1 =	vadd.s32 @!p1 v3, v1;
	_ =	sdelay $0x3  }
0x1d2: {  	vm0 =	vmmov @!p1 $0xffff;
	s0 =	simm.s32 @!p1 $0x0;
	s3 =	simm.s32 @!p1 $0x180  }
0x1d3: {  	[tilespmem:s3], [sflag:$0x1] =	stream.indirect_vreg.gather @!p1 [hbm4b:s1+s0], $0x80, v1, vm0, $0xb8;
	[tilespmem:$0x18180] =	vst v63  }
0x1d4: {  	s7 =	simm.s32 @!p1 $0x980  }
0x1d5: {  	[tilespmem:s7], [sflag:$0x1] =	stream.indirect_vreg.gather @!p1 [hbm4b:s5+s0], $0x80, v1, vm0, $0xb8;
	[tilespmem:$0x18180] =	vst v63  }
0x1d6: {  	s7 =	simm.s32 @!p1 $0x1180  }
0x1d7: {  	[tilespmem:s7], [sflag:$0x1] =	stream.indirect_vreg.gather @!p1 [hbm4b:s6+s0], $0x80, v1, vm0, $0xb8;
	[tilespmem:$0x18180] =	vst v63  }
0x1d8: {  	s7 =	simm.s32 @!p1 $0x1980  }
0x1d9: {  	[tilespmem:s7], [sflag:$0x1] =	stream.indirect_vreg.gather @!p1 [hbm4b:s22+s0], $0x80, v1, vm0, $0xb8;
	[tilespmem:$0x18180] =	vst v63  }
0x1da: {  	s7 =	simm.s32 @!p1 $0x2180  }
0x1db: {  	v2 =	vor.u32 @!p1 $0x8, v2;
	[tilespmem:s7], [sflag:$0x1] =	stream.indirect_vreg.gather @!p1 [hbm4b:s23+s0], $0x80, v1, vm0, $0xb8;
	[tilespmem:$0x18180] =	vst v63  }
0x1dc: {  	v0 =	vperm.xlane @!p1 v0, v2;
	s7 =	simm.s32 @!p1 $0x2980  }
0x1dd: {  	[tilespmem:s7], [sflag:$0x1] =	stream.indirect_vreg.gather @!p1 [hbm4b:s24+s0], $0x80, v1, vm0, $0xb8;
	[tilespmem:$0x18180] =	vst v63  }
0x1de: {  	v0 =	vadd.s32 @!p1 v3, v0;
	s7 =	simm.s32 @!p1 $0x3180  }
0x1df: {  	[tilespmem:s7], [sflag:$0x1] =	stream.indirect_vreg.gather @!p1 [hbm4b:s26+s0], $0x80, v1, vm0, $0xb8;
	[tilespmem:$0x18180] =	vst v63  }
0x1e0: {  	s7 =	simm.s32 @!p1 $0x3980  }
0x1e1: {  	[tilespmem:s7], [sflag:$0x1] =	stream.indirect_vreg.gather @!p1 [hbm4b:s28+s0], $0x80, v1, vm0, $0xb8;
	[tilespmem:$0x18180] =	vst v63  }
0x1e2: {  	s7 =	simm.s32 @!p1 $0x4180  }
0x1e3: {  	[tilespmem:s7], [sflag:$0x1] =	stream.indirect_vreg.gather @!p1 [hbm4b:s1+s0], $0x80, v0, vm0, $0xb8;
	[tilespmem:$0x18180] =	vst v63  }
0x1e4: {  	s7 =	simm.s32 @!p1 $0x4980  }
0x1e5: {  	[tilespmem:s7], [sflag:$0x1] =	stream.indirect_vreg.gather @!p1 [hbm4b:s5+s0], $0x80, v0, vm0, $0xb8;
	[tilespmem:$0x18180] =	vst v63  }
0x1e6: {  	s7 =	simm.s32 @!p1 $0x5180  }
0x1e7: {  	[tilespmem:s7], [sflag:$0x1] =	stream.indirect_vreg.gather @!p1 [hbm4b:s6+s0], $0x80, v0, vm0, $0xb8;
	[tilespmem:$0x18180] =	vst v63  }
0x1e8: {  	s7 =	simm.s32 @!p1 $0x5980  }
0x1e9: {  	[tilespmem:s7], [sflag:$0x1] =	stream.indirect_vreg.gather @!p1 [hbm4b:s22+s0], $0x80, v0, vm0, $0xb8;
	[tilespmem:$0x18180] =	vst v63  }
0x1ea: {  	s7 =	simm.s32 @!p1 $0x6180  }
0x1eb: {  	[tilespmem:s7], [sflag:$0x1] =	stream.indirect_vreg.gather @!p1 [hbm4b:s23+s0], $0x80, v0, vm0, $0xb8;
	[tilespmem:$0x18180] =	vst v63  }
0x1ec: {  	s7 =	simm.s32 @!p1 $0x6980  }
0x1ed: {  	[tilespmem:s7], [sflag:$0x1] =	stream.indirect_vreg.gather @!p1 [hbm4b:s24+s0], $0x80, v0, vm0, $0xb8;
	[tilespmem:$0x18180] =	vst v63  }
0x1ee: {  	s7 =	simm.s32 @!p1 $0x7180  }
0x1ef: {  	[tilespmem:s7], [sflag:$0x1] =	stream.indirect_vreg.gather @!p1 [hbm4b:s26+s0], $0x80, v0, vm0, $0xb8;
	[tilespmem:$0x18180] =	vst v63  }
0x1f0: {  	s7 =	simm.s32 @!p1 $0x7980  }
0x1f1: {  	[tilespmem:s7], [sflag:$0x1] =	stream.indirect_vreg.gather @!p1 [hbm4b:s28+s0], $0x80, v0, vm0, $0xb8;
	[tilespmem:$0x18180] =	vst v63  }
0x1f2: {  	s7 =	simm.s32 @!p0 $0x3  }
0x1f3: {  	_ =	swait.ge @!p0 [sflag:s7], $0x8000  }
0x1f4: {  	[sflag:s7] =	ssyncset.done @!p0 $0x0  }
0x1f5: {  	s8 =	rddreg [dreg:$0xe];
	[sflag:s7] =	ssyncadd.s32 @!p0 $0xFFFF8000  }
0x1f6: {  	[hbm4b:s8+s31] =	stream.linear.scatter @!p0 [tilespmem:s2], [sflag:$0x6], $0x8000, $0x38;
	[tilespmem:$0x18180] =	vst v63  }
0x1f7: {  	s2 =	simm.s32 @!p2 $0x5  }
0x1f8: {  	_ =	swait.ge @!p2 [sflag:s2], $0x8000  }
0x1f9: {  	[sflag:s2] =	ssyncset.done @!p2 $0x0  }
0x1fa: {  	[sflag:s2] =	ssyncadd.s32 @!p2 $0xFFFF8000;
	p2 =	sge.s32 s16, s30  }
0x1fb: {  	v0 =	vld @!p2 [tilespmem:$0xA0];
	_ =	sdelay $0x4  }
0x1fc: {  	v1 =	vshll.u32 @!p2 v0, $0x4  }
0x1fd: {  	v2 =	vlaneseq.u32 @!p2;
	v0 =	vand.u32 @!p2 $0x7, v0;
	v1 =	vand.u32 @!p2 $0xFFFFFF80, v1  }
0x1fe: {  	v3 =	vshrl.u32 @!p2 v2, $0x3;
	v0 =	vor.u32 @!p2 v0, v1;
	v1 =	vand.u32 @!p2 $0x7, v2  }
0x1ff: {  	v3 =	vmul.u32 @!p2 $0x8, v3;
	v1 =	vperm.xlane @!p2 v0, v1;
	_ =	sdelay $0x1  }
0x200: {  	v1 =	vadd.s32 @!p2 v3, v1;
	_ =	sdelay $0x3  }
0x201: {  	vm0 =	vmmov @!p2 $0xffff;
	s31 =	simm.s32 @!p2 $0x0;
	s2 =	simm.s32 @!p2 $0x8180  }
0x202: {  	[tilespmem:s2], [sflag:$0x2] =	stream.indirect_vreg.gather @!p2 [hbm4b:s1+s31], $0x80, v1, vm0, $0xb8;
	[tilespmem:$0x18180] =	vst v63  }
0x203: {  	s7 =	simm.s32 @!p2 $0x8980  }
0x204: {  	[tilespmem:s7], [sflag:$0x2] =	stream.indirect_vreg.gather @!p2 [hbm4b:s5+s31], $0x80, v1, vm0, $0xb8;
	[tilespmem:$0x18180] =	vst v63  }
0x205: {  	s7 =	simm.s32 @!p2 $0x9180  }
0x206: {  	[tilespmem:s7], [sflag:$0x2] =	stream.indirect_vreg.gather @!p2 [hbm4b:s6+s31], $0x80, v1, vm0, $0xb8;
	[tilespmem:$0x18180] =	vst v63  }
0x207: {  	s7 =	simm.s32 @!p2 $0x9980  }
0x208: {  	[tilespmem:s7], [sflag:$0x2] =	stream.indirect_vreg.gather @!p2 [hbm4b:s22+s31], $0x80, v1, vm0, $0xb8;
	[tilespmem:$0x18180] =	vst v63  }
0x209: {  	s7 =	simm.s32 @!p2 $0xA180  }
0x20a: {  	v2 =	vor.u32 @!p2 $0x8, v2;
	[tilespmem:s7], [sflag:$0x2] =	stream.indirect_vreg.gather @!p2 [hbm4b:s23+s31], $0x80, v1, vm0, $0xb8;
	[tilespmem:$0x18180] =	vst v63  }
0x20b: {  	v0 =	vperm.xlane @!p2 v0, v2;
	s7 =	simm.s32 @!p2 $0xA980  }
0x20c: {  	[tilespmem:s7], [sflag:$0x2] =	stream.indirect_vreg.gather @!p2 [hbm4b:s24+s31], $0x80, v1, vm0, $0xb8;
	[tilespmem:$0x18180] =	vst v63  }
0x20d: {  	v0 =	vadd.s32 @!p2 v3, v0;
	s7 =	simm.s32 @!p2 $0xB180  }
0x20e: {  	[tilespmem:s7], [sflag:$0x2] =	stream.indirect_vreg.gather @!p2 [hbm4b:s26+s31], $0x80, v1, vm0, $0xb8;
	[tilespmem:$0x18180] =	vst v63  }
0x20f: {  	s7 =	simm.s32 @!p2 $0xB980  }
0x210: {  	[tilespmem:s7], [sflag:$0x2] =	stream.indirect_vreg.gather @!p2 [hbm4b:s28+s31], $0x80, v1, vm0, $0xb8;
	[tilespmem:$0x18180] =	vst v63  }
0x211: {  	s7 =	simm.s32 @!p2 $0xC180  }
0x212: {  	[tilespmem:s7], [sflag:$0x2] =	stream.indirect_vreg.gather @!p2 [hbm4b:s1+s31], $0x80, v0, vm0, $0xb8;
	[tilespmem:$0x18180] =	vst v63  }
0x213: {  	s7 =	simm.s32 @!p2 $0xC980  }
0x214: {  	[tilespmem:s7], [sflag:$0x2] =	stream.indirect_vreg.gather @!p2 [hbm4b:s5+s31], $0x80, v0, vm0, $0xb8;
	[tilespmem:$0x18180] =	vst v63  }
0x215: {  	s7 =	simm.s32 @!p2 $0xD180  }
0x216: {  	[tilespmem:s7], [sflag:$0x2] =	stream.indirect_vreg.gather @!p2 [hbm4b:s6+s31], $0x80, v0, vm0, $0xb8;
	[tilespmem:$0x18180] =	vst v63  }
0x217: {  	s7 =	simm.s32 @!p2 $0xD980  }
0x218: {  	[tilespmem:s7], [sflag:$0x2] =	stream.indirect_vreg.gather @!p2 [hbm4b:s22+s31], $0x80, v0, vm0, $0xb8;
	[tilespmem:$0x18180] =	vst v63  }
0x219: {  	s7 =	simm.s32 @!p2 $0xE180  }
0x21a: {  	[tilespmem:s7], [sflag:$0x2] =	stream.indirect_vreg.gather @!p2 [hbm4b:s23+s31], $0x80, v0, vm0, $0xb8;
	[tilespmem:$0x18180] =	vst v63  }
0x21b: {  	s7 =	simm.s32 @!p2 $0xE980  }
0x21c: {  	[tilespmem:s7], [sflag:$0x2] =	stream.indirect_vreg.gather @!p2 [hbm4b:s24+s31], $0x80, v0, vm0, $0xb8;
	[tilespmem:$0x18180] =	vst v63  }
0x21d: {  	s7 =	simm.s32 @!p2 $0xF180  }
0x21e: {  	[tilespmem:s7], [sflag:$0x2] =	stream.indirect_vreg.gather @!p2 [hbm4b:s26+s31], $0x80, v0, vm0, $0xb8;
	[tilespmem:$0x18180] =	vst v63  }
0x21f: {  	s7 =	simm.s32 @!p2 $0xF980  }
0x220: {  	[tilespmem:s7], [sflag:$0x2] =	stream.indirect_vreg.gather @!p2 [hbm4b:s28+s31], $0x80, v0, vm0, $0xb8;
	[tilespmem:$0x18180] =	vst v63  }
0x221: {  	s7 =	simm.s32 @!p1 $0x1  }
0x222: {  	_ =	swait.ge @!p1 [sflag:s7], $0x8000  }
0x223: {  	[sflag:s7] =	ssyncset.done @!p1 $0x0  }
0x224: {  	s8 =	rddreg [dreg:$0xf];
	[sflag:s7] =	ssyncadd.s32 @!p1 $0xFFFF8000  }
0x225: {  	[hbm4b:s8+s0] =	stream.linear.scatter @!p1 [tilespmem:s3], [sflag:$0x4], $0x8000, $0x38;
	[tilespmem:$0x18180] =	vst v63  }
0x226: {  	s0 =	simm.s32 @!p0 $0x6  }
0x227: {  	_ =	swait.ge @!p0 [sflag:s0], $0x8000  }
0x228: {  	[sflag:s0] =	ssyncset.done @!p0 $0x0  }
0x229: {  	p3 =	sge.s32 s17, s30;
	[sflag:s0] =	ssyncadd.s32 @!p0 $0xFFFF8000  }
0x22a: {  	v0 =	vld @!p3 [tilespmem:$0xB0];
	_ =	sdelay $0x4  }
0x22b: {  	v1 =	vshll.u32 @!p3 v0, $0x4  }
0x22c: {  	v2 =	vlaneseq.u32 @!p3;
	v0 =	vand.u32 @!p3 $0x7, v0;
	v1 =	vand.u32 @!p3 $0xFFFFFF80, v1  }
0x22d: {  	v3 =	vshrl.u32 @!p3 v2, $0x3;
	v0 =	vor.u32 @!p3 v0, v1;
	v1 =	vand.u32 @!p3 $0x7, v2  }
0x22e: {  	v3 =	vmul.u32 @!p3 $0x8, v3;
	v1 =	vperm.xlane @!p3 v0, v1;
	_ =	sdelay $0x1  }
0x22f: {  	v1 =	vadd.s32 @!p3 v3, v1;
	_ =	sdelay $0x3  }
0x230: {  	vm0 =	vmmov @!p3 $0xffff;
	s3 =	simm.s32 @!p3 $0x10180;
	s0 =	simm.s32 @!p3 $0x0  }
0x231: {  	[tilespmem:s3], [sflag:$0x3] =	stream.indirect_vreg.gather @!p3 [hbm4b:s1+s0], $0x80, v1, vm0, $0xb8;
	[tilespmem:$0x18180] =	vst v63  }
0x232: {  	s7 =	simm.s32 @!p3 $0x10980  }
0x233: {  	[tilespmem:s7], [sflag:$0x3] =	stream.indirect_vreg.gather @!p3 [hbm4b:s5+s0], $0x80, v1, vm0, $0xb8;
	[tilespmem:$0x18180] =	vst v63  }
0x234: {  	s7 =	simm.s32 @!p3 $0x11180  }
0x235: {  	[tilespmem:s7], [sflag:$0x3] =	stream.indirect_vreg.gather @!p3 [hbm4b:s6+s0], $0x80, v1, vm0, $0xb8;
	[tilespmem:$0x18180] =	vst v63  }
0x236: {  	s7 =	simm.s32 @!p3 $0x11980  }
0x237: {  	[tilespmem:s7], [sflag:$0x3] =	stream.indirect_vreg.gather @!p3 [hbm4b:s22+s0], $0x80, v1, vm0, $0xb8;
	[tilespmem:$0x18180] =	vst v63  }
0x238: {  	s7 =	simm.s32 @!p3 $0x12180  }
0x239: {  	v2 =	vor.u32 @!p3 $0x8, v2;
	[tilespmem:s7], [sflag:$0x3] =	stream.indirect_vreg.gather @!p3 [hbm4b:s23+s0], $0x80, v1, vm0, $0xb8;
	[tilespmem:$0x18180] =	vst v63  }
0x23a: {  	v0 =	vperm.xlane @!p3 v0, v2;
	s7 =	simm.s32 @!p3 $0x12980  }
0x23b: {  	[tilespmem:s7], [sflag:$0x3] =	stream.indirect_vreg.gather @!p3 [hbm4b:s24+s0], $0x80, v1, vm0, $0xb8;
	[tilespmem:$0x18180] =	vst v63  }
0x23c: {  	v0 =	vadd.s32 @!p3 v3, v0;
	s7 =	simm.s32 @!p3 $0x13180  }
0x23d: {  	[tilespmem:s7], [sflag:$0x3] =	stream.indirect_vreg.gather @!p3 [hbm4b:s26+s0], $0x80, v1, vm0, $0xb8;
	[tilespmem:$0x18180] =	vst v63  }
0x23e: {  	s7 =	simm.s32 @!p3 $0x13980  }
0x23f: {  	[tilespmem:s7], [sflag:$0x3] =	stream.indirect_vreg.gather @!p3 [hbm4b:s28+s0], $0x80, v1, vm0, $0xb8;
	[tilespmem:$0x18180] =	vst v63  }
0x240: {  	s7 =	simm.s32 @!p3 $0x14180  }
0x241: {  	[tilespmem:s7], [sflag:$0x3] =	stream.indirect_vreg.gather @!p3 [hbm4b:s1+s0], $0x80, v0, vm0, $0xb8;
	[tilespmem:$0x18180] =	vst v63  }
0x242: {  	s7 =	simm.s32 @!p3 $0x14980  }
0x243: {  	[tilespmem:s7], [sflag:$0x3] =	stream.indirect_vreg.gather @!p3 [hbm4b:s5+s0], $0x80, v0, vm0, $0xb8;
	[tilespmem:$0x18180] =	vst v63  }
0x244: {  	s7 =	simm.s32 @!p3 $0x15180  }
0x245: {  	[tilespmem:s7], [sflag:$0x3] =	stream.indirect_vreg.gather @!p3 [hbm4b:s6+s0], $0x80, v0, vm0, $0xb8;
	[tilespmem:$0x18180] =	vst v63  }
0x246: {  	s7 =	simm.s32 @!p3 $0x15980  }
0x247: {  	[tilespmem:s7], [sflag:$0x3] =	stream.indirect_vreg.gather @!p3 [hbm4b:s22+s0], $0x80, v0, vm0, $0xb8;
	[tilespmem:$0x18180] =	vst v63  }
0x248: {  	s7 =	simm.s32 @!p3 $0x16180  }
0x249: {  	[tilespmem:s7], [sflag:$0x3] =	stream.indirect_vreg.gather @!p3 [hbm4b:s23+s0], $0x80, v0, vm0, $0xb8;
	[tilespmem:$0x18180] =	vst v63  }
0x24a: {  	s7 =	simm.s32 @!p3 $0x16980  }
0x24b: {  	[tilespmem:s7], [sflag:$0x3] =	stream.indirect_vreg.gather @!p3 [hbm4b:s24+s0], $0x80, v0, vm0, $0xb8;
	[tilespmem:$0x18180] =	vst v63  }
0x24c: {  	s7 =	simm.s32 @!p3 $0x17180  }
0x24d: {  	[tilespmem:s7], [sflag:$0x3] =	stream.indirect_vreg.gather @!p3 [hbm4b:s26+s0], $0x80, v0, vm0, $0xb8;
	[tilespmem:$0x18180] =	vst v63  }
0x24e: {  	s7 =	simm.s32 @!p3 $0x17980  }
0x24f: {  	[tilespmem:s7], [sflag:$0x3] =	stream.indirect_vreg.gather @!p3 [hbm4b:s28+s0], $0x80, v0, vm0, $0xb8;
	[tilespmem:$0x18180] =	vst v63  }
0x250: {  	s7 =	simm.s32 @!p2 $0x2  }
0x251: {  	_ =	swait.ge @!p2 [sflag:s7], $0x8000  }
0x252: {  	[sflag:s7] =	ssyncset.done @!p2 $0x0  }
0x253: {  	s8 =	rddreg [dreg:$0x10];
	[sflag:s7] =	ssyncadd.s32 @!p2 $0xFFFF8000  }
0x254: {  	[hbm4b:s8+s31] =	stream.linear.scatter @!p2 [tilespmem:s2], [sflag:$0x5], $0x8000, $0x38;
	[tilespmem:$0x18180] =	vst v63  }
0x255: {  	s2 =	simm.s32 @!p1 $0x4  }
0x256: {  	_ =	swait.ge @!p1 [sflag:s2], $0x8000  }
0x257: {  	[sflag:s2] =	ssyncset.done @!p1 $0x0  }
0x258: {  	[sflag:s2] =	ssyncadd.s32 @!p1 $0xFFFF8000;
	p1 =	sge.s32 s18, s30  }
0x259: {  	v0 =	vld @!p1 [tilespmem:$0xC0];
	_ =	sdelay $0x4  }
0x25a: {  	v1 =	vshll.u32 @!p1 v0, $0x4  }
0x25b: {  	v2 =	vlaneseq.u32 @!p1;
	v0 =	vand.u32 @!p1 $0x7, v0;
	v1 =	vand.u32 @!p1 $0xFFFFFF80, v1  }
0x25c: {  	v3 =	vshrl.u32 @!p1 v2, $0x3;
	v0 =	vor.u32 @!p1 v0, v1;
	v1 =	vand.u32 @!p1 $0x7, v2  }
0x25d: {  	v3 =	vmul.u32 @!p1 $0x8, v3;
	v1 =	vperm.xlane @!p1 v0, v1;
	_ =	sdelay $0x1  }
0x25e: {  	v1 =	vadd.s32 @!p1 v3, v1;
	_ =	sdelay $0x3  }
0x25f: {  	vm0 =	vmmov @!p1 $0xffff;
	s31 =	simm.s32 @!p1 $0x0;
	s2 =	simm.s32 @!p1 $0x180  }
0x260: {  	[tilespmem:s2], [sflag:$0x1] =	stream.indirect_vreg.gather @!p1 [hbm4b:s1+s31], $0x80, v1, vm0, $0xb8;
	[tilespmem:$0x18180] =	vst v63  }
0x261: {  	s7 =	simm.s32 @!p1 $0x980  }
0x262: {  	[tilespmem:s7], [sflag:$0x1] =	stream.indirect_vreg.gather @!p1 [hbm4b:s5+s31], $0x80, v1, vm0, $0xb8;
	[tilespmem:$0x18180] =	vst v63  }
0x263: {  	s7 =	simm.s32 @!p1 $0x1180  }
0x264: {  	[tilespmem:s7], [sflag:$0x1] =	stream.indirect_vreg.gather @!p1 [hbm4b:s6+s31], $0x80, v1, vm0, $0xb8;
	[tilespmem:$0x18180] =	vst v63  }
0x265: {  	s7 =	simm.s32 @!p1 $0x1980  }
0x266: {  	[tilespmem:s7], [sflag:$0x1] =	stream.indirect_vreg.gather @!p1 [hbm4b:s22+s31], $0x80, v1, vm0, $0xb8;
	[tilespmem:$0x18180] =	vst v63  }
0x267: {  	s7 =	simm.s32 @!p1 $0x2180  }
0x268: {  	v2 =	vor.u32 @!p1 $0x8, v2;
	[tilespmem:s7], [sflag:$0x1] =	stream.indirect_vreg.gather @!p1 [hbm4b:s23+s31], $0x80, v1, vm0, $0xb8;
	[tilespmem:$0x18180] =	vst v63  }
0x269: {  	v0 =	vperm.xlane @!p1 v0, v2;
	s7 =	simm.s32 @!p1 $0x2980  }
0x26a: {  	[tilespmem:s7], [sflag:$0x1] =	stream.indirect_vreg.gather @!p1 [hbm4b:s24+s31], $0x80, v1, vm0, $0xb8;
	[tilespmem:$0x18180] =	vst v63  }
0x26b: {  	v0 =	vadd.s32 @!p1 v3, v0;
	s7 =	simm.s32 @!p1 $0x3180  }
0x26c: {  	[tilespmem:s7], [sflag:$0x1] =	stream.indirect_vreg.gather @!p1 [hbm4b:s26+s31], $0x80, v1, vm0, $0xb8;
	[tilespmem:$0x18180] =	vst v63  }
0x26d: {  	s7 =	simm.s32 @!p1 $0x3980  }
0x26e: {  	[tilespmem:s7], [sflag:$0x1] =	stream.indirect_vreg.gather @!p1 [hbm4b:s28+s31], $0x80, v1, vm0, $0xb8;
	[tilespmem:$0x18180] =	vst v63  }
0x26f: {  	s7 =	simm.s32 @!p1 $0x4180  }
0x270: {  	[tilespmem:s7], [sflag:$0x1] =	stream.indirect_vreg.gather @!p1 [hbm4b:s1+s31], $0x80, v0, vm0, $0xb8;
	[tilespmem:$0x18180] =	vst v63  }
0x271: {  	s7 =	simm.s32 @!p1 $0x4980  }
0x272: {  	[tilespmem:s7], [sflag:$0x1] =	stream.indirect_vreg.gather @!p1 [hbm4b:s5+s31], $0x80, v0, vm0, $0xb8;
	[tilespmem:$0x18180] =	vst v63  }
0x273: {  	s7 =	simm.s32 @!p1 $0x5180  }
0x274: {  	[tilespmem:s7], [sflag:$0x1] =	stream.indirect_vreg.gather @!p1 [hbm4b:s6+s31], $0x80, v0, vm0, $0xb8;
	[tilespmem:$0x18180] =	vst v63  }
0x275: {  	s7 =	simm.s32 @!p1 $0x5980  }
0x276: {  	[tilespmem:s7], [sflag:$0x1] =	stream.indirect_vreg.gather @!p1 [hbm4b:s22+s31], $0x80, v0, vm0, $0xb8;
	[tilespmem:$0x18180] =	vst v63  }
0x277: {  	s7 =	simm.s32 @!p1 $0x6180  }
0x278: {  	[tilespmem:s7], [sflag:$0x1] =	stream.indirect_vreg.gather @!p1 [hbm4b:s23+s31], $0x80, v0, vm0, $0xb8;
	[tilespmem:$0x18180] =	vst v63  }
0x279: {  	s7 =	simm.s32 @!p1 $0x6980  }
0x27a: {  	[tilespmem:s7], [sflag:$0x1] =	stream.indirect_vreg.gather @!p1 [hbm4b:s24+s31], $0x80, v0, vm0, $0xb8;
	[tilespmem:$0x18180] =	vst v63  }
0x27b: {  	s7 =	simm.s32 @!p1 $0x7180  }
0x27c: {  	[tilespmem:s7], [sflag:$0x1] =	stream.indirect_vreg.gather @!p1 [hbm4b:s26+s31], $0x80, v0, vm0, $0xb8;
	[tilespmem:$0x18180] =	vst v63  }
0x27d: {  	s7 =	simm.s32 @!p1 $0x7980  }
0x27e: {  	[tilespmem:s7], [sflag:$0x1] =	stream.indirect_vreg.gather @!p1 [hbm4b:s28+s31], $0x80, v0, vm0, $0xb8;
	[tilespmem:$0x18180] =	vst v63  }
0x27f: {  	s7 =	simm.s32 @!p3 $0x3  }
0x280: {  	_ =	swait.ge @!p3 [sflag:s7], $0x8000  }
0x281: {  	[sflag:s7] =	ssyncset.done @!p3 $0x0  }
0x282: {  	s8 =	rddreg [dreg:$0x11];
	[sflag:s7] =	ssyncadd.s32 @!p3 $0xFFFF8000  }
0x283: {  	[hbm4b:s8+s0] =	stream.linear.scatter @!p3 [tilespmem:s3], [sflag:$0x6], $0x8000, $0x38;
	[tilespmem:$0x18180] =	vst v63  }
0x284: {  	s0 =	simm.s32 @!p2 $0x5  }
0x285: {  	_ =	swait.ge @!p2 [sflag:s0], $0x8000  }
0x286: {  	[sflag:s0] =	ssyncset.done @!p2 $0x0  }
0x287: {  	p0 =	sge.s32 s19, s30;
	[sflag:s0] =	ssyncadd.s32 @!p2 $0xFFFF8000  }
0x288: {  	v0 =	vld @!p0 [tilespmem:$0xD0];
	_ =	sdelay $0x4  }
0x289: {  	v1 =	vshll.u32 @!p0 v0, $0x4  }
0x28a: {  	v2 =	vlaneseq.u32 @!p0;
	v0 =	vand.u32 @!p0 $0x7, v0;
	v1 =	vand.u32 @!p0 $0xFFFFFF80, v1  }
0x28b: {  	v3 =	vshrl.u32 @!p0 v2, $0x3;
	v0 =	vor.u32 @!p0 v0, v1;
	v1 =	vand.u32 @!p0 $0x7, v2  }
0x28c: {  	v3 =	vmul.u32 @!p0 $0x8, v3;
	v1 =	vperm.xlane @!p0 v0, v1;
	_ =	sdelay $0x1  }
0x28d: {  	v1 =	vadd.s32 @!p0 v3, v1;
	_ =	sdelay $0x3  }
0x28e: {  	vm0 =	vmmov @!p0 $0xffff;
	s3 =	simm.s32 @!p0 $0x8180;
	s0 =	simm.s32 @!p0 $0x0  }
0x28f: {  	[tilespmem:s3], [sflag:$0x2] =	stream.indirect_vreg.gather @!p0 [hbm4b:s1+s0], $0x80, v1, vm0, $0xb8;
	[tilespmem:$0x18180] =	vst v63  }
0x290: {  	s7 =	simm.s32 @!p0 $0x8980  }
0x291: {  	[tilespmem:s7], [sflag:$0x2] =	stream.indirect_vreg.gather @!p0 [hbm4b:s5+s0], $0x80, v1, vm0, $0xb8;
	[tilespmem:$0x18180] =	vst v63  }
0x292: {  	s7 =	simm.s32 @!p0 $0x9180  }
0x293: {  	[tilespmem:s7], [sflag:$0x2] =	stream.indirect_vreg.gather @!p0 [hbm4b:s6+s0], $0x80, v1, vm0, $0xb8;
	[tilespmem:$0x18180] =	vst v63  }
0x294: {  	s7 =	simm.s32 @!p0 $0x9980  }
0x295: {  	[tilespmem:s7], [sflag:$0x2] =	stream.indirect_vreg.gather @!p0 [hbm4b:s22+s0], $0x80, v1, vm0, $0xb8;
	[tilespmem:$0x18180] =	vst v63  }
0x296: {  	s7 =	simm.s32 @!p0 $0xA180  }
0x297: {  	v2 =	vor.u32 @!p0 $0x8, v2;
	[tilespmem:s7], [sflag:$0x2] =	stream.indirect_vreg.gather @!p0 [hbm4b:s23+s0], $0x80, v1, vm0, $0xb8;
	[tilespmem:$0x18180] =	vst v63  }
0x298: {  	v0 =	vperm.xlane @!p0 v0, v2;
	s7 =	simm.s32 @!p0 $0xA980  }
0x299: {  	[tilespmem:s7], [sflag:$0x2] =	stream.indirect_vreg.gather @!p0 [hbm4b:s24+s0], $0x80, v1, vm0, $0xb8;
	[tilespmem:$0x18180] =	vst v63  }
0x29a: {  	v0 =	vadd.s32 @!p0 v3, v0;
	s7 =	simm.s32 @!p0 $0xB180  }
0x29b: {  	[tilespmem:s7], [sflag:$0x2] =	stream.indirect_vreg.gather @!p0 [hbm4b:s26+s0], $0x80, v1, vm0, $0xb8;
	[tilespmem:$0x18180] =	vst v63  }
0x29c: {  	s7 =	simm.s32 @!p0 $0xB980  }
0x29d: {  	[tilespmem:s7], [sflag:$0x2] =	stream.indirect_vreg.gather @!p0 [hbm4b:s28+s0], $0x80, v1, vm0, $0xb8;
	[tilespmem:$0x18180] =	vst v63  }
0x29e: {  	s7 =	simm.s32 @!p0 $0xC180  }
0x29f: {  	[tilespmem:s7], [sflag:$0x2] =	stream.indirect_vreg.gather @!p0 [hbm4b:s1+s0], $0x80, v0, vm0, $0xb8;
	[tilespmem:$0x18180] =	vst v63  }
0x2a0: {  	s7 =	simm.s32 @!p0 $0xC980  }
0x2a1: {  	[tilespmem:s7], [sflag:$0x2] =	stream.indirect_vreg.gather @!p0 [hbm4b:s5+s0], $0x80, v0, vm0, $0xb8;
	[tilespmem:$0x18180] =	vst v63  }
0x2a2: {  	s7 =	simm.s32 @!p0 $0xD180  }
0x2a3: {  	[tilespmem:s7], [sflag:$0x2] =	stream.indirect_vreg.gather @!p0 [hbm4b:s6+s0], $0x80, v0, vm0, $0xb8;
	[tilespmem:$0x18180] =	vst v63  }
0x2a4: {  	s7 =	simm.s32 @!p0 $0xD980  }
0x2a5: {  	[tilespmem:s7], [sflag:$0x2] =	stream.indirect_vreg.gather @!p0 [hbm4b:s22+s0], $0x80, v0, vm0, $0xb8;
	[tilespmem:$0x18180] =	vst v63  }
0x2a6: {  	s7 =	simm.s32 @!p0 $0xE180  }
0x2a7: {  	[tilespmem:s7], [sflag:$0x2] =	stream.indirect_vreg.gather @!p0 [hbm4b:s23+s0], $0x80, v0, vm0, $0xb8;
	[tilespmem:$0x18180] =	vst v63  }
0x2a8: {  	s7 =	simm.s32 @!p0 $0xE980  }
0x2a9: {  	[tilespmem:s7], [sflag:$0x2] =	stream.indirect_vreg.gather @!p0 [hbm4b:s24+s0], $0x80, v0, vm0, $0xb8;
	[tilespmem:$0x18180] =	vst v63  }
0x2aa: {  	s7 =	simm.s32 @!p0 $0xF180  }
0x2ab: {  	[tilespmem:s7], [sflag:$0x2] =	stream.indirect_vreg.gather @!p0 [hbm4b:s26+s0], $0x80, v0, vm0, $0xb8;
	[tilespmem:$0x18180] =	vst v63  }
0x2ac: {  	s7 =	simm.s32 @!p0 $0xF980  }
0x2ad: {  	[tilespmem:s7], [sflag:$0x2] =	stream.indirect_vreg.gather @!p0 [hbm4b:s28+s0], $0x80, v0, vm0, $0xb8;
	[tilespmem:$0x18180] =	vst v63  }
0x2ae: {  	s7 =	simm.s32 @!p1 $0x1  }
0x2af: {  	_ =	swait.ge @!p1 [sflag:s7], $0x8000  }
0x2b0: {  	[sflag:s7] =	ssyncset.done @!p1 $0x0  }
0x2b1: {  	s8 =	rddreg [dreg:$0x12];
	[sflag:s7] =	ssyncadd.s32 @!p1 $0xFFFF8000  }
0x2b2: {  	[hbm4b:s8+s31] =	stream.linear.scatter @!p1 [tilespmem:s2], [sflag:$0x4], $0x8000, $0x38;
	[tilespmem:$0x18180] =	vst v63  }
0x2b3: {  	s2 =	simm.s32 @!p3 $0x6  }
0x2b4: {  	_ =	swait.ge @!p3 [sflag:s2], $0x8000  }
0x2b5: {  	[sflag:s2] =	ssyncset.done @!p3 $0x0  }
0x2b6: {  	p2 =	sge.s32 s20, s30;
	[sflag:s2] =	ssyncadd.s32 @!p3 $0xFFFF8000  }
0x2b7: {  	v0 =	vld @!p2 [tilespmem:$0xE0];
	_ =	sdelay $0x4  }
0x2b8: {  	v1 =	vshll.u32 @!p2 v0, $0x4  }
0x2b9: {  	v2 =	vlaneseq.u32 @!p2;
	v0 =	vand.u32 @!p2 $0x7, v0;
	v1 =	vand.u32 @!p2 $0xFFFFFF80, v1  }
0x2ba: {  	v3 =	vshrl.u32 @!p2 v2, $0x3;
	v0 =	vor.u32 @!p2 v0, v1;
	v1 =	vand.u32 @!p2 $0x7, v2  }
0x2bb: {  	v3 =	vmul.u32 @!p2 $0x8, v3;
	v1 =	vperm.xlane @!p2 v0, v1;
	_ =	sdelay $0x1  }
0x2bc: {  	v1 =	vadd.s32 @!p2 v3, v1;
	_ =	sdelay $0x3  }
0x2bd: {  	vm0 =	vmmov @!p2 $0xffff;
	s31 =	simm.s32 @!p2 $0x0;
	s2 =	simm.s32 @!p2 $0x10180  }
0x2be: {  	[tilespmem:s2], [sflag:$0x3] =	stream.indirect_vreg.gather @!p2 [hbm4b:s1+s31], $0x80, v1, vm0, $0xb8;
	[tilespmem:$0x18180] =	vst v63  }
0x2bf: {  	s7 =	simm.s32 @!p2 $0x10980  }
0x2c0: {  	[tilespmem:s7], [sflag:$0x3] =	stream.indirect_vreg.gather @!p2 [hbm4b:s5+s31], $0x80, v1, vm0, $0xb8;
	[tilespmem:$0x18180] =	vst v63  }
0x2c1: {  	s7 =	simm.s32 @!p2 $0x11180  }
0x2c2: {  	[tilespmem:s7], [sflag:$0x3] =	stream.indirect_vreg.gather @!p2 [hbm4b:s6+s31], $0x80, v1, vm0, $0xb8;
	[tilespmem:$0x18180] =	vst v63  }
0x2c3: {  	s7 =	simm.s32 @!p2 $0x11980  }
0x2c4: {  	[tilespmem:s7], [sflag:$0x3] =	stream.indirect_vreg.gather @!p2 [hbm4b:s22+s31], $0x80, v1, vm0, $0xb8;
	[tilespmem:$0x18180] =	vst v63  }
0x2c5: {  	s7 =	simm.s32 @!p2 $0x12180  }
0x2c6: {  	v2 =	vor.u32 @!p2 $0x8, v2;
	[tilespmem:s7], [sflag:$0x3] =	stream.indirect_vreg.gather @!p2 [hbm4b:s23+s31], $0x80, v1, vm0, $0xb8;
	[tilespmem:$0x18180] =	vst v63  }
0x2c7: {  	v0 =	vperm.xlane @!p2 v0, v2;
	s7 =	simm.s32 @!p2 $0x12980  }
0x2c8: {  	[tilespmem:s7], [sflag:$0x3] =	stream.indirect_vreg.gather @!p2 [hbm4b:s24+s31], $0x80, v1, vm0, $0xb8;
	[tilespmem:$0x18180] =	vst v63  }
0x2c9: {  	v0 =	vadd.s32 @!p2 v3, v0;
	s7 =	simm.s32 @!p2 $0x13180  }
0x2ca: {  	[tilespmem:s7], [sflag:$0x3] =	stream.indirect_vreg.gather @!p2 [hbm4b:s26+s31], $0x80, v1, vm0, $0xb8;
	[tilespmem:$0x18180] =	vst v63  }
0x2cb: {  	s7 =	simm.s32 @!p2 $0x13980  }
0x2cc: {  	[tilespmem:s7], [sflag:$0x3] =	stream.indirect_vreg.gather @!p2 [hbm4b:s28+s31], $0x80, v1, vm0, $0xb8;
	[tilespmem:$0x18180] =	vst v63  }
0x2cd: {  	s7 =	simm.s32 @!p2 $0x14180  }
0x2ce: {  	[tilespmem:s7], [sflag:$0x3] =	stream.indirect_vreg.gather @!p2 [hbm4b:s1+s31], $0x80, v0, vm0, $0xb8;
	[tilespmem:$0x18180] =	vst v63  }
0x2cf: {  	s7 =	simm.s32 @!p2 $0x14980  }
0x2d0: {  	[tilespmem:s7], [sflag:$0x3] =	stream.indirect_vreg.gather @!p2 [hbm4b:s5+s31], $0x80, v0, vm0, $0xb8;
	[tilespmem:$0x18180] =	vst v63  }
0x2d1: {  	s7 =	simm.s32 @!p2 $0x15180  }
0x2d2: {  	[tilespmem:s7], [sflag:$0x3] =	stream.indirect_vreg.gather @!p2 [hbm4b:s6+s31], $0x80, v0, vm0, $0xb8;
	[tilespmem:$0x18180] =	vst v63  }
0x2d3: {  	s7 =	simm.s32 @!p2 $0x15980  }
0x2d4: {  	[tilespmem:s7], [sflag:$0x3] =	stream.indirect_vreg.gather @!p2 [hbm4b:s22+s31], $0x80, v0, vm0, $0xb8;
	[tilespmem:$0x18180] =	vst v63  }
0x2d5: {  	s7 =	simm.s32 @!p2 $0x16180  }
0x2d6: {  	[tilespmem:s7], [sflag:$0x3] =	stream.indirect_vreg.gather @!p2 [hbm4b:s23+s31], $0x80, v0, vm0, $0xb8;
	[tilespmem:$0x18180] =	vst v63  }
0x2d7: {  	s7 =	simm.s32 @!p2 $0x16980  }
0x2d8: {  	[tilespmem:s7], [sflag:$0x3] =	stream.indirect_vreg.gather @!p2 [hbm4b:s24+s31], $0x80, v0, vm0, $0xb8;
	[tilespmem:$0x18180] =	vst v63  }
0x2d9: {  	s7 =	simm.s32 @!p2 $0x17180  }
0x2da: {  	[tilespmem:s7], [sflag:$0x3] =	stream.indirect_vreg.gather @!p2 [hbm4b:s26+s31], $0x80, v0, vm0, $0xb8;
	[tilespmem:$0x18180] =	vst v63  }
0x2db: {  	s7 =	simm.s32 @!p2 $0x17980  }
0x2dc: {  	[tilespmem:s7], [sflag:$0x3] =	stream.indirect_vreg.gather @!p2 [hbm4b:s28+s31], $0x80, v0, vm0, $0xb8;
	[tilespmem:$0x18180] =	vst v63  }
0x2dd: {  	s7 =	simm.s32 @!p0 $0x2  }
0x2de: {  	_ =	swait.ge @!p0 [sflag:s7], $0x8000  }
0x2df: {  	[sflag:s7] =	ssyncset.done @!p0 $0x0  }
0x2e0: {  	s8 =	rddreg [dreg:$0x13];
	[sflag:s7] =	ssyncadd.s32 @!p0 $0xFFFF8000  }
0x2e1: {  	[hbm4b:s8+s0] =	stream.linear.scatter @!p0 [tilespmem:s3], [sflag:$0x5], $0x8000, $0x38;
	[tilespmem:$0x18180] =	vst v63  }
0x2e2: {  	s0 =	simm.s32 @!p1 $0x4  }
0x2e3: {  	_ =	swait.ge @!p1 [sflag:s0], $0x8000  }
0x2e4: {  	[sflag:s0] =	ssyncset.done @!p1 $0x0  }
0x2e5: {  	[sflag:s0] =	ssyncadd.s32 @!p1 $0xFFFF8000;
	p1 =	sge.s32 s21, s30  }
0x2e6: {  	v0 =	vld @!p1 [tilespmem:$0xF0];
	_ =	sdelay $0x4  }
0x2e7: {  	v1 =	vshll.u32 @!p1 v0, $0x4  }
0x2e8: {  	v2 =	vlaneseq.u32 @!p1;
	v0 =	vand.u32 @!p1 $0x7, v0;
	v1 =	vand.u32 @!p1 $0xFFFFFF80, v1  }
0x2e9: {  	v3 =	vshrl.u32 @!p1 v2, $0x3;
	v0 =	vor.u32 @!p1 v0, v1;
	v1 =	vand.u32 @!p1 $0x7, v2  }
0x2ea: {  	v3 =	vmul.u32 @!p1 $0x8, v3;
	v1 =	vperm.xlane @!p1 v0, v1;
	_ =	sdelay $0x1  }
0x2eb: {  	v1 =	vadd.s32 @!p1 v3, v1;
	_ =	sdelay $0x3  }
0x2ec: {  	vm0 =	vmmov @!p1 $0xffff;
	s0 =	simm.s32 @!p1 $0x0;
	s3 =	simm.s32 @!p1 $0x180  }
0x2ed: {  	[tilespmem:s3], [sflag:$0x1] =	stream.indirect_vreg.gather @!p1 [hbm4b:s1+s0], $0x80, v1, vm0, $0xb8;
	[tilespmem:$0x18180] =	vst v63  }
0x2ee: {  	s7 =	simm.s32 @!p1 $0x980  }
0x2ef: {  	[tilespmem:s7], [sflag:$0x1] =	stream.indirect_vreg.gather @!p1 [hbm4b:s5+s0], $0x80, v1, vm0, $0xb8;
	[tilespmem:$0x18180] =	vst v63  }
0x2f0: {  	s7 =	simm.s32 @!p1 $0x1180  }
0x2f1: {  	[tilespmem:s7], [sflag:$0x1] =	stream.indirect_vreg.gather @!p1 [hbm4b:s6+s0], $0x80, v1, vm0, $0xb8;
	[tilespmem:$0x18180] =	vst v63  }
0x2f2: {  	s7 =	simm.s32 @!p1 $0x1980  }
0x2f3: {  	[tilespmem:s7], [sflag:$0x1] =	stream.indirect_vreg.gather @!p1 [hbm4b:s22+s0], $0x80, v1, vm0, $0xb8;
	[tilespmem:$0x18180] =	vst v63  }
0x2f4: {  	s7 =	simm.s32 @!p1 $0x2180  }
0x2f5: {  	v2 =	vor.u32 @!p1 $0x8, v2;
	[tilespmem:s7], [sflag:$0x1] =	stream.indirect_vreg.gather @!p1 [hbm4b:s23+s0], $0x80, v1, vm0, $0xb8;
	[tilespmem:$0x18180] =	vst v63  }
0x2f6: {  	v0 =	vperm.xlane @!p1 v0, v2;
	s7 =	simm.s32 @!p1 $0x2980  }
0x2f7: {  	[tilespmem:s7], [sflag:$0x1] =	stream.indirect_vreg.gather @!p1 [hbm4b:s24+s0], $0x80, v1, vm0, $0xb8;
	[tilespmem:$0x18180] =	vst v63  }
0x2f8: {  	v0 =	vadd.s32 @!p1 v3, v0;
	s7 =	simm.s32 @!p1 $0x3180  }
0x2f9: {  	[tilespmem:s7], [sflag:$0x1] =	stream.indirect_vreg.gather @!p1 [hbm4b:s26+s0], $0x80, v1, vm0, $0xb8;
	[tilespmem:$0x18180] =	vst v63  }
0x2fa: {  	s7 =	simm.s32 @!p1 $0x3980  }
0x2fb: {  	[tilespmem:s7], [sflag:$0x1] =	stream.indirect_vreg.gather @!p1 [hbm4b:s28+s0], $0x80, v1, vm0, $0xb8;
	[tilespmem:$0x18180] =	vst v63  }
0x2fc: {  	s7 =	simm.s32 @!p1 $0x4180  }
0x2fd: {  	[tilespmem:s7], [sflag:$0x1] =	stream.indirect_vreg.gather @!p1 [hbm4b:s1+s0], $0x80, v0, vm0, $0xb8;
	[tilespmem:$0x18180] =	vst v63  }
0x2fe: {  	s7 =	simm.s32 @!p1 $0x4980  }
0x2ff: {  	[tilespmem:s7], [sflag:$0x1] =	stream.indirect_vreg.gather @!p1 [hbm4b:s5+s0], $0x80, v0, vm0, $0xb8;
	[tilespmem:$0x18180] =	vst v63  }
0x300: {  	s7 =	simm.s32 @!p1 $0x5180  }
0x301: {  	[tilespmem:s7], [sflag:$0x1] =	stream.indirect_vreg.gather @!p1 [hbm4b:s6+s0], $0x80, v0, vm0, $0xb8;
	[tilespmem:$0x18180] =	vst v63  }
0x302: {  	s7 =	simm.s32 @!p1 $0x5980  }
0x303: {  	[tilespmem:s7], [sflag:$0x1] =	stream.indirect_vreg.gather @!p1 [hbm4b:s22+s0], $0x80, v0, vm0, $0xb8;
	[tilespmem:$0x18180] =	vst v63  }
0x304: {  	s7 =	simm.s32 @!p1 $0x6180  }
0x305: {  	[tilespmem:s7], [sflag:$0x1] =	stream.indirect_vreg.gather @!p1 [hbm4b:s23+s0], $0x80, v0, vm0, $0xb8;
	[tilespmem:$0x18180] =	vst v63  }
0x306: {  	s7 =	simm.s32 @!p1 $0x6980  }
0x307: {  	[tilespmem:s7], [sflag:$0x1] =	stream.indirect_vreg.gather @!p1 [hbm4b:s24+s0], $0x80, v0, vm0, $0xb8;
	[tilespmem:$0x18180] =	vst v63  }
0x308: {  	s7 =	simm.s32 @!p1 $0x7180  }
0x309: {  	[tilespmem:s7], [sflag:$0x1] =	stream.indirect_vreg.gather @!p1 [hbm4b:s26+s0], $0x80, v0, vm0, $0xb8;
	[tilespmem:$0x18180] =	vst v63  }
0x30a: {  	s7 =	simm.s32 @!p1 $0x7980  }
0x30b: {  	[tilespmem:s7], [sflag:$0x1] =	stream.indirect_vreg.gather @!p1 [hbm4b:s28+s0], $0x80, v0, vm0, $0xb8;
	[tilespmem:$0x18180] =	vst v63  }
0x30c: {  	s7 =	simm.s32 @!p2 $0x3  }
0x30d: {  	_ =	swait.ge @!p2 [sflag:s7], $0x8000  }
0x30e: {  	[sflag:s7] =	ssyncset.done @!p2 $0x0  }
0x30f: {  	s8 =	rddreg [dreg:$0x14];
	[sflag:s7] =	ssyncadd.s32 @!p2 $0xFFFF8000  }
0x310: {  	[hbm4b:s8+s31] =	stream.linear.scatter @!p2 [tilespmem:s2], [sflag:$0x6], $0x8000, $0x38;
	[tilespmem:$0x18180] =	vst v63  }
0x311: {  	s2 =	simm.s32 @!p1 $0x1  }
0x312: {  	_ =	swait.ge @!p1 [sflag:s2], $0x8000  }
0x313: {  	[sflag:s2] =	ssyncset.done @!p1 $0x0  }
0x314: {  	s7 =	rddreg [dreg:$0x15];
	[sflag:s2] =	ssyncadd.s32 @!p1 $0xFFFF8000  }
0x315: {  	[hbm4b:s7+s0] =	stream.linear.scatter @!p1 [tilespmem:s3], [sflag:$0x4], $0x8000, $0x38;
	[tilespmem:$0x18180] =	vst v63  }
0x316: {  	s0 =	simm.s32 @!p0 $0x5  }
0x317: {  	_ =	swait.ge @!p0 [sflag:s0], $0x8000  }
0x318: {  	[sflag:s0] =	ssyncset.done @!p0 $0x0  }
0x319: {  	s25 =	sadd.s32 $0xFFFFFFFF, s25;
	[sflag:s0] =	ssyncadd.s32 @!p0 $0xFFFF8000;
	s0 =	simm.s32 @!p2 $0x6  }
0x31a: {  	p0 =	sne.s32 s25, $0x0;
	_ =	swait.ge @!p2 [sflag:s0], $0x8000  }
.Ltmp0:
0x31b: {  	[sflag:s0] =	ssyncset.done @!p2 $0x0;
	(pc) =	sbr.rel @p0 .LBB2_1-.Ltmp0, $4  }
0x31c: {  	[sflag:s0] =	ssyncadd.s32 @!p2 $0xFFFF8000;
	s0 =	simm.s32 @!p1 $0x4  }
0x31d: {  	_ =	swait.ge @!p1 [sflag:s0], $0x8000  }
0x31e: {  	[sflag:s0] =	ssyncset.done @!p1 $0x0  }
0x31f: {  	[sflag:s0] =	ssyncadd.s32 @!p1 $0xFFFF8000  }
0x320: {  	_ =	sfence.sel $0x180000  }
0x321: {  	[bflag:$0x0] =	sbarrier.arrive $0xFFFF  }
0x322: {  	_ =	strace $0x90000050  }
0x323: {  	s0 =	stileid.u32;
	[bflag:$0x2] =	sbarrier.arrive $0xFFFF  }
0x324: {  	p0 =	sne.s32 s0, $0x0;
	s0 =	rddreg [dreg:$0x3]  }
0x325: {  	s0 =	sadd.s32 @!p0 $0x100000, s0  }
0x326: {  	[sflag:s0] =	ssyncadd.tile.s32 @!p0 $0x1;
	_ =	shalt  }
.Lfunc_end2:
_tile_overlayer_lowered:
.L_overlay_start_2:
0x327: {  	(tag) =	ssettag $0x2  }
0x328: {  	s0 =	rddreg [dreg:$0x0];
	s2 =	stileid.u32  }
0x329: {  	s1 =	rddreg [dreg:$0x1];
	p0 =	sne.s32 s2, $0x0  }
0x32a: {  	s3 =	rddreg [dreg:$0x2];
	[bflag:$0x3] =	sbarrier.arrive $0xFFFF;
	s2 =	simm.s32 @!p0 $0x1C07  }
0x32b: {  	[timem:s3], [sflag:s2] =	dma.local @!p0 [hbm:s0], s1  }
0x32c: {  	s0 =	simm.s32 @!p0 $0x7  }
0x32d: {  	_ =	swait.ge @!p0 [sflag:s0], s1  }
0x32e: {  	s1 =	ssub.s32 @!p0 $0x0, s1;
	[sflag:s0] =	ssyncset.done @!p0 $0x0  }
0x32f: {  	[sflag:s0] =	ssyncadd.s32 @!p0 s1  }
0x330: {  	[bflag:$0x3] =	sbarrier.arrive $0xFFFF  }
0x331: {  	_ =	shalt  }

// kernel: scatter_offload_async_start
scs
__scs_entry_jumppad:
0x0: {  	(pc) =	sbr.rel $0x88, $3  }
0x1: {  	(tag) =	ssettag $0x0;
	lr =	simm.s32 $0x1  }
0x2: {  	[smem:$0x3F98] =	sst lr;
	_ =	strace $0xD0000000  }
0x3: {  	_ = 	snop  }
0x4: {  	_ = 	snop  }
0x5: {  	_ = 	snop  }
0x6: {  	_ = 	snop  }
0x7: {  	_ = 	snop  }
__scs_overlays_trampoline_lowered:
0x8: {  	[smem:$0x3FA7] =	sst s0  }
0x9: {  	[smem:$0x3FA8] =	sst s1  }
0xa: {  	[smem:$0x3FA9] =	sst s2  }
0xb: {  	[smem:$0x3FAA] =	sst s3  }
0xc: {  	[smem:$0x3FAB] =	sst s4  }
0xd: {  	[smem:$0x3FAC] =	sst s5  }
0xe: {  	[smem:$0x3FAD] =	sst s6  }
0xf: {  	[smem:$0x3FAE] =	sst s7  }
0x10: {  	[smem:$0x3FAF] =	sst s8  }
0x11: {  	[smem:$0x3FB0] =	sst s9;
	s0 =	simm.s32 @!p0 $0x0  }
0x12: {  	s1 =	sld [smem:$0x3F96];
	s0 =	simm.s32 @p0 $0x1  }
0x13: {  	[smem:$0x3FB1] =	sst s0;
	s0 =	simm.s32 @!p1 $0x0  }
0x14: {  	s2 =	sld [smem:$0x3F95];
	s0 =	simm.s32 @p1 $0x1  }
0x15: {  	[smem:$0x3FB2] =	sst s0;
	s0 =	simm.s32 @!p2 $0x0  }
0x16: {  	s3 =	sld [smem:$0x3FDB];
	s0 =	simm.s32 @p2 $0x1  }
0x17: {  	s4 =	simm.s32 $0x1BF5;
	[smem:$0x3FB4] =	sst s0  }
0x18: {  	s0 =	sld [smem:$0x3F97];
	_ =	swait.ge [sflag:s4], $0x0  }
0x19: {  	s7 =	sld [smem:$0x3F98]  }
0x1a: {  	s8 =	sadd.s32 $0xFFFFE003, lr  }
0x1b: {  	s9 =	sadd.s32 $0xFFFFFEF7, lr;
	s5 =	simm.s32 $0xFFFFFFFF;
	p2 =	slt.u32 s8, $0xFFFFF086  }
0x1c: {  	p1 =	slt.u32 s9, $0xF7A;
	s5 =	simm.s32 @!p2 $0x0  }
0x1d: {  	s5 =	simm.s32 @p1 $0x1;
	p0 =	seq.s32 s7, s2  }
0x1e: {  	s7 =	smul.u32 @!p0 $0xF7A, s2;
	p2 =	seq.s32 @!p0 s5, $0x0  }
0x1f: {  	s9 =	smul.u32 $0xF7A, s1;
	s8 =	simm.s32 @!p0 $0x1BF5;
	p2 =	por !p2, p0  }
0x20: {  	[sflag:s8] =	ssyncset.s32 @!p0 $0xFFFFF086;
	s6 =	sadd.s32 @!p0 s3, s7;
	s7 =	simm.s32 @!p0 $0x108  }
0x21: {  	s3 =	sadd.s32 s3, s9;
	s6 =	sadd.s32 @!p0 $0x88, s6;
	s7 =	simm.s32 @p2 $0x1082  }
0x22: {  	[simem:s7], [sflag:s8] =	dma.local @!p0 [hbm:s6], $0xF7A  }
0x23: {  	s9 =	sor.u32 $0xD0000000, s2;
	s6 =	simm.s32 $0x108;
	_ =	swait.ge @!p0 [sflag:s8], $0x0  }
0x24: {  	s3 =	sadd.s32 $0x88, s3;
	s6 =	simm.s32 @!p1 $0x1082;
	[sflag:s4] =	ssyncset.s32 $0xFFFFF086  }
0x25: {  	[simem:s6], [sflag:s4] =	dma.local [hbm:s3], $0xF7A  }
0x26: {  	[smem:$0x3F98] =	sst s1;
	(tag) =	ssettag s2;
	_ =	strace s9  }
0x27: {  	s1 =	sld [smem:$0x3FA8]  }
0x28: {  	s2 =	sld [smem:$0x3FA9]  }
0x29: {  	s4 =	sld [smem:$0x3FAB]  }
0x2a: {  	p0 =	seq.s32 s5, $0x0;
	s5 =	sld [smem:$0x3FAC]  }
0x2b: {  	s6 =	sld [smem:$0x3FAD]  }
0x2c: {  	s7 =	sld [smem:$0x3FAE]  }
0x2d: {  	s3 =	simm.s32 $0x108;
	s8 =	sld [smem:$0x3FAF]  }
0x2e: {  	s3 =	simm.s32 @!p0 $0x1082;
	s9 =	sld [smem:$0x3FB0]  }
0x2f: {  	lr =	sadd.s32 s0, s3;
	s0 =	sld [smem:$0x3FA7]  }
0x30: {  	s3 =	sld [smem:$0x3FAA]  }
0x31: {  	[smem:$0x3FB3] =	sst s10  }
0x32: {  	s10 =	sld [smem:$0x3FB1];
	_ =	sdelay $0x3  }
0x33: {  	p0 =	seq.s32 s10, $0x1;
	s10 =	sld [smem:$0x3FB3];
	_ =	sdelay $0x3  }
0x34: {  	[smem:$0x3FB3] =	sst s10  }
0x35: {  	s10 =	sld [smem:$0x3FB2];
	_ =	sdelay $0x3  }
0x36: {  	p1 =	seq.s32 s10, $0x1;
	s10 =	sld [smem:$0x3FB3];
	_ =	sdelay $0x3  }
0x37: {  	[smem:$0x3FB3] =	sst s10  }
0x38: {  	s10 =	sld [smem:$0x3FB4]  }
0x39: {  	_ = 	snop;
	(pc) =	sbr.ind lr, $3  }
0x3a: {  	_ = 	snop  }
0x3b: {  	_ = 	snop  }
0x3c: {  	p2 =	seq.s32 s10, $0x1;
	s10 =	sld [smem:$0x3FB3]  }
0x3d: {  	_ =	shalt  }
0x3e: {  	_ =	shalt  }
0x3f: {  	_ =	shalt  }
0x40: {  	_ =	shalt  }
0x41: {  	_ =	shalt  }
0x42: {  	_ =	shalt  }
0x43: {  	_ =	shalt  }
0x44: {  	_ =	shalt  }
0x45: {  	_ =	shalt  }
0x46: {  	_ =	shalt  }
0x47: {  	_ =	shalt  }
0x48: {  	_ =	shalt  }
0x49: {  	_ =	shalt  }
0x4a: {  	_ =	shalt  }
0x4b: {  	_ =	shalt  }
0x4c: {  	_ =	shalt  }
0x4d: {  	_ =	shalt  }
0x4e: {  	_ =	shalt  }
0x4f: {  	_ =	shalt  }
0x50: {  	_ =	shalt  }
0x51: {  	_ =	shalt  }
0x52: {  	_ =	shalt  }
0x53: {  	_ =	shalt  }
0x54: {  	_ =	shalt  }
0x55: {  	_ =	shalt  }
0x56: {  	_ =	shalt  }
0x57: {  	_ =	shalt  }
0x58: {  	_ =	shalt  }
0x59: {  	_ =	shalt  }
0x5a: {  	_ =	shalt  }
0x5b: {  	_ =	shalt  }
0x5c: {  	_ =	shalt  }
0x5d: {  	_ =	shalt  }
0x5e: {  	_ =	shalt  }
0x5f: {  	_ =	shalt  }
0x60: {  	_ =	shalt  }
0x61: {  	_ =	shalt  }
0x62: {  	_ =	shalt  }
0x63: {  	_ =	shalt  }
0x64: {  	_ =	shalt  }
0x65: {  	_ =	shalt  }
0x66: {  	_ =	shalt  }
0x67: {  	_ =	shalt  }
0x68: {  	_ =	shalt  }
0x69: {  	_ =	shalt  }
0x6a: {  	_ =	shalt  }
0x6b: {  	_ =	shalt  }
0x6c: {  	_ =	shalt  }
0x6d: {  	_ =	shalt  }
0x6e: {  	_ =	shalt  }
0x6f: {  	_ =	shalt  }
0x70: {  	_ =	shalt  }
0x71: {  	_ =	shalt  }
0x72: {  	_ =	shalt  }
0x73: {  	_ =	shalt  }
0x74: {  	_ =	shalt  }
0x75: {  	_ =	shalt  }
0x76: {  	_ =	shalt  }
0x77: {  	_ =	shalt  }
0x78: {  	_ =	shalt  }
0x79: {  	_ =	shalt  }
0x7a: {  	_ =	shalt  }
0x7b: {  	_ =	shalt  }
0x7c: {  	_ =	shalt  }
0x7d: {  	_ =	shalt  }
0x7e: {  	_ =	shalt  }
0x7f: {  	_ =	shalt  }
0x80: {  	_ =	shalt  }
0x81: {  	_ =	shalt  }
0x82: {  	_ =	shalt  }
0x83: {  	_ =	shalt  }
0x84: {  	_ =	shalt  }
0x85: {  	_ =	shalt  }
0x86: {  	_ =	shalt  }
0x87: {  	_ =	shalt  }
.Lfunc_end0:
.L_simem_size_0:
called_computation_lowered:
.L_overlay_start_0:
0x88: {  	s0 =	sld [smem:$0x3FD9]  }
0x89: {  	s1 =	sld [smem:$0x3FFE];
	_ =	sdelay $0x3  }
0x8a: {  	s0 =	sadd.s32 s1, s0  }
0x8b: {  	[smem:$0x3FBF] =	sst s0  }
0x8c: {  	_ = 	snop  }
0x8d: {  	s0 =	sld [smem:$0x3FD0];
	(tm) =	ssettm $0x1  }
0x8e: {  	s16 =	sld [smem:$0x3FFB];
	_ =	sdelay $0x3  }
0x8f: {  	_ =	strace s16  }
0x90: {  	s1 =	sld [smem:$0x3FFC];
	_ =	sdelay $0x3  }
0x91: {  	_ =	strace s1  }
0x92: {  	s1 =	sld [smem:$0x3FFD];
	_ =	sdelay $0x3  }
0x93: {  	_ =	strace s1  }
0x94: {  	_ =	strace $0x8FFFFFFF  }
0x95: {  	s17 =	sld [smem:$0x3FDB];
	_ =	sdelay $0x1  }
0x96: {  	s2 =	simm.s32 $_scs_section_size  }
0x97: {  	s3 =	simm.s32 $_size__tile_overlayer_lowered;
	s4 =	simm.s32 $_tile_overlayer_lowered  }
0x98: {  	s20 =	simm.s32 $0x1BFF;
	s19 =	sshll.u32 s4, $0x1;
	s1 =	sadd.s32 s2, s17  }
0x99: {  	s5 =	simm.s32 $0x0;
	s18 =	sshll.u32 s3, $0x1;
	s3 =	sadd.s32 s19, s1  }
0x9a: {  	[timem:s5], [sflag:s20] =	dma.local [hbm:s3], s18  }
0x9b: {  	_ =	swait.ge [sflag:s20], s18  }
0x9c: {  	s2 =	ssub.s32 $0x0, s18;
	[sflag:s20] =	ssyncset.done $0x0  }
0x9d: {  	[sflag:s20] =	ssyncadd.s32 s2;
	_ =	sdelay $0x1  }
0x9e: {  	s21 =	simm.s32 $0x1B8B  }
0x9f: {  	_ =	swait.ge [sflag:s21], $0x1  }
0xa0: {  	[sflag:s21] =	ssyncset.done $0x0  }
0xa1: {  	s23 =	simm.s32 $0x1B8E;
	s22 =	sld [smem:$0x3FFE];
	[sflag:s21] =	ssyncadd.s32 $0xFFFFFFFF  }
0xa2: {  	s24 =	simm.s32 $execute0_lowered;
	[smem:$0x3FD2] =	sst s23  }
0xa3: {  	s3 =	sshll.u32 s24, $0x1;
	_ =	strace $0x80000046;
	[dreg:$0x1] =	wrdreg $0xFFFFFFFF  }
0xa4: {  	s25 =	simm.s32 $_size_execute0_lowered;
	s1 =	sadd.s32 s1, s3;
	[dreg:$0x0] =	wrdreg $0x0  }
0xa5: {  	s3 =	sshll.u32 s25, $0x1;
	[dreg:$0x2] =	wrdreg s1  }
0xa6: {  	[dreg:$0x3] =	wrdreg s3  }
0xa7: {  	[dreg:$0x4] =	wrdreg $0xC0  }
0xa8: {  	_ =	task [dreg:s5], $0x5FFFF  }
0xa9: {  	[dreg:$0x1] =	wrdreg $0xFFFFFFFF  }
0xaa: {  	[dreg:$0x0] =	wrdreg $0x60  }
0xab: {  	[dreg:$0x2] =	wrdreg s22  }
0xac: {  	[dreg:$0x3] =	wrdreg s0  }
0xad: {  	[dreg:$0x4] =	wrdreg $0x9  }
0xae: {  	_ =	task.clear_ibuf [dreg:s5], $0x5FFFF;
	_ =	strace $0x90000046  }
0xaf: {  	s26 =	simm.s32 $0x9;
	_ =	strace $0x80000048  }
0xb0: {  	_ =	swait.ge [sflag:s26], $0x1  }
0xb1: {  	[sflag:s26] =	ssyncadd.s32 $0xFFFFFFFF  }
0xb2: {  	_ =	strace $0x90000048  }
0xb3: {  	_ =	sfence  }
0xb4: {  	s28 =	sld [smem:$0x0];
	_ =	sdelay $0x1  }
0xb5: {  	s29 =	srdreg.scid  }
0xb6: {  	s30 =	sshll.u32 s29, $0xD;
	s31 =	sshrl.u32 s29, $0x2  }
0xb7: {  	s2 =	sand.u32 $0x4000, s30;
	s1 =	sand.u32 $0x1, s29;
	s0 =	sadd.s32 s31, s28  }
0xb8: {  	s1 =	sor.u32 s2, s1;
	s0 =	sshll.u32 s0, $0x11  }
0xb9: {  	s0 =	sor.u32 s0, s1  }
0xba: {  	s0 =	sadd.s32 $0x8F2B, s0  }
0xbb: {  	[sflag:s0] =	ssyncadd.remote.s32 $0x1  }
0xbc: {  	_ =	sfence.sel $0xFFFF  }
0xbd: {  	[dreg:$0x0] =	wrdreg $0xFFFFFFFF;
	(pc) =	sbr.abs _section_cstart, $3  }
0xbe: {  	[dreg:$0x1] =	wrdreg $0xFFFFFFFF  }
0xbf: {  	_ =	task.clear_ibuf [dreg:s5], $0x2FFFF;
	_ =	strace $0x9FFFFFFF  }
0xc0: {  	(tm) =	ssettm $0x7FFFFFFF  }
0xc1: {  	_ =	shalt  }
tec
execute0_lowered:
.L_overlay_start_1:
0x0: {  	(tag) =	ssettag $0x1  }
0x1: {  	s5 =	rddreg [dreg:$0x0]  }
0x2: {  	s6 =	rddreg [dreg:$0x1]  }
0x3: {  	s0 =	rddreg [dreg:$0x2];
	_ =	strace $0x80000047;
	s7 =	stileid.u32  }
0x4: {  	s3 =	simm.s32 $0x3E;
	s1 =	sadd.s32 $0x800, s5;
	p0 =	sne.s32 s7, $0x0  }
0x5: {  	[sflag:s3] =	ssyncpa.u1 $0x0;
	s4 =	simm.s32 @!p0 $0x1C3E;
	s2 =	simm.s32 @!p0 $0x0  }
0x6: {  	[spmem:s2], [sflag:s4] =	dma.local @!p0 [hbm:s1], $0x10  }
0x7: {  	s4 =	simm.s32 @!p0 $0x3E  }
0x8: {  	_ =	swait.ge @!p0 [sflag:s4], $0x10  }
0x9: {  	[sflag:s4] =	ssyncset.done @!p0 $0x0  }
0xa: {  	[sflag:s4] =	ssyncadd.s32 @!p0 $0xFFFFFFF0  }
0xb: {  	s9 =	simm.s32 $0x108;
	s8 =	sadd.s32 $0x600, s5;
	[bflag:$0x0] =	sbarrier.arrive $0xFFFF  }
0xc: {  	s7 =	sshll.u32 s7, $0x5;
	[sflag:s3] =	ssyncpa.u1 $0x1;
	s3 =	simm.s32 $0x1  }
0xd: {  	s5 =	simm.s32 $0x0;
	s4 =	simm.s32 $0x2;
	[sflag:s3] =	ssyncpa.u1 $0x0  }
0xe: {  	s6 =	sadd.s32 s6, s7;
	(ifvalue) =	ssetifvalue $0x80;
	[sflag:s4] =	ssyncpa.u1 $0x0  }
0xf: {  	[tilespmem:s9], [sflag:$0x2] =	stream.linear.gather [hbm4b:s6+s5], $0x100, $0x38;
	[tilespmem:$0x408] =	vst v63  }
0x10: {  	s23 =	simm.s32 $0x308;
	s22 =	sadd.s32 s8, s7  }
0x11: {  	[tilespmem:s23], [sflag:$0x2] =	stream.linear.gather [hbm4b:s22+s5], $0x100, $0x38;
	[tilespmem:$0x408] =	vst v63  }
0x12: {  	_ =	swait.ge [sflag:s4], $0x200  }
0x13: {  	[sflag:s4] =	ssyncset.done $0x0  }
0x14: {  	[sflag:s4] =	ssyncadd.s32 $0xFFFFFE00  }
0x15: {  	v0 =	vld.msk [tilespmem:s9+$0x0 ss:$0x1], $0xffff;
	_ =	sdelay $0x4  }
0x16: {  	v0 =	vmin.u32 v0, $0x80;
	_ =	sdelay $0x3  }
0x17: {  	vm0 =	vmmov $0xffff;
	s24 =	simm.s32 $0x118  }
0x18: {  	[spmem:s5] =	stream.indirect_vreg.scatter.add.s32 [tilespmem:s23], [sflag:$0x1], $0x1, v0, vm0, $0x4038;
	[tilespmem:$0x408] =	vst v63  }
0x19: {  	v0 =	vld.msk [tilespmem:s24+$0x0 ss:$0x1], $0xffff;
	_ =	sdelay $0x4  }
0x1a: {  	v0 =	vmin.u32 v0, $0x80;
	_ =	sdelay $0x3  }
0x1b: {  	s25 =	simm.s32 $0x318;
	s26 =	simm.s32 $0x128  }
0x1c: {  	[spmem:s5] =	stream.indirect_vreg.scatter.add.s32 [tilespmem:s25], [sflag:$0x1], $0x1, v0, vm0, $0x4038;
	[tilespmem:$0x408] =	vst v63  }
0x1d: {  	v0 =	vld.msk [tilespmem:s26+$0x0 ss:$0x1], $0xffff;
	_ =	sdelay $0x4  }
0x1e: {  	v0 =	vmin.u32 v0, $0x80;
	_ =	sdelay $0x3  }
0x1f: {  	s28 =	simm.s32 $0x328;
	s29 =	simm.s32 $0x138  }
0x20: {  	[spmem:s5] =	stream.indirect_vreg.scatter.add.s32 [tilespmem:s28], [sflag:$0x1], $0x1, v0, vm0, $0x4038;
	[tilespmem:$0x408] =	vst v63  }
0x21: {  	v0 =	vld.msk [tilespmem:s29+$0x0 ss:$0x1], $0xffff;
	_ =	sdelay $0x4  }
0x22: {  	v0 =	vmin.u32 v0, $0x80;
	_ =	sdelay $0x3  }
0x23: {  	s30 =	simm.s32 $0x338;
	s31 =	simm.s32 $0x148  }
0x24: {  	[spmem:s5] =	stream.indirect_vreg.scatter.add.s32 [tilespmem:s30], [sflag:$0x1], $0x1, v0, vm0, $0x4038;
	[tilespmem:$0x408] =	vst v63  }
0x25: {  	v0 =	vld.msk [tilespmem:s31+$0x0 ss:$0x1], $0xffff;
	_ =	sdelay $0x4  }
0x26: {  	v0 =	vmin.u32 v0, $0x80;
	_ =	sdelay $0x3  }
0x27: {  	s7 =	simm.s32 $0x348;
	s8 =	simm.s32 $0x158  }
0x28: {  	[spmem:s5] =	stream.indirect_vreg.scatter.add.s32 [tilespmem:s7], [sflag:$0x1], $0x1, v0, vm0, $0x4038;
	[tilespmem:$0x408] =	vst v63  }
0x29: {  	v0 =	vld.msk [tilespmem:s8+$0x0 ss:$0x1], $0xffff;
	_ =	sdelay $0x4  }
0x2a: {  	v0 =	vmin.u32 v0, $0x80;
	_ =	sdelay $0x3  }
0x2b: {  	s10 =	simm.s32 $0x168;
	s9 =	simm.s32 $0x358  }
0x2c: {  	[spmem:s5] =	stream.indirect_vreg.scatter.add.s32 [tilespmem:s9], [sflag:$0x1], $0x1, v0, vm0, $0x4038;
	[tilespmem:$0x408] =	vst v63  }
0x2d: {  	v0 =	vld.msk [tilespmem:s10+$0x0 ss:$0x1], $0xffff;
	_ =	sdelay $0x4  }
0x2e: {  	v0 =	vmin.u32 v0, $0x80;
	_ =	sdelay $0x3  }
0x2f: {  	s11 =	simm.s32 $0x368;
	s12 =	simm.s32 $0x178  }
0x30: {  	[spmem:s5] =	stream.indirect_vreg.scatter.add.s32 [tilespmem:s11], [sflag:$0x1], $0x1, v0, vm0, $0x4038;
	[tilespmem:$0x408] =	vst v63  }
0x31: {  	v0 =	vld.msk [tilespmem:s12+$0x0 ss:$0x1], $0xffff;
	_ =	sdelay $0x4  }
0x32: {  	v0 =	vmin.u32 v0, $0x80;
	_ =	sdelay $0x3  }
0x33: {  	s13 =	simm.s32 $0x378;
	s14 =	simm.s32 $0x188  }
0x34: {  	[spmem:s5] =	stream.indirect_vreg.scatter.add.s32 [tilespmem:s13], [sflag:$0x1], $0x1, v0, vm0, $0x4038;
	[tilespmem:$0x408] =	vst v63  }
0x35: {  	v0 =	vld.msk [tilespmem:s14+$0x0 ss:$0x1], $0xffff;
	_ =	sdelay $0x4  }
0x36: {  	v0 =	vmin.u32 v0, $0x80;
	_ =	sdelay $0x3  }
0x37: {  	s15 =	simm.s32 $0x388;
	s16 =	simm.s32 $0x198  }
0x38: {  	[spmem:s5] =	stream.indirect_vreg.scatter.add.s32 [tilespmem:s15], [sflag:$0x1], $0x1, v0, vm0, $0x4038;
	[tilespmem:$0x408] =	vst v63  }
0x39: {  	v0 =	vld.msk [tilespmem:s16+$0x0 ss:$0x1], $0xffff;
	_ =	sdelay $0x4  }
0x3a: {  	v0 =	vmin.u32 v0, $0x80;
	_ =	sdelay $0x3  }
0x3b: {  	s17 =	simm.s32 $0x398;
	s18 =	simm.s32 $0x1A8  }
0x3c: {  	[spmem:s5] =	stream.indirect_vreg.scatter.add.s32 [tilespmem:s17], [sflag:$0x1], $0x1, v0, vm0, $0x4038;
	[tilespmem:$0x408] =	vst v63  }
0x3d: {  	v0 =	vld.msk [tilespmem:s18+$0x0 ss:$0x1], $0xffff;
	_ =	sdelay $0x4  }
0x3e: {  	v0 =	vmin.u32 v0, $0x80;
	_ =	sdelay $0x3  }
0x3f: {  	s19 =	simm.s32 $0x3A8;
	s20 =	simm.s32 $0x1B8  }
0x40: {  	[spmem:s5] =	stream.indirect_vreg.scatter.add.s32 [tilespmem:s19], [sflag:$0x1], $0x1, v0, vm0, $0x4038;
	[tilespmem:$0x408] =	vst v63  }
0x41: {  	v0 =	vld.msk [tilespmem:s20+$0x0 ss:$0x1], $0xffff;
	_ =	sdelay $0x4  }
0x42: {  	v0 =	vmin.u32 v0, $0x80;
	_ =	sdelay $0x3  }
0x43: {  	s21 =	simm.s32 $0x3B8;
	s22 =	simm.s32 $0x1C8  }
0x44: {  	[spmem:s5] =	stream.indirect_vreg.scatter.add.s32 [tilespmem:s21], [sflag:$0x1], $0x1, v0, vm0, $0x4038;
	[tilespmem:$0x408] =	vst v63  }
0x45: {  	v0 =	vld.msk [tilespmem:s22+$0x0 ss:$0x1], $0xffff;
	_ =	sdelay $0x4  }
0x46: {  	v0 =	vmin.u32 v0, $0x80;
	_ =	sdelay $0x3  }
0x47: {  	s23 =	simm.s32 $0x3C8;
	s24 =	simm.s32 $0x1D8  }
0x48: {  	[spmem:s5] =	stream.indirect_vreg.scatter.add.s32 [tilespmem:s23], [sflag:$0x1], $0x1, v0, vm0, $0x4038;
	[tilespmem:$0x408] =	vst v63  }
0x49: {  	v0 =	vld.msk [tilespmem:s24+$0x0 ss:$0x1], $0xffff;
	_ =	sdelay $0x4  }
0x4a: {  	v0 =	vmin.u32 v0, $0x80;
	_ =	sdelay $0x3  }
0x4b: {  	s25 =	simm.s32 $0x3D8;
	s26 =	simm.s32 $0x1E8  }
0x4c: {  	[spmem:s5] =	stream.indirect_vreg.scatter.add.s32 [tilespmem:s25], [sflag:$0x1], $0x1, v0, vm0, $0x4038;
	[tilespmem:$0x408] =	vst v63  }
0x4d: {  	v0 =	vld.msk [tilespmem:s26+$0x0 ss:$0x1], $0xffff;
	_ =	sdelay $0x4  }
0x4e: {  	v0 =	vmin.u32 v0, $0x80;
	_ =	sdelay $0x3  }
0x4f: {  	s28 =	simm.s32 $0x3E8;
	s29 =	simm.s32 $0x1F8  }
0x50: {  	[spmem:s5] =	stream.indirect_vreg.scatter.add.s32 [tilespmem:s28], [sflag:$0x1], $0x1, v0, vm0, $0x4038;
	[tilespmem:$0x408] =	vst v63  }
0x51: {  	v0 =	vld.msk [tilespmem:s29+$0x0 ss:$0x1], $0xffff;
	_ =	sdelay $0x4  }
0x52: {  	v0 =	vmin.u32 v0, $0x80;
	_ =	sdelay $0x3  }
0x53: {  	s30 =	simm.s32 $0x3F8  }
0x54: {  	[spmem:s5] =	stream.indirect_vreg.scatter.add.s32 [tilespmem:s30], [sflag:$0x1], $0x1, v0, vm0, $0x4038;
	[tilespmem:$0x408] =	vst v63  }
0x55: {  	_ =	swait.ge [sflag:s3], $0x100  }
0x56: {  	[sflag:s3] =	ssyncset.done $0x0  }
0x57: {  	[sflag:s3] =	ssyncadd.s32 $0xFFFFFF00  }
0x58: {  	_ =	sfence.sel $0x180000  }
0x59: {  	[bflag:$0x0] =	sbarrier.arrive $0xFFFF  }
0x5a: {  	[sflag:s4] =	ssyncpa.u1 $0x1  }
0x5b: {  	[sflag:s3] =	ssyncpa.u1 $0x1  }
0x5c: {  	_ =	sfence.stream.spmem  }
0x5d: {  	s31 =	simm.s32 $0x3D;
	[bflag:$0x0] =	sbarrier.arrive $0xFFFF  }
0x5e: {  	s3 =	simm.s32 @p0 $0x3D;
	[sflag:s31] =	ssyncpa.u1 $0x0  }
0x5f: {  	[sflag:s3] =	ssyncpa.u1 @p0 $0x1  }
0x60: {  	[bflag:$0x0] =	sbarrier.arrive @p0 $0xFFFF  }
0x61: {  	_ =	strace @p0 $0x90000047  }
0x62: {  	s3 =	simm.s32 @!p0 $0x1C3D;
	[bflag:$0x2] =	sbarrier.arrive @p0 $0xFFFF  }
0x63: {  	[hbm:s1], [sflag:s3] =	dma.local @!p0 [spmem:s2], $0x10  }
0x64: {  	s1 =	simm.s32 @!p0 $0x3D  }
0x65: {  	_ =	swait.ge @!p0 [sflag:s1], $0x10  }
0x66: {  	[sflag:s1] =	ssyncset.done @!p0 $0x0  }
0x67: {  	[sflag:s1] =	ssyncadd.s32 @!p0 $0xFFFFFFF0  }
0x68: {  	[sflag:s1] =	ssyncpa.u1 @!p0 $0x1  }
0x69: {  	[bflag:$0x0] =	sbarrier.arrive @!p0 $0xFFFF  }
0x6a: {  	_ =	strace @!p0 $0x90000047  }
0x6b: {  	s0 =	sadd.s32 @!p0 $0x100000, s0;
	[bflag:$0x2] =	sbarrier.arrive @!p0 $0xFFFF  }
0x6c: {  	[sflag:s0] =	ssyncadd.tile.s32 @!p0 $0x1;
	_ =	shalt  }
.Lfunc_end2:
_tile_overlayer_lowered:
.L_overlay_start_2:
0x6d: {  	(tag) =	ssettag $0x2  }
0x6e: {  	s0 =	rddreg [dreg:$0x0];
	s2 =	stileid.u32  }
0x6f: {  	s1 =	rddreg [dreg:$0x1];
	p0 =	sne.s32 s2, $0x0  }
0x70: {  	s3 =	rddreg [dreg:$0x2];
	[bflag:$0x3] =	sbarrier.arrive $0xFFFF;
	s2 =	simm.s32 @!p0 $0x1C01  }
0x71: {  	[timem:s3], [sflag:s2] =	dma.local @!p0 [hbm:s0], s1  }
0x72: {  	s0 =	simm.s32 @!p0 $0x1  }
0x73: {  	_ =	swait.ge @!p0 [sflag:s0], s1  }
0x74: {  	s1 =	ssub.s32 @!p0 $0x0, s1;
	[sflag:s0] =	ssyncset.done @!p0 $0x0  }
0x75: {  	[sflag:s0] =	ssyncadd.s32 @!p0 s1  }
0x76: {  	[bflag:$0x3] =	sbarrier.arrive $0xFFFF  }
0x77: {  	_ =	shalt  }

</sc_bundles>
